<compile_context>
chip_gen: v7x
topology: tpu7x:2x2x1
jax: 0.10.2.dev20260603
libtpu: 0.0.44.dev20260713+nightly
codegen_flags: <defaults>
</compile_context>

<pallas_src>
import functools

import jax
import jax.numpy as jnp
from jax import lax
from jax.experimental import pallas as pl
from jax.experimental.pallas import tpu as pltpu
from jax.experimental.pallas import tpu_sc as plsc

_N = 10000
_E = 320000
_D = 128
_K1 = 64
_K2 = 16

_NC = 2
_NS = 16
_NW = _NC * _NS
_C = 128
_NPAD = 240
_NP = _N + _NPAD
_ERP = 2560
_IR = _ERP // _NW
_RPS = 624
_RLAST = _NP - _NS * _RPS

_F32 = jnp.float32



def _sc_mesh():
    return plsc.VectorSubcoreMesh(core_axis_name="c", subcore_axis_name="s")


@functools.cache
def _agg_call(width, tct=True):

    depth = 2 if width >= _D else 4

    @functools.partial(
        pl.kernel,
        mesh=_sc_mesh(),
        compiler_params=pltpu.CompilerParams(use_tc_tiling_on_sc=tct),
        out_type=jax.ShapeDtypeStruct((_NC * _NP, width), _F32),
        scratch_types=(
            [pltpu.VMEM((_IR // 2, _C), jnp.int32),
             pltpu.VMEM((_IR // 2, _C), jnp.int32)]
            + [pltpu.VMEM((_C, width), _F32)] * depth
            + [pltpu.VMEM_SHARED((_NP, width), _F32)]
            + [pltpu.SemaphoreType.DMA] * (2 * depth)
        ),
    )
    def agg(table, gidx, sidx, zeros, out, gv, sv, *rest):
        rows = rest[:depth]
        acc = rest[depth]
        gsems = rest[depth + 1 : 2 * depth + 1]
        ssems = rest[2 * depth + 1 :]
        cid = lax.axis_index("c")
        sid = lax.axis_index("s")
        wid = cid * _NS + sid
        rbase = sid * _RPS

        def stripe(src_ref, dst_ref):
            pltpu.sync_copy(src_ref.at[pl.ds(rbase, _RPS)],
                            dst_ref.at[pl.ds(rbase, _RPS)])

            @pl.when(sid == _NS - 1)
            def _():
                pltpu.sync_copy(src_ref.at[pl.ds(_NS * _RPS, _RLAST)],
                                dst_ref.at[pl.ds(_NS * _RPS, _RLAST)])

        pltpu.sync_copy(zeros, acc.at[pl.ds(rbase, _RPS)])

        @pl.when(sid == _NS - 1)
        def _():
            pltpu.sync_copy(zeros.at[pl.ds(0, _RLAST)],
                            acc.at[pl.ds(_NS * _RPS, _RLAST)])

        plsc.subcore_barrier()
        irh = _IR // 2
        for h in range(2):
            irow = wid * _IR + h * irh
            pltpu.sync_copy(gidx.at[pl.ds(irow, irh)], gv)
            pltpu.sync_copy(sidx.at[pl.ds(irow, irh)], sv)

            @pl.loop(0, irh // depth)
            def _(g):
                c0 = g * depth
                hs = [pltpu.async_copy(table.at[gv.at[c0 + k]], rows[k],
                                       gsems[k]) for k in range(depth)]
                ws = []
                for k in range(depth):
                    hs[k].wait()
                    ws.append(pltpu.async_copy(rows[k], acc.at[sv.at[c0 + k]],
                                               ssems[k], add=True))
                for w in ws:
                    w.wait()

        plsc.subcore_barrier()
        stripe(acc, out.at[pl.ds(cid * _NP, _NP)])

    return agg



def _tc(body, out_shapes):
    return pl.pallas_call(body, out_shape=out_shapes)


def _dinv_body(degs_ref, x_ref, w_ref, dinv_ref, t_ref):
    deg = degs_ref[: _N, 0:1] + degs_ref[_NP : _NP + _N, 0:1] + 1.0
    dinv = lax.rsqrt(deg)
    dinv_ref[...] = dinv
    h = jnp.dot(x_ref[...], w_ref[...], preferred_element_type=_F32)
    t_ref[: _N] = h * dinv
    t_ref[_N:] = jnp.zeros((_NP - _N, _D), _F32)


def _bn_silu(y, g, b):
    mu = jnp.mean(y, axis=0, keepdims=True)
    var = jnp.mean((y - mu) ** 2, axis=0, keepdims=True)
    z = (y - mu) * lax.rsqrt(var + 1e-5) * g + b
    return z * jax.nn.sigmoid(z)


def _block1_body(acc_ref, t_ref, dinv_ref, b_ref, g_ref, be_ref, w_ref,
                 h1_ref, t1_ref):
    dinv = dinv_ref[...]
    gcn = (dinv * (acc_ref[: _N] + acc_ref[_NP : _NP + _N] + t_ref[: _N])
           + b_ref[...])
    h1 = _bn_silu(gcn, g_ref[...], be_ref[...])
    h1_ref[...] = h1
    t1_ref[: _N] = jnp.dot(h1, w_ref[...], preferred_element_type=_F32) * dinv
    t1_ref[_N:] = jnp.zeros((_NP - _N, _D), _F32)


def _block2_body(acc_ref, t_ref, dinv_ref, h1_ref, b_ref, g_ref, be_ref,
                 wp_ref, h2_ref, tp_ref):
    dinv = dinv_ref[...]
    gcn = (dinv * (acc_ref[: _N] + acc_ref[_NP : _NP + _N] + t_ref[: _N])
           + b_ref[...])
    h2 = h1_ref[...] + _bn_silu(gcn, g_ref[...], be_ref[...])
    h2_ref[...] = h2
    tp_ref[: _N] = jnp.dot(h2, wp_ref[...], preferred_element_type=_F32) * dinv
    tp_ref[_N:] = jnp.zeros((_NP - _N, _K1), _F32)


def _softmax(rows):
    m = jnp.max(rows, axis=-1, keepdims=True)
    e = jnp.exp(rows - m)
    return e / jnp.sum(e, axis=-1, keepdims=True)


def _pool_body(acc_ref, tp_ref, dinv_ref, bp_ref, h2_ref, s_ref, xn_ref):
    dinv = dinv_ref[...]
    logits = (dinv * (acc_ref[: _N] + acc_ref[_NP : _NP + _N]
                      + tp_ref[: _N]) + bp_ref[...])
    s = _softmax(logits)
    s_ref[: _N] = s
    s_ref[_N:] = jnp.zeros((_NP - _N, _K1), _F32)
    xn_ref[...] = lax.dot_general(s, h2_ref[...], (((0,), (0,)), ((), ())),
                                  preferred_element_type=_F32)


def _head_body(acc_ref, s_ref, xn_ref,
               w2_ref, b2_ref, g2_ref, be2_ref,
               w3_ref, b3_ref, g3_ref, be3_ref,
               wp2_ref, bp2_ref, wl_ref, bl_ref, logp_ref):
    a_s = acc_ref[: _N] + acc_ref[_NP : _NP + _N]
    a_new = lax.dot_general(s_ref[: _N], a_s, (((0,), (0,)), ((), ())),
                            preferred_element_type=_F32)
    ones = jnp.ones((_K1, 1), _F32)
    colsum = lax.dot_general(a_new, ones, (((0,), (0,)), ((), ())),
                             preferred_element_type=_F32)
    dinv2 = lax.rsqrt(colsum + 1.0)

    def conv(m, bias):
        agg = lax.dot_general(a_new, dinv2 * m, (((0,), (0,)), ((), ())),
                              preferred_element_type=_F32)
        return dinv2 * (agg + dinv2 * m) + bias

    h = xn_ref[...]
    y = conv(jnp.dot(h, w2_ref[...], preferred_element_type=_F32), b2_ref[...])
    h = _bn_silu(y, g2_ref[...], be2_ref[...])
    y = conv(jnp.dot(h, w3_ref[...], preferred_element_type=_F32), b3_ref[...])
    h = h + _bn_silu(y, g3_ref[...], be3_ref[...])
    lg = conv(jnp.dot(h, wp2_ref[...], preferred_element_type=_F32),
              bp2_ref[...])
    s2 = _softmax(lg)
    x2 = lax.dot_general(s2, h, (((0,), (0,)), ((), ())),
                         preferred_element_type=_F32)
    pooled = jnp.mean(x2, axis=0, keepdims=True)
    z = jnp.dot(pooled, wl_ref[...], preferred_element_type=_F32) + bl_ref[...]
    m = jnp.max(z, axis=-1, keepdims=True)
    lse = m + jnp.log(jnp.sum(jnp.exp(z - m), axis=-1, keepdims=True))
    logp_ref[...] = z - lse



def kernel(x, edge_index, batch, batch_ptr, params):
    p = params
    row = lambda v: v.reshape(1, -1)
    sd = lambda *s: jax.ShapeDtypeStruct(s, _F32)

    zeros_d = jnp.zeros((_RPS, _D), _F32)
    zeros_k = jnp.zeros((_RPS, _K1), _F32)
    zeros_s = jnp.zeros((_RPS, 16), _F32)
    ones_t = jnp.ones((_NP, 16), _F32)

    npad = _ERP * _C - _E
    pad = _N + (jnp.arange(npad, dtype=jnp.int32) % _NPAD)
    src = jnp.concatenate([edge_index[0], pad]).reshape(_ERP, _C)
    dst = jnp.concatenate([edge_index[1], pad]).reshape(_ERP, _C)

    degs = _agg_call(16, False)(ones_t, dst, dst, zeros_s)
    dinv, t0 = _tc(_dinv_body, [sd(_N, 1), sd(_NP, _D)])(degs, x, p['W0'])

    acc0 = _agg_call(_D)(t0, src, dst, zeros_d)
    h1, t1 = _tc(_block1_body, [sd(_N, _D), sd(_NP, _D)])(
        acc0, t0, dinv, row(p['b0']), row(p['g0']), row(p['be0']), p['W1'])

    acc1 = _agg_call(_D)(t1, src, dst, zeros_d)
    h2, tp = _tc(_block2_body, [sd(_N, _D), sd(_NP, _K1)])(
        acc1, t1, dinv, h1, row(p['b1']), row(p['g1']), row(p['be1']),
        p['Wp1'])

    accp = _agg_call(_K1, False)(tp, src, dst, zeros_k)
    s, xn = _tc(_pool_body, [sd(_NP, _K1), sd(_K1, _D)])(
        accp, tp, dinv, row(p['bp1']), h2)

    acc_as = _agg_call(_K1, False)(s, dst, src, zeros_k)
    logp = _tc(_head_body, sd(1, 10))(
        acc_as, s, xn,
        p['W2'], row(p['b2']), row(p['g2']), row(p['be2']),
        p['W3'], row(p['b3']), row(p['g3']), row(p['be3']),
        p['Wp2'], row(p['bp2']), p['Wl'], row(p['bl']))

    return logp, jnp.zeros((), _F32)

# --- scband reference (transcript-rebuilt; emitter-appended) ---
"""Pipeline reference for scband-stoch-pooled-convolutional-network-19370302505155 (READ-ONLY COPY).

The authoritative reference and input builder live on the scoring server;
editing this copy changes nothing except your own understanding.
"""

import jax, jax.numpy as jnp
import numpy as np

N = 10000
E = 320000
D_IN = 128
CH = 128
K1 = 64
K2 = 16
OUT = 10
TAU = 1.0


def _init(key, shape, scale=0.05):
    return jax.random.normal(key, shape, dtype=jnp.float32) * scale


def setup_inputs(seed: int = 0):
    key = jax.random.key(seed)
    ks = jax.random.split(key, 24)
    x = jax.random.normal(ks[0], (N, D_IN), dtype=jnp.float32)
    edge_index = jax.random.randint(ks[1], (2, E), 0, N, dtype=jnp.int32)
    batch = jnp.zeros((N,), dtype=jnp.int32)
    batch_ptr = jnp.array([0, N], dtype=jnp.int32)
    z = lambda s: jnp.zeros(s, dtype=jnp.float32)
    o = lambda s: jnp.ones(s, dtype=jnp.float32)
    params = {
        'W0': _init(ks[2], (D_IN, CH)), 'b0': z((CH,)), 'g0': o((CH,)), 'be0': z((CH,)),
        'W1': _init(ks[3], (CH, CH)), 'b1': z((CH,)), 'g1': o((CH,)), 'be1': z((CH,)),
        'Wp1': _init(ks[4], (CH, K1)), 'bp1': z((K1,)),
        'W2': _init(ks[5], (CH, CH)), 'b2': z((CH,)), 'g2': o((CH,)), 'be2': z((CH,)),
        'W3': _init(ks[6], (CH, CH)), 'b3': z((CH,)), 'g3': o((CH,)), 'be3': z((CH,)),
        'Wp2': _init(ks[7], (CH, K2)), 'bp2': z((K2,)),
        'Wl': _init(ks[8], (CH, OUT)), 'bl': z((OUT,)),
    }
    return {'x': x, 'edge_index': edge_index, 'batch': batch, 'batch_ptr': batch_ptr, 'params': params}


def _gcn(x, src, dst, ew, W, b, n):
    # GCNConv: symmetric-normalized aggregation with self loops.
    h = x @ W
    loop = jnp.arange(n, dtype=src.dtype)
    src2 = jnp.concatenate([src, loop])
    dst2 = jnp.concatenate([dst, loop])
    ew2 = jnp.concatenate([ew, jnp.ones((n,), dtype=x.dtype)])
    deg = jax.ops.segment_sum(ew2, dst2, num_segments=n)
    dinv = jnp.where(deg > 0, deg ** -0.5, 0.0)
    norm = dinv[src2] * dinv[dst2] * ew2
    out = jax.ops.segment_sum(h[src2] * norm[:, None], dst2, num_segments=n)
    return out + b


def _bn(x, g, b):
    mu = jnp.mean(x, axis=0)
    var = jnp.var(x, axis=0)
    return (x - mu) / jnp.sqrt(var + 1e-5) * g + b


def _res_block(x, src, dst, ew, W, b, g, be, n):
    return jax.nn.silu(_bn(_gcn(x, src, dst, ew, W, b, n), g, be))


def _stoch_pool(x, src, dst, ew, Wp, bp, n, K, tau):
    logits = _gcn(x, src, dst, ew, Wp, bp, n)
    S = jax.nn.softmax(logits / tau, axis=-1)
    x_new = S.T @ x
    Su = S[src] * ew[:, None]
    Sv = S[dst]
    A_new = jnp.einsum('ek,el->kl', Su, Sv)
    ent_loss = jnp.mean(-jnp.sum(S * jnp.log(S + 1e-12), axis=-1))
    tot = jnp.sum(ew) + 1e-12
    link_loss = (jnp.sum(ew) - jnp.sum(jnp.sum(S[src] * S[dst], axis=-1) * ew)) / tot
    ii = jnp.repeat(jnp.arange(K, dtype=src.dtype), K)
    jj = jnp.tile(jnp.arange(K, dtype=src.dtype), K)
    ew_new = A_new.reshape(-1)
    return x_new, ii, jj, ew_new, link_loss, ent_loss


def _forward(x, edge_index, params):
    p = params
    src = edge_index[0]
    dst = edge_index[1]
    ew = jnp.ones((src.shape[0],), dtype=jnp.float32)
    # stack 1
    h = _res_block(x, src, dst, ew, p['W0'], p['b0'], p['g0'], p['be0'], N)
    h = h + _res_block(h, src, dst, ew, p['W1'], p['b1'], p['g1'], p['be1'], N)
    h, src, dst, ew, l1, e1 = _stoch_pool(h, src, dst, ew, p['Wp1'], p['bp1'], N, K1, TAU)
    # stack 2
    h = _res_block(h, src, dst, ew, p['W2'], p['b2'], p['g2'], p['be2'], K1)
    h = h + _res_block(h, src, dst, ew, p['W3'], p['b3'], p['g3'], p['be3'], K1)
    h, src, dst, ew, l2, e2 = _stoch_pool(h, src, dst, ew, p['Wp2'], p['bp2'], K1, K2, TAU)
    pooled = jnp.mean(h, axis=0, keepdims=True)  # global_mean_pool, single graph
    logits = pooled @ p['Wl'] + p['bl']
    logp = jax.nn.log_softmax(logits, axis=1)
    loss = 0.0 * (e1 + e2) + 0.0 * (l1 + l2)
    return logp, loss


def reference(x, edge_index, batch, batch_ptr, params):
    return _forward(x, edge_index, params)

if __name__ == "__main__":
    import jax
    _d = setup_inputs()
    print(jax.jit(kernel)(*tuple(_d.values())))

</pallas_src>

<mosaic_0001>
#map = affine_map<(d0, d1) -> (0, 0)>
module attributes {stable_mosaic.version = 14 : i64} {
  func.func @agg(%arg0: i32, %arg1: i32, %arg2: memref<10240x16xf32, #tpu.memory_space<hbm>>, %arg3: memref<2560x128xi32, #tpu.memory_space<hbm>>, %arg4: memref<2560x128xi32, #tpu.memory_space<hbm>>, %arg5: memref<624x16xf32, #tpu.memory_space<hbm>>, %arg6: memref<20480x16xf32, #tpu.memory_space<hbm>>, %arg7: memref<40x128xi32, #tpu.memory_space<vmem>>, %arg8: memref<40x128xi32, #tpu.memory_space<vmem>>, %arg9: memref<128x16xf32, #tpu.memory_space<vmem>>, %arg10: memref<128x16xf32, #tpu.memory_space<vmem>>, %arg11: memref<128x16xf32, #tpu.memory_space<vmem>>, %arg12: memref<128x16xf32, #tpu.memory_space<vmem>>, %arg13: memref<10240x16xf32, #tpu.memory_space<vmem_shared>>, %arg14: memref<!tpu.dma_semaphore, #tpu.memory_space<semaphore_mem>>, %arg15: memref<!tpu.dma_semaphore, #tpu.memory_space<semaphore_mem>>, %arg16: memref<!tpu.dma_semaphore, #tpu.memory_space<semaphore_mem>>, %arg17: memref<!tpu.dma_semaphore, #tpu.memory_space<semaphore_mem>>, %arg18: memref<!tpu.dma_semaphore, #tpu.memory_space<semaphore_mem>>, %arg19: memref<!tpu.dma_semaphore, #tpu.memory_space<semaphore_mem>>, %arg20: memref<!tpu.dma_semaphore, #tpu.memory_space<semaphore_mem>>, %arg21: memref<!tpu.dma_semaphore, #tpu.memory_space<semaphore_mem>>) attributes {dimension_semantics = [#tpu.dimension_semantics<core_parallel>, #tpu.dimension_semantics<subcore_parallel>], iteration_bounds = array<i64: 2, 16>, scalar_prefetch = 0 : i64, scratch_operands = 15 : i64, tpu.core_type = #tpu.core_type<sc_vector_subcore>, window_params = [{transform_indices = #map}, {transform_indices = #map}, {transform_indices = #map}, {transform_indices = #map}, {transform_indices = #map}]} {
    %mul3A = arith.constant 16 : i32
    %mul3A_0 = arith.muli %arg0, %mul3A : i32
    %add3A = arith.addi %mul3A_0, %arg1 : i32
    %mul3A_1 = arith.constant 624 : i32
    %mul3A_2 = arith.muli %arg1, %mul3A_1 : i32
    "tpu.region"() ({
      %run_scoped3A = tpu.sem_alloc : memref<!tpu.dma_semaphore, #tpu.memory_space<semaphore_mem>>
      %dma_start3A = arith.constant 0 : i32
      %dma_start3A_30 = tpu.memref_slice %arg13[%mul3A_2, %dma_start3A] : memref<10240x16xf32, #tpu.memory_space<vmem_shared>> -> memref<624x16xf32, #tpu.memory_space<vmem_shared>>
      tpu.enqueue_dma source(%arg5 : memref<624x16xf32, #tpu.memory_space<hbm>>) target(%dma_start3A_30 : memref<624x16xf32, #tpu.memory_space<vmem_shared>>) target_semaphore(%run_scoped3A : memref<!tpu.dma_semaphore, #tpu.memory_space<semaphore_mem>>)
      %dma_wait3A = arith.constant 0 : i32
      %dma_wait3A_31 = tpu.memref_slice %arg13[%mul3A_2, %dma_wait3A] : memref<10240x16xf32, #tpu.memory_space<vmem_shared>> -> memref<624x16xf32, #tpu.memory_space<vmem_shared>>
      tpu.wait_dma2 semaphore(%run_scoped3A : memref<!tpu.dma_semaphore, #tpu.memory_space<semaphore_mem>>) src(%arg5 : memref<624x16xf32, #tpu.memory_space<hbm>>) dst(%dma_wait3A_31 : memref<624x16xf32, #tpu.memory_space<vmem_shared>>)
      tpu.yield
    }) : () -> ()
    %eq3A = arith.constant 15 : i32
    %eq3A_3 = arith.cmpi eq, %arg1, %eq3A : i32
    %convert_element_type3A = arith.extui %eq3A_3 : i1 to i32
    %cond3A = arith.constant 0 : i32
    %cond3A_4 = arith.cmpi ne, %convert_element_type3A, %cond3A : i32
    scf.if %cond3A_4 {
      "tpu.region"() ({
        %run_scoped3A = tpu.sem_alloc : memref<!tpu.dma_semaphore, #tpu.memory_space<semaphore_mem>>
        %dma_start3A = arith.constant 9984 : i32
        %dma_start3A_30 = arith.constant 0 : i32
        %dma_start3A_31 = tpu.memref_slice %arg13[%dma_start3A, %dma_start3A_30] : memref<10240x16xf32, #tpu.memory_space<vmem_shared>> -> memref<256x16xf32, #tpu.memory_space<vmem_shared>>
        %dma_start3A_32 = arith.constant 0 : i32
        %dma_start3A_33 = arith.constant 0 : i32
        %dma_start3A_34 = tpu.memref_slice %arg5[%dma_start3A_32, %dma_start3A_33] : memref<624x16xf32, #tpu.memory_space<hbm>> -> memref<256x16xf32, #tpu.memory_space<hbm>>
        tpu.enqueue_dma source(%dma_start3A_34 : memref<256x16xf32, #tpu.memory_space<hbm>>) target(%dma_start3A_31 : memref<256x16xf32, #tpu.memory_space<vmem_shared>>) target_semaphore(%run_scoped3A : memref<!tpu.dma_semaphore, #tpu.memory_space<semaphore_mem>>)
        %dma_wait3A = arith.constant 9984 : i32
        %dma_wait3A_35 = arith.constant 0 : i32
        %dma_wait3A_36 = tpu.memref_slice %arg13[%dma_wait3A, %dma_wait3A_35] : memref<10240x16xf32, #tpu.memory_space<vmem_shared>> -> memref<256x16xf32, #tpu.memory_space<vmem_shared>>
        %dma_wait3A_37 = arith.constant 0 : i32
        %dma_wait3A_38 = arith.constant 0 : i32
        %dma_wait3A_39 = tpu.memref_slice %arg5[%dma_wait3A_37, %dma_wait3A_38] : memref<624x16xf32, #tpu.memory_space<hbm>> -> memref<256x16xf32, #tpu.memory_space<hbm>>
        tpu.wait_dma2 semaphore(%run_scoped3A : memref<!tpu.dma_semaphore, #tpu.memory_space<semaphore_mem>>) src(%dma_wait3A_39 : memref<256x16xf32, #tpu.memory_space<hbm>>) dst(%dma_wait3A_36 : memref<256x16xf32, #tpu.memory_space<vmem_shared>>)
        tpu.yield
      }) : () -> ()
    } else {
    }
    %barrier3A = arith.constant 0 : index
    tpu.barrier barrier_id(%barrier3A)
    %mul3A_5 = arith.constant 80 : i32
    %mul3A_6 = arith.muli %add3A, %mul3A_5 : i32
    %add3A_7 = arith.constant 0 : i32
    %add3A_8 = arith.addi %mul3A_6, %add3A_7 : i32
    "tpu.region"() ({
      %run_scoped3A = tpu.sem_alloc : memref<!tpu.dma_semaphore, #tpu.memory_space<semaphore_mem>>
      %dma_start3A = arith.constant 0 : i32
      %dma_start3A_30 = tpu.memref_slice %arg3[%add3A_8, %dma_start3A] : memref<2560x128xi32, #tpu.memory_space<hbm>> -> memref<40x128xi32, #tpu.memory_space<hbm>>
      %dma_start3A_31 = arith.constant 0 : i32
      %dma_start3A_32 = tpu.memref_slice %arg3[%add3A_8, %dma_start3A_31] : memref<2560x128xi32, #tpu.memory_space<hbm>> -> memref<40x128xi32, #tpu.memory_space<hbm>>
      tpu.enqueue_dma source(%dma_start3A_32 : memref<40x128xi32, #tpu.memory_space<hbm>>) target(%arg7 : memref<40x128xi32, #tpu.memory_space<vmem>>) target_semaphore(%run_scoped3A : memref<!tpu.dma_semaphore, #tpu.memory_space<semaphore_mem>>)
      %dma_wait3A = arith.constant 0 : i32
      %dma_wait3A_33 = tpu.memref_slice %arg3[%add3A_8, %dma_wait3A] : memref<2560x128xi32, #tpu.memory_space<hbm>> -> memref<40x128xi32, #tpu.memory_space<hbm>>
      %dma_wait3A_34 = arith.constant 0 : i32
      %dma_wait3A_35 = tpu.memref_slice %arg3[%add3A_8, %dma_wait3A_34] : memref<2560x128xi32, #tpu.memory_space<hbm>> -> memref<40x128xi32, #tpu.memory_space<hbm>>
      tpu.wait_dma2 semaphore(%run_scoped3A : memref<!tpu.dma_semaphore, #tpu.memory_space<semaphore_mem>>) src(%dma_wait3A_35 : memref<40x128xi32, #tpu.memory_space<hbm>>) dst(%arg7 : memref<40x128xi32, #tpu.memory_space<vmem>>)
      tpu.yield
    }) : () -> ()
    "tpu.region"() ({
      %run_scoped3A = tpu.sem_alloc : memref<!tpu.dma_semaphore, #tpu.memory_space<semaphore_mem>>
      %dma_start3A = arith.constant 0 : i32
      %dma_start3A_30 = tpu.memref_slice %arg4[%add3A_8, %dma_start3A] : memref<2560x128xi32, #tpu.memory_space<hbm>> -> memref<40x128xi32, #tpu.memory_space<hbm>>
      %dma_start3A_31 = arith.constant 0 : i32
      %dma_start3A_32 = tpu.memref_slice %arg4[%add3A_8, %dma_start3A_31] : memref<2560x128xi32, #tpu.memory_space<hbm>> -> memref<40x128xi32, #tpu.memory_space<hbm>>
      tpu.enqueue_dma source(%dma_start3A_32 : memref<40x128xi32, #tpu.memory_space<hbm>>) target(%arg8 : memref<40x128xi32, #tpu.memory_space<vmem>>) target_semaphore(%run_scoped3A : memref<!tpu.dma_semaphore, #tpu.memory_space<semaphore_mem>>)
      %dma_wait3A = arith.constant 0 : i32
      %dma_wait3A_33 = tpu.memref_slice %arg4[%add3A_8, %dma_wait3A] : memref<2560x128xi32, #tpu.memory_space<hbm>> -> memref<40x128xi32, #tpu.memory_space<hbm>>
      %dma_wait3A_34 = arith.constant 0 : i32
      %dma_wait3A_35 = tpu.memref_slice %arg4[%add3A_8, %dma_wait3A_34] : memref<2560x128xi32, #tpu.memory_space<hbm>> -> memref<40x128xi32, #tpu.memory_space<hbm>>
      tpu.wait_dma2 semaphore(%run_scoped3A : memref<!tpu.dma_semaphore, #tpu.memory_space<semaphore_mem>>) src(%dma_wait3A_35 : memref<40x128xi32, #tpu.memory_space<hbm>>) dst(%arg8 : memref<40x128xi32, #tpu.memory_space<vmem>>)
      tpu.yield
    }) : () -> ()
    %scan3A = arith.constant 0 : i32
    %scan3A_9 = arith.constant 10 : i32
    %scan3A_10 = arith.addi %scan3A, %scan3A_9 : i32
    %scan3A_11 = arith.constant 1 : i32
    scf.for %scan3A_30 = %scan3A to %scan3A_10 step %scan3A_11  : i32 {
      %mul3A_31 = arith.constant 1 : i32
      %mul3A_32 = arith.muli %scan3A_30, %mul3A_31 : i32
      %add3A_33 = arith.constant 0 : i32
      %add3A_34 = arith.addi %add3A_33, %mul3A_32 : i32
      %mul3A_35 = arith.constant 4 : i32
      %mul3A_36 = arith.muli %add3A_34, %mul3A_35 : i32
      %add3A_37 = arith.constant 0 : i32
      %add3A_38 = arith.addi %mul3A_36, %add3A_37 : i32
      %dma_start3A = arith.constant 0 : i32
      %dma_start3A_39 = tpu.memref_slice %arg7[%add3A_38, %dma_start3A] : memref<40x128xi32, #tpu.memory_space<vmem>> -> memref<1x128xi32, #tpu.memory_space<vmem>>
      %dma_start3A_40 = tpu.memref_squeeze %dma_start3A_39 : memref<1x128xi32, #tpu.memory_space<vmem>> -> memref<128xi32, #tpu.memory_space<vmem>>
      %dma_start3A_41 = arith.constant 0 : i32
      %dma_start3A_42 = arith.constant 0 : i32
      %dma_start3A_43 = tpu.memref_slice %arg2[%dma_start3A_41, %dma_start3A_42] : memref<10240x16xf32, #tpu.memory_space<hbm>> -> memref<10240x16xf32, #tpu.memory_space<hbm>>
      tpu.enqueue_indirect_dma source(%dma_start3A_43 : memref<10240x16xf32, #tpu.memory_space<hbm>>) target(%arg9 : memref<128x16xf32, #tpu.memory_space<vmem>>) offsets(%dma_start3A_40 : memref<128xi32, #tpu.memory_space<vmem>>) semaphore(%arg14 : memref<!tpu.dma_semaphore, #tpu.memory_space<semaphore_mem>>)
      %add3A_44 = arith.constant 1 : i32
      %add3A_45 = arith.addi %mul3A_36, %add3A_44 : i32
      %dma_start3A_46 = arith.constant 0 : i32
      %dma_start3A_47 = tpu.memref_slice %arg7[%add3A_45, %dma_start3A_46] : memref<40x128xi32, #tpu.memory_space<vmem>> -> memref<1x128xi32, #tpu.memory_space<vmem>>
      %dma_start3A_48 = tpu.memref_squeeze %dma_start3A_47 : memref<1x128xi32, #tpu.memory_space<vmem>> -> memref<128xi32, #tpu.memory_space<vmem>>
      %dma_start3A_49 = arith.constant 0 : i32
      %dma_start3A_50 = arith.constant 0 : i32
      %dma_start3A_51 = tpu.memref_slice %arg2[%dma_start3A_49, %dma_start3A_50] : memref<10240x16xf32, #tpu.memory_space<hbm>> -> memref<10240x16xf32, #tpu.memory_space<hbm>>
      tpu.enqueue_indirect_dma source(%dma_start3A_51 : memref<10240x16xf32, #tpu.memory_space<hbm>>) target(%arg10 : memref<128x16xf32, #tpu.memory_space<vmem>>) offsets(%dma_start3A_48 : memref<128xi32, #tpu.memory_space<vmem>>) semaphore(%arg15 : memref<!tpu.dma_semaphore, #tpu.memory_space<semaphore_mem>>)
      %add3A_52 = arith.constant 2 : i32
      %add3A_53 = arith.addi %mul3A_36, %add3A_52 : i32
      %dma_start3A_54 = arith.constant 0 : i32
      %dma_start3A_55 = tpu.memref_slice %arg7[%add3A_53, %dma_start3A_54] : memref<40x128xi32, #tpu.memory_space<vmem>> -> memref<1x128xi32, #tpu.memory_space<vmem>>
      %dma_start3A_56 = tpu.memref_squeeze %dma_start3A_55 : memref<1x128xi32, #tpu.memory_space<vmem>> -> memref<128xi32, #tpu.memory_space<vmem>>
      %dma_start3A_57 = arith.constant 0 : i32
      %dma_start3A_58 = arith.constant 0 : i32
      %dma_start3A_59 = tpu.memref_slice %arg2[%dma_start3A_57, %dma_start3A_58] : memref<10240x16xf32, #tpu.memory_space<hbm>> -> memref<10240x16xf32, #tpu.memory_space<hbm>>
      tpu.enqueue_indirect_dma source(%dma_start3A_59 : memref<10240x16xf32, #tpu.memory_space<hbm>>) target(%arg11 : memref<128x16xf32, #tpu.memory_space<vmem>>) offsets(%dma_start3A_56 : memref<128xi32, #tpu.memory_space<vmem>>) semaphore(%arg16 : memref<!tpu.dma_semaphore, #tpu.memory_space<semaphore_mem>>)
      %add3A_60 = arith.constant 3 : i32
      %add3A_61 = arith.addi %mul3A_36, %add3A_60 : i32
      %dma_start3A_62 = arith.constant 0 : i32
      %dma_start3A_63 = tpu.memref_slice %arg7[%add3A_61, %dma_start3A_62] : memref<40x128xi32, #tpu.memory_space<vmem>> -> memref<1x128xi32, #tpu.memory_space<vmem>>
      %dma_start3A_64 = tpu.memref_squeeze %dma_start3A_63 : memref<1x128xi32, #tpu.memory_space<vmem>> -> memref<128xi32, #tpu.memory_space<vmem>>
      %dma_start3A_65 = arith.constant 0 : i32
      %dma_start3A_66 = arith.constant 0 : i32
      %dma_start3A_67 = tpu.memref_slice %arg2[%dma_start3A_65, %dma_start3A_66] : memref<10240x16xf32, #tpu.memory_space<hbm>> -> memref<10240x16xf32, #tpu.memory_space<hbm>>
      tpu.enqueue_indirect_dma source(%dma_start3A_67 : memref<10240x16xf32, #tpu.memory_space<hbm>>) target(%arg12 : memref<128x16xf32, #tpu.memory_space<vmem>>) offsets(%dma_start3A_64 : memref<128xi32, #tpu.memory_space<vmem>>) semaphore(%arg17 : memref<!tpu.dma_semaphore, #tpu.memory_space<semaphore_mem>>)
      %dma_wait3A = arith.constant 0 : i32
      %dma_wait3A_68 = tpu.memref_slice %arg7[%add3A_38, %dma_wait3A] : memref<40x128xi32, #tpu.memory_space<vmem>> -> memref<1x128xi32, #tpu.memory_space<vmem>>
      %dma_wait3A_69 = tpu.memref_squeeze %dma_wait3A_68 : memref<1x128xi32, #tpu.memory_space<vmem>> -> memref<128xi32, #tpu.memory_space<vmem>>
      %dma_wait3A_70 = arith.constant 0 : i32
      %dma_wait3A_71 = arith.constant 0 : i32
      %dma_wait3A_72 = tpu.memref_slice %arg2[%dma_wait3A_70, %dma_wait3A_71] : memref<10240x16xf32, #tpu.memory_space<hbm>> -> memref<10240x16xf32, #tpu.memory_space<hbm>>
      tpu.wait_indirect_dma semaphore(%arg14 : memref<!tpu.dma_semaphore, #tpu.memory_space<semaphore_mem>>) src(%dma_wait3A_72 : memref<10240x16xf32, #tpu.memory_space<hbm>>) dst(%arg9 : memref<128x16xf32, #tpu.memory_space<vmem>>)
      %add3A_73 = arith.constant 0 : i32
      %add3A_74 = arith.addi %mul3A_36, %add3A_73 : i32
      %dma_start3A_75 = arith.constant 0 : i32
      %dma_start3A_76 = tpu.memref_slice %arg8[%add3A_74, %dma_start3A_75] : memref<40x128xi32, #tpu.memory_space<vmem>> -> memref<1x128xi32, #tpu.memory_space<vmem>>
      %dma_start3A_77 = tpu.memref_squeeze %dma_start3A_76 : memref<1x128xi32, #tpu.memory_space<vmem>> -> memref<128xi32, #tpu.memory_space<vmem>>
      %dma_start3A_78 = arith.constant 0 : i32
      %dma_start3A_79 = arith.constant 0 : i32
      %dma_start3A_80 = tpu.memref_slice %arg13[%dma_start3A_78, %dma_start3A_79] : memref<10240x16xf32, #tpu.memory_space<vmem_shared>> -> memref<10240x16xf32, #tpu.memory_space<vmem_shared>>
      tpu.enqueue_indirect_dma source(%arg9 : memref<128x16xf32, #tpu.memory_space<vmem>>) target(%dma_start3A_80 : memref<10240x16xf32, #tpu.memory_space<vmem_shared>>) offsets(%dma_start3A_77 : memref<128xi32, #tpu.memory_space<vmem>>) semaphore(%arg18 : memref<!tpu.dma_semaphore, #tpu.memory_space<semaphore_mem>>) {add = true}
      %dma_wait3A_81 = arith.constant 0 : i32
      %dma_wait3A_82 = tpu.memref_slice %arg7[%add3A_45, %dma_wait3A_81] : memref<40x128xi32, #tpu.memory_space<vmem>> -> memref<1x128xi32, #tpu.memory_space<vmem>>
      %dma_wait3A_83 = tpu.memref_squeeze %dma_wait3A_82 : memref<1x128xi32, #tpu.memory_space<vmem>> -> memref<128xi32, #tpu.memory_space<vmem>>
      %dma_wait3A_84 = arith.constant 0 : i32
      %dma_wait3A_85 = arith.constant 0 : i32
      %dma_wait3A_86 = tpu.memref_slice %arg2[%dma_wait3A_84, %dma_wait3A_85] : memref<10240x16xf32, #tpu.memory_space<hbm>> -> memref<10240x16xf32, #tpu.memory_space<hbm>>
      tpu.wait_indirect_dma semaphore(%arg15 : memref<!tpu.dma_semaphore, #tpu.memory_space<semaphore_mem>>) src(%dma_wait3A_86 : memref<10240x16xf32, #tpu.memory_space<hbm>>) dst(%arg10 : memref<128x16xf32, #tpu.memory_space<vmem>>)
      %add3A_87 = arith.constant 1 : i32
      %add3A_88 = arith.addi %mul3A_36, %add3A_87 : i32
      %dma_start3A_89 = arith.constant 0 : i32
      %dma_start3A_90 = tpu.memref_slice %arg8[%add3A_88, %dma_start3A_89] : memref<40x128xi32, #tpu.memory_space<vmem>> -> memref<1x128xi32, #tpu.memory_space<vmem>>
      %dma_start3A_91 = tpu.memref_squeeze %dma_start3A_90 : memref<1x128xi32, #tpu.memory_space<vmem>> -> memref<128xi32, #tpu.memory_space<vmem>>
      %dma_start3A_92 = arith.constant 0 : i32
      %dma_start3A_93 = arith.constant 0 : i32
      %dma_start3A_94 = tpu.memref_slice %arg13[%dma_start3A_92, %dma_start3A_93] : memref<10240x16xf32, #tpu.memory_space<vmem_shared>> -> memref<10240x16xf32, #tpu.memory_space<vmem_shared>>
      tpu.enqueue_indirect_dma source(%arg10 : memref<128x16xf32, #tpu.memory_space<vmem>>) target(%dma_start3A_94 : memref<10240x16xf32, #tpu.memory_space<vmem_shared>>) offsets(%dma_start3A_91 : memref<128xi32, #tpu.memory_space<vmem>>) semaphore(%arg19 : memref<!tpu.dma_semaphore, #tpu.memory_space<semaphore_mem>>) {add = true}
      %dma_wait3A_95 = arith.constant 0 : i32
      %dma_wait3A_96 = tpu.memref_slice %arg7[%add3A_53, %dma_wait3A_95] : memref<40x128xi32, #tpu.memory_space<vmem>> -> memref<1x128xi32, #tpu.memory_space<vmem>>
      %dma_wait3A_97 = tpu.memref_squeeze %dma_wait3A_96 : memref<1x128xi32, #tpu.memory_space<vmem>> -> memref<128xi32, #tpu.memory_space<vmem>>
      %dma_wait3A_98 = arith.constant 0 : i32
      %dma_wait3A_99 = arith.constant 0 : i32
      %dma_wait3A_100 = tpu.memref_slice %arg2[%dma_wait3A_98, %dma_wait3A_99] : memref<10240x16xf32, #tpu.memory_space<hbm>> -> memref<10240x16xf32, #tpu.memory_space<hbm>>
      tpu.wait_indirect_dma semaphore(%arg16 : memref<!tpu.dma_semaphore, #tpu.memory_space<semaphore_mem>>) src(%dma_wait3A_100 : memref<10240x16xf32, #tpu.memory_space<hbm>>) dst(%arg11 : memref<128x16xf32, #tpu.memory_space<vmem>>)
      %add3A_101 = arith.constant 2 : i32
      %add3A_102 = arith.addi %mul3A_36, %add3A_101 : i32
      %dma_start3A_103 = arith.constant 0 : i32
      %dma_start3A_104 = tpu.memref_slice %arg8[%add3A_102, %dma_start3A_103] : memref<40x128xi32, #tpu.memory_space<vmem>> -> memref<1x128xi32, #tpu.memory_space<vmem>>
      %dma_start3A_105 = tpu.memref_squeeze %dma_start3A_104 : memref<1x128xi32, #tpu.memory_space<vmem>> -> memref<128xi32, #tpu.memory_space<vmem>>
      %dma_start3A_106 = arith.constant 0 : i32
      %dma_start3A_107 = arith.constant 0 : i32
      %dma_start3A_108 = tpu.memref_slice %arg13[%dma_start3A_106, %dma_start3A_107] : memref<10240x16xf32, #tpu.memory_space<vmem_shared>> -> memref<10240x16xf32, #tpu.memory_space<vmem_shared>>
      tpu.enqueue_indirect_dma source(%arg11 : memref<128x16xf32, #tpu.memory_space<vmem>>) target(%dma_start3A_108 : memref<10240x16xf32, #tpu.memory_space<vmem_shared>>) offsets(%dma_start3A_105 : memref<128xi32, #tpu.memory_space<vmem>>) semaphore(%arg20 : memref<!tpu.dma_semaphore, #tpu.memory_space<semaphore_mem>>) {add = true}
      %dma_wait3A_109 = arith.constant 0 : i32
      %dma_wait3A_110 = tpu.memref_slice %arg7[%add3A_61, %dma_wait3A_109] : memref<40x128xi32, #tpu.memory_space<vmem>> -> memref<1x128xi32, #tpu.memory_space<vmem>>
      %dma_wait3A_111 = tpu.memref_squeeze %dma_wait3A_110 : memref<1x128xi32, #tpu.memory_space<vmem>> -> memref<128xi32, #tpu.memory_space<vmem>>
      %dma_wait3A_112 = arith.constant 0 : i32
      %dma_wait3A_113 = arith.constant 0 : i32
      %dma_wait3A_114 = tpu.memref_slice %arg2[%dma_wait3A_112, %dma_wait3A_113] : memref<10240x16xf32, #tpu.memory_space<hbm>> -> memref<10240x16xf32, #tpu.memory_space<hbm>>
      tpu.wait_indirect_dma semaphore(%arg17 : memref<!tpu.dma_semaphore, #tpu.memory_space<semaphore_mem>>) src(%dma_wait3A_114 : memref<10240x16xf32, #tpu.memory_space<hbm>>) dst(%arg12 : memref<128x16xf32, #tpu.memory_space<vmem>>)
      %add3A_115 = arith.constant 3 : i32
      %add3A_116 = arith.addi %mul3A_36, %add3A_115 : i32
      %dma_start3A_117 = arith.constant 0 : i32
      %dma_start3A_118 = tpu.memref_slice %arg8[%add3A_116, %dma_start3A_117] : memref<40x128xi32, #tpu.memory_space<vmem>> -> memref<1x128xi32, #tpu.memory_space<vmem>>
      %dma_start3A_119 = tpu.memref_squeeze %dma_start3A_118 : memref<1x128xi32, #tpu.memory_space<vmem>> -> memref<128xi32, #tpu.memory_space<vmem>>
      %dma_start3A_120 = arith.constant 0 : i32
      %dma_start3A_121 = arith.constant 0 : i32
      %dma_start3A_122 = tpu.memref_slice %arg13[%dma_start3A_120, %dma_start3A_121] : memref<10240x16xf32, #tpu.memory_space<vmem_shared>> -> memref<10240x16xf32, #tpu.memory_space<vmem_shared>>
      tpu.enqueue_indirect_dma source(%arg12 : memref<128x16xf32, #tpu.memory_space<vmem>>) target(%dma_start3A_122 : memref<10240x16xf32, #tpu.memory_space<vmem_shared>>) offsets(%dma_start3A_119 : memref<128xi32, #tpu.memory_space<vmem>>) semaphore(%arg21 : memref<!tpu.dma_semaphore, #tpu.memory_space<semaphore_mem>>) {add = true}
      %dma_wait3A_123 = arith.constant 0 : i32
      %dma_wait3A_124 = tpu.memref_slice %arg8[%add3A_74, %dma_wait3A_123] : memref<40x128xi32, #tpu.memory_space<vmem>> -> memref<1x128xi32, #tpu.memory_space<vmem>>
      %dma_wait3A_125 = tpu.memref_squeeze %dma_wait3A_124 : memref<1x128xi32, #tpu.memory_space<vmem>> -> memref<128xi32, #tpu.memory_space<vmem>>
      %dma_wait3A_126 = arith.constant 0 : i32
      %dma_wait3A_127 = arith.constant 0 : i32
      %dma_wait3A_128 = tpu.memref_slice %arg13[%dma_wait3A_126, %dma_wait3A_127] : memref<10240x16xf32, #tpu.memory_space<vmem_shared>> -> memref<10240x16xf32, #tpu.memory_space<vmem_shared>>
      tpu.wait_indirect_dma semaphore(%arg18 : memref<!tpu.dma_semaphore, #tpu.memory_space<semaphore_mem>>) src(%arg9 : memref<128x16xf32, #tpu.memory_space<vmem>>) dst(%dma_wait3A_128 : memref<10240x16xf32, #tpu.memory_space<vmem_shared>>)
      %dma_wait3A_129 = arith.constant 0 : i32
      %dma_wait3A_130 = tpu.memref_slice %arg8[%add3A_88, %dma_wait3A_129] : memref<40x128xi32, #tpu.memory_space<vmem>> -> memref<1x128xi32, #tpu.memory_space<vmem>>
      %dma_wait3A_131 = tpu.memref_squeeze %dma_wait3A_130 : memref<1x128xi32, #tpu.memory_space<vmem>> -> memref<128xi32, #tpu.memory_space<vmem>>
      %dma_wait3A_132 = arith.constant 0 : i32
      %dma_wait3A_133 = arith.constant 0 : i32
      %dma_wait3A_134 = tpu.memref_slice %arg13[%dma_wait3A_132, %dma_wait3A_133] : memref<10240x16xf32, #tpu.memory_space<vmem_shared>> -> memref<10240x16xf32, #tpu.memory_space<vmem_shared>>
      tpu.wait_indirect_dma semaphore(%arg19 : memref<!tpu.dma_semaphore, #tpu.memory_space<semaphore_mem>>) src(%arg10 : memref<128x16xf32, #tpu.memory_space<vmem>>) dst(%dma_wait3A_134 : memref<10240x16xf32, #tpu.memory_space<vmem_shared>>)
      %dma_wait3A_135 = arith.constant 0 : i32
      %dma_wait3A_136 = tpu.memref_slice %arg8[%add3A_102, %dma_wait3A_135] : memref<40x128xi32, #tpu.memory_space<vmem>> -> memref<1x128xi32, #tpu.memory_space<vmem>>
      %dma_wait3A_137 = tpu.memref_squeeze %dma_wait3A_136 : memref<1x128xi32, #tpu.memory_space<vmem>> -> memref<128xi32, #tpu.memory_space<vmem>>
      %dma_wait3A_138 = arith.constant 0 : i32
      %dma_wait3A_139 = arith.constant 0 : i32
      %dma_wait3A_140 = tpu.memref_slice %arg13[%dma_wait3A_138, %dma_wait3A_139] : memref<10240x16xf32, #tpu.memory_space<vmem_shared>> -> memref<10240x16xf32, #tpu.memory_space<vmem_shared>>
      tpu.wait_indirect_dma semaphore(%arg20 : memref<!tpu.dma_semaphore, #tpu.memory_space<semaphore_mem>>) src(%arg11 : memref<128x16xf32, #tpu.memory_space<vmem>>) dst(%dma_wait3A_140 : memref<10240x16xf32, #tpu.memory_space<vmem_shared>>)
      %dma_wait3A_141 = arith.constant 0 : i32
      %dma_wait3A_142 = tpu.memref_slice %arg8[%add3A_116, %dma_wait3A_141] : memref<40x128xi32, #tpu.memory_space<vmem>> -> memref<1x128xi32, #tpu.memory_space<vmem>>
      %dma_wait3A_143 = tpu.memref_squeeze %dma_wait3A_142 : memref<1x128xi32, #tpu.memory_space<vmem>> -> memref<128xi32, #tpu.memory_space<vmem>>
      %dma_wait3A_144 = arith.constant 0 : i32
      %dma_wait3A_145 = arith.constant 0 : i32
      %dma_wait3A_146 = tpu.memref_slice %arg13[%dma_wait3A_144, %dma_wait3A_145] : memref<10240x16xf32, #tpu.memory_space<vmem_shared>> -> memref<10240x16xf32, #tpu.memory_space<vmem_shared>>
      tpu.wait_indirect_dma semaphore(%arg21 : memref<!tpu.dma_semaphore, #tpu.memory_space<semaphore_mem>>) src(%arg12 : memref<128x16xf32, #tpu.memory_space<vmem>>) dst(%dma_wait3A_146 : memref<10240x16xf32, #tpu.memory_space<vmem_shared>>)
    }
    %scan3A_12 = arith.constant 10 : i32
    %mul3A_13 = arith.constant 80 : i32
    %mul3A_14 = arith.muli %add3A, %mul3A_13 : i32
    %add3A_15 = arith.constant 40 : i32
    %add3A_16 = arith.addi %mul3A_14, %add3A_15 : i32
    "tpu.region"() ({
      %run_scoped3A = tpu.sem_alloc : memref<!tpu.dma_semaphore, #tpu.memory_space<semaphore_mem>>
      %dma_start3A = arith.constant 0 : i32
      %dma_start3A_30 = tpu.memref_slice %arg3[%add3A_16, %dma_start3A] : memref<2560x128xi32, #tpu.memory_space<hbm>> -> memref<40x128xi32, #tpu.memory_space<hbm>>
      %dma_start3A_31 = arith.constant 0 : i32
      %dma_start3A_32 = tpu.memref_slice %arg3[%add3A_16, %dma_start3A_31] : memref<2560x128xi32, #tpu.memory_space<hbm>> -> memref<40x128xi32, #tpu.memory_space<hbm>>
      tpu.enqueue_dma source(%dma_start3A_32 : memref<40x128xi32, #tpu.memory_space<hbm>>) target(%arg7 : memref<40x128xi32, #tpu.memory_space<vmem>>) target_semaphore(%run_scoped3A : memref<!tpu.dma_semaphore, #tpu.memory_space<semaphore_mem>>)
      %dma_wait3A = arith.constant 0 : i32
      %dma_wait3A_33 = tpu.memref_slice %arg3[%add3A_16, %dma_wait3A] : memref<2560x128xi32, #tpu.memory_space<hbm>> -> memref<40x128xi32, #tpu.memory_space<hbm>>
      %dma_wait3A_34 = arith.constant 0 : i32
      %dma_wait3A_35 = tpu.memref_slice %arg3[%add3A_16, %dma_wait3A_34] : memref<2560x128xi32, #tpu.memory_space<hbm>> -> memref<40x128xi32, #tpu.memory_space<hbm>>
      tpu.wait_dma2 semaphore(%run_scoped3A : memref<!tpu.dma_semaphore, #tpu.memory_space<semaphore_mem>>) src(%dma_wait3A_35 : memref<40x128xi32, #tpu.memory_space<hbm>>) dst(%arg7 : memref<40x128xi32, #tpu.memory_space<vmem>>)
      tpu.yield
    }) : () -> ()
    "tpu.region"() ({
      %run_scoped3A = tpu.sem_alloc : memref<!tpu.dma_semaphore, #tpu.memory_space<semaphore_mem>>
      %dma_start3A = arith.constant 0 : i32
      %dma_start3A_30 = tpu.memref_slice %arg4[%add3A_16, %dma_start3A] : memref<2560x128xi32, #tpu.memory_space<hbm>> -> memref<40x128xi32, #tpu.memory_space<hbm>>
      %dma_start3A_31 = arith.constant 0 : i32
      %dma_start3A_32 = tpu.memref_slice %arg4[%add3A_16, %dma_start3A_31] : memref<2560x128xi32, #tpu.memory_space<hbm>> -> memref<40x128xi32, #tpu.memory_space<hbm>>
      tpu.enqueue_dma source(%dma_start3A_32 : memref<40x128xi32, #tpu.memory_space<hbm>>) target(%arg8 : memref<40x128xi32, #tpu.memory_space<vmem>>) target_semaphore(%run_scoped3A : memref<!tpu.dma_semaphore, #tpu.memory_space<semaphore_mem>>)
      %dma_wait3A = arith.constant 0 : i32
      %dma_wait3A_33 = tpu.memref_slice %arg4[%add3A_16, %dma_wait3A] : memref<2560x128xi32, #tpu.memory_space<hbm>> -> memref<40x128xi32, #tpu.memory_space<hbm>>
      %dma_wait3A_34 = arith.constant 0 : i32
      %dma_wait3A_35 = tpu.memref_slice %arg4[%add3A_16, %dma_wait3A_34] : memref<2560x128xi32, #tpu.memory_space<hbm>> -> memref<40x128xi32, #tpu.memory_space<hbm>>
      tpu.wait_dma2 semaphore(%run_scoped3A : memref<!tpu.dma_semaphore, #tpu.memory_space<semaphore_mem>>) src(%dma_wait3A_35 : memref<40x128xi32, #tpu.memory_space<hbm>>) dst(%arg8 : memref<40x128xi32, #tpu.memory_space<vmem>>)
      tpu.yield
    }) : () -> ()
    %scan3A_17 = arith.constant 0 : i32
    %scan3A_18 = arith.constant 10 : i32
    %scan3A_19 = arith.addi %scan3A_17, %scan3A_18 : i32
    %scan3A_20 = arith.constant 1 : i32
    scf.for %scan3A_30 = %scan3A_17 to %scan3A_19 step %scan3A_20  : i32 {
      %mul3A_31 = arith.constant 1 : i32
      %mul3A_32 = arith.muli %scan3A_30, %mul3A_31 : i32
      %add3A_33 = arith.constant 0 : i32
      %add3A_34 = arith.addi %add3A_33, %mul3A_32 : i32
      %mul3A_35 = arith.constant 4 : i32
      %mul3A_36 = arith.muli %add3A_34, %mul3A_35 : i32
      %add3A_37 = arith.constant 0 : i32
      %add3A_38 = arith.addi %mul3A_36, %add3A_37 : i32
      %dma_start3A = arith.constant 0 : i32
      %dma_start3A_39 = tpu.memref_slice %arg7[%add3A_38, %dma_start3A] : memref<40x128xi32, #tpu.memory_space<vmem>> -> memref<1x128xi32, #tpu.memory_space<vmem>>
      %dma_start3A_40 = tpu.memref_squeeze %dma_start3A_39 : memref<1x128xi32, #tpu.memory_space<vmem>> -> memref<128xi32, #tpu.memory_space<vmem>>
      %dma_start3A_41 = arith.constant 0 : i32
      %dma_start3A_42 = arith.constant 0 : i32
      %dma_start3A_43 = tpu.memref_slice %arg2[%dma_start3A_41, %dma_start3A_42] : memref<10240x16xf32, #tpu.memory_space<hbm>> -> memref<10240x16xf32, #tpu.memory_space<hbm>>
      tpu.enqueue_indirect_dma source(%dma_start3A_43 : memref<10240x16xf32, #tpu.memory_space<hbm>>) target(%arg9 : memref<128x16xf32, #tpu.memory_space<vmem>>) offsets(%dma_start3A_40 : memref<128xi32, #tpu.memory_space<vmem>>) semaphore(%arg14 : memref<!tpu.dma_semaphore, #tpu.memory_space<semaphore_mem>>)
      %add3A_44 = arith.constant 1 : i32
      %add3A_45 = arith.addi %mul3A_36, %add3A_44 : i32
      %dma_start3A_46 = arith.constant 0 : i32
      %dma_start3A_47 = tpu.memref_slice %arg7[%add3A_45, %dma_start3A_46] : memref<40x128xi32, #tpu.memory_space<vmem>> -> memref<1x128xi32, #tpu.memory_space<vmem>>
      %dma_start3A_48 = tpu.memref_squeeze %dma_start3A_47 : memref<1x128xi32, #tpu.memory_space<vmem>> -> memref<128xi32, #tpu.memory_space<vmem>>
      %dma_start3A_49 = arith.constant 0 : i32
      %dma_start3A_50 = arith.constant 0 : i32
      %dma_start3A_51 = tpu.memref_slice %arg2[%dma_start3A_49, %dma_start3A_50] : memref<10240x16xf32, #tpu.memory_space<hbm>> -> memref<10240x16xf32, #tpu.memory_space<hbm>>
      tpu.enqueue_indirect_dma source(%dma_start3A_51 : memref<10240x16xf32, #tpu.memory_space<hbm>>) target(%arg10 : memref<128x16xf32, #tpu.memory_space<vmem>>) offsets(%dma_start3A_48 : memref<128xi32, #tpu.memory_space<vmem>>) semaphore(%arg15 : memref<!tpu.dma_semaphore, #tpu.memory_space<semaphore_mem>>)
      %add3A_52 = arith.constant 2 : i32
      %add3A_53 = arith.addi %mul3A_36, %add3A_52 : i32
      %dma_start3A_54 = arith.constant 0 : i32
      %dma_start3A_55 = tpu.memref_slice %arg7[%add3A_53, %dma_start3A_54] : memref<40x128xi32, #tpu.memory_space<vmem>> -> memref<1x128xi32, #tpu.memory_space<vmem>>
      %dma_start3A_56 = tpu.memref_squeeze %dma_start3A_55 : memref<1x128xi32, #tpu.memory_space<vmem>> -> memref<128xi32, #tpu.memory_space<vmem>>
      %dma_start3A_57 = arith.constant 0 : i32
      %dma_start3A_58 = arith.constant 0 : i32
      %dma_start3A_59 = tpu.memref_slice %arg2[%dma_start3A_57, %dma_start3A_58] : memref<10240x16xf32, #tpu.memory_space<hbm>> -> memref<10240x16xf32, #tpu.memory_space<hbm>>
      tpu.enqueue_indirect_dma source(%dma_start3A_59 : memref<10240x16xf32, #tpu.memory_space<hbm>>) target(%arg11 : memref<128x16xf32, #tpu.memory_space<vmem>>) offsets(%dma_start3A_56 : memref<128xi32, #tpu.memory_space<vmem>>) semaphore(%arg16 : memref<!tpu.dma_semaphore, #tpu.memory_space<semaphore_mem>>)
      %add3A_60 = arith.constant 3 : i32
      %add3A_61 = arith.addi %mul3A_36, %add3A_60 : i32
      %dma_start3A_62 = arith.constant 0 : i32
      %dma_start3A_63 = tpu.memref_slice %arg7[%add3A_61, %dma_start3A_62] : memref<40x128xi32, #tpu.memory_space<vmem>> -> memref<1x128xi32, #tpu.memory_space<vmem>>
      %dma_start3A_64 = tpu.memref_squeeze %dma_start3A_63 : memref<1x128xi32, #tpu.memory_space<vmem>> -> memref<128xi32, #tpu.memory_space<vmem>>
      %dma_start3A_65 = arith.constant 0 : i32
      %dma_start3A_66 = arith.constant 0 : i32
      %dma_start3A_67 = tpu.memref_slice %arg2[%dma_start3A_65, %dma_start3A_66] : memref<10240x16xf32, #tpu.memory_space<hbm>> -> memref<10240x16xf32, #tpu.memory_space<hbm>>
      tpu.enqueue_indirect_dma source(%dma_start3A_67 : memref<10240x16xf32, #tpu.memory_space<hbm>>) target(%arg12 : memref<128x16xf32, #tpu.memory_space<vmem>>) offsets(%dma_start3A_64 : memref<128xi32, #tpu.memory_space<vmem>>) semaphore(%arg17 : memref<!tpu.dma_semaphore, #tpu.memory_space<semaphore_mem>>)
      %dma_wait3A = arith.constant 0 : i32
      %dma_wait3A_68 = tpu.memref_slice %arg7[%add3A_38, %dma_wait3A] : memref<40x128xi32, #tpu.memory_space<vmem>> -> memref<1x128xi32, #tpu.memory_space<vmem>>
      %dma_wait3A_69 = tpu.memref_squeeze %dma_wait3A_68 : memref<1x128xi32, #tpu.memory_space<vmem>> -> memref<128xi32, #tpu.memory_space<vmem>>
      %dma_wait3A_70 = arith.constant 0 : i32
      %dma_wait3A_71 = arith.constant 0 : i32
      %dma_wait3A_72 = tpu.memref_slice %arg2[%dma_wait3A_70, %dma_wait3A_71] : memref<10240x16xf32, #tpu.memory_space<hbm>> -> memref<10240x16xf32, #tpu.memory_space<hbm>>
      tpu.wait_indirect_dma semaphore(%arg14 : memref<!tpu.dma_semaphore, #tpu.memory_space<semaphore_mem>>) src(%dma_wait3A_72 : memref<10240x16xf32, #tpu.memory_space<hbm>>) dst(%arg9 : memref<128x16xf32, #tpu.memory_space<vmem>>)
      %add3A_73 = arith.constant 0 : i32
      %add3A_74 = arith.addi %mul3A_36, %add3A_73 : i32
      %dma_start3A_75 = arith.constant 0 : i32
      %dma_start3A_76 = tpu.memref_slice %arg8[%add3A_74, %dma_start3A_75] : memref<40x128xi32, #tpu.memory_space<vmem>> -> memref<1x128xi32, #tpu.memory_space<vmem>>
      %dma_start3A_77 = tpu.memref_squeeze %dma_start3A_76 : memref<1x128xi32, #tpu.memory_space<vmem>> -> memref<128xi32, #tpu.memory_space<vmem>>
      %dma_start3A_78 = arith.constant 0 : i32
      %dma_start3A_79 = arith.constant 0 : i32
      %dma_start3A_80 = tpu.memref_slice %arg13[%dma_start3A_78, %dma_start3A_79] : memref<10240x16xf32, #tpu.memory_space<vmem_shared>> -> memref<10240x16xf32, #tpu.memory_space<vmem_shared>>
      tpu.enqueue_indirect_dma source(%arg9 : memref<128x16xf32, #tpu.memory_space<vmem>>) target(%dma_start3A_80 : memref<10240x16xf32, #tpu.memory_space<vmem_shared>>) offsets(%dma_start3A_77 : memref<128xi32, #tpu.memory_space<vmem>>) semaphore(%arg18 : memref<!tpu.dma_semaphore, #tpu.memory_space<semaphore_mem>>) {add = true}
      %dma_wait3A_81 = arith.constant 0 : i32
      %dma_wait3A_82 = tpu.memref_slice %arg7[%add3A_45, %dma_wait3A_81] : memref<40x128xi32, #tpu.memory_space<vmem>> -> memref<1x128xi32, #tpu.memory_space<vmem>>
      %dma_wait3A_83 = tpu.memref_squeeze %dma_wait3A_82 : memref<1x128xi32, #tpu.memory_space<vmem>> -> memref<128xi32, #tpu.memory_space<vmem>>
      %dma_wait3A_84 = arith.constant 0 : i32
      %dma_wait3A_85 = arith.constant 0 : i32
      %dma_wait3A_86 = tpu.memref_slice %arg2[%dma_wait3A_84, %dma_wait3A_85] : memref<10240x16xf32, #tpu.memory_space<hbm>> -> memref<10240x16xf32, #tpu.memory_space<hbm>>
      tpu.wait_indirect_dma semaphore(%arg15 : memref<!tpu.dma_semaphore, #tpu.memory_space<semaphore_mem>>) src(%dma_wait3A_86 : memref<10240x16xf32, #tpu.memory_space<hbm>>) dst(%arg10 : memref<128x16xf32, #tpu.memory_space<vmem>>)
      %add3A_87 = arith.constant 1 : i32
      %add3A_88 = arith.addi %mul3A_36, %add3A_87 : i32
      %dma_start3A_89 = arith.constant 0 : i32
      %dma_start3A_90 = tpu.memref_slice %arg8[%add3A_88, %dma_start3A_89] : memref<40x128xi32, #tpu.memory_space<vmem>> -> memref<1x128xi32, #tpu.memory_space<vmem>>
      %dma_start3A_91 = tpu.memref_squeeze %dma_start3A_90 : memref<1x128xi32, #tpu.memory_space<vmem>> -> memref<128xi32, #tpu.memory_space<vmem>>
      %dma_start3A_92 = arith.constant 0 : i32
      %dma_start3A_93 = arith.constant 0 : i32
      %dma_start3A_94 = tpu.memref_slice %arg13[%dma_start3A_92, %dma_start3A_93] : memref<10240x16xf32, #tpu.memory_space<vmem_shared>> -> memref<10240x16xf32, #tpu.memory_space<vmem_shared>>
      tpu.enqueue_indirect_dma source(%arg10 : memref<128x16xf32, #tpu.memory_space<vmem>>) target(%dma_start3A_94 : memref<10240x16xf32, #tpu.memory_space<vmem_shared>>) offsets(%dma_start3A_91 : memref<128xi32, #tpu.memory_space<vmem>>) semaphore(%arg19 : memref<!tpu.dma_semaphore, #tpu.memory_space<semaphore_mem>>) {add = true}
      %dma_wait3A_95 = arith.constant 0 : i32
      %dma_wait3A_96 = tpu.memref_slice %arg7[%add3A_53, %dma_wait3A_95] : memref<40x128xi32, #tpu.memory_space<vmem>> -> memref<1x128xi32, #tpu.memory_space<vmem>>
      %dma_wait3A_97 = tpu.memref_squeeze %dma_wait3A_96 : memref<1x128xi32, #tpu.memory_space<vmem>> -> memref<128xi32, #tpu.memory_space<vmem>>
      %dma_wait3A_98 = arith.constant 0 : i32
      %dma_wait3A_99 = arith.constant 0 : i32
      %dma_wait3A_100 = tpu.memref_slice %arg2[%dma_wait3A_98, %dma_wait3A_99] : memref<10240x16xf32, #tpu.memory_space<hbm>> -> memref<10240x16xf32, #tpu.memory_space<hbm>>
      tpu.wait_indirect_dma semaphore(%arg16 : memref<!tpu.dma_semaphore, #tpu.memory_space<semaphore_mem>>) src(%dma_wait3A_100 : memref<10240x16xf32, #tpu.memory_space<hbm>>) dst(%arg11 : memref<128x16xf32, #tpu.memory_space<vmem>>)
      %add3A_101 = arith.constant 2 : i32
      %add3A_102 = arith.addi %mul3A_36, %add3A_101 : i32
      %dma_start3A_103 = arith.constant 0 : i32
      %dma_start3A_104 = tpu.memref_slice %arg8[%add3A_102, %dma_start3A_103] : memref<40x128xi32, #tpu.memory_space<vmem>> -> memref<1x128xi32, #tpu.memory_space<vmem>>
      %dma_start3A_105 = tpu.memref_squeeze %dma_start3A_104 : memref<1x128xi32, #tpu.memory_space<vmem>> -> memref<128xi32, #tpu.memory_space<vmem>>
      %dma_start3A_106 = arith.constant 0 : i32
      %dma_start3A_107 = arith.constant 0 : i32
      %dma_start3A_108 = tpu.memref_slice %arg13[%dma_start3A_106, %dma_start3A_107] : memref<10240x16xf32, #tpu.memory_space<vmem_shared>> -> memref<10240x16xf32, #tpu.memory_space<vmem_shared>>
      tpu.enqueue_indirect_dma source(%arg11 : memref<128x16xf32, #tpu.memory_space<vmem>>) target(%dma_start3A_108 : memref<10240x16xf32, #tpu.memory_space<vmem_shared>>) offsets(%dma_start3A_105 : memref<128xi32, #tpu.memory_space<vmem>>) semaphore(%arg20 : memref<!tpu.dma_semaphore, #tpu.memory_space<semaphore_mem>>) {add = true}
      %dma_wait3A_109 = arith.constant 0 : i32
      %dma_wait3A_110 = tpu.memref_slice %arg7[%add3A_61, %dma_wait3A_109] : memref<40x128xi32, #tpu.memory_space<vmem>> -> memref<1x128xi32, #tpu.memory_space<vmem>>
      %dma_wait3A_111 = tpu.memref_squeeze %dma_wait3A_110 : memref<1x128xi32, #tpu.memory_space<vmem>> -> memref<128xi32, #tpu.memory_space<vmem>>
      %dma_wait3A_112 = arith.constant 0 : i32
      %dma_wait3A_113 = arith.constant 0 : i32
      %dma_wait3A_114 = tpu.memref_slice %arg2[%dma_wait3A_112, %dma_wait3A_113] : memref<10240x16xf32, #tpu.memory_space<hbm>> -> memref<10240x16xf32, #tpu.memory_space<hbm>>
      tpu.wait_indirect_dma semaphore(%arg17 : memref<!tpu.dma_semaphore, #tpu.memory_space<semaphore_mem>>) src(%dma_wait3A_114 : memref<10240x16xf32, #tpu.memory_space<hbm>>) dst(%arg12 : memref<128x16xf32, #tpu.memory_space<vmem>>)
      %add3A_115 = arith.constant 3 : i32
      %add3A_116 = arith.addi %mul3A_36, %add3A_115 : i32
      %dma_start3A_117 = arith.constant 0 : i32
      %dma_start3A_118 = tpu.memref_slice %arg8[%add3A_116, %dma_start3A_117] : memref<40x128xi32, #tpu.memory_space<vmem>> -> memref<1x128xi32, #tpu.memory_space<vmem>>
      %dma_start3A_119 = tpu.memref_squeeze %dma_start3A_118 : memref<1x128xi32, #tpu.memory_space<vmem>> -> memref<128xi32, #tpu.memory_space<vmem>>
      %dma_start3A_120 = arith.constant 0 : i32
      %dma_start3A_121 = arith.constant 0 : i32
      %dma_start3A_122 = tpu.memref_slice %arg13[%dma_start3A_120, %dma_start3A_121] : memref<10240x16xf32, #tpu.memory_space<vmem_shared>> -> memref<10240x16xf32, #tpu.memory_space<vmem_shared>>
      tpu.enqueue_indirect_dma source(%arg12 : memref<128x16xf32, #tpu.memory_space<vmem>>) target(%dma_start3A_122 : memref<10240x16xf32, #tpu.memory_space<vmem_shared>>) offsets(%dma_start3A_119 : memref<128xi32, #tpu.memory_space<vmem>>) semaphore(%arg21 : memref<!tpu.dma_semaphore, #tpu.memory_space<semaphore_mem>>) {add = true}
      %dma_wait3A_123 = arith.constant 0 : i32
      %dma_wait3A_124 = tpu.memref_slice %arg8[%add3A_74, %dma_wait3A_123] : memref<40x128xi32, #tpu.memory_space<vmem>> -> memref<1x128xi32, #tpu.memory_space<vmem>>
      %dma_wait3A_125 = tpu.memref_squeeze %dma_wait3A_124 : memref<1x128xi32, #tpu.memory_space<vmem>> -> memref<128xi32, #tpu.memory_space<vmem>>
      %dma_wait3A_126 = arith.constant 0 : i32
      %dma_wait3A_127 = arith.constant 0 : i32
      %dma_wait3A_128 = tpu.memref_slice %arg13[%dma_wait3A_126, %dma_wait3A_127] : memref<10240x16xf32, #tpu.memory_space<vmem_shared>> -> memref<10240x16xf32, #tpu.memory_space<vmem_shared>>
      tpu.wait_indirect_dma semaphore(%arg18 : memref<!tpu.dma_semaphore, #tpu.memory_space<semaphore_mem>>) src(%arg9 : memref<128x16xf32, #tpu.memory_space<vmem>>) dst(%dma_wait3A_128 : memref<10240x16xf32, #tpu.memory_space<vmem_shared>>)
      %dma_wait3A_129 = arith.constant 0 : i32
      %dma_wait3A_130 = tpu.memref_slice %arg8[%add3A_88, %dma_wait3A_129] : memref<40x128xi32, #tpu.memory_space<vmem>> -> memref<1x128xi32, #tpu.memory_space<vmem>>
      %dma_wait3A_131 = tpu.memref_squeeze %dma_wait3A_130 : memref<1x128xi32, #tpu.memory_space<vmem>> -> memref<128xi32, #tpu.memory_space<vmem>>
      %dma_wait3A_132 = arith.constant 0 : i32
      %dma_wait3A_133 = arith.constant 0 : i32
      %dma_wait3A_134 = tpu.memref_slice %arg13[%dma_wait3A_132, %dma_wait3A_133] : memref<10240x16xf32, #tpu.memory_space<vmem_shared>> -> memref<10240x16xf32, #tpu.memory_space<vmem_shared>>
      tpu.wait_indirect_dma semaphore(%arg19 : memref<!tpu.dma_semaphore, #tpu.memory_space<semaphore_mem>>) src(%arg10 : memref<128x16xf32, #tpu.memory_space<vmem>>) dst(%dma_wait3A_134 : memref<10240x16xf32, #tpu.memory_space<vmem_shared>>)
      %dma_wait3A_135 = arith.constant 0 : i32
      %dma_wait3A_136 = tpu.memref_slice %arg8[%add3A_102, %dma_wait3A_135] : memref<40x128xi32, #tpu.memory_space<vmem>> -> memref<1x128xi32, #tpu.memory_space<vmem>>
      %dma_wait3A_137 = tpu.memref_squeeze %dma_wait3A_136 : memref<1x128xi32, #tpu.memory_space<vmem>> -> memref<128xi32, #tpu.memory_space<vmem>>
      %dma_wait3A_138 = arith.constant 0 : i32
      %dma_wait3A_139 = arith.constant 0 : i32
      %dma_wait3A_140 = tpu.memref_slice %arg13[%dma_wait3A_138, %dma_wait3A_139] : memref<10240x16xf32, #tpu.memory_space<vmem_shared>> -> memref<10240x16xf32, #tpu.memory_space<vmem_shared>>
      tpu.wait_indirect_dma semaphore(%arg20 : memref<!tpu.dma_semaphore, #tpu.memory_space<semaphore_mem>>) src(%arg11 : memref<128x16xf32, #tpu.memory_space<vmem>>) dst(%dma_wait3A_140 : memref<10240x16xf32, #tpu.memory_space<vmem_shared>>)
      %dma_wait3A_141 = arith.constant 0 : i32
      %dma_wait3A_142 = tpu.memref_slice %arg8[%add3A_116, %dma_wait3A_141] : memref<40x128xi32, #tpu.memory_space<vmem>> -> memref<1x128xi32, #tpu.memory_space<vmem>>
      %dma_wait3A_143 = tpu.memref_squeeze %dma_wait3A_142 : memref<1x128xi32, #tpu.memory_space<vmem>> -> memref<128xi32, #tpu.memory_space<vmem>>
      %dma_wait3A_144 = arith.constant 0 : i32
      %dma_wait3A_145 = arith.constant 0 : i32
      %dma_wait3A_146 = tpu.memref_slice %arg13[%dma_wait3A_144, %dma_wait3A_145] : memref<10240x16xf32, #tpu.memory_space<vmem_shared>> -> memref<10240x16xf32, #tpu.memory_space<vmem_shared>>
      tpu.wait_indirect_dma semaphore(%arg21 : memref<!tpu.dma_semaphore, #tpu.memory_space<semaphore_mem>>) src(%arg12 : memref<128x16xf32, #tpu.memory_space<vmem>>) dst(%dma_wait3A_146 : memref<10240x16xf32, #tpu.memory_space<vmem_shared>>)
    }
    %scan3A_21 = arith.constant 10 : i32
    %barrier3A_22 = arith.constant 0 : index
    tpu.barrier barrier_id(%barrier3A_22)
    %mul3A_23 = arith.constant 10240 : i32
    %mul3A_24 = arith.muli %arg0, %mul3A_23 : i32
    "tpu.region"() ({
      %run_scoped3A = tpu.sem_alloc : memref<!tpu.dma_semaphore, #tpu.memory_space<semaphore_mem>>
      %dma_start3A = arith.constant 0 : i32
      %dma_start3A_30 = tpu.memref_slice %arg6[%mul3A_24, %dma_start3A] : memref<20480x16xf32, #tpu.memory_space<hbm>> -> memref<10240x16xf32, #tpu.memory_space<hbm>>
      %dma_start3A_31 = arith.constant 0 : i32
      %dma_start3A_32 = tpu.memref_slice %dma_start3A_30[%mul3A_2, %dma_start3A_31] : memref<10240x16xf32, #tpu.memory_space<hbm>> -> memref<624x16xf32, #tpu.memory_space<hbm>>
      %dma_start3A_33 = arith.constant 0 : i32
      %dma_start3A_34 = tpu.memref_slice %arg13[%mul3A_2, %dma_start3A_33] : memref<10240x16xf32, #tpu.memory_space<vmem_shared>> -> memref<624x16xf32, #tpu.memory_space<vmem_shared>>
      tpu.enqueue_dma source(%dma_start3A_34 : memref<624x16xf32, #tpu.memory_space<vmem_shared>>) target(%dma_start3A_32 : memref<624x16xf32, #tpu.memory_space<hbm>>) target_semaphore(%run_scoped3A : memref<!tpu.dma_semaphore, #tpu.memory_space<semaphore_mem>>)
      %dma_wait3A = arith.constant 0 : i32
      %dma_wait3A_35 = tpu.memref_slice %arg6[%mul3A_24, %dma_wait3A] : memref<20480x16xf32, #tpu.memory_space<hbm>> -> memref<10240x16xf32, #tpu.memory_space<hbm>>
      %dma_wait3A_36 = arith.constant 0 : i32
      %dma_wait3A_37 = tpu.memref_slice %dma_wait3A_35[%mul3A_2, %dma_wait3A_36] : memref<10240x16xf32, #tpu.memory_space<hbm>> -> memref<624x16xf32, #tpu.memory_space<hbm>>
      %dma_wait3A_38 = arith.constant 0 : i32
      %dma_wait3A_39 = tpu.memref_slice %arg13[%mul3A_2, %dma_wait3A_38] : memref<10240x16xf32, #tpu.memory_space<vmem_shared>> -> memref<624x16xf32, #tpu.memory_space<vmem_shared>>
      tpu.wait_dma2 semaphore(%run_scoped3A : memref<!tpu.dma_semaphore, #tpu.memory_space<semaphore_mem>>) src(%dma_wait3A_39 : memref<624x16xf32, #tpu.memory_space<vmem_shared>>) dst(%dma_wait3A_37 : memref<624x16xf32, #tpu.memory_space<hbm>>)
      tpu.yield
    }) : () -> ()
    %eq3A_25 = arith.constant 15 : i32
    %eq3A_26 = arith.cmpi eq, %arg1, %eq3A_25 : i32
    %convert_element_type3A_27 = arith.extui %eq3A_26 : i1 to i32
    %cond3A_28 = arith.constant 0 : i32
    %cond3A_29 = arith.cmpi ne, %convert_element_type3A_27, %cond3A_28 : i32
    scf.if %cond3A_29 {
      "tpu.region"() ({
        %run_scoped3A = tpu.sem_alloc : memref<!tpu.dma_semaphore, #tpu.memory_space<semaphore_mem>>
        %dma_start3A = arith.constant 0 : i32
        %dma_start3A_30 = tpu.memref_slice %arg6[%mul3A_24, %dma_start3A] : memref<20480x16xf32, #tpu.memory_space<hbm>> -> memref<10240x16xf32, #tpu.memory_space<hbm>>
        %dma_start3A_31 = arith.constant 9984 : i32
        %dma_start3A_32 = arith.constant 0 : i32
        %dma_start3A_33 = tpu.memref_slice %dma_start3A_30[%dma_start3A_31, %dma_start3A_32] : memref<10240x16xf32, #tpu.memory_space<hbm>> -> memref<256x16xf32, #tpu.memory_space<hbm>>
        %dma_start3A_34 = arith.constant 9984 : i32
        %dma_start3A_35 = arith.constant 0 : i32
        %dma_start3A_36 = tpu.memref_slice %arg13[%dma_start3A_34, %dma_start3A_35] : memref<10240x16xf32, #tpu.memory_space<vmem_shared>> -> memref<256x16xf32, #tpu.memory_space<vmem_shared>>
        tpu.enqueue_dma source(%dma_start3A_36 : memref<256x16xf32, #tpu.memory_space<vmem_shared>>) target(%dma_start3A_33 : memref<256x16xf32, #tpu.memory_space<hbm>>) target_semaphore(%run_scoped3A : memref<!tpu.dma_semaphore, #tpu.memory_space<semaphore_mem>>)
        %dma_wait3A = arith.constant 0 : i32
        %dma_wait3A_37 = tpu.memref_slice %arg6[%mul3A_24, %dma_wait3A] : memref<20480x16xf32, #tpu.memory_space<hbm>> -> memref<10240x16xf32, #tpu.memory_space<hbm>>
        %dma_wait3A_38 = arith.constant 9984 : i32
        %dma_wait3A_39 = arith.constant 0 : i32
        %dma_wait3A_40 = tpu.memref_slice %dma_wait3A_37[%dma_wait3A_38, %dma_wait3A_39] : memref<10240x16xf32, #tpu.memory_space<hbm>> -> memref<256x16xf32, #tpu.memory_space<hbm>>
        %dma_wait3A_41 = arith.constant 9984 : i32
        %dma_wait3A_42 = arith.constant 0 : i32
        %dma_wait3A_43 = tpu.memref_slice %arg13[%dma_wait3A_41, %dma_wait3A_42] : memref<10240x16xf32, #tpu.memory_space<vmem_shared>> -> memref<256x16xf32, #tpu.memory_space<vmem_shared>>
        tpu.wait_dma2 semaphore(%run_scoped3A : memref<!tpu.dma_semaphore, #tpu.memory_space<semaphore_mem>>) src(%dma_wait3A_43 : memref<256x16xf32, #tpu.memory_space<vmem_shared>>) dst(%dma_wait3A_40 : memref<256x16xf32, #tpu.memory_space<hbm>>)
        tpu.yield
      }) : () -> ()
    } else {
    }
    return
  }
}

#map = affine_map<(d0, d1) -> (0, 0)>
module attributes {stable_mosaic.version = 14 : i64} {
  func.func @agg(%arg0: i32, %arg1: i32, %arg2: memref<10240x64xf32, #tpu.memory_space<hbm>>, %arg3: memref<2560x128xi32, #tpu.memory_space<hbm>>, %arg4: memref<2560x128xi32, #tpu.memory_space<hbm>>, %arg5: memref<624x64xf32, #tpu.memory_space<hbm>>, %arg6: memref<20480x64xf32, #tpu.memory_space<hbm>>, %arg7: memref<40x128xi32, #tpu.memory_space<vmem>>, %arg8: memref<40x128xi32, #tpu.memory_space<vmem>>, %arg9: memref<128x64xf32, #tpu.memory_space<vmem>>, %arg10: memref<128x64xf32, #tpu.memory_space<vmem>>, %arg11: memref<128x64xf32, #tpu.memory_space<vmem>>, %arg12: memref<128x64xf32, #tpu.memory_space<vmem>>, %arg13: memref<10240x64xf32, #tpu.memory_space<vmem_shared>>, %arg14: memref<!tpu.dma_semaphore, #tpu.memory_space<semaphore_mem>>, %arg15: memref<!tpu.dma_semaphore, #tpu.memory_space<semaphore_mem>>, %arg16: memref<!tpu.dma_semaphore, #tpu.memory_space<semaphore_mem>>, %arg17: memref<!tpu.dma_semaphore, #tpu.memory_space<semaphore_mem>>, %arg18: memref<!tpu.dma_semaphore, #tpu.memory_space<semaphore_mem>>, %arg19: memref<!tpu.dma_semaphore, #tpu.memory_space<semaphore_mem>>, %arg20: memref<!tpu.dma_semaphore, #tpu.memory_space<semaphore_mem>>, %arg21: memref<!tpu.dma_semaphore, #tpu.memory_space<semaphore_mem>>) attributes {dimension_semantics = [#tpu.dimension_semantics<core_parallel>, #tpu.dimension_semantics<subcore_parallel>], iteration_bounds = array<i64: 2, 16>, scalar_prefetch = 0 : i64, scratch_operands = 15 : i64, tpu.core_type = #tpu.core_type<sc_vector_subcore>, window_params = [{transform_indices = #map}, {transform_indices = #map}, {transform_indices = #map}, {transform_indices = #map}, {transform_indices = #map}]} {
    %mul3A = arith.constant 16 : i32
    %mul3A_0 = arith.muli %arg0, %mul3A : i32
    %add3A = arith.addi %mul3A_0, %arg1 : i32
    %mul3A_1 = arith.constant 624 : i32
    %mul3A_2 = arith.muli %arg1, %mul3A_1 : i32
    "tpu.region"() ({
      %run_scoped3A = tpu.sem_alloc : memref<!tpu.dma_semaphore, #tpu.memory_space<semaphore_mem>>
      %dma_start3A = arith.constant 0 : i32
      %dma_start3A_30 = tpu.memref_slice %arg13[%mul3A_2, %dma_start3A] : memref<10240x64xf32, #tpu.memory_space<vmem_shared>> -> memref<624x64xf32, #tpu.memory_space<vmem_shared>>
      tpu.enqueue_dma source(%arg5 : memref<624x64xf32, #tpu.memory_space<hbm>>) target(%dma_start3A_30 : memref<624x64xf32, #tpu.memory_space<vmem_shared>>) target_semaphore(%run_scoped3A : memref<!tpu.dma_semaphore, #tpu.memory_space<semaphore_mem>>)
      %dma_wait3A = arith.constant 0 : i32
      %dma_wait3A_31 = tpu.memref_slice %arg13[%mul3A_2, %dma_wait3A] : memref<10240x64xf32, #tpu.memory_space<vmem_shared>> -> memref<624x64xf32, #tpu.memory_space<vmem_shared>>
      tpu.wait_dma2 semaphore(%run_scoped3A : memref<!tpu.dma_semaphore, #tpu.memory_space<semaphore_mem>>) src(%arg5 : memref<624x64xf32, #tpu.memory_space<hbm>>) dst(%dma_wait3A_31 : memref<624x64xf32, #tpu.memory_space<vmem_shared>>)
      tpu.yield
    }) : () -> ()
    %eq3A = arith.constant 15 : i32
    %eq3A_3 = arith.cmpi eq, %arg1, %eq3A : i32
    %convert_element_type3A = arith.extui %eq3A_3 : i1 to i32
    %cond3A = arith.constant 0 : i32
    %cond3A_4 = arith.cmpi ne, %convert_element_type3A, %cond3A : i32
    scf.if %cond3A_4 {
      "tpu.region"() ({
        %run_scoped3A = tpu.sem_alloc : memref<!tpu.dma_semaphore, #tpu.memory_space<semaphore_mem>>
        %dma_start3A = arith.constant 9984 : i32
        %dma_start3A_30 = arith.constant 0 : i32
        %dma_start3A_31 = tpu.memref_slice %arg13[%dma_start3A, %dma_start3A_30] : memref<10240x64xf32, #tpu.memory_space<vmem_shared>> -> memref<256x64xf32, #tpu.memory_space<vmem_shared>>
        %dma_start3A_32 = arith.constant 0 : i32
        %dma_start3A_33 = arith.constant 0 : i32
        %dma_start3A_34 = tpu.memref_slice %arg5[%dma_start3A_32, %dma_start3A_33] : memref<624x64xf32, #tpu.memory_space<hbm>> -> memref<256x64xf32, #tpu.memory_space<hbm>>
        tpu.enqueue_dma source(%dma_start3A_34 : memref<256x64xf32, #tpu.memory_space<hbm>>) target(%dma_start3A_31 : memref<256x64xf32, #tpu.memory_space<vmem_shared>>) target_semaphore(%run_scoped3A : memref<!tpu.dma_semaphore, #tpu.memory_space<semaphore_mem>>)
        %dma_wait3A = arith.constant 9984 : i32
        %dma_wait3A_35 = arith.constant 0 : i32
        %dma_wait3A_36 = tpu.memref_slice %arg13[%dma_wait3A, %dma_wait3A_35] : memref<10240x64xf32, #tpu.memory_space<vmem_shared>> -> memref<256x64xf32, #tpu.memory_space<vmem_shared>>
        %dma_wait3A_37 = arith.constant 0 : i32
        %dma_wait3A_38 = arith.constant 0 : i32
        %dma_wait3A_39 = tpu.memref_slice %arg5[%dma_wait3A_37, %dma_wait3A_38] : memref<624x64xf32, #tpu.memory_space<hbm>> -> memref<256x64xf32, #tpu.memory_space<hbm>>
        tpu.wait_dma2 semaphore(%run_scoped3A : memref<!tpu.dma_semaphore, #tpu.memory_space<semaphore_mem>>) src(%dma_wait3A_39 : memref<256x64xf32, #tpu.memory_space<hbm>>) dst(%dma_wait3A_36 : memref<256x64xf32, #tpu.memory_space<vmem_shared>>)
        tpu.yield
      }) : () -> ()
    } else {
    }
    %barrier3A = arith.constant 0 : index
    tpu.barrier barrier_id(%barrier3A)
    %mul3A_5 = arith.constant 80 : i32
    %mul3A_6 = arith.muli %add3A, %mul3A_5 : i32
    %add3A_7 = arith.constant 0 : i32
    %add3A_8 = arith.addi %mul3A_6, %add3A_7 : i32
    "tpu.region"() ({
      %run_scoped3A = tpu.sem_alloc : memref<!tpu.dma_semaphore, #tpu.memory_space<semaphore_mem>>
      %dma_start3A = arith.constant 0 : i32
      %dma_start3A_30 = tpu.memref_slice %arg3[%add3A_8, %dma_start3A] : memref<2560x128xi32, #tpu.memory_space<hbm>> -> memref<40x128xi32, #tpu.memory_space<hbm>>
      %dma_start3A_31 = arith.constant 0 : i32
      %dma_start3A_32 = tpu.memref_slice %arg3[%add3A_8, %dma_start3A_31] : memref<2560x128xi32, #tpu.memory_space<hbm>> -> memref<40x128xi32, #tpu.memory_space<hbm>>
      tpu.enqueue_dma source(%dma_start3A_32 : memref<40x128xi32, #tpu.memory_space<hbm>>) target(%arg7 : memref<40x128xi32, #tpu.memory_space<vmem>>) target_semaphore(%run_scoped3A : memref<!tpu.dma_semaphore, #tpu.memory_space<semaphore_mem>>)
      %dma_wait3A = arith.constant 0 : i32
      %dma_wait3A_33 = tpu.memref_slice %arg3[%add3A_8, %dma_wait3A] : memref<2560x128xi32, #tpu.memory_space<hbm>> -> memref<40x128xi32, #tpu.memory_space<hbm>>
      %dma_wait3A_34 = arith.constant 0 : i32
      %dma_wait3A_35 = tpu.memref_slice %arg3[%add3A_8, %dma_wait3A_34] : memref<2560x128xi32, #tpu.memory_space<hbm>> -> memref<40x128xi32, #tpu.memory_space<hbm>>
      tpu.wait_dma2 semaphore(%run_scoped3A : memref<!tpu.dma_semaphore, #tpu.memory_space<semaphore_mem>>) src(%dma_wait3A_35 : memref<40x128xi32, #tpu.memory_space<hbm>>) dst(%arg7 : memref<40x128xi32, #tpu.memory_space<vmem>>)
      tpu.yield
    }) : () -> ()
    "tpu.region"() ({
      %run_scoped3A = tpu.sem_alloc : memref<!tpu.dma_semaphore, #tpu.memory_space<semaphore_mem>>
      %dma_start3A = arith.constant 0 : i32
      %dma_start3A_30 = tpu.memref_slice %arg4[%add3A_8, %dma_start3A] : memref<2560x128xi32, #tpu.memory_space<hbm>> -> memref<40x128xi32, #tpu.memory_space<hbm>>
      %dma_start3A_31 = arith.constant 0 : i32
      %dma_start3A_32 = tpu.memref_slice %arg4[%add3A_8, %dma_start3A_31] : memref<2560x128xi32, #tpu.memory_space<hbm>> -> memref<40x128xi32, #tpu.memory_space<hbm>>
      tpu.enqueue_dma source(%dma_start3A_32 : memref<40x128xi32, #tpu.memory_space<hbm>>) target(%arg8 : memref<40x128xi32, #tpu.memory_space<vmem>>) target_semaphore(%run_scoped3A : memref<!tpu.dma_semaphore, #tpu.memory_space<semaphore_mem>>)
      %dma_wait3A = arith.constant 0 : i32
      %dma_wait3A_33 = tpu.memref_slice %arg4[%add3A_8, %dma_wait3A] : memref<2560x128xi32, #tpu.memory_space<hbm>> -> memref<40x128xi32, #tpu.memory_space<hbm>>
      %dma_wait3A_34 = arith.constant 0 : i32
      %dma_wait3A_35 = tpu.memref_slice %arg4[%add3A_8, %dma_wait3A_34] : memref<2560x128xi32, #tpu.memory_space<hbm>> -> memref<40x128xi32, #tpu.memory_space<hbm>>
      tpu.wait_dma2 semaphore(%run_scoped3A : memref<!tpu.dma_semaphore, #tpu.memory_space<semaphore_mem>>) src(%dma_wait3A_35 : memref<40x128xi32, #tpu.memory_space<hbm>>) dst(%arg8 : memref<40x128xi32, #tpu.memory_space<vmem>>)
      tpu.yield
    }) : () -> ()
    %scan3A = arith.constant 0 : i32
    %scan3A_9 = arith.constant 10 : i32
    %scan3A_10 = arith.addi %scan3A, %scan3A_9 : i32
    %scan3A_11 = arith.constant 1 : i32
    scf.for %scan3A_30 = %scan3A to %scan3A_10 step %scan3A_11  : i32 {
      %mul3A_31 = arith.constant 1 : i32
      %mul3A_32 = arith.muli %scan3A_30, %mul3A_31 : i32
      %add3A_33 = arith.constant 0 : i32
      %add3A_34 = arith.addi %add3A_33, %mul3A_32 : i32
      %mul3A_35 = arith.constant 4 : i32
      %mul3A_36 = arith.muli %add3A_34, %mul3A_35 : i32
      %add3A_37 = arith.constant 0 : i32
      %add3A_38 = arith.addi %mul3A_36, %add3A_37 : i32
      %dma_start3A = arith.constant 0 : i32
      %dma_start3A_39 = tpu.memref_slice %arg7[%add3A_38, %dma_start3A] : memref<40x128xi32, #tpu.memory_space<vmem>> -> memref<1x128xi32, #tpu.memory_space<vmem>>
      %dma_start3A_40 = tpu.memref_squeeze %dma_start3A_39 : memref<1x128xi32, #tpu.memory_space<vmem>> -> memref<128xi32, #tpu.memory_space<vmem>>
      %dma_start3A_41 = arith.constant 0 : i32
      %dma_start3A_42 = arith.constant 0 : i32
      %dma_start3A_43 = tpu.memref_slice %arg2[%dma_start3A_41, %dma_start3A_42] : memref<10240x64xf32, #tpu.memory_space<hbm>> -> memref<10240x64xf32, #tpu.memory_space<hbm>>
      tpu.enqueue_indirect_dma source(%dma_start3A_43 : memref<10240x64xf32, #tpu.memory_space<hbm>>) target(%arg9 : memref<128x64xf32, #tpu.memory_space<vmem>>) offsets(%dma_start3A_40 : memref<128xi32, #tpu.memory_space<vmem>>) semaphore(%arg14 : memref<!tpu.dma_semaphore, #tpu.memory_space<semaphore_mem>>)
      %add3A_44 = arith.constant 1 : i32
      %add3A_45 = arith.addi %mul3A_36, %add3A_44 : i32
      %dma_start3A_46 = arith.constant 0 : i32
      %dma_start3A_47 = tpu.memref_slice %arg7[%add3A_45, %dma_start3A_46] : memref<40x128xi32, #tpu.memory_space<vmem>> -> memref<1x128xi32, #tpu.memory_space<vmem>>
      %dma_start3A_48 = tpu.memref_squeeze %dma_start3A_47 : memref<1x128xi32, #tpu.memory_space<vmem>> -> memref<128xi32, #tpu.memory_space<vmem>>
      %dma_start3A_49 = arith.constant 0 : i32
      %dma_start3A_50 = arith.constant 0 : i32
      %dma_start3A_51 = tpu.memref_slice %arg2[%dma_start3A_49, %dma_start3A_50] : memref<10240x64xf32, #tpu.memory_space<hbm>> -> memref<10240x64xf32, #tpu.memory_space<hbm>>
      tpu.enqueue_indirect_dma source(%dma_start3A_51 : memref<10240x64xf32, #tpu.memory_space<hbm>>) target(%arg10 : memref<128x64xf32, #tpu.memory_space<vmem>>) offsets(%dma_start3A_48 : memref<128xi32, #tpu.memory_space<vmem>>) semaphore(%arg15 : memref<!tpu.dma_semaphore, #tpu.memory_space<semaphore_mem>>)
      %add3A_52 = arith.constant 2 : i32
      %add3A_53 = arith.addi %mul3A_36, %add3A_52 : i32
      %dma_start3A_54 = arith.constant 0 : i32
      %dma_start3A_55 = tpu.memref_slice %arg7[%add3A_53, %dma_start3A_54] : memref<40x128xi32, #tpu.memory_space<vmem>> -> memref<1x128xi32, #tpu.memory_space<vmem>>
      %dma_start3A_56 = tpu.memref_squeeze %dma_start3A_55 : memref<1x128xi32, #tpu.memory_space<vmem>> -> memref<128xi32, #tpu.memory_space<vmem>>
      %dma_start3A_57 = arith.constant 0 : i32
      %dma_start3A_58 = arith.constant 0 : i32
      %dma_start3A_59 = tpu.memref_slice %arg2[%dma_start3A_57, %dma_start3A_58] : memref<10240x64xf32, #tpu.memory_space<hbm>> -> memref<10240x64xf32, #tpu.memory_space<hbm>>
      tpu.enqueue_indirect_dma source(%dma_start3A_59 : memref<10240x64xf32, #tpu.memory_space<hbm>>) target(%arg11 : memref<128x64xf32, #tpu.memory_space<vmem>>) offsets(%dma_start3A_56 : memref<128xi32, #tpu.memory_space<vmem>>) semaphore(%arg16 : memref<!tpu.dma_semaphore, #tpu.memory_space<semaphore_mem>>)
      %add3A_60 = arith.constant 3 : i32
      %add3A_61 = arith.addi %mul3A_36, %add3A_60 : i32
      %dma_start3A_62 = arith.constant 0 : i32
      %dma_start3A_63 = tpu.memref_slice %arg7[%add3A_61, %dma_start3A_62] : memref<40x128xi32, #tpu.memory_space<vmem>> -> memref<1x128xi32, #tpu.memory_space<vmem>>
      %dma_start3A_64 = tpu.memref_squeeze %dma_start3A_63 : memref<1x128xi32, #tpu.memory_space<vmem>> -> memref<128xi32, #tpu.memory_space<vmem>>
      %dma_start3A_65 = arith.constant 0 : i32
      %dma_start3A_66 = arith.constant 0 : i32
      %dma_start3A_67 = tpu.memref_slice %arg2[%dma_start3A_65, %dma_start3A_66] : memref<10240x64xf32, #tpu.memory_space<hbm>> -> memref<10240x64xf32, #tpu.memory_space<hbm>>
      tpu.enqueue_indirect_dma source(%dma_start3A_67 : memref<10240x64xf32, #tpu.memory_space<hbm>>) target(%arg12 : memref<128x64xf32, #tpu.memory_space<vmem>>) offsets(%dma_start3A_64 : memref<128xi32, #tpu.memory_space<vmem>>) semaphore(%arg17 : memref<!tpu.dma_semaphore, #tpu.memory_space<semaphore_mem>>)
      %dma_wait3A = arith.constant 0 : i32
      %dma_wait3A_68 = tpu.memref_slice %arg7[%add3A_38, %dma_wait3A] : memref<40x128xi32, #tpu.memory_space<vmem>> -> memref<1x128xi32, #tpu.memory_space<vmem>>
      %dma_wait3A_69 = tpu.memref_squeeze %dma_wait3A_68 : memref<1x128xi32, #tpu.memory_space<vmem>> -> memref<128xi32, #tpu.memory_space<vmem>>
      %dma_wait3A_70 = arith.constant 0 : i32
      %dma_wait3A_71 = arith.constant 0 : i32
      %dma_wait3A_72 = tpu.memref_slice %arg2[%dma_wait3A_70, %dma_wait3A_71] : memref<10240x64xf32, #tpu.memory_space<hbm>> -> memref<10240x64xf32, #tpu.memory_space<hbm>>
      tpu.wait_indirect_dma semaphore(%arg14 : memref<!tpu.dma_semaphore, #tpu.memory_space<semaphore_mem>>) src(%dma_wait3A_72 : memref<10240x64xf32, #tpu.memory_space<hbm>>) dst(%arg9 : memref<128x64xf32, #tpu.memory_space<vmem>>)
      %add3A_73 = arith.constant 0 : i32
      %add3A_74 = arith.addi %mul3A_36, %add3A_73 : i32
      %dma_start3A_75 = arith.constant 0 : i32
      %dma_start3A_76 = tpu.memref_slice %arg8[%add3A_74, %dma_start3A_75] : memref<40x128xi32, #tpu.memory_space<vmem>> -> memref<1x128xi32, #tpu.memory_space<vmem>>
      %dma_start3A_77 = tpu.memref_squeeze %dma_start3A_76 : memref<1x128xi32, #tpu.memory_space<vmem>> -> memref<128xi32, #tpu.memory_space<vmem>>
      %dma_start3A_78 = arith.constant 0 : i32
      %dma_start3A_79 = arith.constant 0 : i32
      %dma_start3A_80 = tpu.memref_slice %arg13[%dma_start3A_78, %dma_start3A_79] : memref<10240x64xf32, #tpu.memory_space<vmem_shared>> -> memref<10240x64xf32, #tpu.memory_space<vmem_shared>>
      tpu.enqueue_indirect_dma source(%arg9 : memref<128x64xf32, #tpu.memory_space<vmem>>) target(%dma_start3A_80 : memref<10240x64xf32, #tpu.memory_space<vmem_shared>>) offsets(%dma_start3A_77 : memref<128xi32, #tpu.memory_space<vmem>>) semaphore(%arg18 : memref<!tpu.dma_semaphore, #tpu.memory_space<semaphore_mem>>) {add = true}
      %dma_wait3A_81 = arith.constant 0 : i32
      %dma_wait3A_82 = tpu.memref_slice %arg7[%add3A_45, %dma_wait3A_81] : memref<40x128xi32, #tpu.memory_space<vmem>> -> memref<1x128xi32, #tpu.memory_space<vmem>>
      %dma_wait3A_83 = tpu.memref_squeeze %dma_wait3A_82 : memref<1x128xi32, #tpu.memory_space<vmem>> -> memref<128xi32, #tpu.memory_space<vmem>>
      %dma_wait3A_84 = arith.constant 0 : i32
      %dma_wait3A_85 = arith.constant 0 : i32
      %dma_wait3A_86 = tpu.memref_slice %arg2[%dma_wait3A_84, %dma_wait3A_85] : memref<10240x64xf32, #tpu.memory_space<hbm>> -> memref<10240x64xf32, #tpu.memory_space<hbm>>
      tpu.wait_indirect_dma semaphore(%arg15 : memref<!tpu.dma_semaphore, #tpu.memory_space<semaphore_mem>>) src(%dma_wait3A_86 : memref<10240x64xf32, #tpu.memory_space<hbm>>) dst(%arg10 : memref<128x64xf32, #tpu.memory_space<vmem>>)
      %add3A_87 = arith.constant 1 : i32
      %add3A_88 = arith.addi %mul3A_36, %add3A_87 : i32
      %dma_start3A_89 = arith.constant 0 : i32
      %dma_start3A_90 = tpu.memref_slice %arg8[%add3A_88, %dma_start3A_89] : memref<40x128xi32, #tpu.memory_space<vmem>> -> memref<1x128xi32, #tpu.memory_space<vmem>>
      %dma_start3A_91 = tpu.memref_squeeze %dma_start3A_90 : memref<1x128xi32, #tpu.memory_space<vmem>> -> memref<128xi32, #tpu.memory_space<vmem>>
      %dma_start3A_92 = arith.constant 0 : i32
      %dma_start3A_93 = arith.constant 0 : i32
      %dma_start3A_94 = tpu.memref_slice %arg13[%dma_start3A_92, %dma_start3A_93] : memref<10240x64xf32, #tpu.memory_space<vmem_shared>> -> memref<10240x64xf32, #tpu.memory_space<vmem_shared>>
      tpu.enqueue_indirect_dma source(%arg10 : memref<128x64xf32, #tpu.memory_space<vmem>>) target(%dma_start3A_94 : memref<10240x64xf32, #tpu.memory_space<vmem_shared>>) offsets(%dma_start3A_91 : memref<128xi32, #tpu.memory_space<vmem>>) semaphore(%arg19 : memref<!tpu.dma_semaphore, #tpu.memory_space<semaphore_mem>>) {add = true}
      %dma_wait3A_95 = arith.constant 0 : i32
      %dma_wait3A_96 = tpu.memref_slice %arg7[%add3A_53, %dma_wait3A_95] : memref<40x128xi32, #tpu.memory_space<vmem>> -> memref<1x128xi32, #tpu.memory_space<vmem>>
      %dma_wait3A_97 = tpu.memref_squeeze %dma_wait3A_96 : memref<1x128xi32, #tpu.memory_space<vmem>> -> memref<128xi32, #tpu.memory_space<vmem>>
      %dma_wait3A_98 = arith.constant 0 : i32
      %dma_wait3A_99 = arith.constant 0 : i32
      %dma_wait3A_100 = tpu.memref_slice %arg2[%dma_wait3A_98, %dma_wait3A_99] : memref<10240x64xf32, #tpu.memory_space<hbm>> -> memref<10240x64xf32, #tpu.memory_space<hbm>>
      tpu.wait_indirect_dma semaphore(%arg16 : memref<!tpu.dma_semaphore, #tpu.memory_space<semaphore_mem>>) src(%dma_wait3A_100 : memref<10240x64xf32, #tpu.memory_space<hbm>>) dst(%arg11 : memref<128x64xf32, #tpu.memory_space<vmem>>)
      %add3A_101 = arith.constant 2 : i32
      %add3A_102 = arith.addi %mul3A_36, %add3A_101 : i32
      %dma_start3A_103 = arith.constant 0 : i32
      %dma_start3A_104 = tpu.memref_slice %arg8[%add3A_102, %dma_start3A_103] : memref<40x128xi32, #tpu.memory_space<vmem>> -> memref<1x128xi32, #tpu.memory_space<vmem>>
      %dma_start3A_105 = tpu.memref_squeeze %dma_start3A_104 : memref<1x128xi32, #tpu.memory_space<vmem>> -> memref<128xi32, #tpu.memory_space<vmem>>
      %dma_start3A_106 = arith.constant 0 : i32
      %dma_start3A_107 = arith.constant 0 : i32
      %dma_start3A_108 = tpu.memref_slice %arg13[%dma_start3A_106, %dma_start3A_107] : memref<10240x64xf32, #tpu.memory_space<vmem_shared>> -> memref<10240x64xf32, #tpu.memory_space<vmem_shared>>
      tpu.enqueue_indirect_dma source(%arg11 : memref<128x64xf32, #tpu.memory_space<vmem>>) target(%dma_start3A_108 : memref<10240x64xf32, #tpu.memory_space<vmem_shared>>) offsets(%dma_start3A_105 : memref<128xi32, #tpu.memory_space<vmem>>) semaphore(%arg20 : memref<!tpu.dma_semaphore, #tpu.memory_space<semaphore_mem>>) {add = true}
      %dma_wait3A_109 = arith.constant 0 : i32
      %dma_wait3A_110 = tpu.memref_slice %arg7[%add3A_61, %dma_wait3A_109] : memref<40x128xi32, #tpu.memory_space<vmem>> -> memref<1x128xi32, #tpu.memory_space<vmem>>
      %dma_wait3A_111 = tpu.memref_squeeze %dma_wait3A_110 : memref<1x128xi32, #tpu.memory_space<vmem>> -> memref<128xi32, #tpu.memory_space<vmem>>
      %dma_wait3A_112 = arith.constant 0 : i32
      %dma_wait3A_113 = arith.constant 0 : i32
      %dma_wait3A_114 = tpu.memref_slice %arg2[%dma_wait3A_112, %dma_wait3A_113] : memref<10240x64xf32, #tpu.memory_space<hbm>> -> memref<10240x64xf32, #tpu.memory_space<hbm>>
      tpu.wait_indirect_dma semaphore(%arg17 : memref<!tpu.dma_semaphore, #tpu.memory_space<semaphore_mem>>) src(%dma_wait3A_114 : memref<10240x64xf32, #tpu.memory_space<hbm>>) dst(%arg12 : memref<128x64xf32, #tpu.memory_space<vmem>>)
      %add3A_115 = arith.constant 3 : i32
      %add3A_116 = arith.addi %mul3A_36, %add3A_115 : i32
      %dma_start3A_117 = arith.constant 0 : i32
      %dma_start3A_118 = tpu.memref_slice %arg8[%add3A_116, %dma_start3A_117] : memref<40x128xi32, #tpu.memory_space<vmem>> -> memref<1x128xi32, #tpu.memory_space<vmem>>
      %dma_start3A_119 = tpu.memref_squeeze %dma_start3A_118 : memref<1x128xi32, #tpu.memory_space<vmem>> -> memref<128xi32, #tpu.memory_space<vmem>>
      %dma_start3A_120 = arith.constant 0 : i32
      %dma_start3A_121 = arith.constant 0 : i32
      %dma_start3A_122 = tpu.memref_slice %arg13[%dma_start3A_120, %dma_start3A_121] : memref<10240x64xf32, #tpu.memory_space<vmem_shared>> -> memref<10240x64xf32, #tpu.memory_space<vmem_shared>>
      tpu.enqueue_indirect_dma source(%arg12 : memref<128x64xf32, #tpu.memory_space<vmem>>) target(%dma_start3A_122 : memref<10240x64xf32, #tpu.memory_space<vmem_shared>>) offsets(%dma_start3A_119 : memref<128xi32, #tpu.memory_space<vmem>>) semaphore(%arg21 : memref<!tpu.dma_semaphore, #tpu.memory_space<semaphore_mem>>) {add = true}
      %dma_wait3A_123 = arith.constant 0 : i32
      %dma_wait3A_124 = tpu.memref_slice %arg8[%add3A_74, %dma_wait3A_123] : memref<40x128xi32, #tpu.memory_space<vmem>> -> memref<1x128xi32, #tpu.memory_space<vmem>>
      %dma_wait3A_125 = tpu.memref_squeeze %dma_wait3A_124 : memref<1x128xi32, #tpu.memory_space<vmem>> -> memref<128xi32, #tpu.memory_space<vmem>>
      %dma_wait3A_126 = arith.constant 0 : i32
      %dma_wait3A_127 = arith.constant 0 : i32
      %dma_wait3A_128 = tpu.memref_slice %arg13[%dma_wait3A_126, %dma_wait3A_127] : memref<10240x64xf32, #tpu.memory_space<vmem_shared>> -> memref<10240x64xf32, #tpu.memory_space<vmem_shared>>
      tpu.wait_indirect_dma semaphore(%arg18 : memref<!tpu.dma_semaphore, #tpu.memory_space<semaphore_mem>>) src(%arg9 : memref<128x64xf32, #tpu.memory_space<vmem>>) dst(%dma_wait3A_128 : memref<10240x64xf32, #tpu.memory_space<vmem_shared>>)
      %dma_wait3A_129 = arith.constant 0 : i32
      %dma_wait3A_130 = tpu.memref_slice %arg8[%add3A_88, %dma_wait3A_129] : memref<40x128xi32, #tpu.memory_space<vmem>> -> memref<1x128xi32, #tpu.memory_space<vmem>>
      %dma_wait3A_131 = tpu.memref_squeeze %dma_wait3A_130 : memref<1x128xi32, #tpu.memory_space<vmem>> -> memref<128xi32, #tpu.memory_space<vmem>>
      %dma_wait3A_132 = arith.constant 0 : i32
      %dma_wait3A_133 = arith.constant 0 : i32
      %dma_wait3A_134 = tpu.memref_slice %arg13[%dma_wait3A_132, %dma_wait3A_133] : memref<10240x64xf32, #tpu.memory_space<vmem_shared>> -> memref<10240x64xf32, #tpu.memory_space<vmem_shared>>
      tpu.wait_indirect_dma semaphore(%arg19 : memref<!tpu.dma_semaphore, #tpu.memory_space<semaphore_mem>>) src(%arg10 : memref<128x64xf32, #tpu.memory_space<vmem>>) dst(%dma_wait3A_134 : memref<10240x64xf32, #tpu.memory_space<vmem_shared>>)
      %dma_wait3A_135 = arith.constant 0 : i32
      %dma_wait3A_136 = tpu.memref_slice %arg8[%add3A_102, %dma_wait3A_135] : memref<40x128xi32, #tpu.memory_space<vmem>> -> memref<1x128xi32, #tpu.memory_space<vmem>>
      %dma_wait3A_137 = tpu.memref_squeeze %dma_wait3A_136 : memref<1x128xi32, #tpu.memory_space<vmem>> -> memref<128xi32, #tpu.memory_space<vmem>>
      %dma_wait3A_138 = arith.constant 0 : i32
      %dma_wait3A_139 = arith.constant 0 : i32
      %dma_wait3A_140 = tpu.memref_slice %arg13[%dma_wait3A_138, %dma_wait3A_139] : memref<10240x64xf32, #tpu.memory_space<vmem_shared>> -> memref<10240x64xf32, #tpu.memory_space<vmem_shared>>
      tpu.wait_indirect_dma semaphore(%arg20 : memref<!tpu.dma_semaphore, #tpu.memory_space<semaphore_mem>>) src(%arg11 : memref<128x64xf32, #tpu.memory_space<vmem>>) dst(%dma_wait3A_140 : memref<10240x64xf32, #tpu.memory_space<vmem_shared>>)
      %dma_wait3A_141 = arith.constant 0 : i32
      %dma_wait3A_142 = tpu.memref_slice %arg8[%add3A_116, %dma_wait3A_141] : memref<40x128xi32, #tpu.memory_space<vmem>> -> memref<1x128xi32, #tpu.memory_space<vmem>>
      %dma_wait3A_143 = tpu.memref_squeeze %dma_wait3A_142 : memref<1x128xi32, #tpu.memory_space<vmem>> -> memref<128xi32, #tpu.memory_space<vmem>>
      %dma_wait3A_144 = arith.constant 0 : i32
      %dma_wait3A_145 = arith.constant 0 : i32
      %dma_wait3A_146 = tpu.memref_slice %arg13[%dma_wait3A_144, %dma_wait3A_145] : memref<10240x64xf32, #tpu.memory_space<vmem_shared>> -> memref<10240x64xf32, #tpu.memory_space<vmem_shared>>
      tpu.wait_indirect_dma semaphore(%arg21 : memref<!tpu.dma_semaphore, #tpu.memory_space<semaphore_mem>>) src(%arg12 : memref<128x64xf32, #tpu.memory_space<vmem>>) dst(%dma_wait3A_146 : memref<10240x64xf32, #tpu.memory_space<vmem_shared>>)
    }
    %scan3A_12 = arith.constant 10 : i32
    %mul3A_13 = arith.constant 80 : i32
    %mul3A_14 = arith.muli %add3A, %mul3A_13 : i32
    %add3A_15 = arith.constant 40 : i32
    %add3A_16 = arith.addi %mul3A_14, %add3A_15 : i32
    "tpu.region"() ({
      %run_scoped3A = tpu.sem_alloc : memref<!tpu.dma_semaphore, #tpu.memory_space<semaphore_mem>>
      %dma_start3A = arith.constant 0 : i32
      %dma_start3A_30 = tpu.memref_slice %arg3[%add3A_16, %dma_start3A] : memref<2560x128xi32, #tpu.memory_space<hbm>> -> memref<40x128xi32, #tpu.memory_space<hbm>>
      %dma_start3A_31 = arith.constant 0 : i32
      %dma_start3A_32 = tpu.memref_slice %arg3[%add3A_16, %dma_start3A_31] : memref<2560x128xi32, #tpu.memory_space<hbm>> -> memref<40x128xi32, #tpu.memory_space<hbm>>
      tpu.enqueue_dma source(%dma_start3A_32 : memref<40x128xi32, #tpu.memory_space<hbm>>) target(%arg7 : memref<40x128xi32, #tpu.memory_space<vmem>>) target_semaphore(%run_scoped3A : memref<!tpu.dma_semaphore, #tpu.memory_space<semaphore_mem>>)
      %dma_wait3A = arith.constant 0 : i32
      %dma_wait3A_33 = tpu.memref_slice %arg3[%add3A_16, %dma_wait3A] : memref<2560x128xi32, #tpu.memory_space<hbm>> -> memref<40x128xi32, #tpu.memory_space<hbm>>
      %dma_wait3A_34 = arith.constant 0 : i32
      %dma_wait3A_35 = tpu.memref_slice %arg3[%add3A_16, %dma_wait3A_34] : memref<2560x128xi32, #tpu.memory_space<hbm>> -> memref<40x128xi32, #tpu.memory_space<hbm>>
      tpu.wait_dma2 semaphore(%run_scoped3A : memref<!tpu.dma_semaphore, #tpu.memory_space<semaphore_mem>>) src(%dma_wait3A_35 : memref<40x128xi32, #tpu.memory_space<hbm>>) dst(%arg7 : memref<40x128xi32, #tpu.memory_space<vmem>>)
      tpu.yield
    }) : () -> ()
    "tpu.region"() ({
      %run_scoped3A = tpu.sem_alloc : memref<!tpu.dma_semaphore, #tpu.memory_space<semaphore_mem>>
      %dma_start3A = arith.constant 0 : i32
      %dma_start3A_30 = tpu.memref_slice %arg4[%add3A_16, %dma_start3A] : memref<2560x128xi32, #tpu.memory_space<hbm>> -> memref<40x128xi32, #tpu.memory_space<hbm>>
      %dma_start3A_31 = arith.constant 0 : i32
      %dma_start3A_32 = tpu.memref_slice %arg4[%add3A_16, %dma_start3A_31] : memref<2560x128xi32, #tpu.memory_space<hbm>> -> memref<40x128xi32, #tpu.memory_space<hbm>>
      tpu.enqueue_dma source(%dma_start3A_32 : memref<40x128xi32, #tpu.memory_space<hbm>>) target(%arg8 : memref<40x128xi32, #tpu.memory_space<vmem>>) target_semaphore(%run_scoped3A : memref<!tpu.dma_semaphore, #tpu.memory_space<semaphore_mem>>)
      %dma_wait3A = arith.constant 0 : i32
      %dma_wait3A_33 = tpu.memref_slice %arg4[%add3A_16, %dma_wait3A] : memref<2560x128xi32, #tpu.memory_space<hbm>> -> memref<40x128xi32, #tpu.memory_space<hbm>>
      %dma_wait3A_34 = arith.constant 0 : i32
      %dma_wait3A_35 = tpu.memref_slice %arg4[%add3A_16, %dma_wait3A_34] : memref<2560x128xi32, #tpu.memory_space<hbm>> -> memref<40x128xi32, #tpu.memory_space<hbm>>
      tpu.wait_dma2 semaphore(%run_scoped3A : memref<!tpu.dma_semaphore, #tpu.memory_space<semaphore_mem>>) src(%dma_wait3A_35 : memref<40x128xi32, #tpu.memory_space<hbm>>) dst(%arg8 : memref<40x128xi32, #tpu.memory_space<vmem>>)
      tpu.yield
    }) : () -> ()
    %scan3A_17 = arith.constant 0 : i32
    %scan3A_18 = arith.constant 10 : i32
    %scan3A_19 = arith.addi %scan3A_17, %scan3A_18 : i32
    %scan3A_20 = arith.constant 1 : i32
    scf.for %scan3A_30 = %scan3A_17 to %scan3A_19 step %scan3A_20  : i32 {
      %mul3A_31 = arith.constant 1 : i32
      %mul3A_32 = arith.muli %scan3A_30, %mul3A_31 : i32
      %add3A_33 = arith.constant 0 : i32
      %add3A_34 = arith.addi %add3A_33, %mul3A_32 : i32
      %mul3A_35 = arith.constant 4 : i32
      %mul3A_36 = arith.muli %add3A_34, %mul3A_35 : i32
      %add3A_37 = arith.constant 0 : i32
      %add3A_38 = arith.addi %mul3A_36, %add3A_37 : i32
      %dma_start3A = arith.constant 0 : i32
      %dma_start3A_39 = tpu.memref_slice %arg7[%add3A_38, %dma_start3A] : memref<40x128xi32, #tpu.memory_space<vmem>> -> memref<1x128xi32, #tpu.memory_space<vmem>>
      %dma_start3A_40 = tpu.memref_squeeze %dma_start3A_39 : memref<1x128xi32, #tpu.memory_space<vmem>> -> memref<128xi32, #tpu.memory_space<vmem>>
      %dma_start3A_41 = arith.constant 0 : i32
      %dma_start3A_42 = arith.constant 0 : i32
      %dma_start3A_43 = tpu.memref_slice %arg2[%dma_start3A_41, %dma_start3A_42] : memref<10240x64xf32, #tpu.memory_space<hbm>> -> memref<10240x64xf32, #tpu.memory_space<hbm>>
      tpu.enqueue_indirect_dma source(%dma_start3A_43 : memref<10240x64xf32, #tpu.memory_space<hbm>>) target(%arg9 : memref<128x64xf32, #tpu.memory_space<vmem>>) offsets(%dma_start3A_40 : memref<128xi32, #tpu.memory_space<vmem>>) semaphore(%arg14 : memref<!tpu.dma_semaphore, #tpu.memory_space<semaphore_mem>>)
      %add3A_44 = arith.constant 1 : i32
      %add3A_45 = arith.addi %mul3A_36, %add3A_44 : i32
      %dma_start3A_46 = arith.constant 0 : i32
      %dma_start3A_47 = tpu.memref_slice %arg7[%add3A_45, %dma_start3A_46] : memref<40x128xi32, #tpu.memory_space<vmem>> -> memref<1x128xi32, #tpu.memory_space<vmem>>
      %dma_start3A_48 = tpu.memref_squeeze %dma_start3A_47 : memref<1x128xi32, #tpu.memory_space<vmem>> -> memref<128xi32, #tpu.memory_space<vmem>>
      %dma_start3A_49 = arith.constant 0 : i32
      %dma_start3A_50 = arith.constant 0 : i32
      %dma_start3A_51 = tpu.memref_slice %arg2[%dma_start3A_49, %dma_start3A_50] : memref<10240x64xf32, #tpu.memory_space<hbm>> -> memref<10240x64xf32, #tpu.memory_space<hbm>>
      tpu.enqueue_indirect_dma source(%dma_start3A_51 : memref<10240x64xf32, #tpu.memory_space<hbm>>) target(%arg10 : memref<128x64xf32, #tpu.memory_space<vmem>>) offsets(%dma_start3A_48 : memref<128xi32, #tpu.memory_space<vmem>>) semaphore(%arg15 : memref<!tpu.dma_semaphore, #tpu.memory_space<semaphore_mem>>)
      %add3A_52 = arith.constant 2 : i32
      %add3A_53 = arith.addi %mul3A_36, %add3A_52 : i32
      %dma_start3A_54 = arith.constant 0 : i32
      %dma_start3A_55 = tpu.memref_slice %arg7[%add3A_53, %dma_start3A_54] : memref<40x128xi32, #tpu.memory_space<vmem>> -> memref<1x128xi32, #tpu.memory_space<vmem>>
      %dma_start3A_56 = tpu.memref_squeeze %dma_start3A_55 : memref<1x128xi32, #tpu.memory_space<vmem>> -> memref<128xi32, #tpu.memory_space<vmem>>
      %dma_start3A_57 = arith.constant 0 : i32
      %dma_start3A_58 = arith.constant 0 : i32
      %dma_start3A_59 = tpu.memref_slice %arg2[%dma_start3A_57, %dma_start3A_58] : memref<10240x64xf32, #tpu.memory_space<hbm>> -> memref<10240x64xf32, #tpu.memory_space<hbm>>
      tpu.enqueue_indirect_dma source(%dma_start3A_59 : memref<10240x64xf32, #tpu.memory_space<hbm>>) target(%arg11 : memref<128x64xf32, #tpu.memory_space<vmem>>) offsets(%dma_start3A_56 : memref<128xi32, #tpu.memory_space<vmem>>) semaphore(%arg16 : memref<!tpu.dma_semaphore, #tpu.memory_space<semaphore_mem>>)
      %add3A_60 = arith.constant 3 : i32
      %add3A_61 = arith.addi %mul3A_36, %add3A_60 : i32
      %dma_start3A_62 = arith.constant 0 : i32
      %dma_start3A_63 = tpu.memref_slice %arg7[%add3A_61, %dma_start3A_62] : memref<40x128xi32, #tpu.memory_space<vmem>> -> memref<1x128xi32, #tpu.memory_space<vmem>>
      %dma_start3A_64 = tpu.memref_squeeze %dma_start3A_63 : memref<1x128xi32, #tpu.memory_space<vmem>> -> memref<128xi32, #tpu.memory_space<vmem>>
      %dma_start3A_65 = arith.constant 0 : i32
      %dma_start3A_66 = arith.constant 0 : i32
      %dma_start3A_67 = tpu.memref_slice %arg2[%dma_start3A_65, %dma_start3A_66] : memref<10240x64xf32, #tpu.memory_space<hbm>> -> memref<10240x64xf32, #tpu.memory_space<hbm>>
      tpu.enqueue_indirect_dma source(%dma_start3A_67 : memref<10240x64xf32, #tpu.memory_space<hbm>>) target(%arg12 : memref<128x64xf32, #tpu.memory_space<vmem>>) offsets(%dma_start3A_64 : memref<128xi32, #tpu.memory_space<vmem>>) semaphore(%arg17 : memref<!tpu.dma_semaphore, #tpu.memory_space<semaphore_mem>>)
      %dma_wait3A = arith.constant 0 : i32
      %dma_wait3A_68 = tpu.memref_slice %arg7[%add3A_38, %dma_wait3A] : memref<40x128xi32, #tpu.memory_space<vmem>> -> memref<1x128xi32, #tpu.memory_space<vmem>>
      %dma_wait3A_69 = tpu.memref_squeeze %dma_wait3A_68 : memref<1x128xi32, #tpu.memory_space<vmem>> -> memref<128xi32, #tpu.memory_space<vmem>>
      %dma_wait3A_70 = arith.constant 0 : i32
      %dma_wait3A_71 = arith.constant 0 : i32
      %dma_wait3A_72 = tpu.memref_slice %arg2[%dma_wait3A_70, %dma_wait3A_71] : memref<10240x64xf32, #tpu.memory_space<hbm>> -> memref<10240x64xf32, #tpu.memory_space<hbm>>
      tpu.wait_indirect_dma semaphore(%arg14 : memref<!tpu.dma_semaphore, #tpu.memory_space<semaphore_mem>>) src(%dma_wait3A_72 : memref<10240x64xf32, #tpu.memory_space<hbm>>) dst(%arg9 : memref<128x64xf32, #tpu.memory_space<vmem>>)
      %add3A_73 = arith.constant 0 : i32
      %add3A_74 = arith.addi %mul3A_36, %add3A_73 : i32
      %dma_start3A_75 = arith.constant 0 : i32
      %dma_start3A_76 = tpu.memref_slice %arg8[%add3A_74, %dma_start3A_75] : memref<40x128xi32, #tpu.memory_space<vmem>> -> memref<1x128xi32, #tpu.memory_space<vmem>>
      %dma_start3A_77 = tpu.memref_squeeze %dma_start3A_76 : memref<1x128xi32, #tpu.memory_space<vmem>> -> memref<128xi32, #tpu.memory_space<vmem>>
      %dma_start3A_78 = arith.constant 0 : i32
      %dma_start3A_79 = arith.constant 0 : i32
      %dma_start3A_80 = tpu.memref_slice %arg13[%dma_start3A_78, %dma_start3A_79] : memref<10240x64xf32, #tpu.memory_space<vmem_shared>> -> memref<10240x64xf32, #tpu.memory_space<vmem_shared>>
      tpu.enqueue_indirect_dma source(%arg9 : memref<128x64xf32, #tpu.memory_space<vmem>>) target(%dma_start3A_80 : memref<10240x64xf32, #tpu.memory_space<vmem_shared>>) offsets(%dma_start3A_77 : memref<128xi32, #tpu.memory_space<vmem>>) semaphore(%arg18 : memref<!tpu.dma_semaphore, #tpu.memory_space<semaphore_mem>>) {add = true}
      %dma_wait3A_81 = arith.constant 0 : i32
      %dma_wait3A_82 = tpu.memref_slice %arg7[%add3A_45, %dma_wait3A_81] : memref<40x128xi32, #tpu.memory_space<vmem>> -> memref<1x128xi32, #tpu.memory_space<vmem>>
      %dma_wait3A_83 = tpu.memref_squeeze %dma_wait3A_82 : memref<1x128xi32, #tpu.memory_space<vmem>> -> memref<128xi32, #tpu.memory_space<vmem>>
      %dma_wait3A_84 = arith.constant 0 : i32
      %dma_wait3A_85 = arith.constant 0 : i32
      %dma_wait3A_86 = tpu.memref_slice %arg2[%dma_wait3A_84, %dma_wait3A_85] : memref<10240x64xf32, #tpu.memory_space<hbm>> -> memref<10240x64xf32, #tpu.memory_space<hbm>>
      tpu.wait_indirect_dma semaphore(%arg15 : memref<!tpu.dma_semaphore, #tpu.memory_space<semaphore_mem>>) src(%dma_wait3A_86 : memref<10240x64xf32, #tpu.memory_space<hbm>>) dst(%arg10 : memref<128x64xf32, #tpu.memory_space<vmem>>)
      %add3A_87 = arith.constant 1 : i32
      %add3A_88 = arith.addi %mul3A_36, %add3A_87 : i32
      %dma_start3A_89 = arith.constant 0 : i32
      %dma_start3A_90 = tpu.memref_slice %arg8[%add3A_88, %dma_start3A_89] : memref<40x128xi32, #tpu.memory_space<vmem>> -> memref<1x128xi32, #tpu.memory_space<vmem>>
      %dma_start3A_91 = tpu.memref_squeeze %dma_start3A_90 : memref<1x128xi32, #tpu.memory_space<vmem>> -> memref<128xi32, #tpu.memory_space<vmem>>
      %dma_start3A_92 = arith.constant 0 : i32
      %dma_start3A_93 = arith.constant 0 : i32
      %dma_start3A_94 = tpu.memref_slice %arg13[%dma_start3A_92, %dma_start3A_93] : memref<10240x64xf32, #tpu.memory_space<vmem_shared>> -> memref<10240x64xf32, #tpu.memory_space<vmem_shared>>
      tpu.enqueue_indirect_dma source(%arg10 : memref<128x64xf32, #tpu.memory_space<vmem>>) target(%dma_start3A_94 : memref<10240x64xf32, #tpu.memory_space<vmem_shared>>) offsets(%dma_start3A_91 : memref<128xi32, #tpu.memory_space<vmem>>) semaphore(%arg19 : memref<!tpu.dma_semaphore, #tpu.memory_space<semaphore_mem>>) {add = true}
      %dma_wait3A_95 = arith.constant 0 : i32
      %dma_wait3A_96 = tpu.memref_slice %arg7[%add3A_53, %dma_wait3A_95] : memref<40x128xi32, #tpu.memory_space<vmem>> -> memref<1x128xi32, #tpu.memory_space<vmem>>
      %dma_wait3A_97 = tpu.memref_squeeze %dma_wait3A_96 : memref<1x128xi32, #tpu.memory_space<vmem>> -> memref<128xi32, #tpu.memory_space<vmem>>
      %dma_wait3A_98 = arith.constant 0 : i32
      %dma_wait3A_99 = arith.constant 0 : i32
      %dma_wait3A_100 = tpu.memref_slice %arg2[%dma_wait3A_98, %dma_wait3A_99] : memref<10240x64xf32, #tpu.memory_space<hbm>> -> memref<10240x64xf32, #tpu.memory_space<hbm>>
      tpu.wait_indirect_dma semaphore(%arg16 : memref<!tpu.dma_semaphore, #tpu.memory_space<semaphore_mem>>) src(%dma_wait3A_100 : memref<10240x64xf32, #tpu.memory_space<hbm>>) dst(%arg11 : memref<128x64xf32, #tpu.memory_space<vmem>>)
      %add3A_101 = arith.constant 2 : i32
      %add3A_102 = arith.addi %mul3A_36, %add3A_101 : i32
      %dma_start3A_103 = arith.constant 0 : i32
      %dma_start3A_104 = tpu.memref_slice %arg8[%add3A_102, %dma_start3A_103] : memref<40x128xi32, #tpu.memory_space<vmem>> -> memref<1x128xi32, #tpu.memory_space<vmem>>
      %dma_start3A_105 = tpu.memref_squeeze %dma_start3A_104 : memref<1x128xi32, #tpu.memory_space<vmem>> -> memref<128xi32, #tpu.memory_space<vmem>>
      %dma_start3A_106 = arith.constant 0 : i32
      %dma_start3A_107 = arith.constant 0 : i32
      %dma_start3A_108 = tpu.memref_slice %arg13[%dma_start3A_106, %dma_start3A_107] : memref<10240x64xf32, #tpu.memory_space<vmem_shared>> -> memref<10240x64xf32, #tpu.memory_space<vmem_shared>>
      tpu.enqueue_indirect_dma source(%arg11 : memref<128x64xf32, #tpu.memory_space<vmem>>) target(%dma_start3A_108 : memref<10240x64xf32, #tpu.memory_space<vmem_shared>>) offsets(%dma_start3A_105 : memref<128xi32, #tpu.memory_space<vmem>>) semaphore(%arg20 : memref<!tpu.dma_semaphore, #tpu.memory_space<semaphore_mem>>) {add = true}
      %dma_wait3A_109 = arith.constant 0 : i32
      %dma_wait3A_110 = tpu.memref_slice %arg7[%add3A_61, %dma_wait3A_109] : memref<40x128xi32, #tpu.memory_space<vmem>> -> memref<1x128xi32, #tpu.memory_space<vmem>>
      %dma_wait3A_111 = tpu.memref_squeeze %dma_wait3A_110 : memref<1x128xi32, #tpu.memory_space<vmem>> -> memref<128xi32, #tpu.memory_space<vmem>>
      %dma_wait3A_112 = arith.constant 0 : i32
      %dma_wait3A_113 = arith.constant 0 : i32
      %dma_wait3A_114 = tpu.memref_slice %arg2[%dma_wait3A_112, %dma_wait3A_113] : memref<10240x64xf32, #tpu.memory_space<hbm>> -> memref<10240x64xf32, #tpu.memory_space<hbm>>
      tpu.wait_indirect_dma semaphore(%arg17 : memref<!tpu.dma_semaphore, #tpu.memory_space<semaphore_mem>>) src(%dma_wait3A_114 : memref<10240x64xf32, #tpu.memory_space<hbm>>) dst(%arg12 : memref<128x64xf32, #tpu.memory_space<vmem>>)
      %add3A_115 = arith.constant 3 : i32
      %add3A_116 = arith.addi %mul3A_36, %add3A_115 : i32
      %dma_start3A_117 = arith.constant 0 : i32
      %dma_start3A_118 = tpu.memref_slice %arg8[%add3A_116, %dma_start3A_117] : memref<40x128xi32, #tpu.memory_space<vmem>> -> memref<1x128xi32, #tpu.memory_space<vmem>>
      %dma_start3A_119 = tpu.memref_squeeze %dma_start3A_118 : memref<1x128xi32, #tpu.memory_space<vmem>> -> memref<128xi32, #tpu.memory_space<vmem>>
      %dma_start3A_120 = arith.constant 0 : i32
      %dma_start3A_121 = arith.constant 0 : i32
      %dma_start3A_122 = tpu.memref_slice %arg13[%dma_start3A_120, %dma_start3A_121] : memref<10240x64xf32, #tpu.memory_space<vmem_shared>> -> memref<10240x64xf32, #tpu.memory_space<vmem_shared>>
      tpu.enqueue_indirect_dma source(%arg12 : memref<128x64xf32, #tpu.memory_space<vmem>>) target(%dma_start3A_122 : memref<10240x64xf32, #tpu.memory_space<vmem_shared>>) offsets(%dma_start3A_119 : memref<128xi32, #tpu.memory_space<vmem>>) semaphore(%arg21 : memref<!tpu.dma_semaphore, #tpu.memory_space<semaphore_mem>>) {add = true}
      %dma_wait3A_123 = arith.constant 0 : i32
      %dma_wait3A_124 = tpu.memref_slice %arg8[%add3A_74, %dma_wait3A_123] : memref<40x128xi32, #tpu.memory_space<vmem>> -> memref<1x128xi32, #tpu.memory_space<vmem>>
      %dma_wait3A_125 = tpu.memref_squeeze %dma_wait3A_124 : memref<1x128xi32, #tpu.memory_space<vmem>> -> memref<128xi32, #tpu.memory_space<vmem>>
      %dma_wait3A_126 = arith.constant 0 : i32
      %dma_wait3A_127 = arith.constant 0 : i32
      %dma_wait3A_128 = tpu.memref_slice %arg13[%dma_wait3A_126, %dma_wait3A_127] : memref<10240x64xf32, #tpu.memory_space<vmem_shared>> -> memref<10240x64xf32, #tpu.memory_space<vmem_shared>>
      tpu.wait_indirect_dma semaphore(%arg18 : memref<!tpu.dma_semaphore, #tpu.memory_space<semaphore_mem>>) src(%arg9 : memref<128x64xf32, #tpu.memory_space<vmem>>) dst(%dma_wait3A_128 : memref<10240x64xf32, #tpu.memory_space<vmem_shared>>)
      %dma_wait3A_129 = arith.constant 0 : i32
      %dma_wait3A_130 = tpu.memref_slice %arg8[%add3A_88, %dma_wait3A_129] : memref<40x128xi32, #tpu.memory_space<vmem>> -> memref<1x128xi32, #tpu.memory_space<vmem>>
      %dma_wait3A_131 = tpu.memref_squeeze %dma_wait3A_130 : memref<1x128xi32, #tpu.memory_space<vmem>> -> memref<128xi32, #tpu.memory_space<vmem>>
      %dma_wait3A_132 = arith.constant 0 : i32
      %dma_wait3A_133 = arith.constant 0 : i32
      %dma_wait3A_134 = tpu.memref_slice %arg13[%dma_wait3A_132, %dma_wait3A_133] : memref<10240x64xf32, #tpu.memory_space<vmem_shared>> -> memref<10240x64xf32, #tpu.memory_space<vmem_shared>>
      tpu.wait_indirect_dma semaphore(%arg19 : memref<!tpu.dma_semaphore, #tpu.memory_space<semaphore_mem>>) src(%arg10 : memref<128x64xf32, #tpu.memory_space<vmem>>) dst(%dma_wait3A_134 : memref<10240x64xf32, #tpu.memory_space<vmem_shared>>)
      %dma_wait3A_135 = arith.constant 0 : i32
      %dma_wait3A_136 = tpu.memref_slice %arg8[%add3A_102, %dma_wait3A_135] : memref<40x128xi32, #tpu.memory_space<vmem>> -> memref<1x128xi32, #tpu.memory_space<vmem>>
      %dma_wait3A_137 = tpu.memref_squeeze %dma_wait3A_136 : memref<1x128xi32, #tpu.memory_space<vmem>> -> memref<128xi32, #tpu.memory_space<vmem>>
      %dma_wait3A_138 = arith.constant 0 : i32
      %dma_wait3A_139 = arith.constant 0 : i32
      %dma_wait3A_140 = tpu.memref_slice %arg13[%dma_wait3A_138, %dma_wait3A_139] : memref<10240x64xf32, #tpu.memory_space<vmem_shared>> -> memref<10240x64xf32, #tpu.memory_space<vmem_shared>>
      tpu.wait_indirect_dma semaphore(%arg20 : memref<!tpu.dma_semaphore, #tpu.memory_space<semaphore_mem>>) src(%arg11 : memref<128x64xf32, #tpu.memory_space<vmem>>) dst(%dma_wait3A_140 : memref<10240x64xf32, #tpu.memory_space<vmem_shared>>)
      %dma_wait3A_141 = arith.constant 0 : i32
      %dma_wait3A_142 = tpu.memref_slice %arg8[%add3A_116, %dma_wait3A_141] : memref<40x128xi32, #tpu.memory_space<vmem>> -> memref<1x128xi32, #tpu.memory_space<vmem>>
      %dma_wait3A_143 = tpu.memref_squeeze %dma_wait3A_142 : memref<1x128xi32, #tpu.memory_space<vmem>> -> memref<128xi32, #tpu.memory_space<vmem>>
      %dma_wait3A_144 = arith.constant 0 : i32
      %dma_wait3A_145 = arith.constant 0 : i32
      %dma_wait3A_146 = tpu.memref_slice %arg13[%dma_wait3A_144, %dma_wait3A_145] : memref<10240x64xf32, #tpu.memory_space<vmem_shared>> -> memref<10240x64xf32, #tpu.memory_space<vmem_shared>>
      tpu.wait_indirect_dma semaphore(%arg21 : memref<!tpu.dma_semaphore, #tpu.memory_space<semaphore_mem>>) src(%arg12 : memref<128x64xf32, #tpu.memory_space<vmem>>) dst(%dma_wait3A_146 : memref<10240x64xf32, #tpu.memory_space<vmem_shared>>)
    }
    %scan3A_21 = arith.constant 10 : i32
    %barrier3A_22 = arith.constant 0 : index
    tpu.barrier barrier_id(%barrier3A_22)
    %mul3A_23 = arith.constant 10240 : i32
    %mul3A_24 = arith.muli %arg0, %mul3A_23 : i32
    "tpu.region"() ({
      %run_scoped3A = tpu.sem_alloc : memref<!tpu.dma_semaphore, #tpu.memory_space<semaphore_mem>>
      %dma_start3A = arith.constant 0 : i32
      %dma_start3A_30 = tpu.memref_slice %arg6[%mul3A_24, %dma_start3A] : memref<20480x64xf32, #tpu.memory_space<hbm>> -> memref<10240x64xf32, #tpu.memory_space<hbm>>
      %dma_start3A_31 = arith.constant 0 : i32
      %dma_start3A_32 = tpu.memref_slice %dma_start3A_30[%mul3A_2, %dma_start3A_31] : memref<10240x64xf32, #tpu.memory_space<hbm>> -> memref<624x64xf32, #tpu.memory_space<hbm>>
      %dma_start3A_33 = arith.constant 0 : i32
      %dma_start3A_34 = tpu.memref_slice %arg13[%mul3A_2, %dma_start3A_33] : memref<10240x64xf32, #tpu.memory_space<vmem_shared>> -> memref<624x64xf32, #tpu.memory_space<vmem_shared>>
      tpu.enqueue_dma source(%dma_start3A_34 : memref<624x64xf32, #tpu.memory_space<vmem_shared>>) target(%dma_start3A_32 : memref<624x64xf32, #tpu.memory_space<hbm>>) target_semaphore(%run_scoped3A : memref<!tpu.dma_semaphore, #tpu.memory_space<semaphore_mem>>)
      %dma_wait3A = arith.constant 0 : i32
      %dma_wait3A_35 = tpu.memref_slice %arg6[%mul3A_24, %dma_wait3A] : memref<20480x64xf32, #tpu.memory_space<hbm>> -> memref<10240x64xf32, #tpu.memory_space<hbm>>
      %dma_wait3A_36 = arith.constant 0 : i32
      %dma_wait3A_37 = tpu.memref_slice %dma_wait3A_35[%mul3A_2, %dma_wait3A_36] : memref<10240x64xf32, #tpu.memory_space<hbm>> -> memref<624x64xf32, #tpu.memory_space<hbm>>
      %dma_wait3A_38 = arith.constant 0 : i32
      %dma_wait3A_39 = tpu.memref_slice %arg13[%mul3A_2, %dma_wait3A_38] : memref<10240x64xf32, #tpu.memory_space<vmem_shared>> -> memref<624x64xf32, #tpu.memory_space<vmem_shared>>
      tpu.wait_dma2 semaphore(%run_scoped3A : memref<!tpu.dma_semaphore, #tpu.memory_space<semaphore_mem>>) src(%dma_wait3A_39 : memref<624x64xf32, #tpu.memory_space<vmem_shared>>) dst(%dma_wait3A_37 : memref<624x64xf32, #tpu.memory_space<hbm>>)
      tpu.yield
    }) : () -> ()
    %eq3A_25 = arith.constant 15 : i32
    %eq3A_26 = arith.cmpi eq, %arg1, %eq3A_25 : i32
    %convert_element_type3A_27 = arith.extui %eq3A_26 : i1 to i32
    %cond3A_28 = arith.constant 0 : i32
    %cond3A_29 = arith.cmpi ne, %convert_element_type3A_27, %cond3A_28 : i32
    scf.if %cond3A_29 {
      "tpu.region"() ({
        %run_scoped3A = tpu.sem_alloc : memref<!tpu.dma_semaphore, #tpu.memory_space<semaphore_mem>>
        %dma_start3A = arith.constant 0 : i32
        %dma_start3A_30 = tpu.memref_slice %arg6[%mul3A_24, %dma_start3A] : memref<20480x64xf32, #tpu.memory_space<hbm>> -> memref<10240x64xf32, #tpu.memory_space<hbm>>
        %dma_start3A_31 = arith.constant 9984 : i32
        %dma_start3A_32 = arith.constant 0 : i32
        %dma_start3A_33 = tpu.memref_slice %dma_start3A_30[%dma_start3A_31, %dma_start3A_32] : memref<10240x64xf32, #tpu.memory_space<hbm>> -> memref<256x64xf32, #tpu.memory_space<hbm>>
        %dma_start3A_34 = arith.constant 9984 : i32
        %dma_start3A_35 = arith.constant 0 : i32
        %dma_start3A_36 = tpu.memref_slice %arg13[%dma_start3A_34, %dma_start3A_35] : memref<10240x64xf32, #tpu.memory_space<vmem_shared>> -> memref<256x64xf32, #tpu.memory_space<vmem_shared>>
        tpu.enqueue_dma source(%dma_start3A_36 : memref<256x64xf32, #tpu.memory_space<vmem_shared>>) target(%dma_start3A_33 : memref<256x64xf32, #tpu.memory_space<hbm>>) target_semaphore(%run_scoped3A : memref<!tpu.dma_semaphore, #tpu.memory_space<semaphore_mem>>)
        %dma_wait3A = arith.constant 0 : i32
        %dma_wait3A_37 = tpu.memref_slice %arg6[%mul3A_24, %dma_wait3A] : memref<20480x64xf32, #tpu.memory_space<hbm>> -> memref<10240x64xf32, #tpu.memory_space<hbm>>
        %dma_wait3A_38 = arith.constant 9984 : i32
        %dma_wait3A_39 = arith.constant 0 : i32
        %dma_wait3A_40 = tpu.memref_slice %dma_wait3A_37[%dma_wait3A_38, %dma_wait3A_39] : memref<10240x64xf32, #tpu.memory_space<hbm>> -> memref<256x64xf32, #tpu.memory_space<hbm>>
        %dma_wait3A_41 = arith.constant 9984 : i32
        %dma_wait3A_42 = arith.constant 0 : i32
        %dma_wait3A_43 = tpu.memref_slice %arg13[%dma_wait3A_41, %dma_wait3A_42] : memref<10240x64xf32, #tpu.memory_space<vmem_shared>> -> memref<256x64xf32, #tpu.memory_space<vmem_shared>>
        tpu.wait_dma2 semaphore(%run_scoped3A : memref<!tpu.dma_semaphore, #tpu.memory_space<semaphore_mem>>) src(%dma_wait3A_43 : memref<256x64xf32, #tpu.memory_space<vmem_shared>>) dst(%dma_wait3A_40 : memref<256x64xf32, #tpu.memory_space<hbm>>)
        tpu.yield
      }) : () -> ()
    } else {
    }
    return
  }
}

#map = affine_map<(d0, d1) -> (0, 0)>
module attributes {stable_mosaic.version = 14 : i64} {
  func.func @agg(%arg0: i32, %arg1: i32, %arg2: memref<10240x128xf32, #tpu.memory_space<hbm>>, %arg3: memref<2560x128xi32, #tpu.memory_space<hbm>>, %arg4: memref<2560x128xi32, #tpu.memory_space<hbm>>, %arg5: memref<624x128xf32, #tpu.memory_space<hbm>>, %arg6: memref<20480x128xf32, #tpu.memory_space<hbm>>, %arg7: memref<40x128xi32, #tpu.memory_space<vmem>>, %arg8: memref<40x128xi32, #tpu.memory_space<vmem>>, %arg9: memref<128x128xf32, #tpu.memory_space<vmem>>, %arg10: memref<128x128xf32, #tpu.memory_space<vmem>>, %arg11: memref<10240x128xf32, #tpu.memory_space<vmem_shared>>, %arg12: memref<!tpu.dma_semaphore, #tpu.memory_space<semaphore_mem>>, %arg13: memref<!tpu.dma_semaphore, #tpu.memory_space<semaphore_mem>>, %arg14: memref<!tpu.dma_semaphore, #tpu.memory_space<semaphore_mem>>, %arg15: memref<!tpu.dma_semaphore, #tpu.memory_space<semaphore_mem>>) attributes {dimension_semantics = [#tpu.dimension_semantics<core_parallel>, #tpu.dimension_semantics<subcore_parallel>], iteration_bounds = array<i64: 2, 16>, scalar_prefetch = 0 : i64, scratch_operands = 9 : i64, tpu.core_type = #tpu.core_type<sc_vector_subcore>, window_params = [{transform_indices = #map}, {transform_indices = #map}, {transform_indices = #map}, {transform_indices = #map}, {transform_indices = #map}]} {
    %mul3A = arith.constant 16 : i32
    %mul3A_0 = arith.muli %arg0, %mul3A : i32
    %add3A = arith.addi %mul3A_0, %arg1 : i32
    %mul3A_1 = arith.constant 624 : i32
    %mul3A_2 = arith.muli %arg1, %mul3A_1 : i32
    "tpu.region"() ({
      %run_scoped3A = tpu.sem_alloc : memref<!tpu.dma_semaphore, #tpu.memory_space<semaphore_mem>>
      %dma_start3A = arith.constant 0 : i32
      %dma_start3A_30 = tpu.memref_slice %arg11[%mul3A_2, %dma_start3A] : memref<10240x128xf32, #tpu.memory_space<vmem_shared>> -> memref<624x128xf32, #tpu.memory_space<vmem_shared>>
      tpu.enqueue_dma source(%arg5 : memref<624x128xf32, #tpu.memory_space<hbm>>) target(%dma_start3A_30 : memref<624x128xf32, #tpu.memory_space<vmem_shared>>) target_semaphore(%run_scoped3A : memref<!tpu.dma_semaphore, #tpu.memory_space<semaphore_mem>>)
      %dma_wait3A = arith.constant 0 : i32
      %dma_wait3A_31 = tpu.memref_slice %arg11[%mul3A_2, %dma_wait3A] : memref<10240x128xf32, #tpu.memory_space<vmem_shared>> -> memref<624x128xf32, #tpu.memory_space<vmem_shared>>
      tpu.wait_dma2 semaphore(%run_scoped3A : memref<!tpu.dma_semaphore, #tpu.memory_space<semaphore_mem>>) src(%arg5 : memref<624x128xf32, #tpu.memory_space<hbm>>) dst(%dma_wait3A_31 : memref<624x128xf32, #tpu.memory_space<vmem_shared>>)
      tpu.yield
    }) : () -> ()
    %eq3A = arith.constant 15 : i32
    %eq3A_3 = arith.cmpi eq, %arg1, %eq3A : i32
    %convert_element_type3A = arith.extui %eq3A_3 : i1 to i32
    %cond3A = arith.constant 0 : i32
    %cond3A_4 = arith.cmpi ne, %convert_element_type3A, %cond3A : i32
    scf.if %cond3A_4 {
      "tpu.region"() ({
        %run_scoped3A = tpu.sem_alloc : memref<!tpu.dma_semaphore, #tpu.memory_space<semaphore_mem>>
        %dma_start3A = arith.constant 9984 : i32
        %dma_start3A_30 = arith.constant 0 : i32
        %dma_start3A_31 = tpu.memref_slice %arg11[%dma_start3A, %dma_start3A_30] : memref<10240x128xf32, #tpu.memory_space<vmem_shared>> -> memref<256x128xf32, #tpu.memory_space<vmem_shared>>
        %dma_start3A_32 = arith.constant 0 : i32
        %dma_start3A_33 = arith.constant 0 : i32
        %dma_start3A_34 = tpu.memref_slice %arg5[%dma_start3A_32, %dma_start3A_33] : memref<624x128xf32, #tpu.memory_space<hbm>> -> memref<256x128xf32, #tpu.memory_space<hbm>>
        tpu.enqueue_dma source(%dma_start3A_34 : memref<256x128xf32, #tpu.memory_space<hbm>>) target(%dma_start3A_31 : memref<256x128xf32, #tpu.memory_space<vmem_shared>>) target_semaphore(%run_scoped3A : memref<!tpu.dma_semaphore, #tpu.memory_space<semaphore_mem>>)
        %dma_wait3A = arith.constant 9984 : i32
        %dma_wait3A_35 = arith.constant 0 : i32
        %dma_wait3A_36 = tpu.memref_slice %arg11[%dma_wait3A, %dma_wait3A_35] : memref<10240x128xf32, #tpu.memory_space<vmem_shared>> -> memref<256x128xf32, #tpu.memory_space<vmem_shared>>
        %dma_wait3A_37 = arith.constant 0 : i32
        %dma_wait3A_38 = arith.constant 0 : i32
        %dma_wait3A_39 = tpu.memref_slice %arg5[%dma_wait3A_37, %dma_wait3A_38] : memref<624x128xf32, #tpu.memory_space<hbm>> -> memref<256x128xf32, #tpu.memory_space<hbm>>
        tpu.wait_dma2 semaphore(%run_scoped3A : memref<!tpu.dma_semaphore, #tpu.memory_space<semaphore_mem>>) src(%dma_wait3A_39 : memref<256x128xf32, #tpu.memory_space<hbm>>) dst(%dma_wait3A_36 : memref<256x128xf32, #tpu.memory_space<vmem_shared>>)
        tpu.yield
      }) : () -> ()
    } else {
    }
    %barrier3A = arith.constant 0 : index
    tpu.barrier barrier_id(%barrier3A)
    %mul3A_5 = arith.constant 80 : i32
    %mul3A_6 = arith.muli %add3A, %mul3A_5 : i32
    %add3A_7 = arith.constant 0 : i32
    %add3A_8 = arith.addi %mul3A_6, %add3A_7 : i32
    "tpu.region"() ({
      %run_scoped3A = tpu.sem_alloc : memref<!tpu.dma_semaphore, #tpu.memory_space<semaphore_mem>>
      %dma_start3A = arith.constant 0 : i32
      %dma_start3A_30 = tpu.memref_slice %arg3[%add3A_8, %dma_start3A] : memref<2560x128xi32, #tpu.memory_space<hbm>> -> memref<40x128xi32, #tpu.memory_space<hbm>>
      %dma_start3A_31 = arith.constant 0 : i32
      %dma_start3A_32 = tpu.memref_slice %arg3[%add3A_8, %dma_start3A_31] : memref<2560x128xi32, #tpu.memory_space<hbm>> -> memref<40x128xi32, #tpu.memory_space<hbm>>
      tpu.enqueue_dma source(%dma_start3A_32 : memref<40x128xi32, #tpu.memory_space<hbm>>) target(%arg7 : memref<40x128xi32, #tpu.memory_space<vmem>>) target_semaphore(%run_scoped3A : memref<!tpu.dma_semaphore, #tpu.memory_space<semaphore_mem>>)
      %dma_wait3A = arith.constant 0 : i32
      %dma_wait3A_33 = tpu.memref_slice %arg3[%add3A_8, %dma_wait3A] : memref<2560x128xi32, #tpu.memory_space<hbm>> -> memref<40x128xi32, #tpu.memory_space<hbm>>
      %dma_wait3A_34 = arith.constant 0 : i32
      %dma_wait3A_35 = tpu.memref_slice %arg3[%add3A_8, %dma_wait3A_34] : memref<2560x128xi32, #tpu.memory_space<hbm>> -> memref<40x128xi32, #tpu.memory_space<hbm>>
      tpu.wait_dma2 semaphore(%run_scoped3A : memref<!tpu.dma_semaphore, #tpu.memory_space<semaphore_mem>>) src(%dma_wait3A_35 : memref<40x128xi32, #tpu.memory_space<hbm>>) dst(%arg7 : memref<40x128xi32, #tpu.memory_space<vmem>>)
      tpu.yield
    }) : () -> ()
    "tpu.region"() ({
      %run_scoped3A = tpu.sem_alloc : memref<!tpu.dma_semaphore, #tpu.memory_space<semaphore_mem>>
      %dma_start3A = arith.constant 0 : i32
      %dma_start3A_30 = tpu.memref_slice %arg4[%add3A_8, %dma_start3A] : memref<2560x128xi32, #tpu.memory_space<hbm>> -> memref<40x128xi32, #tpu.memory_space<hbm>>
      %dma_start3A_31 = arith.constant 0 : i32
      %dma_start3A_32 = tpu.memref_slice %arg4[%add3A_8, %dma_start3A_31] : memref<2560x128xi32, #tpu.memory_space<hbm>> -> memref<40x128xi32, #tpu.memory_space<hbm>>
      tpu.enqueue_dma source(%dma_start3A_32 : memref<40x128xi32, #tpu.memory_space<hbm>>) target(%arg8 : memref<40x128xi32, #tpu.memory_space<vmem>>) target_semaphore(%run_scoped3A : memref<!tpu.dma_semaphore, #tpu.memory_space<semaphore_mem>>)
      %dma_wait3A = arith.constant 0 : i32
      %dma_wait3A_33 = tpu.memref_slice %arg4[%add3A_8, %dma_wait3A] : memref<2560x128xi32, #tpu.memory_space<hbm>> -> memref<40x128xi32, #tpu.memory_space<hbm>>
      %dma_wait3A_34 = arith.constant 0 : i32
      %dma_wait3A_35 = tpu.memref_slice %arg4[%add3A_8, %dma_wait3A_34] : memref<2560x128xi32, #tpu.memory_space<hbm>> -> memref<40x128xi32, #tpu.memory_space<hbm>>
      tpu.wait_dma2 semaphore(%run_scoped3A : memref<!tpu.dma_semaphore, #tpu.memory_space<semaphore_mem>>) src(%dma_wait3A_35 : memref<40x128xi32, #tpu.memory_space<hbm>>) dst(%arg8 : memref<40x128xi32, #tpu.memory_space<vmem>>)
      tpu.yield
    }) : () -> ()
    %scan3A = arith.constant 0 : i32
    %scan3A_9 = arith.constant 20 : i32
    %scan3A_10 = arith.addi %scan3A, %scan3A_9 : i32
    %scan3A_11 = arith.constant 1 : i32
    scf.for %scan3A_30 = %scan3A to %scan3A_10 step %scan3A_11  : i32 {
      %mul3A_31 = arith.constant 1 : i32
      %mul3A_32 = arith.muli %scan3A_30, %mul3A_31 : i32
      %add3A_33 = arith.constant 0 : i32
      %add3A_34 = arith.addi %add3A_33, %mul3A_32 : i32
      %mul3A_35 = arith.constant 2 : i32
      %mul3A_36 = arith.muli %add3A_34, %mul3A_35 : i32
      %add3A_37 = arith.constant 0 : i32
      %add3A_38 = arith.addi %mul3A_36, %add3A_37 : i32
      %dma_start3A = arith.constant 0 : i32
      %dma_start3A_39 = tpu.memref_slice %arg7[%add3A_38, %dma_start3A] : memref<40x128xi32, #tpu.memory_space<vmem>> -> memref<1x128xi32, #tpu.memory_space<vmem>>
      %dma_start3A_40 = tpu.memref_squeeze %dma_start3A_39 : memref<1x128xi32, #tpu.memory_space<vmem>> -> memref<128xi32, #tpu.memory_space<vmem>>
      %dma_start3A_41 = arith.constant 0 : i32
      %dma_start3A_42 = arith.constant 0 : i32
      %dma_start3A_43 = tpu.memref_slice %arg2[%dma_start3A_41, %dma_start3A_42] : memref<10240x128xf32, #tpu.memory_space<hbm>> -> memref<10240x128xf32, #tpu.memory_space<hbm>>
      tpu.enqueue_indirect_dma source(%dma_start3A_43 : memref<10240x128xf32, #tpu.memory_space<hbm>>) target(%arg9 : memref<128x128xf32, #tpu.memory_space<vmem>>) offsets(%dma_start3A_40 : memref<128xi32, #tpu.memory_space<vmem>>) semaphore(%arg12 : memref<!tpu.dma_semaphore, #tpu.memory_space<semaphore_mem>>)
      %add3A_44 = arith.constant 1 : i32
      %add3A_45 = arith.addi %mul3A_36, %add3A_44 : i32
      %dma_start3A_46 = arith.constant 0 : i32
      %dma_start3A_47 = tpu.memref_slice %arg7[%add3A_45, %dma_start3A_46] : memref<40x128xi32, #tpu.memory_space<vmem>> -> memref<1x128xi32, #tpu.memory_space<vmem>>
      %dma_start3A_48 = tpu.memref_squeeze %dma_start3A_47 : memref<1x128xi32, #tpu.memory_space<vmem>> -> memref<128xi32, #tpu.memory_space<vmem>>
      %dma_start3A_49 = arith.constant 0 : i32
      %dma_start3A_50 = arith.constant 0 : i32
      %dma_start3A_51 = tpu.memref_slice %arg2[%dma_start3A_49, %dma_start3A_50] : memref<10240x128xf32, #tpu.memory_space<hbm>> -> memref<10240x128xf32, #tpu.memory_space<hbm>>
      tpu.enqueue_indirect_dma source(%dma_start3A_51 : memref<10240x128xf32, #tpu.memory_space<hbm>>) target(%arg10 : memref<128x128xf32, #tpu.memory_space<vmem>>) offsets(%dma_start3A_48 : memref<128xi32, #tpu.memory_space<vmem>>) semaphore(%arg13 : memref<!tpu.dma_semaphore, #tpu.memory_space<semaphore_mem>>)
      %dma_wait3A = arith.constant 0 : i32
      %dma_wait3A_52 = tpu.memref_slice %arg7[%add3A_38, %dma_wait3A] : memref<40x128xi32, #tpu.memory_space<vmem>> -> memref<1x128xi32, #tpu.memory_space<vmem>>
      %dma_wait3A_53 = tpu.memref_squeeze %dma_wait3A_52 : memref<1x128xi32, #tpu.memory_space<vmem>> -> memref<128xi32, #tpu.memory_space<vmem>>
      %dma_wait3A_54 = arith.constant 0 : i32
      %dma_wait3A_55 = arith.constant 0 : i32
      %dma_wait3A_56 = tpu.memref_slice %arg2[%dma_wait3A_54, %dma_wait3A_55] : memref<10240x128xf32, #tpu.memory_space<hbm>> -> memref<10240x128xf32, #tpu.memory_space<hbm>>
      tpu.wait_indirect_dma semaphore(%arg12 : memref<!tpu.dma_semaphore, #tpu.memory_space<semaphore_mem>>) src(%dma_wait3A_56 : memref<10240x128xf32, #tpu.memory_space<hbm>>) dst(%arg9 : memref<128x128xf32, #tpu.memory_space<vmem>>)
      %add3A_57 = arith.constant 0 : i32
      %add3A_58 = arith.addi %mul3A_36, %add3A_57 : i32
      %dma_start3A_59 = arith.constant 0 : i32
      %dma_start3A_60 = tpu.memref_slice %arg8[%add3A_58, %dma_start3A_59] : memref<40x128xi32, #tpu.memory_space<vmem>> -> memref<1x128xi32, #tpu.memory_space<vmem>>
      %dma_start3A_61 = tpu.memref_squeeze %dma_start3A_60 : memref<1x128xi32, #tpu.memory_space<vmem>> -> memref<128xi32, #tpu.memory_space<vmem>>
      %dma_start3A_62 = arith.constant 0 : i32
      %dma_start3A_63 = arith.constant 0 : i32
      %dma_start3A_64 = tpu.memref_slice %arg11[%dma_start3A_62, %dma_start3A_63] : memref<10240x128xf32, #tpu.memory_space<vmem_shared>> -> memref<10240x128xf32, #tpu.memory_space<vmem_shared>>
      tpu.enqueue_indirect_dma source(%arg9 : memref<128x128xf32, #tpu.memory_space<vmem>>) target(%dma_start3A_64 : memref<10240x128xf32, #tpu.memory_space<vmem_shared>>) offsets(%dma_start3A_61 : memref<128xi32, #tpu.memory_space<vmem>>) semaphore(%arg14 : memref<!tpu.dma_semaphore, #tpu.memory_space<semaphore_mem>>) {add = true}
      %dma_wait3A_65 = arith.constant 0 : i32
      %dma_wait3A_66 = tpu.memref_slice %arg7[%add3A_45, %dma_wait3A_65] : memref<40x128xi32, #tpu.memory_space<vmem>> -> memref<1x128xi32, #tpu.memory_space<vmem>>
      %dma_wait3A_67 = tpu.memref_squeeze %dma_wait3A_66 : memref<1x128xi32, #tpu.memory_space<vmem>> -> memref<128xi32, #tpu.memory_space<vmem>>
      %dma_wait3A_68 = arith.constant 0 : i32
      %dma_wait3A_69 = arith.constant 0 : i32
      %dma_wait3A_70 = tpu.memref_slice %arg2[%dma_wait3A_68, %dma_wait3A_69] : memref<10240x128xf32, #tpu.memory_space<hbm>> -> memref<10240x128xf32, #tpu.memory_space<hbm>>
      tpu.wait_indirect_dma semaphore(%arg13 : memref<!tpu.dma_semaphore, #tpu.memory_space<semaphore_mem>>) src(%dma_wait3A_70 : memref<10240x128xf32, #tpu.memory_space<hbm>>) dst(%arg10 : memref<128x128xf32, #tpu.memory_space<vmem>>)
      %add3A_71 = arith.constant 1 : i32
      %add3A_72 = arith.addi %mul3A_36, %add3A_71 : i32
      %dma_start3A_73 = arith.constant 0 : i32
      %dma_start3A_74 = tpu.memref_slice %arg8[%add3A_72, %dma_start3A_73] : memref<40x128xi32, #tpu.memory_space<vmem>> -> memref<1x128xi32, #tpu.memory_space<vmem>>
      %dma_start3A_75 = tpu.memref_squeeze %dma_start3A_74 : memref<1x128xi32, #tpu.memory_space<vmem>> -> memref<128xi32, #tpu.memory_space<vmem>>
      %dma_start3A_76 = arith.constant 0 : i32
      %dma_start3A_77 = arith.constant 0 : i32
      %dma_start3A_78 = tpu.memref_slice %arg11[%dma_start3A_76, %dma_start3A_77] : memref<10240x128xf32, #tpu.memory_space<vmem_shared>> -> memref<10240x128xf32, #tpu.memory_space<vmem_shared>>
      tpu.enqueue_indirect_dma source(%arg10 : memref<128x128xf32, #tpu.memory_space<vmem>>) target(%dma_start3A_78 : memref<10240x128xf32, #tpu.memory_space<vmem_shared>>) offsets(%dma_start3A_75 : memref<128xi32, #tpu.memory_space<vmem>>) semaphore(%arg15 : memref<!tpu.dma_semaphore, #tpu.memory_space<semaphore_mem>>) {add = true}
      %dma_wait3A_79 = arith.constant 0 : i32
      %dma_wait3A_80 = tpu.memref_slice %arg8[%add3A_58, %dma_wait3A_79] : memref<40x128xi32, #tpu.memory_space<vmem>> -> memref<1x128xi32, #tpu.memory_space<vmem>>
      %dma_wait3A_81 = tpu.memref_squeeze %dma_wait3A_80 : memref<1x128xi32, #tpu.memory_space<vmem>> -> memref<128xi32, #tpu.memory_space<vmem>>
      %dma_wait3A_82 = arith.constant 0 : i32
      %dma_wait3A_83 = arith.constant 0 : i32
      %dma_wait3A_84 = tpu.memref_slice %arg11[%dma_wait3A_82, %dma_wait3A_83] : memref<10240x128xf32, #tpu.memory_space<vmem_shared>> -> memref<10240x128xf32, #tpu.memory_space<vmem_shared>>
      tpu.wait_indirect_dma semaphore(%arg14 : memref<!tpu.dma_semaphore, #tpu.memory_space<semaphore_mem>>) src(%arg9 : memref<128x128xf32, #tpu.memory_space<vmem>>) dst(%dma_wait3A_84 : memref<10240x128xf32, #tpu.memory_space<vmem_shared>>)
      %dma_wait3A_85 = arith.constant 0 : i32
      %dma_wait3A_86 = tpu.memref_slice %arg8[%add3A_72, %dma_wait3A_85] : memref<40x128xi32, #tpu.memory_space<vmem>> -> memref<1x128xi32, #tpu.memory_space<vmem>>
      %dma_wait3A_87 = tpu.memref_squeeze %dma_wait3A_86 : memref<1x128xi32, #tpu.memory_space<vmem>> -> memref<128xi32, #tpu.memory_space<vmem>>
      %dma_wait3A_88 = arith.constant 0 : i32
      %dma_wait3A_89 = arith.constant 0 : i32
      %dma_wait3A_90 = tpu.memref_slice %arg11[%dma_wait3A_88, %dma_wait3A_89] : memref<10240x128xf32, #tpu.memory_space<vmem_shared>> -> memref<10240x128xf32, #tpu.memory_space<vmem_shared>>
      tpu.wait_indirect_dma semaphore(%arg15 : memref<!tpu.dma_semaphore, #tpu.memory_space<semaphore_mem>>) src(%arg10 : memref<128x128xf32, #tpu.memory_space<vmem>>) dst(%dma_wait3A_90 : memref<10240x128xf32, #tpu.memory_space<vmem_shared>>)
    }
    %scan3A_12 = arith.constant 20 : i32
    %mul3A_13 = arith.constant 80 : i32
    %mul3A_14 = arith.muli %add3A, %mul3A_13 : i32
    %add3A_15 = arith.constant 40 : i32
    %add3A_16 = arith.addi %mul3A_14, %add3A_15 : i32
    "tpu.region"() ({
      %run_scoped3A = tpu.sem_alloc : memref<!tpu.dma_semaphore, #tpu.memory_space<semaphore_mem>>
      %dma_start3A = arith.constant 0 : i32
      %dma_start3A_30 = tpu.memref_slice %arg3[%add3A_16, %dma_start3A] : memref<2560x128xi32, #tpu.memory_space<hbm>> -> memref<40x128xi32, #tpu.memory_space<hbm>>
      %dma_start3A_31 = arith.constant 0 : i32
      %dma_start3A_32 = tpu.memref_slice %arg3[%add3A_16, %dma_start3A_31] : memref<2560x128xi32, #tpu.memory_space<hbm>> -> memref<40x128xi32, #tpu.memory_space<hbm>>
      tpu.enqueue_dma source(%dma_start3A_32 : memref<40x128xi32, #tpu.memory_space<hbm>>) target(%arg7 : memref<40x128xi32, #tpu.memory_space<vmem>>) target_semaphore(%run_scoped3A : memref<!tpu.dma_semaphore, #tpu.memory_space<semaphore_mem>>)
      %dma_wait3A = arith.constant 0 : i32
      %dma_wait3A_33 = tpu.memref_slice %arg3[%add3A_16, %dma_wait3A] : memref<2560x128xi32, #tpu.memory_space<hbm>> -> memref<40x128xi32, #tpu.memory_space<hbm>>
      %dma_wait3A_34 = arith.constant 0 : i32
      %dma_wait3A_35 = tpu.memref_slice %arg3[%add3A_16, %dma_wait3A_34] : memref<2560x128xi32, #tpu.memory_space<hbm>> -> memref<40x128xi32, #tpu.memory_space<hbm>>
      tpu.wait_dma2 semaphore(%run_scoped3A : memref<!tpu.dma_semaphore, #tpu.memory_space<semaphore_mem>>) src(%dma_wait3A_35 : memref<40x128xi32, #tpu.memory_space<hbm>>) dst(%arg7 : memref<40x128xi32, #tpu.memory_space<vmem>>)
      tpu.yield
    }) : () -> ()
    "tpu.region"() ({
      %run_scoped3A = tpu.sem_alloc : memref<!tpu.dma_semaphore, #tpu.memory_space<semaphore_mem>>
      %dma_start3A = arith.constant 0 : i32
      %dma_start3A_30 = tpu.memref_slice %arg4[%add3A_16, %dma_start3A] : memref<2560x128xi32, #tpu.memory_space<hbm>> -> memref<40x128xi32, #tpu.memory_space<hbm>>
      %dma_start3A_31 = arith.constant 0 : i32
      %dma_start3A_32 = tpu.memref_slice %arg4[%add3A_16, %dma_start3A_31] : memref<2560x128xi32, #tpu.memory_space<hbm>> -> memref<40x128xi32, #tpu.memory_space<hbm>>
      tpu.enqueue_dma source(%dma_start3A_32 : memref<40x128xi32, #tpu.memory_space<hbm>>) target(%arg8 : memref<40x128xi32, #tpu.memory_space<vmem>>) target_semaphore(%run_scoped3A : memref<!tpu.dma_semaphore, #tpu.memory_space<semaphore_mem>>)
      %dma_wait3A = arith.constant 0 : i32
      %dma_wait3A_33 = tpu.memref_slice %arg4[%add3A_16, %dma_wait3A] : memref<2560x128xi32, #tpu.memory_space<hbm>> -> memref<40x128xi32, #tpu.memory_space<hbm>>
      %dma_wait3A_34 = arith.constant 0 : i32
      %dma_wait3A_35 = tpu.memref_slice %arg4[%add3A_16, %dma_wait3A_34] : memref<2560x128xi32, #tpu.memory_space<hbm>> -> memref<40x128xi32, #tpu.memory_space<hbm>>
      tpu.wait_dma2 semaphore(%run_scoped3A : memref<!tpu.dma_semaphore, #tpu.memory_space<semaphore_mem>>) src(%dma_wait3A_35 : memref<40x128xi32, #tpu.memory_space<hbm>>) dst(%arg8 : memref<40x128xi32, #tpu.memory_space<vmem>>)
      tpu.yield
    }) : () -> ()
    %scan3A_17 = arith.constant 0 : i32
    %scan3A_18 = arith.constant 20 : i32
    %scan3A_19 = arith.addi %scan3A_17, %scan3A_18 : i32
    %scan3A_20 = arith.constant 1 : i32
    scf.for %scan3A_30 = %scan3A_17 to %scan3A_19 step %scan3A_20  : i32 {
      %mul3A_31 = arith.constant 1 : i32
      %mul3A_32 = arith.muli %scan3A_30, %mul3A_31 : i32
      %add3A_33 = arith.constant 0 : i32
      %add3A_34 = arith.addi %add3A_33, %mul3A_32 : i32
      %mul3A_35 = arith.constant 2 : i32
      %mul3A_36 = arith.muli %add3A_34, %mul3A_35 : i32
      %add3A_37 = arith.constant 0 : i32
      %add3A_38 = arith.addi %mul3A_36, %add3A_37 : i32
      %dma_start3A = arith.constant 0 : i32
      %dma_start3A_39 = tpu.memref_slice %arg7[%add3A_38, %dma_start3A] : memref<40x128xi32, #tpu.memory_space<vmem>> -> memref<1x128xi32, #tpu.memory_space<vmem>>
      %dma_start3A_40 = tpu.memref_squeeze %dma_start3A_39 : memref<1x128xi32, #tpu.memory_space<vmem>> -> memref<128xi32, #tpu.memory_space<vmem>>
      %dma_start3A_41 = arith.constant 0 : i32
      %dma_start3A_42 = arith.constant 0 : i32
      %dma_start3A_43 = tpu.memref_slice %arg2[%dma_start3A_41, %dma_start3A_42] : memref<10240x128xf32, #tpu.memory_space<hbm>> -> memref<10240x128xf32, #tpu.memory_space<hbm>>
      tpu.enqueue_indirect_dma source(%dma_start3A_43 : memref<10240x128xf32, #tpu.memory_space<hbm>>) target(%arg9 : memref<128x128xf32, #tpu.memory_space<vmem>>) offsets(%dma_start3A_40 : memref<128xi32, #tpu.memory_space<vmem>>) semaphore(%arg12 : memref<!tpu.dma_semaphore, #tpu.memory_space<semaphore_mem>>)
      %add3A_44 = arith.constant 1 : i32
      %add3A_45 = arith.addi %mul3A_36, %add3A_44 : i32
      %dma_start3A_46 = arith.constant 0 : i32
      %dma_start3A_47 = tpu.memref_slice %arg7[%add3A_45, %dma_start3A_46] : memref<40x128xi32, #tpu.memory_space<vmem>> -> memref<1x128xi32, #tpu.memory_space<vmem>>
      %dma_start3A_48 = tpu.memref_squeeze %dma_start3A_47 : memref<1x128xi32, #tpu.memory_space<vmem>> -> memref<128xi32, #tpu.memory_space<vmem>>
      %dma_start3A_49 = arith.constant 0 : i32
      %dma_start3A_50 = arith.constant 0 : i32
      %dma_start3A_51 = tpu.memref_slice %arg2[%dma_start3A_49, %dma_start3A_50] : memref<10240x128xf32, #tpu.memory_space<hbm>> -> memref<10240x128xf32, #tpu.memory_space<hbm>>
      tpu.enqueue_indirect_dma source(%dma_start3A_51 : memref<10240x128xf32, #tpu.memory_space<hbm>>) target(%arg10 : memref<128x128xf32, #tpu.memory_space<vmem>>) offsets(%dma_start3A_48 : memref<128xi32, #tpu.memory_space<vmem>>) semaphore(%arg13 : memref<!tpu.dma_semaphore, #tpu.memory_space<semaphore_mem>>)
      %dma_wait3A = arith.constant 0 : i32
      %dma_wait3A_52 = tpu.memref_slice %arg7[%add3A_38, %dma_wait3A] : memref<40x128xi32, #tpu.memory_space<vmem>> -> memref<1x128xi32, #tpu.memory_space<vmem>>
      %dma_wait3A_53 = tpu.memref_squeeze %dma_wait3A_52 : memref<1x128xi32, #tpu.memory_space<vmem>> -> memref<128xi32, #tpu.memory_space<vmem>>
      %dma_wait3A_54 = arith.constant 0 : i32
      %dma_wait3A_55 = arith.constant 0 : i32
      %dma_wait3A_56 = tpu.memref_slice %arg2[%dma_wait3A_54, %dma_wait3A_55] : memref<10240x128xf32, #tpu.memory_space<hbm>> -> memref<10240x128xf32, #tpu.memory_space<hbm>>
      tpu.wait_indirect_dma semaphore(%arg12 : memref<!tpu.dma_semaphore, #tpu.memory_space<semaphore_mem>>) src(%dma_wait3A_56 : memref<10240x128xf32, #tpu.memory_space<hbm>>) dst(%arg9 : memref<128x128xf32, #tpu.memory_space<vmem>>)
      %add3A_57 = arith.constant 0 : i32
      %add3A_58 = arith.addi %mul3A_36, %add3A_57 : i32
      %dma_start3A_59 = arith.constant 0 : i32
      %dma_start3A_60 = tpu.memref_slice %arg8[%add3A_58, %dma_start3A_59] : memref<40x128xi32, #tpu.memory_space<vmem>> -> memref<1x128xi32, #tpu.memory_space<vmem>>
      %dma_start3A_61 = tpu.memref_squeeze %dma_start3A_60 : memref<1x128xi32, #tpu.memory_space<vmem>> -> memref<128xi32, #tpu.memory_space<vmem>>
      %dma_start3A_62 = arith.constant 0 : i32
      %dma_start3A_63 = arith.constant 0 : i32
      %dma_start3A_64 = tpu.memref_slice %arg11[%dma_start3A_62, %dma_start3A_63] : memref<10240x128xf32, #tpu.memory_space<vmem_shared>> -> memref<10240x128xf32, #tpu.memory_space<vmem_shared>>
      tpu.enqueue_indirect_dma source(%arg9 : memref<128x128xf32, #tpu.memory_space<vmem>>) target(%dma_start3A_64 : memref<10240x128xf32, #tpu.memory_space<vmem_shared>>) offsets(%dma_start3A_61 : memref<128xi32, #tpu.memory_space<vmem>>) semaphore(%arg14 : memref<!tpu.dma_semaphore, #tpu.memory_space<semaphore_mem>>) {add = true}
      %dma_wait3A_65 = arith.constant 0 : i32
      %dma_wait3A_66 = tpu.memref_slice %arg7[%add3A_45, %dma_wait3A_65] : memref<40x128xi32, #tpu.memory_space<vmem>> -> memref<1x128xi32, #tpu.memory_space<vmem>>
      %dma_wait3A_67 = tpu.memref_squeeze %dma_wait3A_66 : memref<1x128xi32, #tpu.memory_space<vmem>> -> memref<128xi32, #tpu.memory_space<vmem>>
      %dma_wait3A_68 = arith.constant 0 : i32
      %dma_wait3A_69 = arith.constant 0 : i32
      %dma_wait3A_70 = tpu.memref_slice %arg2[%dma_wait3A_68, %dma_wait3A_69] : memref<10240x128xf32, #tpu.memory_space<hbm>> -> memref<10240x128xf32, #tpu.memory_space<hbm>>
      tpu.wait_indirect_dma semaphore(%arg13 : memref<!tpu.dma_semaphore, #tpu.memory_space<semaphore_mem>>) src(%dma_wait3A_70 : memref<10240x128xf32, #tpu.memory_space<hbm>>) dst(%arg10 : memref<128x128xf32, #tpu.memory_space<vmem>>)
      %add3A_71 = arith.constant 1 : i32
      %add3A_72 = arith.addi %mul3A_36, %add3A_71 : i32
      %dma_start3A_73 = arith.constant 0 : i32
      %dma_start3A_74 = tpu.memref_slice %arg8[%add3A_72, %dma_start3A_73] : memref<40x128xi32, #tpu.memory_space<vmem>> -> memref<1x128xi32, #tpu.memory_space<vmem>>
      %dma_start3A_75 = tpu.memref_squeeze %dma_start3A_74 : memref<1x128xi32, #tpu.memory_space<vmem>> -> memref<128xi32, #tpu.memory_space<vmem>>
      %dma_start3A_76 = arith.constant 0 : i32
      %dma_start3A_77 = arith.constant 0 : i32
      %dma_start3A_78 = tpu.memref_slice %arg11[%dma_start3A_76, %dma_start3A_77] : memref<10240x128xf32, #tpu.memory_space<vmem_shared>> -> memref<10240x128xf32, #tpu.memory_space<vmem_shared>>
      tpu.enqueue_indirect_dma source(%arg10 : memref<128x128xf32, #tpu.memory_space<vmem>>) target(%dma_start3A_78 : memref<10240x128xf32, #tpu.memory_space<vmem_shared>>) offsets(%dma_start3A_75 : memref<128xi32, #tpu.memory_space<vmem>>) semaphore(%arg15 : memref<!tpu.dma_semaphore, #tpu.memory_space<semaphore_mem>>) {add = true}
      %dma_wait3A_79 = arith.constant 0 : i32
      %dma_wait3A_80 = tpu.memref_slice %arg8[%add3A_58, %dma_wait3A_79] : memref<40x128xi32, #tpu.memory_space<vmem>> -> memref<1x128xi32, #tpu.memory_space<vmem>>
      %dma_wait3A_81 = tpu.memref_squeeze %dma_wait3A_80 : memref<1x128xi32, #tpu.memory_space<vmem>> -> memref<128xi32, #tpu.memory_space<vmem>>
      %dma_wait3A_82 = arith.constant 0 : i32
      %dma_wait3A_83 = arith.constant 0 : i32
      %dma_wait3A_84 = tpu.memref_slice %arg11[%dma_wait3A_82, %dma_wait3A_83] : memref<10240x128xf32, #tpu.memory_space<vmem_shared>> -> memref<10240x128xf32, #tpu.memory_space<vmem_shared>>
      tpu.wait_indirect_dma semaphore(%arg14 : memref<!tpu.dma_semaphore, #tpu.memory_space<semaphore_mem>>) src(%arg9 : memref<128x128xf32, #tpu.memory_space<vmem>>) dst(%dma_wait3A_84 : memref<10240x128xf32, #tpu.memory_space<vmem_shared>>)
      %dma_wait3A_85 = arith.constant 0 : i32
      %dma_wait3A_86 = tpu.memref_slice %arg8[%add3A_72, %dma_wait3A_85] : memref<40x128xi32, #tpu.memory_space<vmem>> -> memref<1x128xi32, #tpu.memory_space<vmem>>
      %dma_wait3A_87 = tpu.memref_squeeze %dma_wait3A_86 : memref<1x128xi32, #tpu.memory_space<vmem>> -> memref<128xi32, #tpu.memory_space<vmem>>
      %dma_wait3A_88 = arith.constant 0 : i32
      %dma_wait3A_89 = arith.constant 0 : i32
      %dma_wait3A_90 = tpu.memref_slice %arg11[%dma_wait3A_88, %dma_wait3A_89] : memref<10240x128xf32, #tpu.memory_space<vmem_shared>> -> memref<10240x128xf32, #tpu.memory_space<vmem_shared>>
      tpu.wait_indirect_dma semaphore(%arg15 : memref<!tpu.dma_semaphore, #tpu.memory_space<semaphore_mem>>) src(%arg10 : memref<128x128xf32, #tpu.memory_space<vmem>>) dst(%dma_wait3A_90 : memref<10240x128xf32, #tpu.memory_space<vmem_shared>>)
    }
    %scan3A_21 = arith.constant 20 : i32
    %barrier3A_22 = arith.constant 0 : index
    tpu.barrier barrier_id(%barrier3A_22)
    %mul3A_23 = arith.constant 10240 : i32
    %mul3A_24 = arith.muli %arg0, %mul3A_23 : i32
    "tpu.region"() ({
      %run_scoped3A = tpu.sem_alloc : memref<!tpu.dma_semaphore, #tpu.memory_space<semaphore_mem>>
      %dma_start3A = arith.constant 0 : i32
      %dma_start3A_30 = tpu.memref_slice %arg6[%mul3A_24, %dma_start3A] : memref<20480x128xf32, #tpu.memory_space<hbm>> -> memref<10240x128xf32, #tpu.memory_space<hbm>>
      %dma_start3A_31 = arith.constant 0 : i32
      %dma_start3A_32 = tpu.memref_slice %dma_start3A_30[%mul3A_2, %dma_start3A_31] : memref<10240x128xf32, #tpu.memory_space<hbm>> -> memref<624x128xf32, #tpu.memory_space<hbm>>
      %dma_start3A_33 = arith.constant 0 : i32
      %dma_start3A_34 = tpu.memref_slice %arg11[%mul3A_2, %dma_start3A_33] : memref<10240x128xf32, #tpu.memory_space<vmem_shared>> -> memref<624x128xf32, #tpu.memory_space<vmem_shared>>
      tpu.enqueue_dma source(%dma_start3A_34 : memref<624x128xf32, #tpu.memory_space<vmem_shared>>) target(%dma_start3A_32 : memref<624x128xf32, #tpu.memory_space<hbm>>) target_semaphore(%run_scoped3A : memref<!tpu.dma_semaphore, #tpu.memory_space<semaphore_mem>>)
      %dma_wait3A = arith.constant 0 : i32
      %dma_wait3A_35 = tpu.memref_slice %arg6[%mul3A_24, %dma_wait3A] : memref<20480x128xf32, #tpu.memory_space<hbm>> -> memref<10240x128xf32, #tpu.memory_space<hbm>>
      %dma_wait3A_36 = arith.constant 0 : i32
      %dma_wait3A_37 = tpu.memref_slice %dma_wait3A_35[%mul3A_2, %dma_wait3A_36] : memref<10240x128xf32, #tpu.memory_space<hbm>> -> memref<624x128xf32, #tpu.memory_space<hbm>>
      %dma_wait3A_38 = arith.constant 0 : i32
      %dma_wait3A_39 = tpu.memref_slice %arg11[%mul3A_2, %dma_wait3A_38] : memref<10240x128xf32, #tpu.memory_space<vmem_shared>> -> memref<624x128xf32, #tpu.memory_space<vmem_shared>>
      tpu.wait_dma2 semaphore(%run_scoped3A : memref<!tpu.dma_semaphore, #tpu.memory_space<semaphore_mem>>) src(%dma_wait3A_39 : memref<624x128xf32, #tpu.memory_space<vmem_shared>>) dst(%dma_wait3A_37 : memref<624x128xf32, #tpu.memory_space<hbm>>)
      tpu.yield
    }) : () -> ()
    %eq3A_25 = arith.constant 15 : i32
    %eq3A_26 = arith.cmpi eq, %arg1, %eq3A_25 : i32
    %convert_element_type3A_27 = arith.extui %eq3A_26 : i1 to i32
    %cond3A_28 = arith.constant 0 : i32
    %cond3A_29 = arith.cmpi ne, %convert_element_type3A_27, %cond3A_28 : i32
    scf.if %cond3A_29 {
      "tpu.region"() ({
        %run_scoped3A = tpu.sem_alloc : memref<!tpu.dma_semaphore, #tpu.memory_space<semaphore_mem>>
        %dma_start3A = arith.constant 0 : i32
        %dma_start3A_30 = tpu.memref_slice %arg6[%mul3A_24, %dma_start3A] : memref<20480x128xf32, #tpu.memory_space<hbm>> -> memref<10240x128xf32, #tpu.memory_space<hbm>>
        %dma_start3A_31 = arith.constant 9984 : i32
        %dma_start3A_32 = arith.constant 0 : i32
        %dma_start3A_33 = tpu.memref_slice %dma_start3A_30[%dma_start3A_31, %dma_start3A_32] : memref<10240x128xf32, #tpu.memory_space<hbm>> -> memref<256x128xf32, #tpu.memory_space<hbm>>
        %dma_start3A_34 = arith.constant 9984 : i32
        %dma_start3A_35 = arith.constant 0 : i32
        %dma_start3A_36 = tpu.memref_slice %arg11[%dma_start3A_34, %dma_start3A_35] : memref<10240x128xf32, #tpu.memory_space<vmem_shared>> -> memref<256x128xf32, #tpu.memory_space<vmem_shared>>
        tpu.enqueue_dma source(%dma_start3A_36 : memref<256x128xf32, #tpu.memory_space<vmem_shared>>) target(%dma_start3A_33 : memref<256x128xf32, #tpu.memory_space<hbm>>) target_semaphore(%run_scoped3A : memref<!tpu.dma_semaphore, #tpu.memory_space<semaphore_mem>>)
        %dma_wait3A = arith.constant 0 : i32
        %dma_wait3A_37 = tpu.memref_slice %arg6[%mul3A_24, %dma_wait3A] : memref<20480x128xf32, #tpu.memory_space<hbm>> -> memref<10240x128xf32, #tpu.memory_space<hbm>>
        %dma_wait3A_38 = arith.constant 9984 : i32
        %dma_wait3A_39 = arith.constant 0 : i32
        %dma_wait3A_40 = tpu.memref_slice %dma_wait3A_37[%dma_wait3A_38, %dma_wait3A_39] : memref<10240x128xf32, #tpu.memory_space<hbm>> -> memref<256x128xf32, #tpu.memory_space<hbm>>
        %dma_wait3A_41 = arith.constant 9984 : i32
        %dma_wait3A_42 = arith.constant 0 : i32
        %dma_wait3A_43 = tpu.memref_slice %arg11[%dma_wait3A_41, %dma_wait3A_42] : memref<10240x128xf32, #tpu.memory_space<vmem_shared>> -> memref<256x128xf32, #tpu.memory_space<vmem_shared>>
        tpu.wait_dma2 semaphore(%run_scoped3A : memref<!tpu.dma_semaphore, #tpu.memory_space<semaphore_mem>>) src(%dma_wait3A_43 : memref<256x128xf32, #tpu.memory_space<vmem_shared>>) dst(%dma_wait3A_40 : memref<256x128xf32, #tpu.memory_space<hbm>>)
        tpu.yield
      }) : () -> ()
    } else {
    }
    return
  }
}

#map = affine_map<(d0, d1) -> (0, 0)>
module attributes {stable_mosaic.version = 14 : i64} {
  func.func @agg(%arg0: i32, %arg1: i32, %arg2: memref<10240x128xf32, #tpu.memory_space<hbm>>, %arg3: memref<2560x128xi32, #tpu.memory_space<hbm>>, %arg4: memref<2560x128xi32, #tpu.memory_space<hbm>>, %arg5: memref<624x128xf32, #tpu.memory_space<hbm>>, %arg6: memref<20480x128xf32, #tpu.memory_space<hbm>>, %arg7: memref<40x128xi32, #tpu.memory_space<vmem>>, %arg8: memref<40x128xi32, #tpu.memory_space<vmem>>, %arg9: memref<128x128xf32, #tpu.memory_space<vmem>>, %arg10: memref<128x128xf32, #tpu.memory_space<vmem>>, %arg11: memref<10240x128xf32, #tpu.memory_space<vmem_shared>>, %arg12: memref<!tpu.dma_semaphore, #tpu.memory_space<semaphore_mem>>, %arg13: memref<!tpu.dma_semaphore, #tpu.memory_space<semaphore_mem>>, %arg14: memref<!tpu.dma_semaphore, #tpu.memory_space<semaphore_mem>>, %arg15: memref<!tpu.dma_semaphore, #tpu.memory_space<semaphore_mem>>) attributes {dimension_semantics = [#tpu.dimension_semantics<core_parallel>, #tpu.dimension_semantics<subcore_parallel>], iteration_bounds = array<i64: 2, 16>, scalar_prefetch = 0 : i64, scratch_operands = 9 : i64, tpu.core_type = #tpu.core_type<sc_vector_subcore>, window_params = [{transform_indices = #map}, {transform_indices = #map}, {transform_indices = #map}, {transform_indices = #map}, {transform_indices = #map}]} {
    %mul3A = arith.constant 16 : i32
    %mul3A_0 = arith.muli %arg0, %mul3A : i32
    %add3A = arith.addi %mul3A_0, %arg1 : i32
    %mul3A_1 = arith.constant 624 : i32
    %mul3A_2 = arith.muli %arg1, %mul3A_1 : i32
    "tpu.region"() ({
      %run_scoped3A = tpu.sem_alloc : memref<!tpu.dma_semaphore, #tpu.memory_space<semaphore_mem>>
      %dma_start3A = arith.constant 0 : i32
      %dma_start3A_30 = tpu.memref_slice %arg11[%mul3A_2, %dma_start3A] : memref<10240x128xf32, #tpu.memory_space<vmem_shared>> -> memref<624x128xf32, #tpu.memory_space<vmem_shared>>
      tpu.enqueue_dma source(%arg5 : memref<624x128xf32, #tpu.memory_space<hbm>>) target(%dma_start3A_30 : memref<624x128xf32, #tpu.memory_space<vmem_shared>>) target_semaphore(%run_scoped3A : memref<!tpu.dma_semaphore, #tpu.memory_space<semaphore_mem>>)
      %dma_wait3A = arith.constant 0 : i32
      %dma_wait3A_31 = tpu.memref_slice %arg11[%mul3A_2, %dma_wait3A] : memref<10240x128xf32, #tpu.memory_space<vmem_shared>> -> memref<624x128xf32, #tpu.memory_space<vmem_shared>>
      tpu.wait_dma2 semaphore(%run_scoped3A : memref<!tpu.dma_semaphore, #tpu.memory_space<semaphore_mem>>) src(%arg5 : memref<624x128xf32, #tpu.memory_space<hbm>>) dst(%dma_wait3A_31 : memref<624x128xf32, #tpu.memory_space<vmem_shared>>)
      tpu.yield
    }) : () -> ()
    %eq3A = arith.constant 15 : i32
    %eq3A_3 = arith.cmpi eq, %arg1, %eq3A : i32
    %convert_element_type3A = arith.extui %eq3A_3 : i1 to i32
    %cond3A = arith.constant 0 : i32
    %cond3A_4 = arith.cmpi ne, %convert_element_type3A, %cond3A : i32
    scf.if %cond3A_4 {
      "tpu.region"() ({
        %run_scoped3A = tpu.sem_alloc : memref<!tpu.dma_semaphore, #tpu.memory_space<semaphore_mem>>
        %dma_start3A = arith.constant 9984 : i32
        %dma_start3A_30 = arith.constant 0 : i32
        %dma_start3A_31 = tpu.memref_slice %arg11[%dma_start3A, %dma_start3A_30] : memref<10240x128xf32, #tpu.memory_space<vmem_shared>> -> memref<256x128xf32, #tpu.memory_space<vmem_shared>>
        %dma_start3A_32 = arith.constant 0 : i32
        %dma_start3A_33 = arith.constant 0 : i32
        %dma_start3A_34 = tpu.memref_slice %arg5[%dma_start3A_32, %dma_start3A_33] : memref<624x128xf32, #tpu.memory_space<hbm>> -> memref<256x128xf32, #tpu.memory_space<hbm>>
        tpu.enqueue_dma source(%dma_start3A_34 : memref<256x128xf32, #tpu.memory_space<hbm>>) target(%dma_start3A_31 : memref<256x128xf32, #tpu.memory_space<vmem_shared>>) target_semaphore(%run_scoped3A : memref<!tpu.dma_semaphore, #tpu.memory_space<semaphore_mem>>)
        %dma_wait3A = arith.constant 9984 : i32
        %dma_wait3A_35 = arith.constant 0 : i32
        %dma_wait3A_36 = tpu.memref_slice %arg11[%dma_wait3A, %dma_wait3A_35] : memref<10240x128xf32, #tpu.memory_space<vmem_shared>> -> memref<256x128xf32, #tpu.memory_space<vmem_shared>>
        %dma_wait3A_37 = arith.constant 0 : i32
        %dma_wait3A_38 = arith.constant 0 : i32
        %dma_wait3A_39 = tpu.memref_slice %arg5[%dma_wait3A_37, %dma_wait3A_38] : memref<624x128xf32, #tpu.memory_space<hbm>> -> memref<256x128xf32, #tpu.memory_space<hbm>>
        tpu.wait_dma2 semaphore(%run_scoped3A : memref<!tpu.dma_semaphore, #tpu.memory_space<semaphore_mem>>) src(%dma_wait3A_39 : memref<256x128xf32, #tpu.memory_space<hbm>>) dst(%dma_wait3A_36 : memref<256x128xf32, #tpu.memory_space<vmem_shared>>)
        tpu.yield
      }) : () -> ()
    } else {
    }
    %barrier3A = arith.constant 0 : index
    tpu.barrier barrier_id(%barrier3A)
    %mul3A_5 = arith.constant 80 : i32
    %mul3A_6 = arith.muli %add3A, %mul3A_5 : i32
    %add3A_7 = arith.constant 0 : i32
    %add3A_8 = arith.addi %mul3A_6, %add3A_7 : i32
    "tpu.region"() ({
      %run_scoped3A = tpu.sem_alloc : memref<!tpu.dma_semaphore, #tpu.memory_space<semaphore_mem>>
      %dma_start3A = arith.constant 0 : i32
      %dma_start3A_30 = tpu.memref_slice %arg3[%add3A_8, %dma_start3A] : memref<2560x128xi32, #tpu.memory_space<hbm>> -> memref<40x128xi32, #tpu.memory_space<hbm>>
      %dma_start3A_31 = arith.constant 0 : i32
      %dma_start3A_32 = tpu.memref_slice %arg3[%add3A_8, %dma_start3A_31] : memref<2560x128xi32, #tpu.memory_space<hbm>> -> memref<40x128xi32, #tpu.memory_space<hbm>>
      tpu.enqueue_dma source(%dma_start3A_32 : memref<40x128xi32, #tpu.memory_space<hbm>>) target(%arg7 : memref<40x128xi32, #tpu.memory_space<vmem>>) target_semaphore(%run_scoped3A : memref<!tpu.dma_semaphore, #tpu.memory_space<semaphore_mem>>)
      %dma_wait3A = arith.constant 0 : i32
      %dma_wait3A_33 = tpu.memref_slice %arg3[%add3A_8, %dma_wait3A] : memref<2560x128xi32, #tpu.memory_space<hbm>> -> memref<40x128xi32, #tpu.memory_space<hbm>>
      %dma_wait3A_34 = arith.constant 0 : i32
      %dma_wait3A_35 = tpu.memref_slice %arg3[%add3A_8, %dma_wait3A_34] : memref<2560x128xi32, #tpu.memory_space<hbm>> -> memref<40x128xi32, #tpu.memory_space<hbm>>
      tpu.wait_dma2 semaphore(%run_scoped3A : memref<!tpu.dma_semaphore, #tpu.memory_space<semaphore_mem>>) src(%dma_wait3A_35 : memref<40x128xi32, #tpu.memory_space<hbm>>) dst(%arg7 : memref<40x128xi32, #tpu.memory_space<vmem>>)
      tpu.yield
    }) : () -> ()
    "tpu.region"() ({
      %run_scoped3A = tpu.sem_alloc : memref<!tpu.dma_semaphore, #tpu.memory_space<semaphore_mem>>
      %dma_start3A = arith.constant 0 : i32
      %dma_start3A_30 = tpu.memref_slice %arg4[%add3A_8, %dma_start3A] : memref<2560x128xi32, #tpu.memory_space<hbm>> -> memref<40x128xi32, #tpu.memory_space<hbm>>
      %dma_start3A_31 = arith.constant 0 : i32
      %dma_start3A_32 = tpu.memref_slice %arg4[%add3A_8, %dma_start3A_31] : memref<2560x128xi32, #tpu.memory_space<hbm>> -> memref<40x128xi32, #tpu.memory_space<hbm>>
      tpu.enqueue_dma source(%dma_start3A_32 : memref<40x128xi32, #tpu.memory_space<hbm>>) target(%arg8 : memref<40x128xi32, #tpu.memory_space<vmem>>) target_semaphore(%run_scoped3A : memref<!tpu.dma_semaphore, #tpu.memory_space<semaphore_mem>>)
      %dma_wait3A = arith.constant 0 : i32
      %dma_wait3A_33 = tpu.memref_slice %arg4[%add3A_8, %dma_wait3A] : memref<2560x128xi32, #tpu.memory_space<hbm>> -> memref<40x128xi32, #tpu.memory_space<hbm>>
      %dma_wait3A_34 = arith.constant 0 : i32
      %dma_wait3A_35 = tpu.memref_slice %arg4[%add3A_8, %dma_wait3A_34] : memref<2560x128xi32, #tpu.memory_space<hbm>> -> memref<40x128xi32, #tpu.memory_space<hbm>>
      tpu.wait_dma2 semaphore(%run_scoped3A : memref<!tpu.dma_semaphore, #tpu.memory_space<semaphore_mem>>) src(%dma_wait3A_35 : memref<40x128xi32, #tpu.memory_space<hbm>>) dst(%arg8 : memref<40x128xi32, #tpu.memory_space<vmem>>)
      tpu.yield
    }) : () -> ()
    %scan3A = arith.constant 0 : i32
    %scan3A_9 = arith.constant 20 : i32
    %scan3A_10 = arith.addi %scan3A, %scan3A_9 : i32
    %scan3A_11 = arith.constant 1 : i32
    scf.for %scan3A_30 = %scan3A to %scan3A_10 step %scan3A_11  : i32 {
      %mul3A_31 = arith.constant 1 : i32
      %mul3A_32 = arith.muli %scan3A_30, %mul3A_31 : i32
      %add3A_33 = arith.constant 0 : i32
      %add3A_34 = arith.addi %add3A_33, %mul3A_32 : i32
      %mul3A_35 = arith.constant 2 : i32
      %mul3A_36 = arith.muli %add3A_34, %mul3A_35 : i32
      %add3A_37 = arith.constant 0 : i32
      %add3A_38 = arith.addi %mul3A_36, %add3A_37 : i32
      %dma_start3A = arith.constant 0 : i32
      %dma_start3A_39 = tpu.memref_slice %arg7[%add3A_38, %dma_start3A] : memref<40x128xi32, #tpu.memory_space<vmem>> -> memref<1x128xi32, #tpu.memory_space<vmem>>
      %dma_start3A_40 = tpu.memref_squeeze %dma_start3A_39 : memref<1x128xi32, #tpu.memory_space<vmem>> -> memref<128xi32, #tpu.memory_space<vmem>>
      %dma_start3A_41 = arith.constant 0 : i32
      %dma_start3A_42 = arith.constant 0 : i32
      %dma_start3A_43 = tpu.memref_slice %arg2[%dma_start3A_41, %dma_start3A_42] : memref<10240x128xf32, #tpu.memory_space<hbm>> -> memref<10240x128xf32, #tpu.memory_space<hbm>>
      tpu.enqueue_indirect_dma source(%dma_start3A_43 : memref<10240x128xf32, #tpu.memory_space<hbm>>) target(%arg9 : memref<128x128xf32, #tpu.memory_space<vmem>>) offsets(%dma_start3A_40 : memref<128xi32, #tpu.memory_space<vmem>>) semaphore(%arg12 : memref<!tpu.dma_semaphore, #tpu.memory_space<semaphore_mem>>)
      %add3A_44 = arith.constant 1 : i32
      %add3A_45 = arith.addi %mul3A_36, %add3A_44 : i32
      %dma_start3A_46 = arith.constant 0 : i32
      %dma_start3A_47 = tpu.memref_slice %arg7[%add3A_45, %dma_start3A_46] : memref<40x128xi32, #tpu.memory_space<vmem>> -> memref<1x128xi32, #tpu.memory_space<vmem>>
      %dma_start3A_48 = tpu.memref_squeeze %dma_start3A_47 : memref<1x128xi32, #tpu.memory_space<vmem>> -> memref<128xi32, #tpu.memory_space<vmem>>
      %dma_start3A_49 = arith.constant 0 : i32
      %dma_start3A_50 = arith.constant 0 : i32
      %dma_start3A_51 = tpu.memref_slice %arg2[%dma_start3A_49, %dma_start3A_50] : memref<10240x128xf32, #tpu.memory_space<hbm>> -> memref<10240x128xf32, #tpu.memory_space<hbm>>
      tpu.enqueue_indirect_dma source(%dma_start3A_51 : memref<10240x128xf32, #tpu.memory_space<hbm>>) target(%arg10 : memref<128x128xf32, #tpu.memory_space<vmem>>) offsets(%dma_start3A_48 : memref<128xi32, #tpu.memory_space<vmem>>) semaphore(%arg13 : memref<!tpu.dma_semaphore, #tpu.memory_space<semaphore_mem>>)
      %dma_wait3A = arith.constant 0 : i32
      %dma_wait3A_52 = tpu.memref_slice %arg7[%add3A_38, %dma_wait3A] : memref<40x128xi32, #tpu.memory_space<vmem>> -> memref<1x128xi32, #tpu.memory_space<vmem>>
      %dma_wait3A_53 = tpu.memref_squeeze %dma_wait3A_52 : memref<1x128xi32, #tpu.memory_space<vmem>> -> memref<128xi32, #tpu.memory_space<vmem>>
      %dma_wait3A_54 = arith.constant 0 : i32
      %dma_wait3A_55 = arith.constant 0 : i32
      %dma_wait3A_56 = tpu.memref_slice %arg2[%dma_wait3A_54, %dma_wait3A_55] : memref<10240x128xf32, #tpu.memory_space<hbm>> -> memref<10240x128xf32, #tpu.memory_space<hbm>>
      tpu.wait_indirect_dma semaphore(%arg12 : memref<!tpu.dma_semaphore, #tpu.memory_space<semaphore_mem>>) src(%dma_wait3A_56 : memref<10240x128xf32, #tpu.memory_space<hbm>>) dst(%arg9 : memref<128x128xf32, #tpu.memory_space<vmem>>)
      %add3A_57 = arith.constant 0 : i32
      %add3A_58 = arith.addi %mul3A_36, %add3A_57 : i32
      %dma_start3A_59 = arith.constant 0 : i32
      %dma_start3A_60 = tpu.memref_slice %arg8[%add3A_58, %dma_start3A_59] : memref<40x128xi32, #tpu.memory_space<vmem>> -> memref<1x128xi32, #tpu.memory_space<vmem>>
      %dma_start3A_61 = tpu.memref_squeeze %dma_start3A_60 : memref<1x128xi32, #tpu.memory_space<vmem>> -> memref<128xi32, #tpu.memory_space<vmem>>
      %dma_start3A_62 = arith.constant 0 : i32
      %dma_start3A_63 = arith.constant 0 : i32
      %dma_start3A_64 = tpu.memref_slice %arg11[%dma_start3A_62, %dma_start3A_63] : memref<10240x128xf32, #tpu.memory_space<vmem_shared>> -> memref<10240x128xf32, #tpu.memory_space<vmem_shared>>
      tpu.enqueue_indirect_dma source(%arg9 : memref<128x128xf32, #tpu.memory_space<vmem>>) target(%dma_start3A_64 : memref<10240x128xf32, #tpu.memory_space<vmem_shared>>) offsets(%dma_start3A_61 : memref<128xi32, #tpu.memory_space<vmem>>) semaphore(%arg14 : memref<!tpu.dma_semaphore, #tpu.memory_space<semaphore_mem>>) {add = true}
      %dma_wait3A_65 = arith.constant 0 : i32
      %dma_wait3A_66 = tpu.memref_slice %arg7[%add3A_45, %dma_wait3A_65] : memref<40x128xi32, #tpu.memory_space<vmem>> -> memref<1x128xi32, #tpu.memory_space<vmem>>
      %dma_wait3A_67 = tpu.memref_squeeze %dma_wait3A_66 : memref<1x128xi32, #tpu.memory_space<vmem>> -> memref<128xi32, #tpu.memory_space<vmem>>
      %dma_wait3A_68 = arith.constant 0 : i32
      %dma_wait3A_69 = arith.constant 0 : i32
      %dma_wait3A_70 = tpu.memref_slice %arg2[%dma_wait3A_68, %dma_wait3A_69] : memref<10240x128xf32, #tpu.memory_space<hbm>> -> memref<10240x128xf32, #tpu.memory_space<hbm>>
      tpu.wait_indirect_dma semaphore(%arg13 : memref<!tpu.dma_semaphore, #tpu.memory_space<semaphore_mem>>) src(%dma_wait3A_70 : memref<10240x128xf32, #tpu.memory_space<hbm>>) dst(%arg10 : memref<128x128xf32, #tpu.memory_space<vmem>>)
      %add3A_71 = arith.constant 1 : i32
      %add3A_72 = arith.addi %mul3A_36, %add3A_71 : i32
      %dma_start3A_73 = arith.constant 0 : i32
      %dma_start3A_74 = tpu.memref_slice %arg8[%add3A_72, %dma_start3A_73] : memref<40x128xi32, #tpu.memory_space<vmem>> -> memref<1x128xi32, #tpu.memory_space<vmem>>
      %dma_start3A_75 = tpu.memref_squeeze %dma_start3A_74 : memref<1x128xi32, #tpu.memory_space<vmem>> -> memref<128xi32, #tpu.memory_space<vmem>>
      %dma_start3A_76 = arith.constant 0 : i32
      %dma_start3A_77 = arith.constant 0 : i32
      %dma_start3A_78 = tpu.memref_slice %arg11[%dma_start3A_76, %dma_start3A_77] : memref<10240x128xf32, #tpu.memory_space<vmem_shared>> -> memref<10240x128xf32, #tpu.memory_space<vmem_shared>>
      tpu.enqueue_indirect_dma source(%arg10 : memref<128x128xf32, #tpu.memory_space<vmem>>) target(%dma_start3A_78 : memref<10240x128xf32, #tpu.memory_space<vmem_shared>>) offsets(%dma_start3A_75 : memref<128xi32, #tpu.memory_space<vmem>>) semaphore(%arg15 : memref<!tpu.dma_semaphore, #tpu.memory_space<semaphore_mem>>) {add = true}
      %dma_wait3A_79 = arith.constant 0 : i32
      %dma_wait3A_80 = tpu.memref_slice %arg8[%add3A_58, %dma_wait3A_79] : memref<40x128xi32, #tpu.memory_space<vmem>> -> memref<1x128xi32, #tpu.memory_space<vmem>>
      %dma_wait3A_81 = tpu.memref_squeeze %dma_wait3A_80 : memref<1x128xi32, #tpu.memory_space<vmem>> -> memref<128xi32, #tpu.memory_space<vmem>>
      %dma_wait3A_82 = arith.constant 0 : i32
      %dma_wait3A_83 = arith.constant 0 : i32
      %dma_wait3A_84 = tpu.memref_slice %arg11[%dma_wait3A_82, %dma_wait3A_83] : memref<10240x128xf32, #tpu.memory_space<vmem_shared>> -> memref<10240x128xf32, #tpu.memory_space<vmem_shared>>
      tpu.wait_indirect_dma semaphore(%arg14 : memref<!tpu.dma_semaphore, #tpu.memory_space<semaphore_mem>>) src(%arg9 : memref<128x128xf32, #tpu.memory_space<vmem>>) dst(%dma_wait3A_84 : memref<10240x128xf32, #tpu.memory_space<vmem_shared>>)
      %dma_wait3A_85 = arith.constant 0 : i32
      %dma_wait3A_86 = tpu.memref_slice %arg8[%add3A_72, %dma_wait3A_85] : memref<40x128xi32, #tpu.memory_space<vmem>> -> memref<1x128xi32, #tpu.memory_space<vmem>>
      %dma_wait3A_87 = tpu.memref_squeeze %dma_wait3A_86 : memref<1x128xi32, #tpu.memory_space<vmem>> -> memref<128xi32, #tpu.memory_space<vmem>>
      %dma_wait3A_88 = arith.constant 0 : i32
      %dma_wait3A_89 = arith.constant 0 : i32
      %dma_wait3A_90 = tpu.memref_slice %arg11[%dma_wait3A_88, %dma_wait3A_89] : memref<10240x128xf32, #tpu.memory_space<vmem_shared>> -> memref<10240x128xf32, #tpu.memory_space<vmem_shared>>
      tpu.wait_indirect_dma semaphore(%arg15 : memref<!tpu.dma_semaphore, #tpu.memory_space<semaphore_mem>>) src(%arg10 : memref<128x128xf32, #tpu.memory_space<vmem>>) dst(%dma_wait3A_90 : memref<10240x128xf32, #tpu.memory_space<vmem_shared>>)
    }
    %scan3A_12 = arith.constant 20 : i32
    %mul3A_13 = arith.constant 80 : i32
    %mul3A_14 = arith.muli %add3A, %mul3A_13 : i32
    %add3A_15 = arith.constant 40 : i32
    %add3A_16 = arith.addi %mul3A_14, %add3A_15 : i32
    "tpu.region"() ({
      %run_scoped3A = tpu.sem_alloc : memref<!tpu.dma_semaphore, #tpu.memory_space<semaphore_mem>>
      %dma_start3A = arith.constant 0 : i32
      %dma_start3A_30 = tpu.memref_slice %arg3[%add3A_16, %dma_start3A] : memref<2560x128xi32, #tpu.memory_space<hbm>> -> memref<40x128xi32, #tpu.memory_space<hbm>>
      %dma_start3A_31 = arith.constant 0 : i32
      %dma_start3A_32 = tpu.memref_slice %arg3[%add3A_16, %dma_start3A_31] : memref<2560x128xi32, #tpu.memory_space<hbm>> -> memref<40x128xi32, #tpu.memory_space<hbm>>
      tpu.enqueue_dma source(%dma_start3A_32 : memref<40x128xi32, #tpu.memory_space<hbm>>) target(%arg7 : memref<40x128xi32, #tpu.memory_space<vmem>>) target_semaphore(%run_scoped3A : memref<!tpu.dma_semaphore, #tpu.memory_space<semaphore_mem>>)
      %dma_wait3A = arith.constant 0 : i32
      %dma_wait3A_33 = tpu.memref_slice %arg3[%add3A_16, %dma_wait3A] : memref<2560x128xi32, #tpu.memory_space<hbm>> -> memref<40x128xi32, #tpu.memory_space<hbm>>
      %dma_wait3A_34 = arith.constant 0 : i32
      %dma_wait3A_35 = tpu.memref_slice %arg3[%add3A_16, %dma_wait3A_34] : memref<2560x128xi32, #tpu.memory_space<hbm>> -> memref<40x128xi32, #tpu.memory_space<hbm>>
      tpu.wait_dma2 semaphore(%run_scoped3A : memref<!tpu.dma_semaphore, #tpu.memory_space<semaphore_mem>>) src(%dma_wait3A_35 : memref<40x128xi32, #tpu.memory_space<hbm>>) dst(%arg7 : memref<40x128xi32, #tpu.memory_space<vmem>>)
      tpu.yield
    }) : () -> ()
    "tpu.region"() ({
      %run_scoped3A = tpu.sem_alloc : memref<!tpu.dma_semaphore, #tpu.memory_space<semaphore_mem>>
      %dma_start3A = arith.constant 0 : i32
      %dma_start3A_30 = tpu.memref_slice %arg4[%add3A_16, %dma_start3A] : memref<2560x128xi32, #tpu.memory_space<hbm>> -> memref<40x128xi32, #tpu.memory_space<hbm>>
      %dma_start3A_31 = arith.constant 0 : i32
      %dma_start3A_32 = tpu.memref_slice %arg4[%add3A_16, %dma_start3A_31] : memref<2560x128xi32, #tpu.memory_space<hbm>> -> memref<40x128xi32, #tpu.memory_space<hbm>>
      tpu.enqueue_dma source(%dma_start3A_32 : memref<40x128xi32, #tpu.memory_space<hbm>>) target(%arg8 : memref<40x128xi32, #tpu.memory_space<vmem>>) target_semaphore(%run_scoped3A : memref<!tpu.dma_semaphore, #tpu.memory_space<semaphore_mem>>)
      %dma_wait3A = arith.constant 0 : i32
      %dma_wait3A_33 = tpu.memref_slice %arg4[%add3A_16, %dma_wait3A] : memref<2560x128xi32, #tpu.memory_space<hbm>> -> memref<40x128xi32, #tpu.memory_space<hbm>>
      %dma_wait3A_34 = arith.constant 0 : i32
      %dma_wait3A_35 = tpu.memref_slice %arg4[%add3A_16, %dma_wait3A_34] : memref<2560x128xi32, #tpu.memory_space<hbm>> -> memref<40x128xi32, #tpu.memory_space<hbm>>
      tpu.wait_dma2 semaphore(%run_scoped3A : memref<!tpu.dma_semaphore, #tpu.memory_space<semaphore_mem>>) src(%dma_wait3A_35 : memref<40x128xi32, #tpu.memory_space<hbm>>) dst(%arg8 : memref<40x128xi32, #tpu.memory_space<vmem>>)
      tpu.yield
    }) : () -> ()
    %scan3A_17 = arith.constant 0 : i32
    %scan3A_18 = arith.constant 20 : i32
    %scan3A_19 = arith.addi %scan3A_17, %scan3A_18 : i32
    %scan3A_20 = arith.constant 1 : i32
    scf.for %scan3A_30 = %scan3A_17 to %scan3A_19 step %scan3A_20  : i32 {
      %mul3A_31 = arith.constant 1 : i32
      %mul3A_32 = arith.muli %scan3A_30, %mul3A_31 : i32
      %add3A_33 = arith.constant 0 : i32
      %add3A_34 = arith.addi %add3A_33, %mul3A_32 : i32
      %mul3A_35 = arith.constant 2 : i32
      %mul3A_36 = arith.muli %add3A_34, %mul3A_35 : i32
      %add3A_37 = arith.constant 0 : i32
      %add3A_38 = arith.addi %mul3A_36, %add3A_37 : i32
      %dma_start3A = arith.constant 0 : i32
      %dma_start3A_39 = tpu.memref_slice %arg7[%add3A_38, %dma_start3A] : memref<40x128xi32, #tpu.memory_space<vmem>> -> memref<1x128xi32, #tpu.memory_space<vmem>>
      %dma_start3A_40 = tpu.memref_squeeze %dma_start3A_39 : memref<1x128xi32, #tpu.memory_space<vmem>> -> memref<128xi32, #tpu.memory_space<vmem>>
      %dma_start3A_41 = arith.constant 0 : i32
      %dma_start3A_42 = arith.constant 0 : i32
      %dma_start3A_43 = tpu.memref_slice %arg2[%dma_start3A_41, %dma_start3A_42] : memref<10240x128xf32, #tpu.memory_space<hbm>> -> memref<10240x128xf32, #tpu.memory_space<hbm>>
      tpu.enqueue_indirect_dma source(%dma_start3A_43 : memref<10240x128xf32, #tpu.memory_space<hbm>>) target(%arg9 : memref<128x128xf32, #tpu.memory_space<vmem>>) offsets(%dma_start3A_40 : memref<128xi32, #tpu.memory_space<vmem>>) semaphore(%arg12 : memref<!tpu.dma_semaphore, #tpu.memory_space<semaphore_mem>>)
      %add3A_44 = arith.constant 1 : i32
      %add3A_45 = arith.addi %mul3A_36, %add3A_44 : i32
      %dma_start3A_46 = arith.constant 0 : i32
      %dma_start3A_47 = tpu.memref_slice %arg7[%add3A_45, %dma_start3A_46] : memref<40x128xi32, #tpu.memory_space<vmem>> -> memref<1x128xi32, #tpu.memory_space<vmem>>
      %dma_start3A_48 = tpu.memref_squeeze %dma_start3A_47 : memref<1x128xi32, #tpu.memory_space<vmem>> -> memref<128xi32, #tpu.memory_space<vmem>>
      %dma_start3A_49 = arith.constant 0 : i32
      %dma_start3A_50 = arith.constant 0 : i32
      %dma_start3A_51 = tpu.memref_slice %arg2[%dma_start3A_49, %dma_start3A_50] : memref<10240x128xf32, #tpu.memory_space<hbm>> -> memref<10240x128xf32, #tpu.memory_space<hbm>>
      tpu.enqueue_indirect_dma source(%dma_start3A_51 : memref<10240x128xf32, #tpu.memory_space<hbm>>) target(%arg10 : memref<128x128xf32, #tpu.memory_space<vmem>>) offsets(%dma_start3A_48 : memref<128xi32, #tpu.memory_space<vmem>>) semaphore(%arg13 : memref<!tpu.dma_semaphore, #tpu.memory_space<semaphore_mem>>)
      %dma_wait3A = arith.constant 0 : i32
      %dma_wait3A_52 = tpu.memref_slice %arg7[%add3A_38, %dma_wait3A] : memref<40x128xi32, #tpu.memory_space<vmem>> -> memref<1x128xi32, #tpu.memory_space<vmem>>
      %dma_wait3A_53 = tpu.memref_squeeze %dma_wait3A_52 : memref<1x128xi32, #tpu.memory_space<vmem>> -> memref<128xi32, #tpu.memory_space<vmem>>
      %dma_wait3A_54 = arith.constant 0 : i32
      %dma_wait3A_55 = arith.constant 0 : i32
      %dma_wait3A_56 = tpu.memref_slice %arg2[%dma_wait3A_54, %dma_wait3A_55] : memref<10240x128xf32, #tpu.memory_space<hbm>> -> memref<10240x128xf32, #tpu.memory_space<hbm>>
      tpu.wait_indirect_dma semaphore(%arg12 : memref<!tpu.dma_semaphore, #tpu.memory_space<semaphore_mem>>) src(%dma_wait3A_56 : memref<10240x128xf32, #tpu.memory_space<hbm>>) dst(%arg9 : memref<128x128xf32, #tpu.memory_space<vmem>>)
      %add3A_57 = arith.constant 0 : i32
      %add3A_58 = arith.addi %mul3A_36, %add3A_57 : i32
      %dma_start3A_59 = arith.constant 0 : i32
      %dma_start3A_60 = tpu.memref_slice %arg8[%add3A_58, %dma_start3A_59] : memref<40x128xi32, #tpu.memory_space<vmem>> -> memref<1x128xi32, #tpu.memory_space<vmem>>
      %dma_start3A_61 = tpu.memref_squeeze %dma_start3A_60 : memref<1x128xi32, #tpu.memory_space<vmem>> -> memref<128xi32, #tpu.memory_space<vmem>>
      %dma_start3A_62 = arith.constant 0 : i32
      %dma_start3A_63 = arith.constant 0 : i32
      %dma_start3A_64 = tpu.memref_slice %arg11[%dma_start3A_62, %dma_start3A_63] : memref<10240x128xf32, #tpu.memory_space<vmem_shared>> -> memref<10240x128xf32, #tpu.memory_space<vmem_shared>>
      tpu.enqueue_indirect_dma source(%arg9 : memref<128x128xf32, #tpu.memory_space<vmem>>) target(%dma_start3A_64 : memref<10240x128xf32, #tpu.memory_space<vmem_shared>>) offsets(%dma_start3A_61 : memref<128xi32, #tpu.memory_space<vmem>>) semaphore(%arg14 : memref<!tpu.dma_semaphore, #tpu.memory_space<semaphore_mem>>) {add = true}
      %dma_wait3A_65 = arith.constant 0 : i32
      %dma_wait3A_66 = tpu.memref_slice %arg7[%add3A_45, %dma_wait3A_65] : memref<40x128xi32, #tpu.memory_space<vmem>> -> memref<1x128xi32, #tpu.memory_space<vmem>>
      %dma_wait3A_67 = tpu.memref_squeeze %dma_wait3A_66 : memref<1x128xi32, #tpu.memory_space<vmem>> -> memref<128xi32, #tpu.memory_space<vmem>>
      %dma_wait3A_68 = arith.constant 0 : i32
      %dma_wait3A_69 = arith.constant 0 : i32
      %dma_wait3A_70 = tpu.memref_slice %arg2[%dma_wait3A_68, %dma_wait3A_69] : memref<10240x128xf32, #tpu.memory_space<hbm>> -> memref<10240x128xf32, #tpu.memory_space<hbm>>
      tpu.wait_indirect_dma semaphore(%arg13 : memref<!tpu.dma_semaphore, #tpu.memory_space<semaphore_mem>>) src(%dma_wait3A_70 : memref<10240x128xf32, #tpu.memory_space<hbm>>) dst(%arg10 : memref<128x128xf32, #tpu.memory_space<vmem>>)
      %add3A_71 = arith.constant 1 : i32
      %add3A_72 = arith.addi %mul3A_36, %add3A_71 : i32
      %dma_start3A_73 = arith.constant 0 : i32
      %dma_start3A_74 = tpu.memref_slice %arg8[%add3A_72, %dma_start3A_73] : memref<40x128xi32, #tpu.memory_space<vmem>> -> memref<1x128xi32, #tpu.memory_space<vmem>>
      %dma_start3A_75 = tpu.memref_squeeze %dma_start3A_74 : memref<1x128xi32, #tpu.memory_space<vmem>> -> memref<128xi32, #tpu.memory_space<vmem>>
      %dma_start3A_76 = arith.constant 0 : i32
      %dma_start3A_77 = arith.constant 0 : i32
      %dma_start3A_78 = tpu.memref_slice %arg11[%dma_start3A_76, %dma_start3A_77] : memref<10240x128xf32, #tpu.memory_space<vmem_shared>> -> memref<10240x128xf32, #tpu.memory_space<vmem_shared>>
      tpu.enqueue_indirect_dma source(%arg10 : memref<128x128xf32, #tpu.memory_space<vmem>>) target(%dma_start3A_78 : memref<10240x128xf32, #tpu.memory_space<vmem_shared>>) offsets(%dma_start3A_75 : memref<128xi32, #tpu.memory_space<vmem>>) semaphore(%arg15 : memref<!tpu.dma_semaphore, #tpu.memory_space<semaphore_mem>>) {add = true}
      %dma_wait3A_79 = arith.constant 0 : i32
      %dma_wait3A_80 = tpu.memref_slice %arg8[%add3A_58, %dma_wait3A_79] : memref<40x128xi32, #tpu.memory_space<vmem>> -> memref<1x128xi32, #tpu.memory_space<vmem>>
      %dma_wait3A_81 = tpu.memref_squeeze %dma_wait3A_80 : memref<1x128xi32, #tpu.memory_space<vmem>> -> memref<128xi32, #tpu.memory_space<vmem>>
      %dma_wait3A_82 = arith.constant 0 : i32
      %dma_wait3A_83 = arith.constant 0 : i32
      %dma_wait3A_84 = tpu.memref_slice %arg11[%dma_wait3A_82, %dma_wait3A_83] : memref<10240x128xf32, #tpu.memory_space<vmem_shared>> -> memref<10240x128xf32, #tpu.memory_space<vmem_shared>>
      tpu.wait_indirect_dma semaphore(%arg14 : memref<!tpu.dma_semaphore, #tpu.memory_space<semaphore_mem>>) src(%arg9 : memref<128x128xf32, #tpu.memory_space<vmem>>) dst(%dma_wait3A_84 : memref<10240x128xf32, #tpu.memory_space<vmem_shared>>)
      %dma_wait3A_85 = arith.constant 0 : i32
      %dma_wait3A_86 = tpu.memref_slice %arg8[%add3A_72, %dma_wait3A_85] : memref<40x128xi32, #tpu.memory_space<vmem>> -> memref<1x128xi32, #tpu.memory_space<vmem>>
      %dma_wait3A_87 = tpu.memref_squeeze %dma_wait3A_86 : memref<1x128xi32, #tpu.memory_space<vmem>> -> memref<128xi32, #tpu.memory_space<vmem>>
      %dma_wait3A_88 = arith.constant 0 : i32
      %dma_wait3A_89 = arith.constant 0 : i32
      %dma_wait3A_90 = tpu.memref_slice %arg11[%dma_wait3A_88, %dma_wait3A_89] : memref<10240x128xf32, #tpu.memory_space<vmem_shared>> -> memref<10240x128xf32, #tpu.memory_space<vmem_shared>>
      tpu.wait_indirect_dma semaphore(%arg15 : memref<!tpu.dma_semaphore, #tpu.memory_space<semaphore_mem>>) src(%arg10 : memref<128x128xf32, #tpu.memory_space<vmem>>) dst(%dma_wait3A_90 : memref<10240x128xf32, #tpu.memory_space<vmem_shared>>)
    }
    %scan3A_21 = arith.constant 20 : i32
    %barrier3A_22 = arith.constant 0 : index
    tpu.barrier barrier_id(%barrier3A_22)
    %mul3A_23 = arith.constant 10240 : i32
    %mul3A_24 = arith.muli %arg0, %mul3A_23 : i32
    "tpu.region"() ({
      %run_scoped3A = tpu.sem_alloc : memref<!tpu.dma_semaphore, #tpu.memory_space<semaphore_mem>>
      %dma_start3A = arith.constant 0 : i32
      %dma_start3A_30 = tpu.memref_slice %arg6[%mul3A_24, %dma_start3A] : memref<20480x128xf32, #tpu.memory_space<hbm>> -> memref<10240x128xf32, #tpu.memory_space<hbm>>
      %dma_start3A_31 = arith.constant 0 : i32
      %dma_start3A_32 = tpu.memref_slice %dma_start3A_30[%mul3A_2, %dma_start3A_31] : memref<10240x128xf32, #tpu.memory_space<hbm>> -> memref<624x128xf32, #tpu.memory_space<hbm>>
      %dma_start3A_33 = arith.constant 0 : i32
      %dma_start3A_34 = tpu.memref_slice %arg11[%mul3A_2, %dma_start3A_33] : memref<10240x128xf32, #tpu.memory_space<vmem_shared>> -> memref<624x128xf32, #tpu.memory_space<vmem_shared>>
      tpu.enqueue_dma source(%dma_start3A_34 : memref<624x128xf32, #tpu.memory_space<vmem_shared>>) target(%dma_start3A_32 : memref<624x128xf32, #tpu.memory_space<hbm>>) target_semaphore(%run_scoped3A : memref<!tpu.dma_semaphore, #tpu.memory_space<semaphore_mem>>)
      %dma_wait3A = arith.constant 0 : i32
      %dma_wait3A_35 = tpu.memref_slice %arg6[%mul3A_24, %dma_wait3A] : memref<20480x128xf32, #tpu.memory_space<hbm>> -> memref<10240x128xf32, #tpu.memory_space<hbm>>
      %dma_wait3A_36 = arith.constant 0 : i32
      %dma_wait3A_37 = tpu.memref_slice %dma_wait3A_35[%mul3A_2, %dma_wait3A_36] : memref<10240x128xf32, #tpu.memory_space<hbm>> -> memref<624x128xf32, #tpu.memory_space<hbm>>
      %dma_wait3A_38 = arith.constant 0 : i32
      %dma_wait3A_39 = tpu.memref_slice %arg11[%mul3A_2, %dma_wait3A_38] : memref<10240x128xf32, #tpu.memory_space<vmem_shared>> -> memref<624x128xf32, #tpu.memory_space<vmem_shared>>
      tpu.wait_dma2 semaphore(%run_scoped3A : memref<!tpu.dma_semaphore, #tpu.memory_space<semaphore_mem>>) src(%dma_wait3A_39 : memref<624x128xf32, #tpu.memory_space<vmem_shared>>) dst(%dma_wait3A_37 : memref<624x128xf32, #tpu.memory_space<hbm>>)
      tpu.yield
    }) : () -> ()
    %eq3A_25 = arith.constant 15 : i32
    %eq3A_26 = arith.cmpi eq, %arg1, %eq3A_25 : i32
    %convert_element_type3A_27 = arith.extui %eq3A_26 : i1 to i32
    %cond3A_28 = arith.constant 0 : i32
    %cond3A_29 = arith.cmpi ne, %convert_element_type3A_27, %cond3A_28 : i32
    scf.if %cond3A_29 {
      "tpu.region"() ({
        %run_scoped3A = tpu.sem_alloc : memref<!tpu.dma_semaphore, #tpu.memory_space<semaphore_mem>>
        %dma_start3A = arith.constant 0 : i32
        %dma_start3A_30 = tpu.memref_slice %arg6[%mul3A_24, %dma_start3A] : memref<20480x128xf32, #tpu.memory_space<hbm>> -> memref<10240x128xf32, #tpu.memory_space<hbm>>
        %dma_start3A_31 = arith.constant 9984 : i32
        %dma_start3A_32 = arith.constant 0 : i32
        %dma_start3A_33 = tpu.memref_slice %dma_start3A_30[%dma_start3A_31, %dma_start3A_32] : memref<10240x128xf32, #tpu.memory_space<hbm>> -> memref<256x128xf32, #tpu.memory_space<hbm>>
        %dma_start3A_34 = arith.constant 9984 : i32
        %dma_start3A_35 = arith.constant 0 : i32
        %dma_start3A_36 = tpu.memref_slice %arg11[%dma_start3A_34, %dma_start3A_35] : memref<10240x128xf32, #tpu.memory_space<vmem_shared>> -> memref<256x128xf32, #tpu.memory_space<vmem_shared>>
        tpu.enqueue_dma source(%dma_start3A_36 : memref<256x128xf32, #tpu.memory_space<vmem_shared>>) target(%dma_start3A_33 : memref<256x128xf32, #tpu.memory_space<hbm>>) target_semaphore(%run_scoped3A : memref<!tpu.dma_semaphore, #tpu.memory_space<semaphore_mem>>)
        %dma_wait3A = arith.constant 0 : i32
        %dma_wait3A_37 = tpu.memref_slice %arg6[%mul3A_24, %dma_wait3A] : memref<20480x128xf32, #tpu.memory_space<hbm>> -> memref<10240x128xf32, #tpu.memory_space<hbm>>
        %dma_wait3A_38 = arith.constant 9984 : i32
        %dma_wait3A_39 = arith.constant 0 : i32
        %dma_wait3A_40 = tpu.memref_slice %dma_wait3A_37[%dma_wait3A_38, %dma_wait3A_39] : memref<10240x128xf32, #tpu.memory_space<hbm>> -> memref<256x128xf32, #tpu.memory_space<hbm>>
        %dma_wait3A_41 = arith.constant 9984 : i32
        %dma_wait3A_42 = arith.constant 0 : i32
        %dma_wait3A_43 = tpu.memref_slice %arg11[%dma_wait3A_41, %dma_wait3A_42] : memref<10240x128xf32, #tpu.memory_space<vmem_shared>> -> memref<256x128xf32, #tpu.memory_space<vmem_shared>>
        tpu.wait_dma2 semaphore(%run_scoped3A : memref<!tpu.dma_semaphore, #tpu.memory_space<semaphore_mem>>) src(%dma_wait3A_43 : memref<256x128xf32, #tpu.memory_space<vmem_shared>>) dst(%dma_wait3A_40 : memref<256x128xf32, #tpu.memory_space<hbm>>)
        tpu.yield
      }) : () -> ()
    } else {
    }
    return
  }
}

#map = affine_map<(d0, d1) -> (0, 0)>
module attributes {stable_mosaic.version = 14 : i64} {
  func.func @agg(%arg0: i32, %arg1: i32, %arg2: memref<10240x64xf32, #tpu.memory_space<hbm>>, %arg3: memref<2560x128xi32, #tpu.memory_space<hbm>>, %arg4: memref<2560x128xi32, #tpu.memory_space<hbm>>, %arg5: memref<624x64xf32, #tpu.memory_space<hbm>>, %arg6: memref<20480x64xf32, #tpu.memory_space<hbm>>, %arg7: memref<40x128xi32, #tpu.memory_space<vmem>>, %arg8: memref<40x128xi32, #tpu.memory_space<vmem>>, %arg9: memref<128x64xf32, #tpu.memory_space<vmem>>, %arg10: memref<128x64xf32, #tpu.memory_space<vmem>>, %arg11: memref<128x64xf32, #tpu.memory_space<vmem>>, %arg12: memref<128x64xf32, #tpu.memory_space<vmem>>, %arg13: memref<10240x64xf32, #tpu.memory_space<vmem_shared>>, %arg14: memref<!tpu.dma_semaphore, #tpu.memory_space<semaphore_mem>>, %arg15: memref<!tpu.dma_semaphore, #tpu.memory_space<semaphore_mem>>, %arg16: memref<!tpu.dma_semaphore, #tpu.memory_space<semaphore_mem>>, %arg17: memref<!tpu.dma_semaphore, #tpu.memory_space<semaphore_mem>>, %arg18: memref<!tpu.dma_semaphore, #tpu.memory_space<semaphore_mem>>, %arg19: memref<!tpu.dma_semaphore, #tpu.memory_space<semaphore_mem>>, %arg20: memref<!tpu.dma_semaphore, #tpu.memory_space<semaphore_mem>>, %arg21: memref<!tpu.dma_semaphore, #tpu.memory_space<semaphore_mem>>) attributes {dimension_semantics = [#tpu.dimension_semantics<core_parallel>, #tpu.dimension_semantics<subcore_parallel>], iteration_bounds = array<i64: 2, 16>, scalar_prefetch = 0 : i64, scratch_operands = 15 : i64, tpu.core_type = #tpu.core_type<sc_vector_subcore>, window_params = [{transform_indices = #map}, {transform_indices = #map}, {transform_indices = #map}, {transform_indices = #map}, {transform_indices = #map}]} {
    %mul3A = arith.constant 16 : i32
    %mul3A_0 = arith.muli %arg0, %mul3A : i32
    %add3A = arith.addi %mul3A_0, %arg1 : i32
    %mul3A_1 = arith.constant 624 : i32
    %mul3A_2 = arith.muli %arg1, %mul3A_1 : i32
    "tpu.region"() ({
      %run_scoped3A = tpu.sem_alloc : memref<!tpu.dma_semaphore, #tpu.memory_space<semaphore_mem>>
      %dma_start3A = arith.constant 0 : i32
      %dma_start3A_30 = tpu.memref_slice %arg13[%mul3A_2, %dma_start3A] : memref<10240x64xf32, #tpu.memory_space<vmem_shared>> -> memref<624x64xf32, #tpu.memory_space<vmem_shared>>
      tpu.enqueue_dma source(%arg5 : memref<624x64xf32, #tpu.memory_space<hbm>>) target(%dma_start3A_30 : memref<624x64xf32, #tpu.memory_space<vmem_shared>>) target_semaphore(%run_scoped3A : memref<!tpu.dma_semaphore, #tpu.memory_space<semaphore_mem>>)
      %dma_wait3A = arith.constant 0 : i32
      %dma_wait3A_31 = tpu.memref_slice %arg13[%mul3A_2, %dma_wait3A] : memref<10240x64xf32, #tpu.memory_space<vmem_shared>> -> memref<624x64xf32, #tpu.memory_space<vmem_shared>>
      tpu.wait_dma2 semaphore(%run_scoped3A : memref<!tpu.dma_semaphore, #tpu.memory_space<semaphore_mem>>) src(%arg5 : memref<624x64xf32, #tpu.memory_space<hbm>>) dst(%dma_wait3A_31 : memref<624x64xf32, #tpu.memory_space<vmem_shared>>)
      tpu.yield
    }) : () -> ()
    %eq3A = arith.constant 15 : i32
    %eq3A_3 = arith.cmpi eq, %arg1, %eq3A : i32
    %convert_element_type3A = arith.extui %eq3A_3 : i1 to i32
    %cond3A = arith.constant 0 : i32
    %cond3A_4 = arith.cmpi ne, %convert_element_type3A, %cond3A : i32
    scf.if %cond3A_4 {
      "tpu.region"() ({
        %run_scoped3A = tpu.sem_alloc : memref<!tpu.dma_semaphore, #tpu.memory_space<semaphore_mem>>
        %dma_start3A = arith.constant 9984 : i32
        %dma_start3A_30 = arith.constant 0 : i32
        %dma_start3A_31 = tpu.memref_slice %arg13[%dma_start3A, %dma_start3A_30] : memref<10240x64xf32, #tpu.memory_space<vmem_shared>> -> memref<256x64xf32, #tpu.memory_space<vmem_shared>>
        %dma_start3A_32 = arith.constant 0 : i32
        %dma_start3A_33 = arith.constant 0 : i32
        %dma_start3A_34 = tpu.memref_slice %arg5[%dma_start3A_32, %dma_start3A_33] : memref<624x64xf32, #tpu.memory_space<hbm>> -> memref<256x64xf32, #tpu.memory_space<hbm>>
        tpu.enqueue_dma source(%dma_start3A_34 : memref<256x64xf32, #tpu.memory_space<hbm>>) target(%dma_start3A_31 : memref<256x64xf32, #tpu.memory_space<vmem_shared>>) target_semaphore(%run_scoped3A : memref<!tpu.dma_semaphore, #tpu.memory_space<semaphore_mem>>)
        %dma_wait3A = arith.constant 9984 : i32
        %dma_wait3A_35 = arith.constant 0 : i32
        %dma_wait3A_36 = tpu.memref_slice %arg13[%dma_wait3A, %dma_wait3A_35] : memref<10240x64xf32, #tpu.memory_space<vmem_shared>> -> memref<256x64xf32, #tpu.memory_space<vmem_shared>>
        %dma_wait3A_37 = arith.constant 0 : i32
        %dma_wait3A_38 = arith.constant 0 : i32
        %dma_wait3A_39 = tpu.memref_slice %arg5[%dma_wait3A_37, %dma_wait3A_38] : memref<624x64xf32, #tpu.memory_space<hbm>> -> memref<256x64xf32, #tpu.memory_space<hbm>>
        tpu.wait_dma2 semaphore(%run_scoped3A : memref<!tpu.dma_semaphore, #tpu.memory_space<semaphore_mem>>) src(%dma_wait3A_39 : memref<256x64xf32, #tpu.memory_space<hbm>>) dst(%dma_wait3A_36 : memref<256x64xf32, #tpu.memory_space<vmem_shared>>)
        tpu.yield
      }) : () -> ()
    } else {
    }
    %barrier3A = arith.constant 0 : index
    tpu.barrier barrier_id(%barrier3A)
    %mul3A_5 = arith.constant 80 : i32
    %mul3A_6 = arith.muli %add3A, %mul3A_5 : i32
    %add3A_7 = arith.constant 0 : i32
    %add3A_8 = arith.addi %mul3A_6, %add3A_7 : i32
    "tpu.region"() ({
      %run_scoped3A = tpu.sem_alloc : memref<!tpu.dma_semaphore, #tpu.memory_space<semaphore_mem>>
      %dma_start3A = arith.constant 0 : i32
      %dma_start3A_30 = tpu.memref_slice %arg3[%add3A_8, %dma_start3A] : memref<2560x128xi32, #tpu.memory_space<hbm>> -> memref<40x128xi32, #tpu.memory_space<hbm>>
      %dma_start3A_31 = arith.constant 0 : i32
      %dma_start3A_32 = tpu.memref_slice %arg3[%add3A_8, %dma_start3A_31] : memref<2560x128xi32, #tpu.memory_space<hbm>> -> memref<40x128xi32, #tpu.memory_space<hbm>>
      tpu.enqueue_dma source(%dma_start3A_32 : memref<40x128xi32, #tpu.memory_space<hbm>>) target(%arg7 : memref<40x128xi32, #tpu.memory_space<vmem>>) target_semaphore(%run_scoped3A : memref<!tpu.dma_semaphore, #tpu.memory_space<semaphore_mem>>)
      %dma_wait3A = arith.constant 0 : i32
      %dma_wait3A_33 = tpu.memref_slice %arg3[%add3A_8, %dma_wait3A] : memref<2560x128xi32, #tpu.memory_space<hbm>> -> memref<40x128xi32, #tpu.memory_space<hbm>>
      %dma_wait3A_34 = arith.constant 0 : i32
      %dma_wait3A_35 = tpu.memref_slice %arg3[%add3A_8, %dma_wait3A_34] : memref<2560x128xi32, #tpu.memory_space<hbm>> -> memref<40x128xi32, #tpu.memory_space<hbm>>
      tpu.wait_dma2 semaphore(%run_scoped3A : memref<!tpu.dma_semaphore, #tpu.memory_space<semaphore_mem>>) src(%dma_wait3A_35 : memref<40x128xi32, #tpu.memory_space<hbm>>) dst(%arg7 : memref<40x128xi32, #tpu.memory_space<vmem>>)
      tpu.yield
    }) : () -> ()
    "tpu.region"() ({
      %run_scoped3A = tpu.sem_alloc : memref<!tpu.dma_semaphore, #tpu.memory_space<semaphore_mem>>
      %dma_start3A = arith.constant 0 : i32
      %dma_start3A_30 = tpu.memref_slice %arg4[%add3A_8, %dma_start3A] : memref<2560x128xi32, #tpu.memory_space<hbm>> -> memref<40x128xi32, #tpu.memory_space<hbm>>
      %dma_start3A_31 = arith.constant 0 : i32
      %dma_start3A_32 = tpu.memref_slice %arg4[%add3A_8, %dma_start3A_31] : memref<2560x128xi32, #tpu.memory_space<hbm>> -> memref<40x128xi32, #tpu.memory_space<hbm>>
      tpu.enqueue_dma source(%dma_start3A_32 : memref<40x128xi32, #tpu.memory_space<hbm>>) target(%arg8 : memref<40x128xi32, #tpu.memory_space<vmem>>) target_semaphore(%run_scoped3A : memref<!tpu.dma_semaphore, #tpu.memory_space<semaphore_mem>>)
      %dma_wait3A = arith.constant 0 : i32
      %dma_wait3A_33 = tpu.memref_slice %arg4[%add3A_8, %dma_wait3A] : memref<2560x128xi32, #tpu.memory_space<hbm>> -> memref<40x128xi32, #tpu.memory_space<hbm>>
      %dma_wait3A_34 = arith.constant 0 : i32
      %dma_wait3A_35 = tpu.memref_slice %arg4[%add3A_8, %dma_wait3A_34] : memref<2560x128xi32, #tpu.memory_space<hbm>> -> memref<40x128xi32, #tpu.memory_space<hbm>>
      tpu.wait_dma2 semaphore(%run_scoped3A : memref<!tpu.dma_semaphore, #tpu.memory_space<semaphore_mem>>) src(%dma_wait3A_35 : memref<40x128xi32, #tpu.memory_space<hbm>>) dst(%arg8 : memref<40x128xi32, #tpu.memory_space<vmem>>)
      tpu.yield
    }) : () -> ()
    %scan3A = arith.constant 0 : i32
    %scan3A_9 = arith.constant 10 : i32
    %scan3A_10 = arith.addi %scan3A, %scan3A_9 : i32
    %scan3A_11 = arith.constant 1 : i32
    scf.for %scan3A_30 = %scan3A to %scan3A_10 step %scan3A_11  : i32 {
      %mul3A_31 = arith.constant 1 : i32
      %mul3A_32 = arith.muli %scan3A_30, %mul3A_31 : i32
      %add3A_33 = arith.constant 0 : i32
      %add3A_34 = arith.addi %add3A_33, %mul3A_32 : i32
      %mul3A_35 = arith.constant 4 : i32
      %mul3A_36 = arith.muli %add3A_34, %mul3A_35 : i32
      %add3A_37 = arith.constant 0 : i32
      %add3A_38 = arith.addi %mul3A_36, %add3A_37 : i32
      %dma_start3A = arith.constant 0 : i32
      %dma_start3A_39 = tpu.memref_slice %arg7[%add3A_38, %dma_start3A] : memref<40x128xi32, #tpu.memory_space<vmem>> -> memref<1x128xi32, #tpu.memory_space<vmem>>
      %dma_start3A_40 = tpu.memref_squeeze %dma_start3A_39 : memref<1x128xi32, #tpu.memory_space<vmem>> -> memref<128xi32, #tpu.memory_space<vmem>>
      %dma_start3A_41 = arith.constant 0 : i32
      %dma_start3A_42 = arith.constant 0 : i32
      %dma_start3A_43 = tpu.memref_slice %arg2[%dma_start3A_41, %dma_start3A_42] : memref<10240x64xf32, #tpu.memory_space<hbm>> -> memref<10240x64xf32, #tpu.memory_space<hbm>>
      tpu.enqueue_indirect_dma source(%dma_start3A_43 : memref<10240x64xf32, #tpu.memory_space<hbm>>) target(%arg9 : memref<128x64xf32, #tpu.memory_space<vmem>>) offsets(%dma_start3A_40 : memref<128xi32, #tpu.memory_space<vmem>>) semaphore(%arg14 : memref<!tpu.dma_semaphore, #tpu.memory_space<semaphore_mem>>)
      %add3A_44 = arith.constant 1 : i32
      %add3A_45 = arith.addi %mul3A_36, %add3A_44 : i32
      %dma_start3A_46 = arith.constant 0 : i32
      %dma_start3A_47 = tpu.memref_slice %arg7[%add3A_45, %dma_start3A_46] : memref<40x128xi32, #tpu.memory_space<vmem>> -> memref<1x128xi32, #tpu.memory_space<vmem>>
      %dma_start3A_48 = tpu.memref_squeeze %dma_start3A_47 : memref<1x128xi32, #tpu.memory_space<vmem>> -> memref<128xi32, #tpu.memory_space<vmem>>
      %dma_start3A_49 = arith.constant 0 : i32
      %dma_start3A_50 = arith.constant 0 : i32
      %dma_start3A_51 = tpu.memref_slice %arg2[%dma_start3A_49, %dma_start3A_50] : memref<10240x64xf32, #tpu.memory_space<hbm>> -> memref<10240x64xf32, #tpu.memory_space<hbm>>
      tpu.enqueue_indirect_dma source(%dma_start3A_51 : memref<10240x64xf32, #tpu.memory_space<hbm>>) target(%arg10 : memref<128x64xf32, #tpu.memory_space<vmem>>) offsets(%dma_start3A_48 : memref<128xi32, #tpu.memory_space<vmem>>) semaphore(%arg15 : memref<!tpu.dma_semaphore, #tpu.memory_space<semaphore_mem>>)
      %add3A_52 = arith.constant 2 : i32
      %add3A_53 = arith.addi %mul3A_36, %add3A_52 : i32
      %dma_start3A_54 = arith.constant 0 : i32
      %dma_start3A_55 = tpu.memref_slice %arg7[%add3A_53, %dma_start3A_54] : memref<40x128xi32, #tpu.memory_space<vmem>> -> memref<1x128xi32, #tpu.memory_space<vmem>>
      %dma_start3A_56 = tpu.memref_squeeze %dma_start3A_55 : memref<1x128xi32, #tpu.memory_space<vmem>> -> memref<128xi32, #tpu.memory_space<vmem>>
      %dma_start3A_57 = arith.constant 0 : i32
      %dma_start3A_58 = arith.constant 0 : i32
      %dma_start3A_59 = tpu.memref_slice %arg2[%dma_start3A_57, %dma_start3A_58] : memref<10240x64xf32, #tpu.memory_space<hbm>> -> memref<10240x64xf32, #tpu.memory_space<hbm>>
      tpu.enqueue_indirect_dma source(%dma_start3A_59 : memref<10240x64xf32, #tpu.memory_space<hbm>>) target(%arg11 : memref<128x64xf32, #tpu.memory_space<vmem>>) offsets(%dma_start3A_56 : memref<128xi32, #tpu.memory_space<vmem>>) semaphore(%arg16 : memref<!tpu.dma_semaphore, #tpu.memory_space<semaphore_mem>>)
      %add3A_60 = arith.constant 3 : i32
      %add3A_61 = arith.addi %mul3A_36, %add3A_60 : i32
      %dma_start3A_62 = arith.constant 0 : i32
      %dma_start3A_63 = tpu.memref_slice %arg7[%add3A_61, %dma_start3A_62] : memref<40x128xi32, #tpu.memory_space<vmem>> -> memref<1x128xi32, #tpu.memory_space<vmem>>
      %dma_start3A_64 = tpu.memref_squeeze %dma_start3A_63 : memref<1x128xi32, #tpu.memory_space<vmem>> -> memref<128xi32, #tpu.memory_space<vmem>>
      %dma_start3A_65 = arith.constant 0 : i32
      %dma_start3A_66 = arith.constant 0 : i32
      %dma_start3A_67 = tpu.memref_slice %arg2[%dma_start3A_65, %dma_start3A_66] : memref<10240x64xf32, #tpu.memory_space<hbm>> -> memref<10240x64xf32, #tpu.memory_space<hbm>>
      tpu.enqueue_indirect_dma source(%dma_start3A_67 : memref<10240x64xf32, #tpu.memory_space<hbm>>) target(%arg12 : memref<128x64xf32, #tpu.memory_space<vmem>>) offsets(%dma_start3A_64 : memref<128xi32, #tpu.memory_space<vmem>>) semaphore(%arg17 : memref<!tpu.dma_semaphore, #tpu.memory_space<semaphore_mem>>)
      %dma_wait3A = arith.constant 0 : i32
      %dma_wait3A_68 = tpu.memref_slice %arg7[%add3A_38, %dma_wait3A] : memref<40x128xi32, #tpu.memory_space<vmem>> -> memref<1x128xi32, #tpu.memory_space<vmem>>
      %dma_wait3A_69 = tpu.memref_squeeze %dma_wait3A_68 : memref<1x128xi32, #tpu.memory_space<vmem>> -> memref<128xi32, #tpu.memory_space<vmem>>
      %dma_wait3A_70 = arith.constant 0 : i32
      %dma_wait3A_71 = arith.constant 0 : i32
      %dma_wait3A_72 = tpu.memref_slice %arg2[%dma_wait3A_70, %dma_wait3A_71] : memref<10240x64xf32, #tpu.memory_space<hbm>> -> memref<10240x64xf32, #tpu.memory_space<hbm>>
      tpu.wait_indirect_dma semaphore(%arg14 : memref<!tpu.dma_semaphore, #tpu.memory_space<semaphore_mem>>) src(%dma_wait3A_72 : memref<10240x64xf32, #tpu.memory_space<hbm>>) dst(%arg9 : memref<128x64xf32, #tpu.memory_space<vmem>>)
      %add3A_73 = arith.constant 0 : i32
      %add3A_74 = arith.addi %mul3A_36, %add3A_73 : i32
      %dma_start3A_75 = arith.constant 0 : i32
      %dma_start3A_76 = tpu.memref_slice %arg8[%add3A_74, %dma_start3A_75] : memref<40x128xi32, #tpu.memory_space<vmem>> -> memref<1x128xi32, #tpu.memory_space<vmem>>
      %dma_start3A_77 = tpu.memref_squeeze %dma_start3A_76 : memref<1x128xi32, #tpu.memory_space<vmem>> -> memref<128xi32, #tpu.memory_space<vmem>>
      %dma_start3A_78 = arith.constant 0 : i32
      %dma_start3A_79 = arith.constant 0 : i32
      %dma_start3A_80 = tpu.memref_slice %arg13[%dma_start3A_78, %dma_start3A_79] : memref<10240x64xf32, #tpu.memory_space<vmem_shared>> -> memref<10240x64xf32, #tpu.memory_space<vmem_shared>>
      tpu.enqueue_indirect_dma source(%arg9 : memref<128x64xf32, #tpu.memory_space<vmem>>) target(%dma_start3A_80 : memref<10240x64xf32, #tpu.memory_space<vmem_shared>>) offsets(%dma_start3A_77 : memref<128xi32, #tpu.memory_space<vmem>>) semaphore(%arg18 : memref<!tpu.dma_semaphore, #tpu.memory_space<semaphore_mem>>) {add = true}
      %dma_wait3A_81 = arith.constant 0 : i32
      %dma_wait3A_82 = tpu.memref_slice %arg7[%add3A_45, %dma_wait3A_81] : memref<40x128xi32, #tpu.memory_space<vmem>> -> memref<1x128xi32, #tpu.memory_space<vmem>>
      %dma_wait3A_83 = tpu.memref_squeeze %dma_wait3A_82 : memref<1x128xi32, #tpu.memory_space<vmem>> -> memref<128xi32, #tpu.memory_space<vmem>>
      %dma_wait3A_84 = arith.constant 0 : i32
      %dma_wait3A_85 = arith.constant 0 : i32
      %dma_wait3A_86 = tpu.memref_slice %arg2[%dma_wait3A_84, %dma_wait3A_85] : memref<10240x64xf32, #tpu.memory_space<hbm>> -> memref<10240x64xf32, #tpu.memory_space<hbm>>
      tpu.wait_indirect_dma semaphore(%arg15 : memref<!tpu.dma_semaphore, #tpu.memory_space<semaphore_mem>>) src(%dma_wait3A_86 : memref<10240x64xf32, #tpu.memory_space<hbm>>) dst(%arg10 : memref<128x64xf32, #tpu.memory_space<vmem>>)
      %add3A_87 = arith.constant 1 : i32
      %add3A_88 = arith.addi %mul3A_36, %add3A_87 : i32
      %dma_start3A_89 = arith.constant 0 : i32
      %dma_start3A_90 = tpu.memref_slice %arg8[%add3A_88, %dma_start3A_89] : memref<40x128xi32, #tpu.memory_space<vmem>> -> memref<1x128xi32, #tpu.memory_space<vmem>>
      %dma_start3A_91 = tpu.memref_squeeze %dma_start3A_90 : memref<1x128xi32, #tpu.memory_space<vmem>> -> memref<128xi32, #tpu.memory_space<vmem>>
      %dma_start3A_92 = arith.constant 0 : i32
      %dma_start3A_93 = arith.constant 0 : i32
      %dma_start3A_94 = tpu.memref_slice %arg13[%dma_start3A_92, %dma_start3A_93] : memref<10240x64xf32, #tpu.memory_space<vmem_shared>> -> memref<10240x64xf32, #tpu.memory_space<vmem_shared>>
      tpu.enqueue_indirect_dma source(%arg10 : memref<128x64xf32, #tpu.memory_space<vmem>>) target(%dma_start3A_94 : memref<10240x64xf32, #tpu.memory_space<vmem_shared>>) offsets(%dma_start3A_91 : memref<128xi32, #tpu.memory_space<vmem>>) semaphore(%arg19 : memref<!tpu.dma_semaphore, #tpu.memory_space<semaphore_mem>>) {add = true}
      %dma_wait3A_95 = arith.constant 0 : i32
      %dma_wait3A_96 = tpu.memref_slice %arg7[%add3A_53, %dma_wait3A_95] : memref<40x128xi32, #tpu.memory_space<vmem>> -> memref<1x128xi32, #tpu.memory_space<vmem>>
      %dma_wait3A_97 = tpu.memref_squeeze %dma_wait3A_96 : memref<1x128xi32, #tpu.memory_space<vmem>> -> memref<128xi32, #tpu.memory_space<vmem>>
      %dma_wait3A_98 = arith.constant 0 : i32
      %dma_wait3A_99 = arith.constant 0 : i32
      %dma_wait3A_100 = tpu.memref_slice %arg2[%dma_wait3A_98, %dma_wait3A_99] : memref<10240x64xf32, #tpu.memory_space<hbm>> -> memref<10240x64xf32, #tpu.memory_space<hbm>>
      tpu.wait_indirect_dma semaphore(%arg16 : memref<!tpu.dma_semaphore, #tpu.memory_space<semaphore_mem>>) src(%dma_wait3A_100 : memref<10240x64xf32, #tpu.memory_space<hbm>>) dst(%arg11 : memref<128x64xf32, #tpu.memory_space<vmem>>)
      %add3A_101 = arith.constant 2 : i32
      %add3A_102 = arith.addi %mul3A_36, %add3A_101 : i32
      %dma_start3A_103 = arith.constant 0 : i32
      %dma_start3A_104 = tpu.memref_slice %arg8[%add3A_102, %dma_start3A_103] : memref<40x128xi32, #tpu.memory_space<vmem>> -> memref<1x128xi32, #tpu.memory_space<vmem>>
      %dma_start3A_105 = tpu.memref_squeeze %dma_start3A_104 : memref<1x128xi32, #tpu.memory_space<vmem>> -> memref<128xi32, #tpu.memory_space<vmem>>
      %dma_start3A_106 = arith.constant 0 : i32
      %dma_start3A_107 = arith.constant 0 : i32
      %dma_start3A_108 = tpu.memref_slice %arg13[%dma_start3A_106, %dma_start3A_107] : memref<10240x64xf32, #tpu.memory_space<vmem_shared>> -> memref<10240x64xf32, #tpu.memory_space<vmem_shared>>
      tpu.enqueue_indirect_dma source(%arg11 : memref<128x64xf32, #tpu.memory_space<vmem>>) target(%dma_start3A_108 : memref<10240x64xf32, #tpu.memory_space<vmem_shared>>) offsets(%dma_start3A_105 : memref<128xi32, #tpu.memory_space<vmem>>) semaphore(%arg20 : memref<!tpu.dma_semaphore, #tpu.memory_space<semaphore_mem>>) {add = true}
      %dma_wait3A_109 = arith.constant 0 : i32
      %dma_wait3A_110 = tpu.memref_slice %arg7[%add3A_61, %dma_wait3A_109] : memref<40x128xi32, #tpu.memory_space<vmem>> -> memref<1x128xi32, #tpu.memory_space<vmem>>
      %dma_wait3A_111 = tpu.memref_squeeze %dma_wait3A_110 : memref<1x128xi32, #tpu.memory_space<vmem>> -> memref<128xi32, #tpu.memory_space<vmem>>
      %dma_wait3A_112 = arith.constant 0 : i32
      %dma_wait3A_113 = arith.constant 0 : i32
      %dma_wait3A_114 = tpu.memref_slice %arg2[%dma_wait3A_112, %dma_wait3A_113] : memref<10240x64xf32, #tpu.memory_space<hbm>> -> memref<10240x64xf32, #tpu.memory_space<hbm>>
      tpu.wait_indirect_dma semaphore(%arg17 : memref<!tpu.dma_semaphore, #tpu.memory_space<semaphore_mem>>) src(%dma_wait3A_114 : memref<10240x64xf32, #tpu.memory_space<hbm>>) dst(%arg12 : memref<128x64xf32, #tpu.memory_space<vmem>>)
      %add3A_115 = arith.constant 3 : i32
      %add3A_116 = arith.addi %mul3A_36, %add3A_115 : i32
      %dma_start3A_117 = arith.constant 0 : i32
      %dma_start3A_118 = tpu.memref_slice %arg8[%add3A_116, %dma_start3A_117] : memref<40x128xi32, #tpu.memory_space<vmem>> -> memref<1x128xi32, #tpu.memory_space<vmem>>
      %dma_start3A_119 = tpu.memref_squeeze %dma_start3A_118 : memref<1x128xi32, #tpu.memory_space<vmem>> -> memref<128xi32, #tpu.memory_space<vmem>>
      %dma_start3A_120 = arith.constant 0 : i32
      %dma_start3A_121 = arith.constant 0 : i32
      %dma_start3A_122 = tpu.memref_slice %arg13[%dma_start3A_120, %dma_start3A_121] : memref<10240x64xf32, #tpu.memory_space<vmem_shared>> -> memref<10240x64xf32, #tpu.memory_space<vmem_shared>>
      tpu.enqueue_indirect_dma source(%arg12 : memref<128x64xf32, #tpu.memory_space<vmem>>) target(%dma_start3A_122 : memref<10240x64xf32, #tpu.memory_space<vmem_shared>>) offsets(%dma_start3A_119 : memref<128xi32, #tpu.memory_space<vmem>>) semaphore(%arg21 : memref<!tpu.dma_semaphore, #tpu.memory_space<semaphore_mem>>) {add = true}
      %dma_wait3A_123 = arith.constant 0 : i32
      %dma_wait3A_124 = tpu.memref_slice %arg8[%add3A_74, %dma_wait3A_123] : memref<40x128xi32, #tpu.memory_space<vmem>> -> memref<1x128xi32, #tpu.memory_space<vmem>>
      %dma_wait3A_125 = tpu.memref_squeeze %dma_wait3A_124 : memref<1x128xi32, #tpu.memory_space<vmem>> -> memref<128xi32, #tpu.memory_space<vmem>>
      %dma_wait3A_126 = arith.constant 0 : i32
      %dma_wait3A_127 = arith.constant 0 : i32
      %dma_wait3A_128 = tpu.memref_slice %arg13[%dma_wait3A_126, %dma_wait3A_127] : memref<10240x64xf32, #tpu.memory_space<vmem_shared>> -> memref<10240x64xf32, #tpu.memory_space<vmem_shared>>
      tpu.wait_indirect_dma semaphore(%arg18 : memref<!tpu.dma_semaphore, #tpu.memory_space<semaphore_mem>>) src(%arg9 : memref<128x64xf32, #tpu.memory_space<vmem>>) dst(%dma_wait3A_128 : memref<10240x64xf32, #tpu.memory_space<vmem_shared>>)
      %dma_wait3A_129 = arith.constant 0 : i32
      %dma_wait3A_130 = tpu.memref_slice %arg8[%add3A_88, %dma_wait3A_129] : memref<40x128xi32, #tpu.memory_space<vmem>> -> memref<1x128xi32, #tpu.memory_space<vmem>>
      %dma_wait3A_131 = tpu.memref_squeeze %dma_wait3A_130 : memref<1x128xi32, #tpu.memory_space<vmem>> -> memref<128xi32, #tpu.memory_space<vmem>>
      %dma_wait3A_132 = arith.constant 0 : i32
      %dma_wait3A_133 = arith.constant 0 : i32
      %dma_wait3A_134 = tpu.memref_slice %arg13[%dma_wait3A_132, %dma_wait3A_133] : memref<10240x64xf32, #tpu.memory_space<vmem_shared>> -> memref<10240x64xf32, #tpu.memory_space<vmem_shared>>
      tpu.wait_indirect_dma semaphore(%arg19 : memref<!tpu.dma_semaphore, #tpu.memory_space<semaphore_mem>>) src(%arg10 : memref<128x64xf32, #tpu.memory_space<vmem>>) dst(%dma_wait3A_134 : memref<10240x64xf32, #tpu.memory_space<vmem_shared>>)
      %dma_wait3A_135 = arith.constant 0 : i32
      %dma_wait3A_136 = tpu.memref_slice %arg8[%add3A_102, %dma_wait3A_135] : memref<40x128xi32, #tpu.memory_space<vmem>> -> memref<1x128xi32, #tpu.memory_space<vmem>>
      %dma_wait3A_137 = tpu.memref_squeeze %dma_wait3A_136 : memref<1x128xi32, #tpu.memory_space<vmem>> -> memref<128xi32, #tpu.memory_space<vmem>>
      %dma_wait3A_138 = arith.constant 0 : i32
      %dma_wait3A_139 = arith.constant 0 : i32
      %dma_wait3A_140 = tpu.memref_slice %arg13[%dma_wait3A_138, %dma_wait3A_139] : memref<10240x64xf32, #tpu.memory_space<vmem_shared>> -> memref<10240x64xf32, #tpu.memory_space<vmem_shared>>
      tpu.wait_indirect_dma semaphore(%arg20 : memref<!tpu.dma_semaphore, #tpu.memory_space<semaphore_mem>>) src(%arg11 : memref<128x64xf32, #tpu.memory_space<vmem>>) dst(%dma_wait3A_140 : memref<10240x64xf32, #tpu.memory_space<vmem_shared>>)
      %dma_wait3A_141 = arith.constant 0 : i32
      %dma_wait3A_142 = tpu.memref_slice %arg8[%add3A_116, %dma_wait3A_141] : memref<40x128xi32, #tpu.memory_space<vmem>> -> memref<1x128xi32, #tpu.memory_space<vmem>>
      %dma_wait3A_143 = tpu.memref_squeeze %dma_wait3A_142 : memref<1x128xi32, #tpu.memory_space<vmem>> -> memref<128xi32, #tpu.memory_space<vmem>>
      %dma_wait3A_144 = arith.constant 0 : i32
      %dma_wait3A_145 = arith.constant 0 : i32
      %dma_wait3A_146 = tpu.memref_slice %arg13[%dma_wait3A_144, %dma_wait3A_145] : memref<10240x64xf32, #tpu.memory_space<vmem_shared>> -> memref<10240x64xf32, #tpu.memory_space<vmem_shared>>
      tpu.wait_indirect_dma semaphore(%arg21 : memref<!tpu.dma_semaphore, #tpu.memory_space<semaphore_mem>>) src(%arg12 : memref<128x64xf32, #tpu.memory_space<vmem>>) dst(%dma_wait3A_146 : memref<10240x64xf32, #tpu.memory_space<vmem_shared>>)
    }
    %scan3A_12 = arith.constant 10 : i32
    %mul3A_13 = arith.constant 80 : i32
    %mul3A_14 = arith.muli %add3A, %mul3A_13 : i32
    %add3A_15 = arith.constant 40 : i32
    %add3A_16 = arith.addi %mul3A_14, %add3A_15 : i32
    "tpu.region"() ({
      %run_scoped3A = tpu.sem_alloc : memref<!tpu.dma_semaphore, #tpu.memory_space<semaphore_mem>>
      %dma_start3A = arith.constant 0 : i32
      %dma_start3A_30 = tpu.memref_slice %arg3[%add3A_16, %dma_start3A] : memref<2560x128xi32, #tpu.memory_space<hbm>> -> memref<40x128xi32, #tpu.memory_space<hbm>>
      %dma_start3A_31 = arith.constant 0 : i32
      %dma_start3A_32 = tpu.memref_slice %arg3[%add3A_16, %dma_start3A_31] : memref<2560x128xi32, #tpu.memory_space<hbm>> -> memref<40x128xi32, #tpu.memory_space<hbm>>
      tpu.enqueue_dma source(%dma_start3A_32 : memref<40x128xi32, #tpu.memory_space<hbm>>) target(%arg7 : memref<40x128xi32, #tpu.memory_space<vmem>>) target_semaphore(%run_scoped3A : memref<!tpu.dma_semaphore, #tpu.memory_space<semaphore_mem>>)
      %dma_wait3A = arith.constant 0 : i32
      %dma_wait3A_33 = tpu.memref_slice %arg3[%add3A_16, %dma_wait3A] : memref<2560x128xi32, #tpu.memory_space<hbm>> -> memref<40x128xi32, #tpu.memory_space<hbm>>
      %dma_wait3A_34 = arith.constant 0 : i32
      %dma_wait3A_35 = tpu.memref_slice %arg3[%add3A_16, %dma_wait3A_34] : memref<2560x128xi32, #tpu.memory_space<hbm>> -> memref<40x128xi32, #tpu.memory_space<hbm>>
      tpu.wait_dma2 semaphore(%run_scoped3A : memref<!tpu.dma_semaphore, #tpu.memory_space<semaphore_mem>>) src(%dma_wait3A_35 : memref<40x128xi32, #tpu.memory_space<hbm>>) dst(%arg7 : memref<40x128xi32, #tpu.memory_space<vmem>>)
      tpu.yield
    }) : () -> ()
    "tpu.region"() ({
      %run_scoped3A = tpu.sem_alloc : memref<!tpu.dma_semaphore, #tpu.memory_space<semaphore_mem>>
      %dma_start3A = arith.constant 0 : i32
      %dma_start3A_30 = tpu.memref_slice %arg4[%add3A_16, %dma_start3A] : memref<2560x128xi32, #tpu.memory_space<hbm>> -> memref<40x128xi32, #tpu.memory_space<hbm>>
      %dma_start3A_31 = arith.constant 0 : i32
      %dma_start3A_32 = tpu.memref_slice %arg4[%add3A_16, %dma_start3A_31] : memref<2560x128xi32, #tpu.memory_space<hbm>> -> memref<40x128xi32, #tpu.memory_space<hbm>>
      tpu.enqueue_dma source(%dma_start3A_32 : memref<40x128xi32, #tpu.memory_space<hbm>>) target(%arg8 : memref<40x128xi32, #tpu.memory_space<vmem>>) target_semaphore(%run_scoped3A : memref<!tpu.dma_semaphore, #tpu.memory_space<semaphore_mem>>)
      %dma_wait3A = arith.constant 0 : i32
      %dma_wait3A_33 = tpu.memref_slice %arg4[%add3A_16, %dma_wait3A] : memref<2560x128xi32, #tpu.memory_space<hbm>> -> memref<40x128xi32, #tpu.memory_space<hbm>>
      %dma_wait3A_34 = arith.constant 0 : i32
      %dma_wait3A_35 = tpu.memref_slice %arg4[%add3A_16, %dma_wait3A_34] : memref<2560x128xi32, #tpu.memory_space<hbm>> -> memref<40x128xi32, #tpu.memory_space<hbm>>
      tpu.wait_dma2 semaphore(%run_scoped3A : memref<!tpu.dma_semaphore, #tpu.memory_space<semaphore_mem>>) src(%dma_wait3A_35 : memref<40x128xi32, #tpu.memory_space<hbm>>) dst(%arg8 : memref<40x128xi32, #tpu.memory_space<vmem>>)
      tpu.yield
    }) : () -> ()
    %scan3A_17 = arith.constant 0 : i32
    %scan3A_18 = arith.constant 10 : i32
    %scan3A_19 = arith.addi %scan3A_17, %scan3A_18 : i32
    %scan3A_20 = arith.constant 1 : i32
    scf.for %scan3A_30 = %scan3A_17 to %scan3A_19 step %scan3A_20  : i32 {
      %mul3A_31 = arith.constant 1 : i32
      %mul3A_32 = arith.muli %scan3A_30, %mul3A_31 : i32
      %add3A_33 = arith.constant 0 : i32
      %add3A_34 = arith.addi %add3A_33, %mul3A_32 : i32
      %mul3A_35 = arith.constant 4 : i32
      %mul3A_36 = arith.muli %add3A_34, %mul3A_35 : i32
      %add3A_37 = arith.constant 0 : i32
      %add3A_38 = arith.addi %mul3A_36, %add3A_37 : i32
      %dma_start3A = arith.constant 0 : i32
      %dma_start3A_39 = tpu.memref_slice %arg7[%add3A_38, %dma_start3A] : memref<40x128xi32, #tpu.memory_space<vmem>> -> memref<1x128xi32, #tpu.memory_space<vmem>>
      %dma_start3A_40 = tpu.memref_squeeze %dma_start3A_39 : memref<1x128xi32, #tpu.memory_space<vmem>> -> memref<128xi32, #tpu.memory_space<vmem>>
      %dma_start3A_41 = arith.constant 0 : i32
      %dma_start3A_42 = arith.constant 0 : i32
      %dma_start3A_43 = tpu.memref_slice %arg2[%dma_start3A_41, %dma_start3A_42] : memref<10240x64xf32, #tpu.memory_space<hbm>> -> memref<10240x64xf32, #tpu.memory_space<hbm>>
      tpu.enqueue_indirect_dma source(%dma_start3A_43 : memref<10240x64xf32, #tpu.memory_space<hbm>>) target(%arg9 : memref<128x64xf32, #tpu.memory_space<vmem>>) offsets(%dma_start3A_40 : memref<128xi32, #tpu.memory_space<vmem>>) semaphore(%arg14 : memref<!tpu.dma_semaphore, #tpu.memory_space<semaphore_mem>>)
      %add3A_44 = arith.constant 1 : i32
      %add3A_45 = arith.addi %mul3A_36, %add3A_44 : i32
      %dma_start3A_46 = arith.constant 0 : i32
      %dma_start3A_47 = tpu.memref_slice %arg7[%add3A_45, %dma_start3A_46] : memref<40x128xi32, #tpu.memory_space<vmem>> -> memref<1x128xi32, #tpu.memory_space<vmem>>
      %dma_start3A_48 = tpu.memref_squeeze %dma_start3A_47 : memref<1x128xi32, #tpu.memory_space<vmem>> -> memref<128xi32, #tpu.memory_space<vmem>>
      %dma_start3A_49 = arith.constant 0 : i32
      %dma_start3A_50 = arith.constant 0 : i32
      %dma_start3A_51 = tpu.memref_slice %arg2[%dma_start3A_49, %dma_start3A_50] : memref<10240x64xf32, #tpu.memory_space<hbm>> -> memref<10240x64xf32, #tpu.memory_space<hbm>>
      tpu.enqueue_indirect_dma source(%dma_start3A_51 : memref<10240x64xf32, #tpu.memory_space<hbm>>) target(%arg10 : memref<128x64xf32, #tpu.memory_space<vmem>>) offsets(%dma_start3A_48 : memref<128xi32, #tpu.memory_space<vmem>>) semaphore(%arg15 : memref<!tpu.dma_semaphore, #tpu.memory_space<semaphore_mem>>)
      %add3A_52 = arith.constant 2 : i32
      %add3A_53 = arith.addi %mul3A_36, %add3A_52 : i32
      %dma_start3A_54 = arith.constant 0 : i32
      %dma_start3A_55 = tpu.memref_slice %arg7[%add3A_53, %dma_start3A_54] : memref<40x128xi32, #tpu.memory_space<vmem>> -> memref<1x128xi32, #tpu.memory_space<vmem>>
      %dma_start3A_56 = tpu.memref_squeeze %dma_start3A_55 : memref<1x128xi32, #tpu.memory_space<vmem>> -> memref<128xi32, #tpu.memory_space<vmem>>
      %dma_start3A_57 = arith.constant 0 : i32
      %dma_start3A_58 = arith.constant 0 : i32
      %dma_start3A_59 = tpu.memref_slice %arg2[%dma_start3A_57, %dma_start3A_58] : memref<10240x64xf32, #tpu.memory_space<hbm>> -> memref<10240x64xf32, #tpu.memory_space<hbm>>
      tpu.enqueue_indirect_dma source(%dma_start3A_59 : memref<10240x64xf32, #tpu.memory_space<hbm>>) target(%arg11 : memref<128x64xf32, #tpu.memory_space<vmem>>) offsets(%dma_start3A_56 : memref<128xi32, #tpu.memory_space<vmem>>) semaphore(%arg16 : memref<!tpu.dma_semaphore, #tpu.memory_space<semaphore_mem>>)
      %add3A_60 = arith.constant 3 : i32
      %add3A_61 = arith.addi %mul3A_36, %add3A_60 : i32
      %dma_start3A_62 = arith.constant 0 : i32
      %dma_start3A_63 = tpu.memref_slice %arg7[%add3A_61, %dma_start3A_62] : memref<40x128xi32, #tpu.memory_space<vmem>> -> memref<1x128xi32, #tpu.memory_space<vmem>>
      %dma_start3A_64 = tpu.memref_squeeze %dma_start3A_63 : memref<1x128xi32, #tpu.memory_space<vmem>> -> memref<128xi32, #tpu.memory_space<vmem>>
      %dma_start3A_65 = arith.constant 0 : i32
      %dma_start3A_66 = arith.constant 0 : i32
      %dma_start3A_67 = tpu.memref_slice %arg2[%dma_start3A_65, %dma_start3A_66] : memref<10240x64xf32, #tpu.memory_space<hbm>> -> memref<10240x64xf32, #tpu.memory_space<hbm>>
      tpu.enqueue_indirect_dma source(%dma_start3A_67 : memref<10240x64xf32, #tpu.memory_space<hbm>>) target(%arg12 : memref<128x64xf32, #tpu.memory_space<vmem>>) offsets(%dma_start3A_64 : memref<128xi32, #tpu.memory_space<vmem>>) semaphore(%arg17 : memref<!tpu.dma_semaphore, #tpu.memory_space<semaphore_mem>>)
      %dma_wait3A = arith.constant 0 : i32
      %dma_wait3A_68 = tpu.memref_slice %arg7[%add3A_38, %dma_wait3A] : memref<40x128xi32, #tpu.memory_space<vmem>> -> memref<1x128xi32, #tpu.memory_space<vmem>>
      %dma_wait3A_69 = tpu.memref_squeeze %dma_wait3A_68 : memref<1x128xi32, #tpu.memory_space<vmem>> -> memref<128xi32, #tpu.memory_space<vmem>>
      %dma_wait3A_70 = arith.constant 0 : i32
      %dma_wait3A_71 = arith.constant 0 : i32
      %dma_wait3A_72 = tpu.memref_slice %arg2[%dma_wait3A_70, %dma_wait3A_71] : memref<10240x64xf32, #tpu.memory_space<hbm>> -> memref<10240x64xf32, #tpu.memory_space<hbm>>
      tpu.wait_indirect_dma semaphore(%arg14 : memref<!tpu.dma_semaphore, #tpu.memory_space<semaphore_mem>>) src(%dma_wait3A_72 : memref<10240x64xf32, #tpu.memory_space<hbm>>) dst(%arg9 : memref<128x64xf32, #tpu.memory_space<vmem>>)
      %add3A_73 = arith.constant 0 : i32
      %add3A_74 = arith.addi %mul3A_36, %add3A_73 : i32
      %dma_start3A_75 = arith.constant 0 : i32
      %dma_start3A_76 = tpu.memref_slice %arg8[%add3A_74, %dma_start3A_75] : memref<40x128xi32, #tpu.memory_space<vmem>> -> memref<1x128xi32, #tpu.memory_space<vmem>>
      %dma_start3A_77 = tpu.memref_squeeze %dma_start3A_76 : memref<1x128xi32, #tpu.memory_space<vmem>> -> memref<128xi32, #tpu.memory_space<vmem>>
      %dma_start3A_78 = arith.constant 0 : i32
      %dma_start3A_79 = arith.constant 0 : i32
      %dma_start3A_80 = tpu.memref_slice %arg13[%dma_start3A_78, %dma_start3A_79] : memref<10240x64xf32, #tpu.memory_space<vmem_shared>> -> memref<10240x64xf32, #tpu.memory_space<vmem_shared>>
      tpu.enqueue_indirect_dma source(%arg9 : memref<128x64xf32, #tpu.memory_space<vmem>>) target(%dma_start3A_80 : memref<10240x64xf32, #tpu.memory_space<vmem_shared>>) offsets(%dma_start3A_77 : memref<128xi32, #tpu.memory_space<vmem>>) semaphore(%arg18 : memref<!tpu.dma_semaphore, #tpu.memory_space<semaphore_mem>>) {add = true}
      %dma_wait3A_81 = arith.constant 0 : i32
      %dma_wait3A_82 = tpu.memref_slice %arg7[%add3A_45, %dma_wait3A_81] : memref<40x128xi32, #tpu.memory_space<vmem>> -> memref<1x128xi32, #tpu.memory_space<vmem>>
      %dma_wait3A_83 = tpu.memref_squeeze %dma_wait3A_82 : memref<1x128xi32, #tpu.memory_space<vmem>> -> memref<128xi32, #tpu.memory_space<vmem>>
      %dma_wait3A_84 = arith.constant 0 : i32
      %dma_wait3A_85 = arith.constant 0 : i32
      %dma_wait3A_86 = tpu.memref_slice %arg2[%dma_wait3A_84, %dma_wait3A_85] : memref<10240x64xf32, #tpu.memory_space<hbm>> -> memref<10240x64xf32, #tpu.memory_space<hbm>>
      tpu.wait_indirect_dma semaphore(%arg15 : memref<!tpu.dma_semaphore, #tpu.memory_space<semaphore_mem>>) src(%dma_wait3A_86 : memref<10240x64xf32, #tpu.memory_space<hbm>>) dst(%arg10 : memref<128x64xf32, #tpu.memory_space<vmem>>)
      %add3A_87 = arith.constant 1 : i32
      %add3A_88 = arith.addi %mul3A_36, %add3A_87 : i32
      %dma_start3A_89 = arith.constant 0 : i32
      %dma_start3A_90 = tpu.memref_slice %arg8[%add3A_88, %dma_start3A_89] : memref<40x128xi32, #tpu.memory_space<vmem>> -> memref<1x128xi32, #tpu.memory_space<vmem>>
      %dma_start3A_91 = tpu.memref_squeeze %dma_start3A_90 : memref<1x128xi32, #tpu.memory_space<vmem>> -> memref<128xi32, #tpu.memory_space<vmem>>
      %dma_start3A_92 = arith.constant 0 : i32
      %dma_start3A_93 = arith.constant 0 : i32
      %dma_start3A_94 = tpu.memref_slice %arg13[%dma_start3A_92, %dma_start3A_93] : memref<10240x64xf32, #tpu.memory_space<vmem_shared>> -> memref<10240x64xf32, #tpu.memory_space<vmem_shared>>
      tpu.enqueue_indirect_dma source(%arg10 : memref<128x64xf32, #tpu.memory_space<vmem>>) target(%dma_start3A_94 : memref<10240x64xf32, #tpu.memory_space<vmem_shared>>) offsets(%dma_start3A_91 : memref<128xi32, #tpu.memory_space<vmem>>) semaphore(%arg19 : memref<!tpu.dma_semaphore, #tpu.memory_space<semaphore_mem>>) {add = true}
      %dma_wait3A_95 = arith.constant 0 : i32
      %dma_wait3A_96 = tpu.memref_slice %arg7[%add3A_53, %dma_wait3A_95] : memref<40x128xi32, #tpu.memory_space<vmem>> -> memref<1x128xi32, #tpu.memory_space<vmem>>
      %dma_wait3A_97 = tpu.memref_squeeze %dma_wait3A_96 : memref<1x128xi32, #tpu.memory_space<vmem>> -> memref<128xi32, #tpu.memory_space<vmem>>
      %dma_wait3A_98 = arith.constant 0 : i32
      %dma_wait3A_99 = arith.constant 0 : i32
      %dma_wait3A_100 = tpu.memref_slice %arg2[%dma_wait3A_98, %dma_wait3A_99] : memref<10240x64xf32, #tpu.memory_space<hbm>> -> memref<10240x64xf32, #tpu.memory_space<hbm>>
      tpu.wait_indirect_dma semaphore(%arg16 : memref<!tpu.dma_semaphore, #tpu.memory_space<semaphore_mem>>) src(%dma_wait3A_100 : memref<10240x64xf32, #tpu.memory_space<hbm>>) dst(%arg11 : memref<128x64xf32, #tpu.memory_space<vmem>>)
      %add3A_101 = arith.constant 2 : i32
      %add3A_102 = arith.addi %mul3A_36, %add3A_101 : i32
      %dma_start3A_103 = arith.constant 0 : i32
      %dma_start3A_104 = tpu.memref_slice %arg8[%add3A_102, %dma_start3A_103] : memref<40x128xi32, #tpu.memory_space<vmem>> -> memref<1x128xi32, #tpu.memory_space<vmem>>
      %dma_start3A_105 = tpu.memref_squeeze %dma_start3A_104 : memref<1x128xi32, #tpu.memory_space<vmem>> -> memref<128xi32, #tpu.memory_space<vmem>>
      %dma_start3A_106 = arith.constant 0 : i32
      %dma_start3A_107 = arith.constant 0 : i32
      %dma_start3A_108 = tpu.memref_slice %arg13[%dma_start3A_106, %dma_start3A_107] : memref<10240x64xf32, #tpu.memory_space<vmem_shared>> -> memref<10240x64xf32, #tpu.memory_space<vmem_shared>>
      tpu.enqueue_indirect_dma source(%arg11 : memref<128x64xf32, #tpu.memory_space<vmem>>) target(%dma_start3A_108 : memref<10240x64xf32, #tpu.memory_space<vmem_shared>>) offsets(%dma_start3A_105 : memref<128xi32, #tpu.memory_space<vmem>>) semaphore(%arg20 : memref<!tpu.dma_semaphore, #tpu.memory_space<semaphore_mem>>) {add = true}
      %dma_wait3A_109 = arith.constant 0 : i32
      %dma_wait3A_110 = tpu.memref_slice %arg7[%add3A_61, %dma_wait3A_109] : memref<40x128xi32, #tpu.memory_space<vmem>> -> memref<1x128xi32, #tpu.memory_space<vmem>>
      %dma_wait3A_111 = tpu.memref_squeeze %dma_wait3A_110 : memref<1x128xi32, #tpu.memory_space<vmem>> -> memref<128xi32, #tpu.memory_space<vmem>>
      %dma_wait3A_112 = arith.constant 0 : i32
      %dma_wait3A_113 = arith.constant 0 : i32
      %dma_wait3A_114 = tpu.memref_slice %arg2[%dma_wait3A_112, %dma_wait3A_113] : memref<10240x64xf32, #tpu.memory_space<hbm>> -> memref<10240x64xf32, #tpu.memory_space<hbm>>
      tpu.wait_indirect_dma semaphore(%arg17 : memref<!tpu.dma_semaphore, #tpu.memory_space<semaphore_mem>>) src(%dma_wait3A_114 : memref<10240x64xf32, #tpu.memory_space<hbm>>) dst(%arg12 : memref<128x64xf32, #tpu.memory_space<vmem>>)
      %add3A_115 = arith.constant 3 : i32
      %add3A_116 = arith.addi %mul3A_36, %add3A_115 : i32
      %dma_start3A_117 = arith.constant 0 : i32
      %dma_start3A_118 = tpu.memref_slice %arg8[%add3A_116, %dma_start3A_117] : memref<40x128xi32, #tpu.memory_space<vmem>> -> memref<1x128xi32, #tpu.memory_space<vmem>>
      %dma_start3A_119 = tpu.memref_squeeze %dma_start3A_118 : memref<1x128xi32, #tpu.memory_space<vmem>> -> memref<128xi32, #tpu.memory_space<vmem>>
      %dma_start3A_120 = arith.constant 0 : i32
      %dma_start3A_121 = arith.constant 0 : i32
      %dma_start3A_122 = tpu.memref_slice %arg13[%dma_start3A_120, %dma_start3A_121] : memref<10240x64xf32, #tpu.memory_space<vmem_shared>> -> memref<10240x64xf32, #tpu.memory_space<vmem_shared>>
      tpu.enqueue_indirect_dma source(%arg12 : memref<128x64xf32, #tpu.memory_space<vmem>>) target(%dma_start3A_122 : memref<10240x64xf32, #tpu.memory_space<vmem_shared>>) offsets(%dma_start3A_119 : memref<128xi32, #tpu.memory_space<vmem>>) semaphore(%arg21 : memref<!tpu.dma_semaphore, #tpu.memory_space<semaphore_mem>>) {add = true}
      %dma_wait3A_123 = arith.constant 0 : i32
      %dma_wait3A_124 = tpu.memref_slice %arg8[%add3A_74, %dma_wait3A_123] : memref<40x128xi32, #tpu.memory_space<vmem>> -> memref<1x128xi32, #tpu.memory_space<vmem>>
      %dma_wait3A_125 = tpu.memref_squeeze %dma_wait3A_124 : memref<1x128xi32, #tpu.memory_space<vmem>> -> memref<128xi32, #tpu.memory_space<vmem>>
      %dma_wait3A_126 = arith.constant 0 : i32
      %dma_wait3A_127 = arith.constant 0 : i32
      %dma_wait3A_128 = tpu.memref_slice %arg13[%dma_wait3A_126, %dma_wait3A_127] : memref<10240x64xf32, #tpu.memory_space<vmem_shared>> -> memref<10240x64xf32, #tpu.memory_space<vmem_shared>>
      tpu.wait_indirect_dma semaphore(%arg18 : memref<!tpu.dma_semaphore, #tpu.memory_space<semaphore_mem>>) src(%arg9 : memref<128x64xf32, #tpu.memory_space<vmem>>) dst(%dma_wait3A_128 : memref<10240x64xf32, #tpu.memory_space<vmem_shared>>)
      %dma_wait3A_129 = arith.constant 0 : i32
      %dma_wait3A_130 = tpu.memref_slice %arg8[%add3A_88, %dma_wait3A_129] : memref<40x128xi32, #tpu.memory_space<vmem>> -> memref<1x128xi32, #tpu.memory_space<vmem>>
      %dma_wait3A_131 = tpu.memref_squeeze %dma_wait3A_130 : memref<1x128xi32, #tpu.memory_space<vmem>> -> memref<128xi32, #tpu.memory_space<vmem>>
      %dma_wait3A_132 = arith.constant 0 : i32
      %dma_wait3A_133 = arith.constant 0 : i32
      %dma_wait3A_134 = tpu.memref_slice %arg13[%dma_wait3A_132, %dma_wait3A_133] : memref<10240x64xf32, #tpu.memory_space<vmem_shared>> -> memref<10240x64xf32, #tpu.memory_space<vmem_shared>>
      tpu.wait_indirect_dma semaphore(%arg19 : memref<!tpu.dma_semaphore, #tpu.memory_space<semaphore_mem>>) src(%arg10 : memref<128x64xf32, #tpu.memory_space<vmem>>) dst(%dma_wait3A_134 : memref<10240x64xf32, #tpu.memory_space<vmem_shared>>)
      %dma_wait3A_135 = arith.constant 0 : i32
      %dma_wait3A_136 = tpu.memref_slice %arg8[%add3A_102, %dma_wait3A_135] : memref<40x128xi32, #tpu.memory_space<vmem>> -> memref<1x128xi32, #tpu.memory_space<vmem>>
      %dma_wait3A_137 = tpu.memref_squeeze %dma_wait3A_136 : memref<1x128xi32, #tpu.memory_space<vmem>> -> memref<128xi32, #tpu.memory_space<vmem>>
      %dma_wait3A_138 = arith.constant 0 : i32
      %dma_wait3A_139 = arith.constant 0 : i32
      %dma_wait3A_140 = tpu.memref_slice %arg13[%dma_wait3A_138, %dma_wait3A_139] : memref<10240x64xf32, #tpu.memory_space<vmem_shared>> -> memref<10240x64xf32, #tpu.memory_space<vmem_shared>>
      tpu.wait_indirect_dma semaphore(%arg20 : memref<!tpu.dma_semaphore, #tpu.memory_space<semaphore_mem>>) src(%arg11 : memref<128x64xf32, #tpu.memory_space<vmem>>) dst(%dma_wait3A_140 : memref<10240x64xf32, #tpu.memory_space<vmem_shared>>)
      %dma_wait3A_141 = arith.constant 0 : i32
      %dma_wait3A_142 = tpu.memref_slice %arg8[%add3A_116, %dma_wait3A_141] : memref<40x128xi32, #tpu.memory_space<vmem>> -> memref<1x128xi32, #tpu.memory_space<vmem>>
      %dma_wait3A_143 = tpu.memref_squeeze %dma_wait3A_142 : memref<1x128xi32, #tpu.memory_space<vmem>> -> memref<128xi32, #tpu.memory_space<vmem>>
      %dma_wait3A_144 = arith.constant 0 : i32
      %dma_wait3A_145 = arith.constant 0 : i32
      %dma_wait3A_146 = tpu.memref_slice %arg13[%dma_wait3A_144, %dma_wait3A_145] : memref<10240x64xf32, #tpu.memory_space<vmem_shared>> -> memref<10240x64xf32, #tpu.memory_space<vmem_shared>>
      tpu.wait_indirect_dma semaphore(%arg21 : memref<!tpu.dma_semaphore, #tpu.memory_space<semaphore_mem>>) src(%arg12 : memref<128x64xf32, #tpu.memory_space<vmem>>) dst(%dma_wait3A_146 : memref<10240x64xf32, #tpu.memory_space<vmem_shared>>)
    }
    %scan3A_21 = arith.constant 10 : i32
    %barrier3A_22 = arith.constant 0 : index
    tpu.barrier barrier_id(%barrier3A_22)
    %mul3A_23 = arith.constant 10240 : i32
    %mul3A_24 = arith.muli %arg0, %mul3A_23 : i32
    "tpu.region"() ({
      %run_scoped3A = tpu.sem_alloc : memref<!tpu.dma_semaphore, #tpu.memory_space<semaphore_mem>>
      %dma_start3A = arith.constant 0 : i32
      %dma_start3A_30 = tpu.memref_slice %arg6[%mul3A_24, %dma_start3A] : memref<20480x64xf32, #tpu.memory_space<hbm>> -> memref<10240x64xf32, #tpu.memory_space<hbm>>
      %dma_start3A_31 = arith.constant 0 : i32
      %dma_start3A_32 = tpu.memref_slice %dma_start3A_30[%mul3A_2, %dma_start3A_31] : memref<10240x64xf32, #tpu.memory_space<hbm>> -> memref<624x64xf32, #tpu.memory_space<hbm>>
      %dma_start3A_33 = arith.constant 0 : i32
      %dma_start3A_34 = tpu.memref_slice %arg13[%mul3A_2, %dma_start3A_33] : memref<10240x64xf32, #tpu.memory_space<vmem_shared>> -> memref<624x64xf32, #tpu.memory_space<vmem_shared>>
      tpu.enqueue_dma source(%dma_start3A_34 : memref<624x64xf32, #tpu.memory_space<vmem_shared>>) target(%dma_start3A_32 : memref<624x64xf32, #tpu.memory_space<hbm>>) target_semaphore(%run_scoped3A : memref<!tpu.dma_semaphore, #tpu.memory_space<semaphore_mem>>)
      %dma_wait3A = arith.constant 0 : i32
      %dma_wait3A_35 = tpu.memref_slice %arg6[%mul3A_24, %dma_wait3A] : memref<20480x64xf32, #tpu.memory_space<hbm>> -> memref<10240x64xf32, #tpu.memory_space<hbm>>
      %dma_wait3A_36 = arith.constant 0 : i32
      %dma_wait3A_37 = tpu.memref_slice %dma_wait3A_35[%mul3A_2, %dma_wait3A_36] : memref<10240x64xf32, #tpu.memory_space<hbm>> -> memref<624x64xf32, #tpu.memory_space<hbm>>
      %dma_wait3A_38 = arith.constant 0 : i32
      %dma_wait3A_39 = tpu.memref_slice %arg13[%mul3A_2, %dma_wait3A_38] : memref<10240x64xf32, #tpu.memory_space<vmem_shared>> -> memref<624x64xf32, #tpu.memory_space<vmem_shared>>
      tpu.wait_dma2 semaphore(%run_scoped3A : memref<!tpu.dma_semaphore, #tpu.memory_space<semaphore_mem>>) src(%dma_wait3A_39 : memref<624x64xf32, #tpu.memory_space<vmem_shared>>) dst(%dma_wait3A_37 : memref<624x64xf32, #tpu.memory_space<hbm>>)
      tpu.yield
    }) : () -> ()
    %eq3A_25 = arith.constant 15 : i32
    %eq3A_26 = arith.cmpi eq, %arg1, %eq3A_25 : i32
    %convert_element_type3A_27 = arith.extui %eq3A_26 : i1 to i32
    %cond3A_28 = arith.constant 0 : i32
    %cond3A_29 = arith.cmpi ne, %convert_element_type3A_27, %cond3A_28 : i32
    scf.if %cond3A_29 {
      "tpu.region"() ({
        %run_scoped3A = tpu.sem_alloc : memref<!tpu.dma_semaphore, #tpu.memory_space<semaphore_mem>>
        %dma_start3A = arith.constant 0 : i32
        %dma_start3A_30 = tpu.memref_slice %arg6[%mul3A_24, %dma_start3A] : memref<20480x64xf32, #tpu.memory_space<hbm>> -> memref<10240x64xf32, #tpu.memory_space<hbm>>
        %dma_start3A_31 = arith.constant 9984 : i32
        %dma_start3A_32 = arith.constant 0 : i32
        %dma_start3A_33 = tpu.memref_slice %dma_start3A_30[%dma_start3A_31, %dma_start3A_32] : memref<10240x64xf32, #tpu.memory_space<hbm>> -> memref<256x64xf32, #tpu.memory_space<hbm>>
        %dma_start3A_34 = arith.constant 9984 : i32
        %dma_start3A_35 = arith.constant 0 : i32
        %dma_start3A_36 = tpu.memref_slice %arg13[%dma_start3A_34, %dma_start3A_35] : memref<10240x64xf32, #tpu.memory_space<vmem_shared>> -> memref<256x64xf32, #tpu.memory_space<vmem_shared>>
        tpu.enqueue_dma source(%dma_start3A_36 : memref<256x64xf32, #tpu.memory_space<vmem_shared>>) target(%dma_start3A_33 : memref<256x64xf32, #tpu.memory_space<hbm>>) target_semaphore(%run_scoped3A : memref<!tpu.dma_semaphore, #tpu.memory_space<semaphore_mem>>)
        %dma_wait3A = arith.constant 0 : i32
        %dma_wait3A_37 = tpu.memref_slice %arg6[%mul3A_24, %dma_wait3A] : memref<20480x64xf32, #tpu.memory_space<hbm>> -> memref<10240x64xf32, #tpu.memory_space<hbm>>
        %dma_wait3A_38 = arith.constant 9984 : i32
        %dma_wait3A_39 = arith.constant 0 : i32
        %dma_wait3A_40 = tpu.memref_slice %dma_wait3A_37[%dma_wait3A_38, %dma_wait3A_39] : memref<10240x64xf32, #tpu.memory_space<hbm>> -> memref<256x64xf32, #tpu.memory_space<hbm>>
        %dma_wait3A_41 = arith.constant 9984 : i32
        %dma_wait3A_42 = arith.constant 0 : i32
        %dma_wait3A_43 = tpu.memref_slice %arg13[%dma_wait3A_41, %dma_wait3A_42] : memref<10240x64xf32, #tpu.memory_space<vmem_shared>> -> memref<256x64xf32, #tpu.memory_space<vmem_shared>>
        tpu.wait_dma2 semaphore(%run_scoped3A : memref<!tpu.dma_semaphore, #tpu.memory_space<semaphore_mem>>) src(%dma_wait3A_43 : memref<256x64xf32, #tpu.memory_space<vmem_shared>>) dst(%dma_wait3A_40 : memref<256x64xf32, #tpu.memory_space<hbm>>)
        tpu.yield
      }) : () -> ()
    } else {
    }
    return
  }
}

module attributes {stable_mosaic.version = 14 : i64} {
  func.func @_dinv_body(%arg0: memref<20480x16xf32, #tpu.memory_space<vmem>>, %arg1: memref<10000x128xf32, #tpu.memory_space<vmem>>, %arg2: memref<128x128xf32, #tpu.memory_space<vmem>>, %arg3: memref<10000x1xf32, #tpu.memory_space<vmem>>, %arg4: memref<10240x128xf32, #tpu.memory_space<vmem>>) attributes {dimension_semantics = [], scalar_prefetch = 0 : i64, scratch_operands = 0 : i64, tpu.core_type = #tpu.core_type<tc>} {
    %get3A = arith.constant 0 : index
    %get3A_0 = arith.constant 0 : index
    %get3A_1 = vector.load %arg0[%get3A, %get3A_0] : memref<20480x16xf32, #tpu.memory_space<vmem>>, vector<10000x1xf32>
    %get3A_2 = arith.constant 10240 : index
    %get3A_3 = arith.constant 0 : index
    %get3A_4 = vector.load %arg0[%get3A_2, %get3A_3] : memref<20480x16xf32, #tpu.memory_space<vmem>>, vector<10000x1xf32>
    %add3A = arith.addf %get3A_1, %get3A_4 : vector<10000x1xf32>
    %add3A_5 = arith.constant 1.000000e+00 : f32
    %add3A_6 = vector.broadcast %add3A_5 : f32 to vector<10000x1xf32>
    %add3A_7 = arith.addf %add3A, %add3A_6 : vector<10000x1xf32>
    %rsqrt3A = math.rsqrt %add3A_7 : vector<10000x1xf32>
    %swap3A = arith.constant 0 : index
    %swap3A_8 = arith.constant 0 : index
    %swap3A_9 = vector.load %arg3[%swap3A, %swap3A_8] : memref<10000x1xf32, #tpu.memory_space<vmem>>, vector<10000x1xf32>
    tpu.vector_store %arg3[%swap3A, %swap3A_8], %rsqrt3A {strides = array<i32>} : memref<10000x1xf32, #tpu.memory_space<vmem>>, vector<10000x1xf32>,
    %get3A_10 = arith.constant 0 : index
    %get3A_11 = arith.constant 0 : index
    %get3A_12 = vector.load %arg1[%get3A_10, %get3A_11] : memref<10000x128xf32, #tpu.memory_space<vmem>>, vector<10000x128xf32>
    %get3A_13 = arith.constant 0 : index
    %get3A_14 = arith.constant 0 : index
    %get3A_15 = vector.load %arg2[%get3A_13, %get3A_14] : memref<128x128xf32, #tpu.memory_space<vmem>>, vector<128x128xf32>
    %dot_general3A = arith.constant dense<0.000000e+00> : vector<10000x128xf32>
    %dot_general3A_16 = tpu.matmul %get3A_12, %get3A_15, %dot_general3A {dimension_numbers = #tpu.dot_dimension_numbers<[1], [0], [0], [1], [0, 0, 1, 1], [], []>, transpose_lhs_hint = false} : vector<10000x128xf32>, vector<128x128xf32>, vector<10000x128xf32> -> vector<10000x128xf32>
    %mul3A = vector.broadcast %rsqrt3A : vector<10000x1xf32> to vector<10000x128xf32>
    %mul3A_17 = arith.mulf %dot_general3A_16, %mul3A : vector<10000x128xf32>
    %swap3A_18 = arith.constant 0 : index
    %swap3A_19 = arith.constant 0 : index
    %swap3A_20 = vector.load %arg4[%swap3A_18, %swap3A_19] : memref<10240x128xf32, #tpu.memory_space<vmem>>, vector<10000x128xf32>
    tpu.vector_store %arg4[%swap3A_18, %swap3A_19], %mul3A_17 {strides = array<i32>} : memref<10240x128xf32, #tpu.memory_space<vmem>>, vector<10000x128xf32>,
    %broadcast_in_dim3A = arith.constant 0.000000e+00 : f32
    %broadcast_in_dim3A_21 = vector.broadcast %broadcast_in_dim3A : f32 to vector<240x128xf32>
    %swap3A_22 = arith.constant 10000 : index
    %swap3A_23 = arith.constant 0 : index
    %swap3A_24 = vector.load %arg4[%swap3A_22, %swap3A_23] : memref<10240x128xf32, #tpu.memory_space<vmem>>, vector<240x128xf32>
    tpu.vector_store %arg4[%swap3A_22, %swap3A_23], %broadcast_in_dim3A_21 {strides = array<i32>} : memref<10240x128xf32, #tpu.memory_space<vmem>>, vector<240x128xf32>,
    return
  }
}

module attributes {stable_mosaic.version = 14 : i64} {
  func.func @_block1_body(%arg0: memref<20480x128xf32, #tpu.memory_space<vmem>>, %arg1: memref<10240x128xf32, #tpu.memory_space<vmem>>, %arg2: memref<10000x1xf32, #tpu.memory_space<vmem>>, %arg3: memref<1x128xf32, #tpu.memory_space<vmem>>, %arg4: memref<1x128xf32, #tpu.memory_space<vmem>>, %arg5: memref<1x128xf32, #tpu.memory_space<vmem>>, %arg6: memref<128x128xf32, #tpu.memory_space<vmem>>, %arg7: memref<10000x128xf32, #tpu.memory_space<vmem>>, %arg8: memref<10240x128xf32, #tpu.memory_space<vmem>>) attributes {dimension_semantics = [], scalar_prefetch = 0 : i64, scratch_operands = 0 : i64, tpu.core_type = #tpu.core_type<tc>} {
    %get3A = arith.constant 0 : index
    %get3A_0 = arith.constant 0 : index
    %get3A_1 = vector.load %arg2[%get3A, %get3A_0] : memref<10000x1xf32, #tpu.memory_space<vmem>>, vector<10000x1xf32>
    %get3A_2 = arith.constant 0 : index
    %get3A_3 = arith.constant 0 : index
    %get3A_4 = vector.load %arg0[%get3A_2, %get3A_3] : memref<20480x128xf32, #tpu.memory_space<vmem>>, vector<10000x128xf32>
    %get3A_5 = arith.constant 10240 : index
    %get3A_6 = arith.constant 0 : index
    %get3A_7 = vector.load %arg0[%get3A_5, %get3A_6] : memref<20480x128xf32, #tpu.memory_space<vmem>>, vector<10000x128xf32>
    %add3A = arith.addf %get3A_4, %get3A_7 : vector<10000x128xf32>
    %get3A_8 = arith.constant 0 : index
    %get3A_9 = arith.constant 0 : index
    %get3A_10 = vector.load %arg1[%get3A_8, %get3A_9] : memref<10240x128xf32, #tpu.memory_space<vmem>>, vector<10000x128xf32>
    %add3A_11 = arith.addf %add3A, %get3A_10 : vector<10000x128xf32>
    %mul3A = vector.broadcast %get3A_1 : vector<10000x1xf32> to vector<10000x128xf32>
    %mul3A_12 = arith.mulf %mul3A, %add3A_11 : vector<10000x128xf32>
    %get3A_13 = arith.constant 0 : index
    %get3A_14 = arith.constant 0 : index
    %get3A_15 = vector.load %arg3[%get3A_13, %get3A_14] : memref<1x128xf32, #tpu.memory_space<vmem>>, vector<1x128xf32>
    %add3A_16 = vector.broadcast %get3A_15 : vector<1x128xf32> to vector<10000x128xf32>
    %add3A_17 = arith.addf %mul3A_12, %add3A_16 : vector<10000x128xf32>
    %get3A_18 = arith.constant 0 : index
    %get3A_19 = arith.constant 0 : index
    %get3A_20 = vector.load %arg4[%get3A_18, %get3A_19] : memref<1x128xf32, #tpu.memory_space<vmem>>, vector<1x128xf32>
    %get3A_21 = arith.constant 0 : index
    %get3A_22 = arith.constant 0 : index
    %get3A_23 = vector.load %arg5[%get3A_21, %get3A_22] : memref<1x128xf32, #tpu.memory_space<vmem>>, vector<1x128xf32>
    %reduce_sum3A = arith.constant dense<0.000000e+00> : vector<128xf32>
    %reduce_sum3A_24 = vector.multi_reduction <add>, %add3A_17, %reduce_sum3A [0] : vector<10000x128xf32> to vector<128xf32>
    %broadcast_in_dim3A = vector.shape_cast %reduce_sum3A_24 : vector<128xf32> to vector<1x128xf32>
    %div3A = arith.constant 1.000000e+04 : f32
    %div3A_25 = vector.broadcast %div3A : f32 to vector<1x128xf32>
    %div3A_26 = arith.divf %broadcast_in_dim3A, %div3A_25 : vector<1x128xf32>
    %sub3A = vector.broadcast %div3A_26 : vector<1x128xf32> to vector<10000x128xf32>
    %sub3A_27 = arith.subf %add3A_17, %sub3A : vector<10000x128xf32>
    %integer_pow3A = arith.mulf %sub3A_27, %sub3A_27 : vector<10000x128xf32>
    %reduce_sum3A_28 = arith.constant dense<0.000000e+00> : vector<128xf32>
    %reduce_sum3A_29 = vector.multi_reduction <add>, %integer_pow3A, %reduce_sum3A_28 [0] : vector<10000x128xf32> to vector<128xf32>
    %broadcast_in_dim3A_30 = vector.shape_cast %reduce_sum3A_29 : vector<128xf32> to vector<1x128xf32>
    %div3A_31 = arith.constant 1.000000e+04 : f32
    %div3A_32 = vector.broadcast %div3A_31 : f32 to vector<1x128xf32>
    %div3A_33 = arith.divf %broadcast_in_dim3A_30, %div3A_32 : vector<1x128xf32>
    %sub3A_34 = vector.broadcast %div3A_26 : vector<1x128xf32> to vector<10000x128xf32>
    %sub3A_35 = arith.subf %add3A_17, %sub3A_34 : vector<10000x128xf32>
    %add3A_36 = arith.constant 9.99999974E-6 : f32
    %add3A_37 = vector.broadcast %add3A_36 : f32 to vector<1x128xf32>
    %add3A_38 = arith.addf %div3A_33, %add3A_37 : vector<1x128xf32>
    %rsqrt3A = math.rsqrt %add3A_38 : vector<1x128xf32>
    %mul3A_39 = vector.broadcast %rsqrt3A : vector<1x128xf32> to vector<10000x128xf32>
    %mul3A_40 = arith.mulf %sub3A_35, %mul3A_39 : vector<10000x128xf32>
    %mul3A_41 = vector.broadcast %get3A_20 : vector<1x128xf32> to vector<10000x128xf32>
    %mul3A_42 = arith.mulf %mul3A_40, %mul3A_41 : vector<10000x128xf32>
    %add3A_43 = vector.broadcast %get3A_23 : vector<1x128xf32> to vector<10000x128xf32>
    %add3A_44 = arith.addf %mul3A_42, %add3A_43 : vector<10000x128xf32>
    %logistic3A = arith.negf %add3A_44 : vector<10000x128xf32>
    %logistic3A_45 = math.exp %logistic3A : vector<10000x128xf32>
    %logistic3A_46 = arith.constant 1.000000e+00 : f32
    %logistic3A_47 = vector.broadcast %logistic3A_46 : f32 to vector<10000x128xf32>
    %logistic3A_48 = arith.addf %logistic3A_47, %logistic3A_45 : vector<10000x128xf32>
    %logistic3A_49 = arith.divf %logistic3A_47, %logistic3A_48 : vector<10000x128xf32>
    %mul3A_50 = arith.mulf %add3A_44, %logistic3A_49 : vector<10000x128xf32>
    %swap3A = arith.constant 0 : index
    %swap3A_51 = arith.constant 0 : index
    %swap3A_52 = vector.load %arg7[%swap3A, %swap3A_51] : memref<10000x128xf32, #tpu.memory_space<vmem>>, vector<10000x128xf32>
    tpu.vector_store %arg7[%swap3A, %swap3A_51], %mul3A_50 {strides = array<i32>} : memref<10000x128xf32, #tpu.memory_space<vmem>>, vector<10000x128xf32>,
    %get3A_53 = arith.constant 0 : index
    %get3A_54 = arith.constant 0 : index
    %get3A_55 = vector.load %arg6[%get3A_53, %get3A_54] : memref<128x128xf32, #tpu.memory_space<vmem>>, vector<128x128xf32>
    %dot_general3A = arith.constant dense<0.000000e+00> : vector<10000x128xf32>
    %dot_general3A_56 = tpu.matmul %mul3A_50, %get3A_55, %dot_general3A {dimension_numbers = #tpu.dot_dimension_numbers<[1], [0], [0], [1], [0, 0, 1, 1], [], []>, transpose_lhs_hint = false} : vector<10000x128xf32>, vector<128x128xf32>, vector<10000x128xf32> -> vector<10000x128xf32>
    %mul3A_57 = vector.broadcast %get3A_1 : vector<10000x1xf32> to vector<10000x128xf32>
    %mul3A_58 = arith.mulf %dot_general3A_56, %mul3A_57 : vector<10000x128xf32>
    %swap3A_59 = arith.constant 0 : index
    %swap3A_60 = arith.constant 0 : index
    %swap3A_61 = vector.load %arg8[%swap3A_59, %swap3A_60] : memref<10240x128xf32, #tpu.memory_space<vmem>>, vector<10000x128xf32>
    tpu.vector_store %arg8[%swap3A_59, %swap3A_60], %mul3A_58 {strides = array<i32>} : memref<10240x128xf32, #tpu.memory_space<vmem>>, vector<10000x128xf32>,
    %broadcast_in_dim3A_62 = arith.constant 0.000000e+00 : f32
    %broadcast_in_dim3A_63 = vector.broadcast %broadcast_in_dim3A_62 : f32 to vector<240x128xf32>
    %swap3A_64 = arith.constant 10000 : index
    %swap3A_65 = arith.constant 0 : index
    %swap3A_66 = vector.load %arg8[%swap3A_64, %swap3A_65] : memref<10240x128xf32, #tpu.memory_space<vmem>>, vector<240x128xf32>
    tpu.vector_store %arg8[%swap3A_64, %swap3A_65], %broadcast_in_dim3A_63 {strides = array<i32>} : memref<10240x128xf32, #tpu.memory_space<vmem>>, vector<240x128xf32>,
    return
  }
}

module attributes {stable_mosaic.version = 14 : i64} {
  func.func @_block2_body(%arg0: memref<20480x128xf32, #tpu.memory_space<vmem>>, %arg1: memref<10240x128xf32, #tpu.memory_space<vmem>>, %arg2: memref<10000x1xf32, #tpu.memory_space<vmem>>, %arg3: memref<10000x128xf32, #tpu.memory_space<vmem>>, %arg4: memref<1x128xf32, #tpu.memory_space<vmem>>, %arg5: memref<1x128xf32, #tpu.memory_space<vmem>>, %arg6: memref<1x128xf32, #tpu.memory_space<vmem>>, %arg7: memref<128x64xf32, #tpu.memory_space<vmem>>, %arg8: memref<10000x128xf32, #tpu.memory_space<vmem>>, %arg9: memref<10240x64xf32, #tpu.memory_space<vmem>>) attributes {dimension_semantics = [], scalar_prefetch = 0 : i64, scratch_operands = 0 : i64, tpu.core_type = #tpu.core_type<tc>} {
    %get3A = arith.constant 0 : index
    %get3A_0 = arith.constant 0 : index
    %get3A_1 = vector.load %arg2[%get3A, %get3A_0] : memref<10000x1xf32, #tpu.memory_space<vmem>>, vector<10000x1xf32>
    %get3A_2 = arith.constant 0 : index
    %get3A_3 = arith.constant 0 : index
    %get3A_4 = vector.load %arg0[%get3A_2, %get3A_3] : memref<20480x128xf32, #tpu.memory_space<vmem>>, vector<10000x128xf32>
    %get3A_5 = arith.constant 10240 : index
    %get3A_6 = arith.constant 0 : index
    %get3A_7 = vector.load %arg0[%get3A_5, %get3A_6] : memref<20480x128xf32, #tpu.memory_space<vmem>>, vector<10000x128xf32>
    %add3A = arith.addf %get3A_4, %get3A_7 : vector<10000x128xf32>
    %get3A_8 = arith.constant 0 : index
    %get3A_9 = arith.constant 0 : index
    %get3A_10 = vector.load %arg1[%get3A_8, %get3A_9] : memref<10240x128xf32, #tpu.memory_space<vmem>>, vector<10000x128xf32>
    %add3A_11 = arith.addf %add3A, %get3A_10 : vector<10000x128xf32>
    %mul3A = vector.broadcast %get3A_1 : vector<10000x1xf32> to vector<10000x128xf32>
    %mul3A_12 = arith.mulf %mul3A, %add3A_11 : vector<10000x128xf32>
    %get3A_13 = arith.constant 0 : index
    %get3A_14 = arith.constant 0 : index
    %get3A_15 = vector.load %arg4[%get3A_13, %get3A_14] : memref<1x128xf32, #tpu.memory_space<vmem>>, vector<1x128xf32>
    %add3A_16 = vector.broadcast %get3A_15 : vector<1x128xf32> to vector<10000x128xf32>
    %add3A_17 = arith.addf %mul3A_12, %add3A_16 : vector<10000x128xf32>
    %get3A_18 = arith.constant 0 : index
    %get3A_19 = arith.constant 0 : index
    %get3A_20 = vector.load %arg3[%get3A_18, %get3A_19] : memref<10000x128xf32, #tpu.memory_space<vmem>>, vector<10000x128xf32>
    %get3A_21 = arith.constant 0 : index
    %get3A_22 = arith.constant 0 : index
    %get3A_23 = vector.load %arg5[%get3A_21, %get3A_22] : memref<1x128xf32, #tpu.memory_space<vmem>>, vector<1x128xf32>
    %get3A_24 = arith.constant 0 : index
    %get3A_25 = arith.constant 0 : index
    %get3A_26 = vector.load %arg6[%get3A_24, %get3A_25] : memref<1x128xf32, #tpu.memory_space<vmem>>, vector<1x128xf32>
    %reduce_sum3A = arith.constant dense<0.000000e+00> : vector<128xf32>
    %reduce_sum3A_27 = vector.multi_reduction <add>, %add3A_17, %reduce_sum3A [0] : vector<10000x128xf32> to vector<128xf32>
    %broadcast_in_dim3A = vector.shape_cast %reduce_sum3A_27 : vector<128xf32> to vector<1x128xf32>
    %div3A = arith.constant 1.000000e+04 : f32
    %div3A_28 = vector.broadcast %div3A : f32 to vector<1x128xf32>
    %div3A_29 = arith.divf %broadcast_in_dim3A, %div3A_28 : vector<1x128xf32>
    %sub3A = vector.broadcast %div3A_29 : vector<1x128xf32> to vector<10000x128xf32>
    %sub3A_30 = arith.subf %add3A_17, %sub3A : vector<10000x128xf32>
    %integer_pow3A = arith.mulf %sub3A_30, %sub3A_30 : vector<10000x128xf32>
    %reduce_sum3A_31 = arith.constant dense<0.000000e+00> : vector<128xf32>
    %reduce_sum3A_32 = vector.multi_reduction <add>, %integer_pow3A, %reduce_sum3A_31 [0] : vector<10000x128xf32> to vector<128xf32>
    %broadcast_in_dim3A_33 = vector.shape_cast %reduce_sum3A_32 : vector<128xf32> to vector<1x128xf32>
    %div3A_34 = arith.constant 1.000000e+04 : f32
    %div3A_35 = vector.broadcast %div3A_34 : f32 to vector<1x128xf32>
    %div3A_36 = arith.divf %broadcast_in_dim3A_33, %div3A_35 : vector<1x128xf32>
    %sub3A_37 = vector.broadcast %div3A_29 : vector<1x128xf32> to vector<10000x128xf32>
    %sub3A_38 = arith.subf %add3A_17, %sub3A_37 : vector<10000x128xf32>
    %add3A_39 = arith.constant 9.99999974E-6 : f32
    %add3A_40 = vector.broadcast %add3A_39 : f32 to vector<1x128xf32>
    %add3A_41 = arith.addf %div3A_36, %add3A_40 : vector<1x128xf32>
    %rsqrt3A = math.rsqrt %add3A_41 : vector<1x128xf32>
    %mul3A_42 = vector.broadcast %rsqrt3A : vector<1x128xf32> to vector<10000x128xf32>
    %mul3A_43 = arith.mulf %sub3A_38, %mul3A_42 : vector<10000x128xf32>
    %mul3A_44 = vector.broadcast %get3A_23 : vector<1x128xf32> to vector<10000x128xf32>
    %mul3A_45 = arith.mulf %mul3A_43, %mul3A_44 : vector<10000x128xf32>
    %add3A_46 = vector.broadcast %get3A_26 : vector<1x128xf32> to vector<10000x128xf32>
    %add3A_47 = arith.addf %mul3A_45, %add3A_46 : vector<10000x128xf32>
    %logistic3A = arith.negf %add3A_47 : vector<10000x128xf32>
    %logistic3A_48 = math.exp %logistic3A : vector<10000x128xf32>
    %logistic3A_49 = arith.constant 1.000000e+00 : f32
    %logistic3A_50 = vector.broadcast %logistic3A_49 : f32 to vector<10000x128xf32>
    %logistic3A_51 = arith.addf %logistic3A_50, %logistic3A_48 : vector<10000x128xf32>
    %logistic3A_52 = arith.divf %logistic3A_50, %logistic3A_51 : vector<10000x128xf32>
    %mul3A_53 = arith.mulf %add3A_47, %logistic3A_52 : vector<10000x128xf32>
    %add3A_54 = arith.addf %get3A_20, %mul3A_53 : vector<10000x128xf32>
    %swap3A = arith.constant 0 : index
    %swap3A_55 = arith.constant 0 : index
    %swap3A_56 = vector.load %arg8[%swap3A, %swap3A_55] : memref<10000x128xf32, #tpu.memory_space<vmem>>, vector<10000x128xf32>
    tpu.vector_store %arg8[%swap3A, %swap3A_55], %add3A_54 {strides = array<i32>} : memref<10000x128xf32, #tpu.memory_space<vmem>>, vector<10000x128xf32>,
    %get3A_57 = arith.constant 0 : index
    %get3A_58 = arith.constant 0 : index
    %get3A_59 = vector.load %arg7[%get3A_57, %get3A_58] : memref<128x64xf32, #tpu.memory_space<vmem>>, vector<128x64xf32>
    %dot_general3A = arith.constant dense<0.000000e+00> : vector<10000x64xf32>
    %dot_general3A_60 = tpu.matmul %add3A_54, %get3A_59, %dot_general3A {dimension_numbers = #tpu.dot_dimension_numbers<[1], [0], [0], [1], [0, 0, 1, 1], [], []>, transpose_lhs_hint = false} : vector<10000x128xf32>, vector<128x64xf32>, vector<10000x64xf32> -> vector<10000x64xf32>
    %mul3A_61 = vector.broadcast %get3A_1 : vector<10000x1xf32> to vector<10000x64xf32>
    %mul3A_62 = arith.mulf %dot_general3A_60, %mul3A_61 : vector<10000x64xf32>
    %swap3A_63 = arith.constant 0 : index
    %swap3A_64 = arith.constant 0 : index
    %swap3A_65 = vector.load %arg9[%swap3A_63, %swap3A_64] : memref<10240x64xf32, #tpu.memory_space<vmem>>, vector<10000x64xf32>
    tpu.vector_store %arg9[%swap3A_63, %swap3A_64], %mul3A_62 {strides = array<i32>} : memref<10240x64xf32, #tpu.memory_space<vmem>>, vector<10000x64xf32>,
    %broadcast_in_dim3A_66 = arith.constant 0.000000e+00 : f32
    %broadcast_in_dim3A_67 = vector.broadcast %broadcast_in_dim3A_66 : f32 to vector<240x64xf32>
    %swap3A_68 = arith.constant 10000 : index
    %swap3A_69 = arith.constant 0 : index
    %swap3A_70 = vector.load %arg9[%swap3A_68, %swap3A_69] : memref<10240x64xf32, #tpu.memory_space<vmem>>, vector<240x64xf32>
    tpu.vector_store %arg9[%swap3A_68, %swap3A_69], %broadcast_in_dim3A_67 {strides = array<i32>} : memref<10240x64xf32, #tpu.memory_space<vmem>>, vector<240x64xf32>,
    return
  }
}

module attributes {stable_mosaic.version = 14 : i64} {
  func.func @_pool_body(%arg0: memref<20480x64xf32, #tpu.memory_space<vmem>>, %arg1: memref<10240x64xf32, #tpu.memory_space<vmem>>, %arg2: memref<10000x1xf32, #tpu.memory_space<vmem>>, %arg3: memref<1x64xf32, #tpu.memory_space<vmem>>, %arg4: memref<10000x128xf32, #tpu.memory_space<vmem>>, %arg5: memref<10240x64xf32, #tpu.memory_space<vmem>>, %arg6: memref<64x128xf32, #tpu.memory_space<vmem>>) attributes {dimension_semantics = [], scalar_prefetch = 0 : i64, scratch_operands = 0 : i64, tpu.core_type = #tpu.core_type<tc>} {
    %get3A = arith.constant 0 : index
    %get3A_0 = arith.constant 0 : index
    %get3A_1 = vector.load %arg2[%get3A, %get3A_0] : memref<10000x1xf32, #tpu.memory_space<vmem>>, vector<10000x1xf32>
    %get3A_2 = arith.constant 0 : index
    %get3A_3 = arith.constant 0 : index
    %get3A_4 = vector.load %arg0[%get3A_2, %get3A_3] : memref<20480x64xf32, #tpu.memory_space<vmem>>, vector<10000x64xf32>
    %get3A_5 = arith.constant 10240 : index
    %get3A_6 = arith.constant 0 : index
    %get3A_7 = vector.load %arg0[%get3A_5, %get3A_6] : memref<20480x64xf32, #tpu.memory_space<vmem>>, vector<10000x64xf32>
    %add3A = arith.addf %get3A_4, %get3A_7 : vector<10000x64xf32>
    %get3A_8 = arith.constant 0 : index
    %get3A_9 = arith.constant 0 : index
    %get3A_10 = vector.load %arg1[%get3A_8, %get3A_9] : memref<10240x64xf32, #tpu.memory_space<vmem>>, vector<10000x64xf32>
    %add3A_11 = arith.addf %add3A, %get3A_10 : vector<10000x64xf32>
    %mul3A = vector.broadcast %get3A_1 : vector<10000x1xf32> to vector<10000x64xf32>
    %mul3A_12 = arith.mulf %mul3A, %add3A_11 : vector<10000x64xf32>
    %get3A_13 = arith.constant 0 : index
    %get3A_14 = arith.constant 0 : index
    %get3A_15 = vector.load %arg3[%get3A_13, %get3A_14] : memref<1x64xf32, #tpu.memory_space<vmem>>, vector<1x64xf32>
    %add3A_16 = vector.broadcast %get3A_15 : vector<1x64xf32> to vector<10000x64xf32>
    %add3A_17 = arith.addf %mul3A_12, %add3A_16 : vector<10000x64xf32>
    %reduce_max3A = arith.constant dense<0xFF800000> : vector<10000xf32>
    %reduce_max3A_18 = vector.multi_reduction <maximumf>, %add3A_17, %reduce_max3A [1] : vector<10000x64xf32> to vector<10000xf32>
    %broadcast_in_dim3A = vector.shape_cast %reduce_max3A_18 : vector<10000xf32> to vector<10000x1xf32>
    %sub3A = vector.broadcast %broadcast_in_dim3A : vector<10000x1xf32> to vector<10000x64xf32>
    %sub3A_19 = arith.subf %add3A_17, %sub3A : vector<10000x64xf32>
    %exp3A = math.exp %sub3A_19 : vector<10000x64xf32>
    %reduce_sum3A = arith.constant dense<0.000000e+00> : vector<10000xf32>
    %reduce_sum3A_20 = vector.multi_reduction <add>, %exp3A, %reduce_sum3A [1] : vector<10000x64xf32> to vector<10000xf32>
    %broadcast_in_dim3A_21 = vector.shape_cast %reduce_sum3A_20 : vector<10000xf32> to vector<10000x1xf32>
    %div3A = vector.broadcast %broadcast_in_dim3A_21 : vector<10000x1xf32> to vector<10000x64xf32>
    %div3A_22 = arith.divf %exp3A, %div3A : vector<10000x64xf32>
    %swap3A = arith.constant 0 : index
    %swap3A_23 = arith.constant 0 : index
    %swap3A_24 = vector.load %arg5[%swap3A, %swap3A_23] : memref<10240x64xf32, #tpu.memory_space<vmem>>, vector<10000x64xf32>
    tpu.vector_store %arg5[%swap3A, %swap3A_23], %div3A_22 {strides = array<i32>} : memref<10240x64xf32, #tpu.memory_space<vmem>>, vector<10000x64xf32>,
    %broadcast_in_dim3A_25 = arith.constant 0.000000e+00 : f32
    %broadcast_in_dim3A_26 = vector.broadcast %broadcast_in_dim3A_25 : f32 to vector<240x64xf32>
    %swap3A_27 = arith.constant 10000 : index
    %swap3A_28 = arith.constant 0 : index
    %swap3A_29 = vector.load %arg5[%swap3A_27, %swap3A_28] : memref<10240x64xf32, #tpu.memory_space<vmem>>, vector<240x64xf32>
    tpu.vector_store %arg5[%swap3A_27, %swap3A_28], %broadcast_in_dim3A_26 {strides = array<i32>} : memref<10240x64xf32, #tpu.memory_space<vmem>>, vector<240x64xf32>,
    %get3A_30 = arith.constant 0 : index
    %get3A_31 = arith.constant 0 : index
    %get3A_32 = vector.load %arg4[%get3A_30, %get3A_31] : memref<10000x128xf32, #tpu.memory_space<vmem>>, vector<10000x128xf32>
    %dot_general3A = arith.constant dense<0.000000e+00> : vector<64x128xf32>
    %dot_general3A_33 = tpu.matmul %div3A_22, %get3A_32, %dot_general3A {dimension_numbers = #tpu.dot_dimension_numbers<[0], [0], [1], [1], [0, 1, 1, 1], [], []>, transpose_lhs_hint = false} : vector<10000x64xf32>, vector<10000x128xf32>, vector<64x128xf32> -> vector<64x128xf32>
    %swap3A_34 = arith.constant 0 : index
    %swap3A_35 = arith.constant 0 : index
    %swap3A_36 = vector.load %arg6[%swap3A_34, %swap3A_35] : memref<64x128xf32, #tpu.memory_space<vmem>>, vector<64x128xf32>
    tpu.vector_store %arg6[%swap3A_34, %swap3A_35], %dot_general3A_33 {strides = array<i32>} : memref<64x128xf32, #tpu.memory_space<vmem>>, vector<64x128xf32>,
    return
  }
}

module attributes {stable_mosaic.version = 14 : i64} {
  func.func @_head_body(%arg0: memref<20480x64xf32, #tpu.memory_space<vmem>>, %arg1: memref<10240x64xf32, #tpu.memory_space<vmem>>, %arg2: memref<64x128xf32, #tpu.memory_space<vmem>>, %arg3: memref<128x128xf32, #tpu.memory_space<vmem>>, %arg4: memref<1x128xf32, #tpu.memory_space<vmem>>, %arg5: memref<1x128xf32, #tpu.memory_space<vmem>>, %arg6: memref<1x128xf32, #tpu.memory_space<vmem>>, %arg7: memref<128x128xf32, #tpu.memory_space<vmem>>, %arg8: memref<1x128xf32, #tpu.memory_space<vmem>>, %arg9: memref<1x128xf32, #tpu.memory_space<vmem>>, %arg10: memref<1x128xf32, #tpu.memory_space<vmem>>, %arg11: memref<128x16xf32, #tpu.memory_space<vmem>>, %arg12: memref<1x16xf32, #tpu.memory_space<vmem>>, %arg13: memref<128x10xf32, #tpu.memory_space<vmem>>, %arg14: memref<1x10xf32, #tpu.memory_space<vmem>>, %arg15: memref<1x10xf32, #tpu.memory_space<vmem>>) attributes {dimension_semantics = [], scalar_prefetch = 0 : i64, scratch_operands = 0 : i64, tpu.core_type = #tpu.core_type<tc>} {
    %get3A = arith.constant 0 : index
    %get3A_0 = arith.constant 0 : index
    %get3A_1 = vector.load %arg0[%get3A, %get3A_0] : memref<20480x64xf32, #tpu.memory_space<vmem>>, vector<10000x64xf32>
    %get3A_2 = arith.constant 10240 : index
    %get3A_3 = arith.constant 0 : index
    %get3A_4 = vector.load %arg0[%get3A_2, %get3A_3] : memref<20480x64xf32, #tpu.memory_space<vmem>>, vector<10000x64xf32>
    %add3A = arith.addf %get3A_1, %get3A_4 : vector<10000x64xf32>
    %get3A_5 = arith.constant 0 : index
    %get3A_6 = arith.constant 0 : index
    %get3A_7 = vector.load %arg1[%get3A_5, %get3A_6] : memref<10240x64xf32, #tpu.memory_space<vmem>>, vector<10000x64xf32>
    %dot_general3A = arith.constant dense<0.000000e+00> : vector<64x64xf32>
    %dot_general3A_8 = tpu.matmul %get3A_7, %add3A, %dot_general3A {dimension_numbers = #tpu.dot_dimension_numbers<[0], [0], [1], [1], [0, 1, 1, 1], [], []>, transpose_lhs_hint = false} : vector<10000x64xf32>, vector<10000x64xf32>, vector<64x64xf32> -> vector<64x64xf32>
    %broadcast_in_dim3A = arith.constant 1.000000e+00 : f32
    %broadcast_in_dim3A_9 = vector.broadcast %broadcast_in_dim3A : f32 to vector<64x1xf32>
    %dot_general3A_10 = arith.constant dense<0.000000e+00> : vector<64x1xf32>
    %dot_general3A_11 = tpu.matmul %dot_general3A_8, %broadcast_in_dim3A_9, %dot_general3A_10 {dimension_numbers = #tpu.dot_dimension_numbers<[0], [0], [1], [1], [0, 1, 1, 1], [], []>, transpose_lhs_hint = false} : vector<64x64xf32>, vector<64x1xf32>, vector<64x1xf32> -> vector<64x1xf32>
    %add3A_12 = arith.constant 1.000000e+00 : f32
    %add3A_13 = vector.broadcast %add3A_12 : f32 to vector<64x1xf32>
    %add3A_14 = arith.addf %dot_general3A_11, %add3A_13 : vector<64x1xf32>
    %rsqrt3A = math.rsqrt %add3A_14 : vector<64x1xf32>
    %get3A_15 = arith.constant 0 : index
    %get3A_16 = arith.constant 0 : index
    %get3A_17 = vector.load %arg2[%get3A_15, %get3A_16] : memref<64x128xf32, #tpu.memory_space<vmem>>, vector<64x128xf32>
    %get3A_18 = arith.constant 0 : index
    %get3A_19 = arith.constant 0 : index
    %get3A_20 = vector.load %arg3[%get3A_18, %get3A_19] : memref<128x128xf32, #tpu.memory_space<vmem>>, vector<128x128xf32>
    %dot_general3A_21 = arith.constant dense<0.000000e+00> : vector<64x128xf32>
    %dot_general3A_22 = tpu.matmul %get3A_17, %get3A_20, %dot_general3A_21 {dimension_numbers = #tpu.dot_dimension_numbers<[1], [0], [0], [1], [0, 0, 1, 1], [], []>, transpose_lhs_hint = false} : vector<64x128xf32>, vector<128x128xf32>, vector<64x128xf32> -> vector<64x128xf32>
    %get3A_23 = arith.constant 0 : index
    %get3A_24 = arith.constant 0 : index
    %get3A_25 = vector.load %arg4[%get3A_23, %get3A_24] : memref<1x128xf32, #tpu.memory_space<vmem>>, vector<1x128xf32>
    %mul3A = vector.broadcast %rsqrt3A : vector<64x1xf32> to vector<64x128xf32>
    %mul3A_26 = arith.mulf %mul3A, %dot_general3A_22 : vector<64x128xf32>
    %dot_general3A_27 = arith.constant dense<0.000000e+00> : vector<64x128xf32>
    %dot_general3A_28 = tpu.matmul %dot_general3A_8, %mul3A_26, %dot_general3A_27 {dimension_numbers = #tpu.dot_dimension_numbers<[0], [0], [1], [1], [0, 1, 1, 1], [], []>, transpose_lhs_hint = false} : vector<64x64xf32>, vector<64x128xf32>, vector<64x128xf32> -> vector<64x128xf32>
    %mul3A_29 = vector.broadcast %rsqrt3A : vector<64x1xf32> to vector<64x128xf32>
    %mul3A_30 = arith.mulf %mul3A_29, %dot_general3A_22 : vector<64x128xf32>
    %add3A_31 = arith.addf %dot_general3A_28, %mul3A_30 : vector<64x128xf32>
    %mul3A_32 = vector.broadcast %rsqrt3A : vector<64x1xf32> to vector<64x128xf32>
    %mul3A_33 = arith.mulf %mul3A_32, %add3A_31 : vector<64x128xf32>
    %add3A_34 = vector.broadcast %get3A_25 : vector<1x128xf32> to vector<64x128xf32>
    %add3A_35 = arith.addf %mul3A_33, %add3A_34 : vector<64x128xf32>
    %get3A_36 = arith.constant 0 : index
    %get3A_37 = arith.constant 0 : index
    %get3A_38 = vector.load %arg5[%get3A_36, %get3A_37] : memref<1x128xf32, #tpu.memory_space<vmem>>, vector<1x128xf32>
    %get3A_39 = arith.constant 0 : index
    %get3A_40 = arith.constant 0 : index
    %get3A_41 = vector.load %arg6[%get3A_39, %get3A_40] : memref<1x128xf32, #tpu.memory_space<vmem>>, vector<1x128xf32>
    %reduce_sum3A = arith.constant dense<0.000000e+00> : vector<128xf32>
    %reduce_sum3A_42 = vector.multi_reduction <add>, %add3A_35, %reduce_sum3A [0] : vector<64x128xf32> to vector<128xf32>
    %broadcast_in_dim3A_43 = vector.shape_cast %reduce_sum3A_42 : vector<128xf32> to vector<1x128xf32>
    %div3A = arith.constant 6.400000e+01 : f32
    %div3A_44 = vector.broadcast %div3A : f32 to vector<1x128xf32>
    %div3A_45 = arith.divf %broadcast_in_dim3A_43, %div3A_44 : vector<1x128xf32>
    %sub3A = vector.broadcast %div3A_45 : vector<1x128xf32> to vector<64x128xf32>
    %sub3A_46 = arith.subf %add3A_35, %sub3A : vector<64x128xf32>
    %integer_pow3A = arith.mulf %sub3A_46, %sub3A_46 : vector<64x128xf32>
    %reduce_sum3A_47 = arith.constant dense<0.000000e+00> : vector<128xf32>
    %reduce_sum3A_48 = vector.multi_reduction <add>, %integer_pow3A, %reduce_sum3A_47 [0] : vector<64x128xf32> to vector<128xf32>
    %broadcast_in_dim3A_49 = vector.shape_cast %reduce_sum3A_48 : vector<128xf32> to vector<1x128xf32>
    %div3A_50 = arith.constant 6.400000e+01 : f32
    %div3A_51 = vector.broadcast %div3A_50 : f32 to vector<1x128xf32>
    %div3A_52 = arith.divf %broadcast_in_dim3A_49, %div3A_51 : vector<1x128xf32>
    %sub3A_53 = vector.broadcast %div3A_45 : vector<1x128xf32> to vector<64x128xf32>
    %sub3A_54 = arith.subf %add3A_35, %sub3A_53 : vector<64x128xf32>
    %add3A_55 = arith.constant 9.99999974E-6 : f32
    %add3A_56 = vector.broadcast %add3A_55 : f32 to vector<1x128xf32>
    %add3A_57 = arith.addf %div3A_52, %add3A_56 : vector<1x128xf32>
    %rsqrt3A_58 = math.rsqrt %add3A_57 : vector<1x128xf32>
    %mul3A_59 = vector.broadcast %rsqrt3A_58 : vector<1x128xf32> to vector<64x128xf32>
    %mul3A_60 = arith.mulf %sub3A_54, %mul3A_59 : vector<64x128xf32>
    %mul3A_61 = vector.broadcast %get3A_38 : vector<1x128xf32> to vector<64x128xf32>
    %mul3A_62 = arith.mulf %mul3A_60, %mul3A_61 : vector<64x128xf32>
    %add3A_63 = vector.broadcast %get3A_41 : vector<1x128xf32> to vector<64x128xf32>
    %add3A_64 = arith.addf %mul3A_62, %add3A_63 : vector<64x128xf32>
    %logistic3A = arith.negf %add3A_64 : vector<64x128xf32>
    %logistic3A_65 = math.exp %logistic3A : vector<64x128xf32>
    %logistic3A_66 = arith.constant 1.000000e+00 : f32
    %logistic3A_67 = vector.broadcast %logistic3A_66 : f32 to vector<64x128xf32>
    %logistic3A_68 = arith.addf %logistic3A_67, %logistic3A_65 : vector<64x128xf32>
    %logistic3A_69 = arith.divf %logistic3A_67, %logistic3A_68 : vector<64x128xf32>
    %mul3A_70 = arith.mulf %add3A_64, %logistic3A_69 : vector<64x128xf32>
    %get3A_71 = arith.constant 0 : index
    %get3A_72 = arith.constant 0 : index
    %get3A_73 = vector.load %arg7[%get3A_71, %get3A_72] : memref<128x128xf32, #tpu.memory_space<vmem>>, vector<128x128xf32>
    %dot_general3A_74 = arith.constant dense<0.000000e+00> : vector<64x128xf32>
    %dot_general3A_75 = tpu.matmul %mul3A_70, %get3A_73, %dot_general3A_74 {dimension_numbers = #tpu.dot_dimension_numbers<[1], [0], [0], [1], [0, 0, 1, 1], [], []>, transpose_lhs_hint = false} : vector<64x128xf32>, vector<128x128xf32>, vector<64x128xf32> -> vector<64x128xf32>
    %get3A_76 = arith.constant 0 : index
    %get3A_77 = arith.constant 0 : index
    %get3A_78 = vector.load %arg8[%get3A_76, %get3A_77] : memref<1x128xf32, #tpu.memory_space<vmem>>, vector<1x128xf32>
    %mul3A_79 = vector.broadcast %rsqrt3A : vector<64x1xf32> to vector<64x128xf32>
    %mul3A_80 = arith.mulf %mul3A_79, %dot_general3A_75 : vector<64x128xf32>
    %dot_general3A_81 = arith.constant dense<0.000000e+00> : vector<64x128xf32>
    %dot_general3A_82 = tpu.matmul %dot_general3A_8, %mul3A_80, %dot_general3A_81 {dimension_numbers = #tpu.dot_dimension_numbers<[0], [0], [1], [1], [0, 1, 1, 1], [], []>, transpose_lhs_hint = false} : vector<64x64xf32>, vector<64x128xf32>, vector<64x128xf32> -> vector<64x128xf32>
    %mul3A_83 = vector.broadcast %rsqrt3A : vector<64x1xf32> to vector<64x128xf32>
    %mul3A_84 = arith.mulf %mul3A_83, %dot_general3A_75 : vector<64x128xf32>
    %add3A_85 = arith.addf %dot_general3A_82, %mul3A_84 : vector<64x128xf32>
    %mul3A_86 = vector.broadcast %rsqrt3A : vector<64x1xf32> to vector<64x128xf32>
    %mul3A_87 = arith.mulf %mul3A_86, %add3A_85 : vector<64x128xf32>
    %add3A_88 = vector.broadcast %get3A_78 : vector<1x128xf32> to vector<64x128xf32>
    %add3A_89 = arith.addf %mul3A_87, %add3A_88 : vector<64x128xf32>
    %get3A_90 = arith.constant 0 : index
    %get3A_91 = arith.constant 0 : index
    %get3A_92 = vector.load %arg9[%get3A_90, %get3A_91] : memref<1x128xf32, #tpu.memory_space<vmem>>, vector<1x128xf32>
    %get3A_93 = arith.constant 0 : index
    %get3A_94 = arith.constant 0 : index
    %get3A_95 = vector.load %arg10[%get3A_93, %get3A_94] : memref<1x128xf32, #tpu.memory_space<vmem>>, vector<1x128xf32>
    %reduce_sum3A_96 = arith.constant dense<0.000000e+00> : vector<128xf32>
    %reduce_sum3A_97 = vector.multi_reduction <add>, %add3A_89, %reduce_sum3A_96 [0] : vector<64x128xf32> to vector<128xf32>
    %broadcast_in_dim3A_98 = vector.shape_cast %reduce_sum3A_97 : vector<128xf32> to vector<1x128xf32>
    %div3A_99 = arith.constant 6.400000e+01 : f32
    %div3A_100 = vector.broadcast %div3A_99 : f32 to vector<1x128xf32>
    %div3A_101 = arith.divf %broadcast_in_dim3A_98, %div3A_100 : vector<1x128xf32>
    %sub3A_102 = vector.broadcast %div3A_101 : vector<1x128xf32> to vector<64x128xf32>
    %sub3A_103 = arith.subf %add3A_89, %sub3A_102 : vector<64x128xf32>
    %integer_pow3A_104 = arith.mulf %sub3A_103, %sub3A_103 : vector<64x128xf32>
    %reduce_sum3A_105 = arith.constant dense<0.000000e+00> : vector<128xf32>
    %reduce_sum3A_106 = vector.multi_reduction <add>, %integer_pow3A_104, %reduce_sum3A_105 [0] : vector<64x128xf32> to vector<128xf32>
    %broadcast_in_dim3A_107 = vector.shape_cast %reduce_sum3A_106 : vector<128xf32> to vector<1x128xf32>
    %div3A_108 = arith.constant 6.400000e+01 : f32
    %div3A_109 = vector.broadcast %div3A_108 : f32 to vector<1x128xf32>
    %div3A_110 = arith.divf %broadcast_in_dim3A_107, %div3A_109 : vector<1x128xf32>
    %sub3A_111 = vector.broadcast %div3A_101 : vector<1x128xf32> to vector<64x128xf32>
    %sub3A_112 = arith.subf %add3A_89, %sub3A_111 : vector<64x128xf32>
    %add3A_113 = arith.constant 9.99999974E-6 : f32
    %add3A_114 = vector.broadcast %add3A_113 : f32 to vector<1x128xf32>
    %add3A_115 = arith.addf %div3A_110, %add3A_114 : vector<1x128xf32>
    %rsqrt3A_116 = math.rsqrt %add3A_115 : vector<1x128xf32>
    %mul3A_117 = vector.broadcast %rsqrt3A_116 : vector<1x128xf32> to vector<64x128xf32>
    %mul3A_118 = arith.mulf %sub3A_112, %mul3A_117 : vector<64x128xf32>
    %mul3A_119 = vector.broadcast %get3A_92 : vector<1x128xf32> to vector<64x128xf32>
    %mul3A_120 = arith.mulf %mul3A_118, %mul3A_119 : vector<64x128xf32>
    %add3A_121 = vector.broadcast %get3A_95 : vector<1x128xf32> to vector<64x128xf32>
    %add3A_122 = arith.addf %mul3A_120, %add3A_121 : vector<64x128xf32>
    %logistic3A_123 = arith.negf %add3A_122 : vector<64x128xf32>
    %logistic3A_124 = math.exp %logistic3A_123 : vector<64x128xf32>
    %logistic3A_125 = arith.constant 1.000000e+00 : f32
    %logistic3A_126 = vector.broadcast %logistic3A_125 : f32 to vector<64x128xf32>
    %logistic3A_127 = arith.addf %logistic3A_126, %logistic3A_124 : vector<64x128xf32>
    %logistic3A_128 = arith.divf %logistic3A_126, %logistic3A_127 : vector<64x128xf32>
    %mul3A_129 = arith.mulf %add3A_122, %logistic3A_128 : vector<64x128xf32>
    %add3A_130 = arith.addf %mul3A_70, %mul3A_129 : vector<64x128xf32>
    %get3A_131 = arith.constant 0 : index
    %get3A_132 = arith.constant 0 : index
    %get3A_133 = vector.load %arg11[%get3A_131, %get3A_132] : memref<128x16xf32, #tpu.memory_space<vmem>>, vector<128x16xf32>
    %dot_general3A_134 = arith.constant dense<0.000000e+00> : vector<64x16xf32>
    %dot_general3A_135 = tpu.matmul %add3A_130, %get3A_133, %dot_general3A_134 {dimension_numbers = #tpu.dot_dimension_numbers<[1], [0], [0], [1], [0, 0, 1, 1], [], []>, transpose_lhs_hint = false} : vector<64x128xf32>, vector<128x16xf32>, vector<64x16xf32> -> vector<64x16xf32>
    %get3A_136 = arith.constant 0 : index
    %get3A_137 = arith.constant 0 : index
    %get3A_138 = vector.load %arg12[%get3A_136, %get3A_137] : memref<1x16xf32, #tpu.memory_space<vmem>>, vector<1x16xf32>
    %mul3A_139 = vector.broadcast %rsqrt3A : vector<64x1xf32> to vector<64x16xf32>
    %mul3A_140 = arith.mulf %mul3A_139, %dot_general3A_135 : vector<64x16xf32>
    %dot_general3A_141 = arith.constant dense<0.000000e+00> : vector<64x16xf32>
    %dot_general3A_142 = tpu.matmul %dot_general3A_8, %mul3A_140, %dot_general3A_141 {dimension_numbers = #tpu.dot_dimension_numbers<[0], [0], [1], [1], [0, 1, 1, 1], [], []>, transpose_lhs_hint = false} : vector<64x64xf32>, vector<64x16xf32>, vector<64x16xf32> -> vector<64x16xf32>
    %mul3A_143 = vector.broadcast %rsqrt3A : vector<64x1xf32> to vector<64x16xf32>
    %mul3A_144 = arith.mulf %mul3A_143, %dot_general3A_135 : vector<64x16xf32>
    %add3A_145 = arith.addf %dot_general3A_142, %mul3A_144 : vector<64x16xf32>
    %mul3A_146 = vector.broadcast %rsqrt3A : vector<64x1xf32> to vector<64x16xf32>
    %mul3A_147 = arith.mulf %mul3A_146, %add3A_145 : vector<64x16xf32>
    %add3A_148 = vector.broadcast %get3A_138 : vector<1x16xf32> to vector<64x16xf32>
    %add3A_149 = arith.addf %mul3A_147, %add3A_148 : vector<64x16xf32>
    %reduce_max3A = arith.constant dense<0xFF800000> : vector<64xf32>
    %reduce_max3A_150 = vector.multi_reduction <maximumf>, %add3A_149, %reduce_max3A [1] : vector<64x16xf32> to vector<64xf32>
    %broadcast_in_dim3A_151 = vector.shape_cast %reduce_max3A_150 : vector<64xf32> to vector<64x1xf32>
    %sub3A_152 = vector.broadcast %broadcast_in_dim3A_151 : vector<64x1xf32> to vector<64x16xf32>
    %sub3A_153 = arith.subf %add3A_149, %sub3A_152 : vector<64x16xf32>
    %exp3A = math.exp %sub3A_153 : vector<64x16xf32>
    %reduce_sum3A_154 = arith.constant dense<0.000000e+00> : vector<64xf32>
    %reduce_sum3A_155 = vector.multi_reduction <add>, %exp3A, %reduce_sum3A_154 [1] : vector<64x16xf32> to vector<64xf32>
    %broadcast_in_dim3A_156 = vector.shape_cast %reduce_sum3A_155 : vector<64xf32> to vector<64x1xf32>
    %div3A_157 = vector.broadcast %broadcast_in_dim3A_156 : vector<64x1xf32> to vector<64x16xf32>
    %div3A_158 = arith.divf %exp3A, %div3A_157 : vector<64x16xf32>
    %dot_general3A_159 = arith.constant dense<0.000000e+00> : vector<16x128xf32>
    %dot_general3A_160 = tpu.matmul %div3A_158, %add3A_130, %dot_general3A_159 {dimension_numbers = #tpu.dot_dimension_numbers<[0], [0], [1], [1], [0, 1, 1, 1], [], []>, transpose_lhs_hint = false} : vector<64x16xf32>, vector<64x128xf32>, vector<16x128xf32> -> vector<16x128xf32>
    %reduce_sum3A_161 = arith.constant dense<0.000000e+00> : vector<128xf32>
    %reduce_sum3A_162 = vector.multi_reduction <add>, %dot_general3A_160, %reduce_sum3A_161 [0] : vector<16x128xf32> to vector<128xf32>
    %broadcast_in_dim3A_163 = vector.shape_cast %reduce_sum3A_162 : vector<128xf32> to vector<1x128xf32>
    %div3A_164 = arith.constant 1.600000e+01 : f32
    %div3A_165 = vector.broadcast %div3A_164 : f32 to vector<1x128xf32>
    %div3A_166 = arith.divf %broadcast_in_dim3A_163, %div3A_165 : vector<1x128xf32>
    %get3A_167 = arith.constant 0 : index
    %get3A_168 = arith.constant 0 : index
    %get3A_169 = vector.load %arg13[%get3A_167, %get3A_168] : memref<128x10xf32, #tpu.memory_space<vmem>>, vector<128x10xf32>
    %dot_general3A_170 = arith.constant dense<0.000000e+00> : vector<1x10xf32>
    %dot_general3A_171 = tpu.matmul %div3A_166, %get3A_169, %dot_general3A_170 {dimension_numbers = #tpu.dot_dimension_numbers<[1], [0], [0], [1], [0, 0, 1, 1], [], []>, transpose_lhs_hint = false} : vector<1x128xf32>, vector<128x10xf32>, vector<1x10xf32> -> vector<1x10xf32>
    %get3A_172 = arith.constant 0 : index
    %get3A_173 = arith.constant 0 : index
    %get3A_174 = vector.load %arg14[%get3A_172, %get3A_173] : memref<1x10xf32, #tpu.memory_space<vmem>>, vector<1x10xf32>
    %add3A_175 = arith.addf %dot_general3A_171, %get3A_174 : vector<1x10xf32>
    %reduce_max3A_176 = arith.constant dense<0xFF800000> : vector<1xf32>
    %reduce_max3A_177 = vector.multi_reduction <maximumf>, %add3A_175, %reduce_max3A_176 [1] : vector<1x10xf32> to vector<1xf32>
    %broadcast_in_dim3A_178 = vector.shape_cast %reduce_max3A_177 : vector<1xf32> to vector<1x1xf32>
    %sub3A_179 = vector.broadcast %broadcast_in_dim3A_178 : vector<1x1xf32> to vector<1x10xf32>
    %sub3A_180 = arith.subf %add3A_175, %sub3A_179 : vector<1x10xf32>
    %exp3A_181 = math.exp %sub3A_180 : vector<1x10xf32>
    %reduce_sum3A_182 = arith.constant dense<0.000000e+00> : vector<1xf32>
    %reduce_sum3A_183 = vector.multi_reduction <add>, %exp3A_181, %reduce_sum3A_182 [1] : vector<1x10xf32> to vector<1xf32>
    %broadcast_in_dim3A_184 = vector.shape_cast %reduce_sum3A_183 : vector<1xf32> to vector<1x1xf32>
    %log3A = math.log %broadcast_in_dim3A_184 : vector<1x1xf32>
    %add3A_185 = arith.addf %broadcast_in_dim3A_178, %log3A : vector<1x1xf32>
    %sub3A_186 = vector.broadcast %add3A_185 : vector<1x1xf32> to vector<1x10xf32>
    %sub3A_187 = arith.subf %add3A_175, %sub3A_186 : vector<1x10xf32>
    %swap3A = arith.constant 0 : index
    %swap3A_188 = arith.constant 0 : index
    %swap3A_189 = vector.load %arg15[%swap3A, %swap3A_188] : memref<1x10xf32, #tpu.memory_space<vmem>>, vector<1x10xf32>
    tpu.vector_store %arg15[%swap3A, %swap3A_188], %sub3A_187 {strides = array<i32>} : memref<1x10xf32, #tpu.memory_space<vmem>>, vector<1x10xf32>,
    return
  }
}

</mosaic_0001>

<sc_bundles>
// kernel: kernel.12.cloned.1.call-start
scs
__scs_entry_jumppad:
0x0: {  	(pc) =	sbr.rel $0x88, $3  }
0x1: {  	(tag) =	ssettag $0x0;
	lr =	simm.s32 $0x1  }
0x2: {  	[smem:$0x3F89] =	sst lr;
	_ =	strace $0xD0000000  }
0x3: {  	_ = 	snop  }
0x4: {  	_ = 	snop  }
0x5: {  	_ = 	snop  }
0x6: {  	_ = 	snop  }
0x7: {  	_ = 	snop  }
__scs_overlays_trampoline_lowered:
0x8: {  	[smem:$0x3F98] =	sst s0  }
0x9: {  	[smem:$0x3F99] =	sst s1  }
0xa: {  	[smem:$0x3F9A] =	sst s2  }
0xb: {  	[smem:$0x3F9B] =	sst s3  }
0xc: {  	[smem:$0x3F9C] =	sst s4  }
0xd: {  	[smem:$0x3F9D] =	sst s5  }
0xe: {  	[smem:$0x3F9E] =	sst s6  }
0xf: {  	[smem:$0x3F9F] =	sst s7  }
0x10: {  	[smem:$0x3FA0] =	sst s8  }
0x11: {  	[smem:$0x3FA1] =	sst s9;
	s0 =	simm.s32 @!p0 $0x0  }
0x12: {  	s1 =	sld [smem:$0x3F87];
	s0 =	simm.s32 @p0 $0x1  }
0x13: {  	[smem:$0x3FA2] =	sst s0;
	s0 =	simm.s32 @!p1 $0x0  }
0x14: {  	s2 =	sld [smem:$0x3F86];
	s0 =	simm.s32 @p1 $0x1  }
0x15: {  	[smem:$0x3FA3] =	sst s0;
	s0 =	simm.s32 @!p2 $0x0  }
0x16: {  	s3 =	sld [smem:$0x3FDB];
	s0 =	simm.s32 @p2 $0x1  }
0x17: {  	s4 =	simm.s32 $0x1BF5;
	[smem:$0x3FA5] =	sst s0  }
0x18: {  	s0 =	sld [smem:$0x3F88];
	_ =	swait.ge [sflag:s4], $0x0  }
0x19: {  	s7 =	sld [smem:$0x3F89]  }
0x1a: {  	s8 =	sadd.s32 $0xFFFFE003, lr  }
0x1b: {  	s9 =	sadd.s32 $0xFFFFFEF7, lr;
	s5 =	simm.s32 $0xFFFFFFFF;
	p2 =	slt.u32 s8, $0xFFFFF086  }
0x1c: {  	p1 =	slt.u32 s9, $0xF7A;
	s5 =	simm.s32 @!p2 $0x0  }
0x1d: {  	s5 =	simm.s32 @p1 $0x1;
	p0 =	seq.s32 s7, s2  }
0x1e: {  	s7 =	smul.u32 @!p0 $0xF7A, s2;
	p2 =	seq.s32 @!p0 s5, $0x0  }
0x1f: {  	s9 =	smul.u32 $0xF7A, s1;
	s8 =	simm.s32 @!p0 $0x1BF5;
	p2 =	por !p2, p0  }
0x20: {  	[sflag:s8] =	ssyncset.s32 @!p0 $0xFFFFF086;
	s6 =	sadd.s32 @!p0 s3, s7;
	s7 =	simm.s32 @!p0 $0x108  }
0x21: {  	s3 =	sadd.s32 s3, s9;
	s6 =	sadd.s32 @!p0 $0x88, s6;
	s7 =	simm.s32 @p2 $0x1082  }
0x22: {  	[simem:s7], [sflag:s8] =	dma.local @!p0 [hbm:s6], $0xF7A  }
0x23: {  	s9 =	sor.u32 $0xD0000000, s2;
	s6 =	simm.s32 $0x108;
	_ =	swait.ge @!p0 [sflag:s8], $0x0  }
0x24: {  	s3 =	sadd.s32 $0x88, s3;
	s6 =	simm.s32 @!p1 $0x1082;
	[sflag:s4] =	ssyncset.s32 $0xFFFFF086  }
0x25: {  	[simem:s6], [sflag:s4] =	dma.local [hbm:s3], $0xF7A  }
0x26: {  	[smem:$0x3F89] =	sst s1;
	(tag) =	ssettag s2;
	_ =	strace s9  }
0x27: {  	s1 =	sld [smem:$0x3F99]  }
0x28: {  	s2 =	sld [smem:$0x3F9A]  }
0x29: {  	s4 =	sld [smem:$0x3F9C]  }
0x2a: {  	p0 =	seq.s32 s5, $0x0;
	s5 =	sld [smem:$0x3F9D]  }
0x2b: {  	s6 =	sld [smem:$0x3F9E]  }
0x2c: {  	s7 =	sld [smem:$0x3F9F]  }
0x2d: {  	s3 =	simm.s32 $0x108;
	s8 =	sld [smem:$0x3FA0]  }
0x2e: {  	s3 =	simm.s32 @!p0 $0x1082;
	s9 =	sld [smem:$0x3FA1]  }
0x2f: {  	lr =	sadd.s32 s0, s3;
	s0 =	sld [smem:$0x3F98]  }
0x30: {  	s3 =	sld [smem:$0x3F9B]  }
0x31: {  	[smem:$0x3FA4] =	sst s10  }
0x32: {  	s10 =	sld [smem:$0x3FA2];
	_ =	sdelay $0x3  }
0x33: {  	p0 =	seq.s32 s10, $0x1;
	s10 =	sld [smem:$0x3FA4];
	_ =	sdelay $0x3  }
0x34: {  	[smem:$0x3FA4] =	sst s10  }
0x35: {  	s10 =	sld [smem:$0x3FA3];
	_ =	sdelay $0x3  }
0x36: {  	p1 =	seq.s32 s10, $0x1;
	s10 =	sld [smem:$0x3FA4];
	_ =	sdelay $0x3  }
0x37: {  	[smem:$0x3FA4] =	sst s10  }
0x38: {  	s10 =	sld [smem:$0x3FA5]  }
0x39: {  	_ = 	snop;
	(pc) =	sbr.ind lr, $3  }
0x3a: {  	_ = 	snop  }
0x3b: {  	_ = 	snop  }
0x3c: {  	p2 =	seq.s32 s10, $0x1;
	s10 =	sld [smem:$0x3FA4]  }
0x3d: {  	_ =	shalt  }
0x3e: {  	_ =	shalt  }
0x3f: {  	_ =	shalt  }
0x40: {  	_ =	shalt  }
0x41: {  	_ =	shalt  }
0x42: {  	_ =	shalt  }
0x43: {  	_ =	shalt  }
0x44: {  	_ =	shalt  }
0x45: {  	_ =	shalt  }
0x46: {  	_ =	shalt  }
0x47: {  	_ =	shalt  }
0x48: {  	_ =	shalt  }
0x49: {  	_ =	shalt  }
0x4a: {  	_ =	shalt  }
0x4b: {  	_ =	shalt  }
0x4c: {  	_ =	shalt  }
0x4d: {  	_ =	shalt  }
0x4e: {  	_ =	shalt  }
0x4f: {  	_ =	shalt  }
0x50: {  	_ =	shalt  }
0x51: {  	_ =	shalt  }
0x52: {  	_ =	shalt  }
0x53: {  	_ =	shalt  }
0x54: {  	_ =	shalt  }
0x55: {  	_ =	shalt  }
0x56: {  	_ =	shalt  }
0x57: {  	_ =	shalt  }
0x58: {  	_ =	shalt  }
0x59: {  	_ =	shalt  }
0x5a: {  	_ =	shalt  }
0x5b: {  	_ =	shalt  }
0x5c: {  	_ =	shalt  }
0x5d: {  	_ =	shalt  }
0x5e: {  	_ =	shalt  }
0x5f: {  	_ =	shalt  }
0x60: {  	_ =	shalt  }
0x61: {  	_ =	shalt  }
0x62: {  	_ =	shalt  }
0x63: {  	_ =	shalt  }
0x64: {  	_ =	shalt  }
0x65: {  	_ =	shalt  }
0x66: {  	_ =	shalt  }
0x67: {  	_ =	shalt  }
0x68: {  	_ =	shalt  }
0x69: {  	_ =	shalt  }
0x6a: {  	_ =	shalt  }
0x6b: {  	_ =	shalt  }
0x6c: {  	_ =	shalt  }
0x6d: {  	_ =	shalt  }
0x6e: {  	_ =	shalt  }
0x6f: {  	_ =	shalt  }
0x70: {  	_ =	shalt  }
0x71: {  	_ =	shalt  }
0x72: {  	_ =	shalt  }
0x73: {  	_ =	shalt  }
0x74: {  	_ =	shalt  }
0x75: {  	_ =	shalt  }
0x76: {  	_ =	shalt  }
0x77: {  	_ =	shalt  }
0x78: {  	_ =	shalt  }
0x79: {  	_ =	shalt  }
0x7a: {  	_ =	shalt  }
0x7b: {  	_ =	shalt  }
0x7c: {  	_ =	shalt  }
0x7d: {  	_ =	shalt  }
0x7e: {  	_ =	shalt  }
0x7f: {  	_ =	shalt  }
0x80: {  	_ =	shalt  }
0x81: {  	_ =	shalt  }
0x82: {  	_ =	shalt  }
0x83: {  	_ =	shalt  }
0x84: {  	_ =	shalt  }
0x85: {  	_ =	shalt  }
0x86: {  	_ =	shalt  }
0x87: {  	_ =	shalt  }
.Lfunc_end0:
.L_simem_size_0:
called_computation_lowered:
.L_overlay_start_0:
0x88: {  	s2 =	sld [smem:$0x3FD9]  }
0x89: {  	s3 =	sld [smem:$0x3FFE];
	_ =	sdelay $0x1  }
0x8a: {  	s1 =	srdreg.scid  }
0x8b: {  	s0 =	sand.u32 $0x1, s1  }
0x8c: {  	s16 =	sshll.u32 s0, $0xA;
	s2 =	sadd.s32 s3, s2  }
0x8d: {  	s2 =	sadd.s32 s2, s16  }
0x8e: {  	[smem:$0x3FB0] =	sst s2  }
0x8f: {  	_ = 	snop  }
0x90: {  	(tm) =	ssettm $0x1  }
0x91: {  	s17 =	sld [smem:$0x3FFB];
	_ =	sdelay $0x3  }
0x92: {  	_ =	strace s17  }
0x93: {  	s2 =	sld [smem:$0x3FFC];
	_ =	sdelay $0x3  }
0x94: {  	_ =	strace s2  }
0x95: {  	s2 =	sld [smem:$0x3FFD];
	_ =	sdelay $0x3  }
0x96: {  	_ =	strace s2  }
0x97: {  	_ =	strace $0x8FFFFFFF  }
0x98: {  	s18 =	sld [smem:$0x3FDB];
	_ =	sdelay $0x1  }
0x99: {  	s19 =	simm.s32 $_scs_section_size  }
0x9a: {  	s4 =	simm.s32 $_size__tile_overlayer_lowered;
	s5 =	simm.s32 $_tile_overlayer_lowered  }
0x9b: {  	s22 =	simm.s32 $0x1BFF;
	s21 =	sshll.u32 s5, $0x1;
	s2 =	sadd.s32 s19, s18  }
0x9c: {  	s6 =	simm.s32 $0x0;
	s20 =	sshll.u32 s4, $0x1;
	s4 =	sadd.s32 s21, s2  }
0x9d: {  	[timem:s6], [sflag:s22] =	dma.local [hbm:s4], s20  }
0x9e: {  	_ =	swait.ge [sflag:s22], s20  }
0x9f: {  	s3 =	ssub.s32 $0x0, s20;
	[sflag:s22] =	ssyncset.done $0x0  }
0xa0: {  	[sflag:s22] =	ssyncadd.s32 s3;
	_ =	sdelay $0x1  }
0xa1: {  	s23 =	simm.s32 $0x1B8B  }
0xa2: {  	_ =	swait.ge [sflag:s23], $0x1  }
0xa3: {  	[sflag:s23] =	ssyncset.done $0x0  }
0xa4: {  	s25 =	simm.s32 $0x1B8E;
	s24 =	sld [smem:$0x3FFE];
	[sflag:s23] =	ssyncadd.s32 $0xFFFFFFFF  }
0xa5: {  	s26 =	simm.s32 $execute0_lowered;
	[smem:$0x3FD2] =	sst s25  }
0xa6: {  	s4 =	sshll.u32 s26, $0x1;
	_ =	strace $0x80000046;
	[dreg:$0x1] =	wrdreg $0xFFFFFFFF  }
0xa7: {  	s28 =	simm.s32 $_size_execute0_lowered;
	s2 =	sadd.s32 s2, s4;
	[dreg:$0x0] =	wrdreg $0x0  }
0xa8: {  	s4 =	sshll.u32 s28, $0x1;
	[dreg:$0x2] =	wrdreg s2  }
0xa9: {  	[dreg:$0x3] =	wrdreg s4  }
0xaa: {  	[dreg:$0x4] =	wrdreg $0xC0  }
0xab: {  	_ =	task [dreg:s6], $0x5FFFF  }
0xac: {  	[dreg:$0x1] =	wrdreg $0xFFFFFFFF  }
0xad: {  	[dreg:$0x0] =	wrdreg $0x60  }
0xae: {  	[dreg:$0x2] =	wrdreg s24  }
0xaf: {  	[dreg:$0x3] =	wrdreg $0x48000  }
0xb0: {  	[dreg:$0x4] =	wrdreg $0x9  }
0xb1: {  	_ =	task.clear_ibuf [dreg:s6], $0x5FFFF;
	_ =	strace $0x90000046  }
0xb2: {  	s29 =	simm.s32 $0x9;
	_ =	strace $0x80000048  }
0xb3: {  	_ =	swait.ge [sflag:s29], $0x1  }
0xb4: {  	[sflag:s29] =	ssyncadd.s32 $0xFFFFFFFF  }
0xb5: {  	_ =	strace $0x90000048  }
0xb6: {  	_ =	sfence  }
0xb7: {  	s30 =	sld [smem:$0x0];
	_ =	sdelay $0x2  }
0xb8: {  	s31 =	sshll.u32 s1, $0xD;
	s1 =	sshrl.u32 s1, $0x2  }
0xb9: {  	s3 =	sand.u32 $0x4000, s31;
	s1 =	sadd.s32 s1, s30  }
0xba: {  	s0 =	sor.u32 s3, s0;
	s1 =	sshll.u32 s1, $0x11  }
0xbb: {  	s0 =	sor.u32 s1, s0  }
0xbc: {  	s0 =	sadd.s32 $0x8F2B, s0  }
0xbd: {  	[sflag:s0] =	ssyncadd.remote.s32 $0x1  }
0xbe: {  	_ =	sfence.sel $0xFFFF  }
0xbf: {  	[dreg:$0x0] =	wrdreg $0xFFFFFFFF;
	(pc) =	sbr.abs _section_cstart, $3  }
0xc0: {  	[dreg:$0x1] =	wrdreg $0xFFFFFFFF  }
0xc1: {  	_ =	task.clear_ibuf [dreg:s6], $0x2FFFF;
	_ =	strace $0x9FFFFFFF  }
0xc2: {  	(tm) =	ssettm $0x7FFFFFFF  }
0xc3: {  	_ =	shalt  }
tec
execute0_lowered:
.L_overlay_start_1:
0x0: {  	(tag) =	ssettag $0x1  }
0x1: {  	s0 =	rddreg [dreg:$0x0]  }
0x2: {  	s1 =	rddreg [dreg:$0x1];
	s2 =	simm.s32 $0x0;
	s4 =	srdreg.scid  }
0x3: {  	s24 =	stileid.u32;
	s12 =	simm.s32 $0x9;
	s14 =	simm.s32 $0x1400  }
0x4: {  	s15 =	simm.s32 $0x80;
	s16 =	simm.s32 $0x2800;
	s17 =	simm.s32 $0x3000  }
0x5: {  	s18 =	simm.s32 $0x3800;
	s19 =	simm.s32 $0x4000;
	s20 =	simm.s32 $0x1  }
0x6: {  	s21 =	simm.s32 $0x2;
	s22 =	simm.s32 $0x3;
	s23 =	simm.s32 $0x4  }
0x7: {  	s28 =	simm.s32 $0x7;
	s29 =	simm.s32 $0x8;
	s30 =	simm.s32 $0x0  }
0x8: {  	[smem:$0x7FF] =	sst s2;
	s3 =	sadd.s32 $0x1A000, s0;
	s8 =	sadd.s32 $0x10000, s0  }
0x9: {  	s5 =	sadd.s32 $0x1F000, s0;
	s4 =	sand.u32 $0x1, s4;
	s10 =	smul.u32 $0x2700, s24  }
0xa: {  	s26 =	sshll.u32 s24, $0x6;
	s13 =	sadd.s32 $0x27000, s1;
	p0 =	sne.s32 s24, $0xF  }
0xb: {  	_ =	strace $0x80000047;
	s6 =	smul.u32 $0x5000, s4;
	s7 =	sshll.u32 s4, $0x4  }
0xc: {  	s4 =	ssub.s32 $0x2, s4;
	s13 =	sshrl.u32 @!p0 s13, $0x3;
	s7 =	sor.u32 s24, s7  }
0xd: {  	s25 =	sshrl.u32 s4, $0x1;
	s11 =	sadd.s32 s10, s1;
	s31 =	sshrl.u32 s10, $0x3  }
0xe: {  	s24 =	simm.s32 $0x5;
	s0 =	sadd.s32 s6, s0;
	s9 =	smul.u32 $0x2800, s7  }
0xf: {  	s4 =	ssub.s32 s4, s25;
	s7 =	smul.u32 $0x500, s7;
	s6 =	sor.u32 $0x1C09, s26  }
0x10: {  	s11 =	sshrl.u32 s11, $0x3;
	s26 =	simm.s32 $0x6;
	s9 =	sshrl.u32 s9, $0x3  }
0x11: {  	s7 =	sadd.s32 s8, s7;
	s8 =	sadd.s32 s8, s9;
	s9 =	sadd.s32 $0x1F600, s0  }
0x12: {  	s10 =	smax.u32 s4, $0x1;
	s8 =	sadd.s32 $0x280, s8;
	s25 =	sadd.s32 s31, s9  }
.LBB2_1:
0x13: {  	[spmem:s11], [sflag:s6] =	dma.local [hbm:s5], $0x4E0  }
0x14: {  	_ =	swait.ge [sflag:s12], $0x4E0  }
0x15: {  	[sflag:s12] =	ssyncset.done $0x0  }
0x16: {  	s0 =	simm.s32 @!p0 $0x9;
	[sflag:s12] =	ssyncadd.s32 $0xFFFFFB20  }
0x17: {  	[spmem:s13], [sflag:s6] =	dma.local @!p0 [hbm:s5], $0x200  }
0x18: {  	_ =	swait.ge @!p0 [sflag:s0], $0x200  }
0x19: {  	[sflag:s0] =	ssyncset.done @!p0 $0x0  }
0x1a: {  	[sflag:s0] =	ssyncadd.s32 @!p0 $0xFFFFFE00  }
0x1b: {  	s4 =	simm.s32 $0x0;
	[bflag:$0x0] =	sbarrier.arrive $0xFFFF  }
0x1c: {  	[tilespmem:s4], [sflag:$0x9] =	stream.linear.gather [hbm4b:s7+s4], $0x1400, $0x38;
	[tilespmem:$0x7000] =	vst v63  }
0x1d: {  	_ =	swait.ge [sflag:s12], $0x1400  }
0x1e: {  	[sflag:s12] =	ssyncset.done $0x0  }
0x1f: {  	[sflag:s12] =	ssyncadd.s32 $0xFFFFEC00  }
0x20: {  	[tilespmem:s14], [sflag:$0x9] =	stream.linear.gather [hbm4b:s7+s4], $0x1400, $0x38;
	[tilespmem:$0x7000] =	vst v63  }
0x21: {  	_ =	swait.ge [sflag:s12], $0x1400  }
0x22: {  	[sflag:s12] =	ssyncset.done $0x0  }
0x23: {  	s2 =	simm.s32 $0x0;
	[sflag:s12] =	ssyncadd.s32 $0xFFFFEC00  }
0x24: {  	[tilespmem:s16], [sflag:$0x1] =	stream.indirect.gather [hbm4b:s3+s15], $0x10, s2, s15, $0xb8;
	[tilespmem:$0x7000] =	vst v63  }
0x25: {  	s4 =	simm.s32 $0x80  }
0x26: {  	[tilespmem:s17], [sflag:$0x2] =	stream.indirect.gather [hbm4b:s3+s15], $0x10, s4, s15, $0xb8;
	[tilespmem:$0x7000] =	vst v63  }
0x27: {  	s2 =	simm.s32 $0x100  }
0x28: {  	[tilespmem:s18], [sflag:$0x3] =	stream.indirect.gather [hbm4b:s3+s15], $0x10, s2, s15, $0xb8;
	[tilespmem:$0x7000] =	vst v63  }
0x29: {  	s4 =	simm.s32 $0x180  }
0x2a: {  	[tilespmem:s19], [sflag:$0x4] =	stream.indirect.gather [hbm4b:s3+s15], $0x10, s4, s15, $0xb8;
	[tilespmem:$0x7000] =	vst v63  }
0x2b: {  	_ =	swait.ge [sflag:s20], $0x800  }
0x2c: {  	[sflag:s20] =	ssyncset.done $0x0  }
0x2d: {  	s2 =	simm.s32 $0x1400;
	[sflag:s20] =	ssyncadd.s32 $0xFFFFF800  }
0x2e: {  	[spmem:s1] =	stream.indirect.scatter.add.f32 [tilespmem:s16], [sflag:$0x5], $0x10, s2, s15, $0xb8;
	[tilespmem:$0x7000] =	vst v63  }
0x2f: {  	_ =	swait.ge [sflag:s21], $0x800  }
0x30: {  	[sflag:s21] =	ssyncset.done $0x0  }
0x31: {  	s4 =	simm.s32 $0x1480;
	[sflag:s21] =	ssyncadd.s32 $0xFFFFF800  }
0x32: {  	[spmem:s1] =	stream.indirect.scatter.add.f32 [tilespmem:s17], [sflag:$0x6], $0x10, s4, s15, $0xb8;
	[tilespmem:$0x7000] =	vst v63  }
0x33: {  	_ =	swait.ge [sflag:s22], $0x800  }
0x34: {  	[sflag:s22] =	ssyncset.done $0x0  }
0x35: {  	s2 =	simm.s32 $0x1500;
	[sflag:s22] =	ssyncadd.s32 $0xFFFFF800  }
0x36: {  	[spmem:s1] =	stream.indirect.scatter.add.f32 [tilespmem:s18], [sflag:$0x7], $0x10, s2, s15, $0xb8;
	[tilespmem:$0x7000] =	vst v63  }
0x37: {  	_ =	swait.ge [sflag:s23], $0x800  }
0x38: {  	[sflag:s23] =	ssyncset.done $0x0  }
0x39: {  	s4 =	simm.s32 $0x1580;
	[sflag:s23] =	ssyncadd.s32 $0xFFFFF800  }
0x3a: {  	[spmem:s1] =	stream.indirect.scatter.add.f32 [tilespmem:s19], [sflag:$0x8], $0x10, s4, s15, $0xb8;
	[tilespmem:$0x7000] =	vst v63  }
0x3b: {  	_ =	swait.ge [sflag:s24], $0x800  }
0x3c: {  	[sflag:s24] =	ssyncset.done $0x0  }
0x3d: {  	[sflag:s24] =	ssyncadd.s32 $0xFFFFF800  }
0x3e: {  	_ =	swait.ge [sflag:s26], $0x800  }
0x3f: {  	[sflag:s26] =	ssyncset.done $0x0  }
0x40: {  	[sflag:s26] =	ssyncadd.s32 $0xFFFFF800  }
0x41: {  	_ =	swait.ge [sflag:s28], $0x800  }
0x42: {  	[sflag:s28] =	ssyncset.done $0x0  }
0x43: {  	[sflag:s28] =	ssyncadd.s32 $0xFFFFF800  }
0x44: {  	_ =	swait.ge [sflag:s29], $0x800  }
0x45: {  	s31 =	simm.s32 $0x800;
	s0 =	simm.s32 $0x1000;
	[sflag:s29] =	ssyncset.done $0x0  }
.LBB2_2:
0x46: {  	s2 =	sshra.s32 s31, $0x2  }
0x47: {  	[sflag:s29] =	ssyncadd.s32 $0xFFFFF800;
	s31 =	smov.u32 s0;
	s4 =	sadd.s32 $0x800, s0  }
0x48: {  	[tilespmem:s16], [sflag:$0x1] =	stream.indirect.gather [hbm4b:s3+s15], $0x10, s2, s15, $0xb8;
	[tilespmem:$0x7000] =	vst v63  }
0x49: {  	p1 =	sne.s32 s0, $0x4800;
	s0 =	sadd.s32 $0x80, s2  }
0x4a: {  	[tilespmem:s17], [sflag:$0x2] =	stream.indirect.gather [hbm4b:s3+s15], $0x10, s0, s15, $0xb8;
	[tilespmem:$0x7000] =	vst v63  }
0x4b: {  	s0 =	sadd.s32 $0x100, s2  }
0x4c: {  	[tilespmem:s18], [sflag:$0x3] =	stream.indirect.gather [hbm4b:s3+s15], $0x10, s0, s15, $0xb8;
	[tilespmem:$0x7000] =	vst v63  }
0x4d: {  	s0 =	sadd.s32 $0x180, s2  }
0x4e: {  	[tilespmem:s19], [sflag:$0x4] =	stream.indirect.gather [hbm4b:s3+s15], $0x10, s0, s15, $0xb8;
	[tilespmem:$0x7000] =	vst v63  }
0x4f: {  	_ =	swait.ge [sflag:s20], $0x800  }
0x50: {  	[sflag:s20] =	ssyncset.done $0x0  }
0x51: {  	s0 =	sadd.s32 $0x1400, s2;
	[sflag:s20] =	ssyncadd.s32 $0xFFFFF800  }
0x52: {  	[spmem:s1] =	stream.indirect.scatter.add.f32 [tilespmem:s16], [sflag:$0x5], $0x10, s0, s15, $0xb8;
	[tilespmem:$0x7000] =	vst v63  }
0x53: {  	_ =	swait.ge [sflag:s21], $0x800  }
0x54: {  	[sflag:s21] =	ssyncset.done $0x0  }
0x55: {  	s0 =	sadd.s32 $0x1480, s2;
	[sflag:s21] =	ssyncadd.s32 $0xFFFFF800  }
0x56: {  	[spmem:s1] =	stream.indirect.scatter.add.f32 [tilespmem:s17], [sflag:$0x6], $0x10, s0, s15, $0xb8;
	[tilespmem:$0x7000] =	vst v63  }
0x57: {  	_ =	swait.ge [sflag:s22], $0x800  }
0x58: {  	[sflag:s22] =	ssyncset.done $0x0  }
0x59: {  	s0 =	sadd.s32 $0x1500, s2;
	[sflag:s22] =	ssyncadd.s32 $0xFFFFF800  }
0x5a: {  	[spmem:s1] =	stream.indirect.scatter.add.f32 [tilespmem:s18], [sflag:$0x7], $0x10, s0, s15, $0xb8;
	[tilespmem:$0x7000] =	vst v63  }
0x5b: {  	_ =	swait.ge [sflag:s23], $0x800  }
0x5c: {  	[sflag:s23] =	ssyncset.done $0x0  }
0x5d: {  	s0 =	sadd.s32 $0x1580, s2;
	[sflag:s23] =	ssyncadd.s32 $0xFFFFF800  }
0x5e: {  	[spmem:s1] =	stream.indirect.scatter.add.f32 [tilespmem:s19], [sflag:$0x8], $0x10, s0, s15, $0xb8;
	[tilespmem:$0x7000] =	vst v63  }
0x5f: {  	_ =	swait.ge [sflag:s24], $0x800  }
0x60: {  	[sflag:s24] =	ssyncset.done $0x0  }
0x61: {  	[sflag:s24] =	ssyncadd.s32 $0xFFFFF800  }
0x62: {  	_ =	swait.ge [sflag:s26], $0x800  }
0x63: {  	[sflag:s26] =	ssyncset.done $0x0  }
0x64: {  	[sflag:s26] =	ssyncadd.s32 $0xFFFFF800  }
.Ltmp0:
0x65: {  	_ =	swait.ge [sflag:s28], $0x800;
	(pc) =	sbr.rel @p1 .LBB2_2-.Ltmp0, $4  }
0x66: {  	[sflag:s28] =	ssyncset.done $0x0  }
0x67: {  	[sflag:s28] =	ssyncadd.s32 $0xFFFFF800  }
0x68: {  	_ =	swait.ge [sflag:s29], $0x800  }
0x69: {  	s0 =	smov.u32 s4;
	[sflag:s29] =	ssyncset.done $0x0  }
0x6a: {  	s0 =	sshra.s32 s31, $0x2;
	[sflag:s29] =	ssyncadd.s32 $0xFFFFF800  }
0x6b: {  	[tilespmem:s16], [sflag:$0x1] =	stream.indirect.gather [hbm4b:s3+s15], $0x10, s0, s15, $0xb8;
	[tilespmem:$0x7000] =	vst v63  }
0x6c: {  	s2 =	sadd.s32 $0x80, s0  }
0x6d: {  	[tilespmem:s17], [sflag:$0x2] =	stream.indirect.gather [hbm4b:s3+s15], $0x10, s2, s15, $0xb8;
	[tilespmem:$0x7000] =	vst v63  }
0x6e: {  	s4 =	sadd.s32 $0x100, s0  }
0x6f: {  	[tilespmem:s18], [sflag:$0x3] =	stream.indirect.gather [hbm4b:s3+s15], $0x10, s4, s15, $0xb8;
	[tilespmem:$0x7000] =	vst v63  }
0x70: {  	s4 =	sadd.s32 $0x180, s0  }
0x71: {  	[tilespmem:s19], [sflag:$0x4] =	stream.indirect.gather [hbm4b:s3+s15], $0x10, s4, s15, $0xb8;
	[tilespmem:$0x7000] =	vst v63  }
0x72: {  	_ =	swait.ge [sflag:s20], $0x800  }
0x73: {  	[sflag:s20] =	ssyncset.done $0x0  }
0x74: {  	s4 =	sadd.s32 $0x1400, s0;
	[sflag:s20] =	ssyncadd.s32 $0xFFFFF800  }
0x75: {  	[spmem:s1] =	stream.indirect.scatter.add.f32 [tilespmem:s16], [sflag:$0x5], $0x10, s4, s15, $0xb8;
	[tilespmem:$0x7000] =	vst v63  }
0x76: {  	_ =	swait.ge [sflag:s21], $0x800  }
0x77: {  	[sflag:s21] =	ssyncset.done $0x0  }
0x78: {  	s4 =	sadd.s32 $0x1480, s0;
	[sflag:s21] =	ssyncadd.s32 $0xFFFFF800  }
0x79: {  	[spmem:s1] =	stream.indirect.scatter.add.f32 [tilespmem:s17], [sflag:$0x6], $0x10, s4, s15, $0xb8;
	[tilespmem:$0x7000] =	vst v63  }
0x7a: {  	_ =	swait.ge [sflag:s22], $0x800  }
0x7b: {  	[sflag:s22] =	ssyncset.done $0x0  }
0x7c: {  	s4 =	sadd.s32 $0x1500, s0;
	[sflag:s22] =	ssyncadd.s32 $0xFFFFF800  }
0x7d: {  	[spmem:s1] =	stream.indirect.scatter.add.f32 [tilespmem:s18], [sflag:$0x7], $0x10, s4, s15, $0xb8;
	[tilespmem:$0x7000] =	vst v63  }
0x7e: {  	_ =	swait.ge [sflag:s23], $0x800  }
0x7f: {  	[sflag:s23] =	ssyncset.done $0x0  }
0x80: {  	s0 =	sadd.s32 $0x1580, s0;
	[sflag:s23] =	ssyncadd.s32 $0xFFFFF800  }
0x81: {  	[spmem:s1] =	stream.indirect.scatter.add.f32 [tilespmem:s19], [sflag:$0x8], $0x10, s0, s15, $0xb8;
	[tilespmem:$0x7000] =	vst v63  }
0x82: {  	_ =	swait.ge [sflag:s24], $0x800  }
0x83: {  	[sflag:s24] =	ssyncset.done $0x0  }
0x84: {  	[sflag:s24] =	ssyncadd.s32 $0xFFFFF800  }
0x85: {  	_ =	swait.ge [sflag:s26], $0x800  }
0x86: {  	[sflag:s26] =	ssyncset.done $0x0  }
0x87: {  	[sflag:s26] =	ssyncadd.s32 $0xFFFFF800  }
0x88: {  	_ =	swait.ge [sflag:s28], $0x800  }
0x89: {  	[sflag:s28] =	ssyncset.done $0x0  }
0x8a: {  	[sflag:s28] =	ssyncadd.s32 $0xFFFFF800  }
0x8b: {  	_ =	swait.ge [sflag:s29], $0x800  }
0x8c: {  	[sflag:s29] =	ssyncset.done $0x0  }
0x8d: {  	s4 =	simm.s32 $0x0;
	[sflag:s29] =	ssyncadd.s32 $0xFFFFF800  }
0x8e: {  	[tilespmem:s4], [sflag:$0x9] =	stream.linear.gather [hbm4b:s8+s4], $0x1400, $0x38;
	[tilespmem:$0x7000] =	vst v63  }
0x8f: {  	_ =	swait.ge [sflag:s12], $0x1400  }
0x90: {  	[sflag:s12] =	ssyncset.done $0x0  }
0x91: {  	[sflag:s12] =	ssyncadd.s32 $0xFFFFEC00  }
0x92: {  	[tilespmem:s14], [sflag:$0x9] =	stream.linear.gather [hbm4b:s8+s4], $0x1400, $0x38;
	[tilespmem:$0x7000] =	vst v63  }
0x93: {  	_ =	swait.ge [sflag:s12], $0x1400  }
0x94: {  	[sflag:s12] =	ssyncset.done $0x0  }
0x95: {  	s2 =	simm.s32 $0x0;
	[sflag:s12] =	ssyncadd.s32 $0xFFFFEC00  }
0x96: {  	[tilespmem:s16], [sflag:$0x1] =	stream.indirect.gather [hbm4b:s3+s15], $0x10, s2, s15, $0xb8;
	[tilespmem:$0x7000] =	vst v63  }
0x97: {  	s4 =	simm.s32 $0x80  }
0x98: {  	[tilespmem:s17], [sflag:$0x2] =	stream.indirect.gather [hbm4b:s3+s15], $0x10, s4, s15, $0xb8;
	[tilespmem:$0x7000] =	vst v63  }
0x99: {  	s2 =	simm.s32 $0x100  }
0x9a: {  	[tilespmem:s18], [sflag:$0x3] =	stream.indirect.gather [hbm4b:s3+s15], $0x10, s2, s15, $0xb8;
	[tilespmem:$0x7000] =	vst v63  }
0x9b: {  	s4 =	simm.s32 $0x180  }
0x9c: {  	[tilespmem:s19], [sflag:$0x4] =	stream.indirect.gather [hbm4b:s3+s15], $0x10, s4, s15, $0xb8;
	[tilespmem:$0x7000] =	vst v63  }
0x9d: {  	_ =	swait.ge [sflag:s20], $0x800  }
0x9e: {  	[sflag:s20] =	ssyncset.done $0x0  }
0x9f: {  	s2 =	simm.s32 $0x1400;
	[sflag:s20] =	ssyncadd.s32 $0xFFFFF800  }
0xa0: {  	[spmem:s1] =	stream.indirect.scatter.add.f32 [tilespmem:s16], [sflag:$0x5], $0x10, s2, s15, $0xb8;
	[tilespmem:$0x7000] =	vst v63  }
0xa1: {  	_ =	swait.ge [sflag:s21], $0x800  }
0xa2: {  	[sflag:s21] =	ssyncset.done $0x0  }
0xa3: {  	s4 =	simm.s32 $0x1480;
	[sflag:s21] =	ssyncadd.s32 $0xFFFFF800  }
0xa4: {  	[spmem:s1] =	stream.indirect.scatter.add.f32 [tilespmem:s17], [sflag:$0x6], $0x10, s4, s15, $0xb8;
	[tilespmem:$0x7000] =	vst v63  }
0xa5: {  	_ =	swait.ge [sflag:s22], $0x800  }
0xa6: {  	[sflag:s22] =	ssyncset.done $0x0  }
0xa7: {  	s2 =	simm.s32 $0x1500;
	[sflag:s22] =	ssyncadd.s32 $0xFFFFF800  }
0xa8: {  	[spmem:s1] =	stream.indirect.scatter.add.f32 [tilespmem:s18], [sflag:$0x7], $0x10, s2, s15, $0xb8;
	[tilespmem:$0x7000] =	vst v63  }
0xa9: {  	_ =	swait.ge [sflag:s23], $0x800  }
0xaa: {  	[sflag:s23] =	ssyncset.done $0x0  }
0xab: {  	s4 =	simm.s32 $0x1580;
	[sflag:s23] =	ssyncadd.s32 $0xFFFFF800  }
0xac: {  	[spmem:s1] =	stream.indirect.scatter.add.f32 [tilespmem:s19], [sflag:$0x8], $0x10, s4, s15, $0xb8;
	[tilespmem:$0x7000] =	vst v63  }
0xad: {  	_ =	swait.ge [sflag:s24], $0x800  }
0xae: {  	[sflag:s24] =	ssyncset.done $0x0  }
0xaf: {  	[sflag:s24] =	ssyncadd.s32 $0xFFFFF800  }
0xb0: {  	_ =	swait.ge [sflag:s26], $0x800  }
0xb1: {  	[sflag:s26] =	ssyncset.done $0x0  }
0xb2: {  	[sflag:s26] =	ssyncadd.s32 $0xFFFFF800  }
0xb3: {  	_ =	swait.ge [sflag:s28], $0x800  }
0xb4: {  	[sflag:s28] =	ssyncset.done $0x0  }
0xb5: {  	[sflag:s28] =	ssyncadd.s32 $0xFFFFF800  }
0xb6: {  	_ =	swait.ge [sflag:s29], $0x800  }
0xb7: {  	s31 =	simm.s32 $0x800;
	s4 =	simm.s32 $0x1000;
	[sflag:s29] =	ssyncset.done $0x0  }
.LBB2_4:
0xb8: {  	s2 =	sshra.s32 s31, $0x2  }
0xb9: {  	[sflag:s29] =	ssyncadd.s32 $0xFFFFF800;
	s31 =	smov.u32 s4;
	s0 =	sadd.s32 $0x800, s4  }
0xba: {  	[tilespmem:s16], [sflag:$0x1] =	stream.indirect.gather [hbm4b:s3+s15], $0x10, s2, s15, $0xb8;
	[tilespmem:$0x7000] =	vst v63  }
0xbb: {  	p1 =	sne.s32 s4, $0x4800;
	s4 =	sadd.s32 $0x80, s2  }
0xbc: {  	[tilespmem:s17], [sflag:$0x2] =	stream.indirect.gather [hbm4b:s3+s15], $0x10, s4, s15, $0xb8;
	[tilespmem:$0x7000] =	vst v63  }
0xbd: {  	s4 =	sadd.s32 $0x100, s2  }
0xbe: {  	[tilespmem:s18], [sflag:$0x3] =	stream.indirect.gather [hbm4b:s3+s15], $0x10, s4, s15, $0xb8;
	[tilespmem:$0x7000] =	vst v63  }
0xbf: {  	s4 =	sadd.s32 $0x180, s2  }
0xc0: {  	[tilespmem:s19], [sflag:$0x4] =	stream.indirect.gather [hbm4b:s3+s15], $0x10, s4, s15, $0xb8;
	[tilespmem:$0x7000] =	vst v63  }
0xc1: {  	_ =	swait.ge [sflag:s20], $0x800  }
0xc2: {  	[sflag:s20] =	ssyncset.done $0x0  }
0xc3: {  	s4 =	sadd.s32 $0x1400, s2;
	[sflag:s20] =	ssyncadd.s32 $0xFFFFF800  }
0xc4: {  	[spmem:s1] =	stream.indirect.scatter.add.f32 [tilespmem:s16], [sflag:$0x5], $0x10, s4, s15, $0xb8;
	[tilespmem:$0x7000] =	vst v63  }
0xc5: {  	_ =	swait.ge [sflag:s21], $0x800  }
0xc6: {  	[sflag:s21] =	ssyncset.done $0x0  }
0xc7: {  	s4 =	sadd.s32 $0x1480, s2;
	[sflag:s21] =	ssyncadd.s32 $0xFFFFF800  }
0xc8: {  	[spmem:s1] =	stream.indirect.scatter.add.f32 [tilespmem:s17], [sflag:$0x6], $0x10, s4, s15, $0xb8;
	[tilespmem:$0x7000] =	vst v63  }
0xc9: {  	_ =	swait.ge [sflag:s22], $0x800  }
0xca: {  	[sflag:s22] =	ssyncset.done $0x0  }
0xcb: {  	s4 =	sadd.s32 $0x1500, s2;
	[sflag:s22] =	ssyncadd.s32 $0xFFFFF800  }
0xcc: {  	[spmem:s1] =	stream.indirect.scatter.add.f32 [tilespmem:s18], [sflag:$0x7], $0x10, s4, s15, $0xb8;
	[tilespmem:$0x7000] =	vst v63  }
0xcd: {  	_ =	swait.ge [sflag:s23], $0x800  }
0xce: {  	[sflag:s23] =	ssyncset.done $0x0  }
0xcf: {  	s2 =	sadd.s32 $0x1580, s2;
	[sflag:s23] =	ssyncadd.s32 $0xFFFFF800  }
0xd0: {  	[spmem:s1] =	stream.indirect.scatter.add.f32 [tilespmem:s19], [sflag:$0x8], $0x10, s2, s15, $0xb8;
	[tilespmem:$0x7000] =	vst v63  }
0xd1: {  	_ =	swait.ge [sflag:s24], $0x800  }
0xd2: {  	[sflag:s24] =	ssyncset.done $0x0  }
0xd3: {  	[sflag:s24] =	ssyncadd.s32 $0xFFFFF800  }
0xd4: {  	_ =	swait.ge [sflag:s26], $0x800  }
0xd5: {  	[sflag:s26] =	ssyncset.done $0x0  }
0xd6: {  	[sflag:s26] =	ssyncadd.s32 $0xFFFFF800  }
.Ltmp1:
0xd7: {  	_ =	swait.ge [sflag:s28], $0x800;
	(pc) =	sbr.rel @p1 .LBB2_4-.Ltmp1, $4  }
0xd8: {  	[sflag:s28] =	ssyncset.done $0x0  }
0xd9: {  	[sflag:s28] =	ssyncadd.s32 $0xFFFFF800  }
0xda: {  	_ =	swait.ge [sflag:s29], $0x800  }
0xdb: {  	s4 =	smov.u32 s0;
	[sflag:s29] =	ssyncset.done $0x0  }
0xdc: {  	s0 =	sshra.s32 s31, $0x2;
	[sflag:s29] =	ssyncadd.s32 $0xFFFFF800  }
0xdd: {  	[tilespmem:s16], [sflag:$0x1] =	stream.indirect.gather [hbm4b:s3+s15], $0x10, s0, s15, $0xb8;
	[tilespmem:$0x7000] =	vst v63  }
0xde: {  	s2 =	sadd.s32 $0x80, s0  }
0xdf: {  	[tilespmem:s17], [sflag:$0x2] =	stream.indirect.gather [hbm4b:s3+s15], $0x10, s2, s15, $0xb8;
	[tilespmem:$0x7000] =	vst v63  }
0xe0: {  	s31 =	sadd.s32 $0x100, s0  }
0xe1: {  	[tilespmem:s18], [sflag:$0x3] =	stream.indirect.gather [hbm4b:s3+s15], $0x10, s31, s15, $0xb8;
	[tilespmem:$0x7000] =	vst v63  }
0xe2: {  	s4 =	sadd.s32 $0x180, s0  }
0xe3: {  	[tilespmem:s19], [sflag:$0x4] =	stream.indirect.gather [hbm4b:s3+s15], $0x10, s4, s15, $0xb8;
	[tilespmem:$0x7000] =	vst v63  }
0xe4: {  	_ =	swait.ge [sflag:s20], $0x800  }
0xe5: {  	[sflag:s20] =	ssyncset.done $0x0  }
0xe6: {  	s31 =	sadd.s32 $0x1400, s0;
	[sflag:s20] =	ssyncadd.s32 $0xFFFFF800  }
0xe7: {  	[spmem:s1] =	stream.indirect.scatter.add.f32 [tilespmem:s16], [sflag:$0x5], $0x10, s31, s15, $0xb8;
	[tilespmem:$0x7000] =	vst v63  }
0xe8: {  	_ =	swait.ge [sflag:s21], $0x800  }
0xe9: {  	[sflag:s21] =	ssyncset.done $0x0  }
0xea: {  	s4 =	sadd.s32 $0x1480, s0;
	[sflag:s21] =	ssyncadd.s32 $0xFFFFF800  }
0xeb: {  	[spmem:s1] =	stream.indirect.scatter.add.f32 [tilespmem:s17], [sflag:$0x6], $0x10, s4, s15, $0xb8;
	[tilespmem:$0x7000] =	vst v63  }
0xec: {  	_ =	swait.ge [sflag:s22], $0x800  }
0xed: {  	[sflag:s22] =	ssyncset.done $0x0  }
0xee: {  	s31 =	sadd.s32 $0x1500, s0;
	[sflag:s22] =	ssyncadd.s32 $0xFFFFF800  }
0xef: {  	[spmem:s1] =	stream.indirect.scatter.add.f32 [tilespmem:s18], [sflag:$0x7], $0x10, s31, s15, $0xb8;
	[tilespmem:$0x7000] =	vst v63  }
0xf0: {  	_ =	swait.ge [sflag:s23], $0x800  }
0xf1: {  	[sflag:s23] =	ssyncset.done $0x0  }
0xf2: {  	s0 =	sadd.s32 $0x1580, s0;
	[sflag:s23] =	ssyncadd.s32 $0xFFFFF800  }
0xf3: {  	[spmem:s1] =	stream.indirect.scatter.add.f32 [tilespmem:s19], [sflag:$0x8], $0x10, s0, s15, $0xb8;
	[tilespmem:$0x7000] =	vst v63  }
0xf4: {  	_ =	swait.ge [sflag:s24], $0x800  }
0xf5: {  	[sflag:s24] =	ssyncset.done $0x0  }
0xf6: {  	[sflag:s24] =	ssyncadd.s32 $0xFFFFF800  }
0xf7: {  	_ =	swait.ge [sflag:s26], $0x800  }
0xf8: {  	[sflag:s26] =	ssyncset.done $0x0  }
0xf9: {  	[sflag:s26] =	ssyncadd.s32 $0xFFFFF800  }
0xfa: {  	_ =	swait.ge [sflag:s28], $0x800  }
0xfb: {  	[sflag:s28] =	ssyncset.done $0x0  }
0xfc: {  	[sflag:s28] =	ssyncadd.s32 $0xFFFFF800  }
0xfd: {  	_ =	swait.ge [sflag:s29], $0x800  }
0xfe: {  	[sflag:s29] =	ssyncset.done $0x0  }
0xff: {  	[sflag:s29] =	ssyncadd.s32 $0xFFFFF800  }
0x100: {  	[bflag:$0x0] =	sbarrier.arrive $0xFFFF  }
0x101: {  	[hbm:s25], [sflag:s6] =	dma.local [spmem:s11], $0x4E0  }
0x102: {  	_ =	swait.ge [sflag:s12], $0x4E0  }
0x103: {  	s30 =	sadd.s32 $0x1, s30;
	[sflag:s12] =	ssyncset.done $0x0  }
0x104: {  	p1 =	sne.s32 s30, s10;
	s0 =	sadd.s32 @!p0 $0x4E00, s9;
	[sflag:s12] =	ssyncadd.s32 $0xFFFFFB20  }
0x105: {  	[hbm:s0], [sflag:s6] =	dma.local @!p0 [spmem:s13], $0x200  }
.Ltmp2:
0x106: {  	_ = 	snop;
	(pc) =	sbr.rel @p1 .LBB2_1-.Ltmp2, $4  }
0x107: {  	s0 =	simm.s32 @!p0 $0x9  }
0x108: {  	_ =	swait.ge @!p0 [sflag:s0], $0x200  }
0x109: {  	[sflag:s0] =	ssyncset.done @!p0 $0x0  }
0x10a: {  	[sflag:s0] =	ssyncadd.s32 @!p0 $0xFFFFFE00  }
0x10b: {  	_ =	sfence.sel $0x180000  }
0x10c: {  	[bflag:$0x0] =	sbarrier.arrive $0xFFFF  }
0x10d: {  	_ =	strace $0x90000047  }
0x10e: {  	s0 =	stileid.u32;
	[bflag:$0x2] =	sbarrier.arrive $0xFFFF  }
0x10f: {  	p0 =	sne.s32 s0, $0x0;
	s0 =	rddreg [dreg:$0x2]  }
0x110: {  	s0 =	sadd.s32 @!p0 $0x100000, s0  }
0x111: {  	[sflag:s0] =	ssyncadd.tile.s32 @!p0 $0x1;
	_ =	shalt  }
.Lfunc_end2:
_tile_overlayer_lowered:
.L_overlay_start_2:
0x112: {  	(tag) =	ssettag $0x2  }
0x113: {  	s0 =	rddreg [dreg:$0x0];
	s2 =	stileid.u32  }
0x114: {  	s1 =	rddreg [dreg:$0x1];
	p0 =	sne.s32 s2, $0x0  }
0x115: {  	s3 =	rddreg [dreg:$0x2];
	[bflag:$0x3] =	sbarrier.arrive $0xFFFF;
	s2 =	simm.s32 @!p0 $0x1C09  }
0x116: {  	[timem:s3], [sflag:s2] =	dma.local @!p0 [hbm:s0], s1  }
0x117: {  	s0 =	simm.s32 @!p0 $0x9  }
0x118: {  	_ =	swait.ge @!p0 [sflag:s0], s1  }
0x119: {  	s1 =	ssub.s32 @!p0 $0x0, s1;
	[sflag:s0] =	ssyncset.done @!p0 $0x0  }
0x11a: {  	[sflag:s0] =	ssyncadd.s32 @!p0 s1  }
0x11b: {  	[bflag:$0x3] =	sbarrier.arrive $0xFFFF  }
0x11c: {  	_ =	shalt  }

// kernel: kernel.15.cloned.1.call-start
scs
__scs_entry_jumppad:
0x0: {  	(pc) =	sbr.rel $0x88, $3  }
0x1: {  	(tag) =	ssettag $0x0;
	lr =	simm.s32 $0x1  }
0x2: {  	[smem:$0x3F89] =	sst lr;
	_ =	strace $0xD0000000  }
0x3: {  	_ = 	snop  }
0x4: {  	_ = 	snop  }
0x5: {  	_ = 	snop  }
0x6: {  	_ = 	snop  }
0x7: {  	_ = 	snop  }
__scs_overlays_trampoline_lowered:
0x8: {  	[smem:$0x3F98] =	sst s0  }
0x9: {  	[smem:$0x3F99] =	sst s1  }
0xa: {  	[smem:$0x3F9A] =	sst s2  }
0xb: {  	[smem:$0x3F9B] =	sst s3  }
0xc: {  	[smem:$0x3F9C] =	sst s4  }
0xd: {  	[smem:$0x3F9D] =	sst s5  }
0xe: {  	[smem:$0x3F9E] =	sst s6  }
0xf: {  	[smem:$0x3F9F] =	sst s7  }
0x10: {  	[smem:$0x3FA0] =	sst s8  }
0x11: {  	[smem:$0x3FA1] =	sst s9;
	s0 =	simm.s32 @!p0 $0x0  }
0x12: {  	s1 =	sld [smem:$0x3F87];
	s0 =	simm.s32 @p0 $0x1  }
0x13: {  	[smem:$0x3FA2] =	sst s0;
	s0 =	simm.s32 @!p1 $0x0  }
0x14: {  	s2 =	sld [smem:$0x3F86];
	s0 =	simm.s32 @p1 $0x1  }
0x15: {  	[smem:$0x3FA3] =	sst s0;
	s0 =	simm.s32 @!p2 $0x0  }
0x16: {  	s3 =	sld [smem:$0x3FDB];
	s0 =	simm.s32 @p2 $0x1  }
0x17: {  	s4 =	simm.s32 $0x1BF5;
	[smem:$0x3FA5] =	sst s0  }
0x18: {  	s0 =	sld [smem:$0x3F88];
	_ =	swait.ge [sflag:s4], $0x0  }
0x19: {  	s7 =	sld [smem:$0x3F89]  }
0x1a: {  	s8 =	sadd.s32 $0xFFFFE003, lr  }
0x1b: {  	s9 =	sadd.s32 $0xFFFFFEF7, lr;
	s5 =	simm.s32 $0xFFFFFFFF;
	p2 =	slt.u32 s8, $0xFFFFF086  }
0x1c: {  	p1 =	slt.u32 s9, $0xF7A;
	s5 =	simm.s32 @!p2 $0x0  }
0x1d: {  	s5 =	simm.s32 @p1 $0x1;
	p0 =	seq.s32 s7, s2  }
0x1e: {  	s7 =	smul.u32 @!p0 $0xF7A, s2;
	p2 =	seq.s32 @!p0 s5, $0x0  }
0x1f: {  	s9 =	smul.u32 $0xF7A, s1;
	s8 =	simm.s32 @!p0 $0x1BF5;
	p2 =	por !p2, p0  }
0x20: {  	[sflag:s8] =	ssyncset.s32 @!p0 $0xFFFFF086;
	s6 =	sadd.s32 @!p0 s3, s7;
	s7 =	simm.s32 @!p0 $0x108  }
0x21: {  	s3 =	sadd.s32 s3, s9;
	s6 =	sadd.s32 @!p0 $0x88, s6;
	s7 =	simm.s32 @p2 $0x1082  }
0x22: {  	[simem:s7], [sflag:s8] =	dma.local @!p0 [hbm:s6], $0xF7A  }
0x23: {  	s9 =	sor.u32 $0xD0000000, s2;
	s6 =	simm.s32 $0x108;
	_ =	swait.ge @!p0 [sflag:s8], $0x0  }
0x24: {  	s3 =	sadd.s32 $0x88, s3;
	s6 =	simm.s32 @!p1 $0x1082;
	[sflag:s4] =	ssyncset.s32 $0xFFFFF086  }
0x25: {  	[simem:s6], [sflag:s4] =	dma.local [hbm:s3], $0xF7A  }
0x26: {  	[smem:$0x3F89] =	sst s1;
	(tag) =	ssettag s2;
	_ =	strace s9  }
0x27: {  	s1 =	sld [smem:$0x3F99]  }
0x28: {  	s2 =	sld [smem:$0x3F9A]  }
0x29: {  	s4 =	sld [smem:$0x3F9C]  }
0x2a: {  	p0 =	seq.s32 s5, $0x0;
	s5 =	sld [smem:$0x3F9D]  }
0x2b: {  	s6 =	sld [smem:$0x3F9E]  }
0x2c: {  	s7 =	sld [smem:$0x3F9F]  }
0x2d: {  	s3 =	simm.s32 $0x108;
	s8 =	sld [smem:$0x3FA0]  }
0x2e: {  	s3 =	simm.s32 @!p0 $0x1082;
	s9 =	sld [smem:$0x3FA1]  }
0x2f: {  	lr =	sadd.s32 s0, s3;
	s0 =	sld [smem:$0x3F98]  }
0x30: {  	s3 =	sld [smem:$0x3F9B]  }
0x31: {  	[smem:$0x3FA4] =	sst s10  }
0x32: {  	s10 =	sld [smem:$0x3FA2];
	_ =	sdelay $0x3  }
0x33: {  	p0 =	seq.s32 s10, $0x1;
	s10 =	sld [smem:$0x3FA4];
	_ =	sdelay $0x3  }
0x34: {  	[smem:$0x3FA4] =	sst s10  }
0x35: {  	s10 =	sld [smem:$0x3FA3];
	_ =	sdelay $0x3  }
0x36: {  	p1 =	seq.s32 s10, $0x1;
	s10 =	sld [smem:$0x3FA4];
	_ =	sdelay $0x3  }
0x37: {  	[smem:$0x3FA4] =	sst s10  }
0x38: {  	s10 =	sld [smem:$0x3FA5]  }
0x39: {  	_ = 	snop;
	(pc) =	sbr.ind lr, $3  }
0x3a: {  	_ = 	snop  }
0x3b: {  	_ = 	snop  }
0x3c: {  	p2 =	seq.s32 s10, $0x1;
	s10 =	sld [smem:$0x3FA4]  }
0x3d: {  	_ =	shalt  }
0x3e: {  	_ =	shalt  }
0x3f: {  	_ =	shalt  }
0x40: {  	_ =	shalt  }
0x41: {  	_ =	shalt  }
0x42: {  	_ =	shalt  }
0x43: {  	_ =	shalt  }
0x44: {  	_ =	shalt  }
0x45: {  	_ =	shalt  }
0x46: {  	_ =	shalt  }
0x47: {  	_ =	shalt  }
0x48: {  	_ =	shalt  }
0x49: {  	_ =	shalt  }
0x4a: {  	_ =	shalt  }
0x4b: {  	_ =	shalt  }
0x4c: {  	_ =	shalt  }
0x4d: {  	_ =	shalt  }
0x4e: {  	_ =	shalt  }
0x4f: {  	_ =	shalt  }
0x50: {  	_ =	shalt  }
0x51: {  	_ =	shalt  }
0x52: {  	_ =	shalt  }
0x53: {  	_ =	shalt  }
0x54: {  	_ =	shalt  }
0x55: {  	_ =	shalt  }
0x56: {  	_ =	shalt  }
0x57: {  	_ =	shalt  }
0x58: {  	_ =	shalt  }
0x59: {  	_ =	shalt  }
0x5a: {  	_ =	shalt  }
0x5b: {  	_ =	shalt  }
0x5c: {  	_ =	shalt  }
0x5d: {  	_ =	shalt  }
0x5e: {  	_ =	shalt  }
0x5f: {  	_ =	shalt  }
0x60: {  	_ =	shalt  }
0x61: {  	_ =	shalt  }
0x62: {  	_ =	shalt  }
0x63: {  	_ =	shalt  }
0x64: {  	_ =	shalt  }
0x65: {  	_ =	shalt  }
0x66: {  	_ =	shalt  }
0x67: {  	_ =	shalt  }
0x68: {  	_ =	shalt  }
0x69: {  	_ =	shalt  }
0x6a: {  	_ =	shalt  }
0x6b: {  	_ =	shalt  }
0x6c: {  	_ =	shalt  }
0x6d: {  	_ =	shalt  }
0x6e: {  	_ =	shalt  }
0x6f: {  	_ =	shalt  }
0x70: {  	_ =	shalt  }
0x71: {  	_ =	shalt  }
0x72: {  	_ =	shalt  }
0x73: {  	_ =	shalt  }
0x74: {  	_ =	shalt  }
0x75: {  	_ =	shalt  }
0x76: {  	_ =	shalt  }
0x77: {  	_ =	shalt  }
0x78: {  	_ =	shalt  }
0x79: {  	_ =	shalt  }
0x7a: {  	_ =	shalt  }
0x7b: {  	_ =	shalt  }
0x7c: {  	_ =	shalt  }
0x7d: {  	_ =	shalt  }
0x7e: {  	_ =	shalt  }
0x7f: {  	_ =	shalt  }
0x80: {  	_ =	shalt  }
0x81: {  	_ =	shalt  }
0x82: {  	_ =	shalt  }
0x83: {  	_ =	shalt  }
0x84: {  	_ =	shalt  }
0x85: {  	_ =	shalt  }
0x86: {  	_ =	shalt  }
0x87: {  	_ =	shalt  }
.Lfunc_end0:
.L_simem_size_0:
called_computation.1_lowered:
.L_overlay_start_0:
0x88: {  	s2 =	sld [smem:$0x3FD9]  }
0x89: {  	s3 =	sld [smem:$0x3FFE];
	_ =	sdelay $0x1  }
0x8a: {  	s1 =	srdreg.scid  }
0x8b: {  	s0 =	sand.u32 $0x1, s1  }
0x8c: {  	s16 =	sshll.u32 s0, $0xA;
	s2 =	sadd.s32 s3, s2  }
0x8d: {  	s2 =	sadd.s32 s2, s16  }
0x8e: {  	[smem:$0x3FB0] =	sst s2  }
0x8f: {  	_ = 	snop  }
0x90: {  	(tm) =	ssettm $0x1  }
0x91: {  	s17 =	sld [smem:$0x3FFB];
	_ =	sdelay $0x3  }
0x92: {  	_ =	strace s17  }
0x93: {  	s2 =	sld [smem:$0x3FFC];
	_ =	sdelay $0x3  }
0x94: {  	_ =	strace s2  }
0x95: {  	s2 =	sld [smem:$0x3FFD];
	_ =	sdelay $0x3  }
0x96: {  	_ =	strace s2  }
0x97: {  	_ =	strace $0x8FFFFFFF  }
0x98: {  	s18 =	sld [smem:$0x3FDB];
	_ =	sdelay $0x1  }
0x99: {  	s19 =	simm.s32 $_scs_section_size  }
0x9a: {  	s4 =	simm.s32 $_size__tile_overlayer_lowered;
	s5 =	simm.s32 $_tile_overlayer_lowered  }
0x9b: {  	s22 =	simm.s32 $0x1BFF;
	s21 =	sshll.u32 s5, $0x1;
	s2 =	sadd.s32 s19, s18  }
0x9c: {  	s6 =	simm.s32 $0x0;
	s20 =	sshll.u32 s4, $0x1;
	s4 =	sadd.s32 s21, s2  }
0x9d: {  	[timem:s6], [sflag:s22] =	dma.local [hbm:s4], s20  }
0x9e: {  	_ =	swait.ge [sflag:s22], s20  }
0x9f: {  	s3 =	ssub.s32 $0x0, s20;
	[sflag:s22] =	ssyncset.done $0x0  }
0xa0: {  	[sflag:s22] =	ssyncadd.s32 s3;
	_ =	sdelay $0x1  }
0xa1: {  	s23 =	simm.s32 $0x1B8B  }
0xa2: {  	_ =	swait.ge [sflag:s23], $0x1  }
0xa3: {  	[sflag:s23] =	ssyncset.done $0x0  }
0xa4: {  	s25 =	simm.s32 $0x1B8E;
	s24 =	sld [smem:$0x3FFE];
	[sflag:s23] =	ssyncadd.s32 $0xFFFFFFFF  }
0xa5: {  	s26 =	simm.s32 $execute0_lowered;
	[smem:$0x3FD2] =	sst s25  }
0xa6: {  	s4 =	sshll.u32 s26, $0x1;
	_ =	strace $0x80000049;
	[dreg:$0x1] =	wrdreg $0xFFFFFFFF  }
0xa7: {  	s28 =	simm.s32 $_size_execute0_lowered;
	s2 =	sadd.s32 s2, s4;
	[dreg:$0x0] =	wrdreg $0x0  }
0xa8: {  	s4 =	sshll.u32 s28, $0x1;
	[dreg:$0x2] =	wrdreg s2  }
0xa9: {  	[dreg:$0x3] =	wrdreg s4  }
0xaa: {  	[dreg:$0x4] =	wrdreg $0xC0  }
0xab: {  	_ =	task [dreg:s6], $0x5FFFF  }
0xac: {  	[dreg:$0x1] =	wrdreg $0xFFFFFFFF  }
0xad: {  	[dreg:$0x0] =	wrdreg $0x60  }
0xae: {  	[dreg:$0x2] =	wrdreg s24  }
0xaf: {  	[dreg:$0x3] =	wrdreg $0xA8000  }
0xb0: {  	[dreg:$0x4] =	wrdreg $0x9  }
0xb1: {  	_ =	task.clear_ibuf [dreg:s6], $0x5FFFF;
	_ =	strace $0x90000049  }
0xb2: {  	s29 =	simm.s32 $0x9;
	_ =	strace $0x8000004B  }
0xb3: {  	_ =	swait.ge [sflag:s29], $0x1  }
0xb4: {  	[sflag:s29] =	ssyncadd.s32 $0xFFFFFFFF  }
0xb5: {  	_ =	strace $0x9000004B  }
0xb6: {  	_ =	sfence  }
0xb7: {  	s30 =	sld [smem:$0x0];
	_ =	sdelay $0x2  }
0xb8: {  	s31 =	sshll.u32 s1, $0xD;
	s1 =	sshrl.u32 s1, $0x2  }
0xb9: {  	s3 =	sand.u32 $0x4000, s31;
	s1 =	sadd.s32 s1, s30  }
0xba: {  	s0 =	sor.u32 s3, s0;
	s1 =	sshll.u32 s1, $0x11  }
0xbb: {  	s0 =	sor.u32 s1, s0  }
0xbc: {  	s0 =	sadd.s32 $0x8F2B, s0  }
0xbd: {  	[sflag:s0] =	ssyncadd.remote.s32 $0x1  }
0xbe: {  	_ =	sfence.sel $0xFFFF  }
0xbf: {  	[dreg:$0x0] =	wrdreg $0xFFFFFFFF;
	(pc) =	sbr.abs _section_cstart, $3  }
0xc0: {  	[dreg:$0x1] =	wrdreg $0xFFFFFFFF  }
0xc1: {  	_ =	task.clear_ibuf [dreg:s6], $0x2FFFF;
	_ =	strace $0x9FFFFFFF  }
0xc2: {  	(tm) =	ssettm $0x7FFFFFFF  }
0xc3: {  	_ =	shalt  }
tec
execute0_lowered:
.L_overlay_start_1:
0x0: {  	(tag) =	ssettag $0x1  }
0x1: {  	s6 =	rddreg [dreg:$0x0]  }
0x2: {  	s1 =	rddreg [dreg:$0x1]  }
0x3: {  	s0 =	rddreg [dreg:$0x2]  }
0x4: {  	s2 =	simm.s32 $0x0;
	s4 =	srdreg.scid;
	s17 =	simm.s32 $0x80  }
0x5: {  	s18 =	simm.s32 $0x2800;
	s19 =	simm.s32 $0x6800;
	s20 =	simm.s32 $0x1  }
0x6: {  	s21 =	simm.s32 $0x2;
	s22 =	simm.s32 $0x3;
	s23 =	simm.s32 $0x4  }
0x7: {  	s25 =	simm.s32 $0x0;
	[smem:$0x7FF] =	sst s2;
	s3 =	sadd.s32 $0x1A000, s6  }
0x8: {  	s9 =	sadd.s32 $0x6000, s6;
	s10 =	sadd.s32 $0x10000, s6;
	s7 =	sand.u32 $0x1, s4  }
0x9: {  	s4 =	stileid.u32;
	s5 =	sadd.s32 $0x42000, s6;
	s16 =	sadd.s32 $0x138000, s1  }
0xa: {  	_ =	strace $0x8000004A;
	s8 =	sshll.u32 s7, $0x4;
	s11 =	smul.u32 $0x4E000, s4  }
0xb: {  	s12 =	smul.u32 $0x28000, s7;
	s7 =	ssub.s32 $0x2, s7;
	s29 =	sshll.u32 s4, $0x6  }
0xc: {  	s24 =	smul.u32 $0x2700, s4;
	p0 =	sne.s32 s4, $0xF;
	s8 =	sor.u32 s4, s8  }
0xd: {  	s13 =	sshrl.u32 s7, $0x1;
	s11 =	sshrl.u32 s11, $0x2;
	s14 =	smul.u32 $0x2800, s8  }
0xe: {  	s12 =	sadd.s32 s12, s6;
	s13 =	ssub.s32 s7, s13;
	s8 =	smul.u32 $0x500, s8  }
0xf: {  	s6 =	sor.u32 $0x1C05, s29;
	s15 =	sadd.s32 s11, s1;
	s11 =	sadd.s32 $0x44800, s12  }
0x10: {  	s12 =	smax.u32 s13, $0x1;
	s30 =	sshrl.u32 s14, $0x3;
	s7 =	sadd.s32 s9, s8  }
0x11: {  	s8 =	sadd.s32 s10, s8;
	s13 =	sshrl.u32 s15, $0x3;
	s14 =	simm.s32 $0x5  }
0x12: {  	s15 =	sshrl.u32 @!p0 s16, $0x3;
	s16 =	simm.s32 $0x1400;
	s31 =	sadd.s32 $0x280, s30  }
0x13: {  	s24 =	sadd.s32 s24, s11;
	s9 =	sadd.s32 s9, s31;
	s10 =	sadd.s32 s10, s31  }
.LBB2_1:
0x14: {  	[spmem:s13], [sflag:s6] =	dma.local [hbm:s5], $0x2700  }
0x15: {  	_ =	swait.ge [sflag:s14], $0x2700  }
0x16: {  	[sflag:s14] =	ssyncset.done $0x0  }
0x17: {  	s26 =	simm.s32 @!p0 $0x5;
	[sflag:s14] =	ssyncadd.s32 $0xFFFFD900  }
0x18: {  	[spmem:s15], [sflag:s6] =	dma.local @!p0 [hbm:s5], $0x1000  }
0x19: {  	_ =	swait.ge @!p0 [sflag:s26], $0x1000  }
0x1a: {  	[sflag:s26] =	ssyncset.done @!p0 $0x0  }
0x1b: {  	[sflag:s26] =	ssyncadd.s32 @!p0 $0xFFFFF000  }
0x1c: {  	[bflag:$0x0] =	sbarrier.arrive $0xFFFF  }
0x1d: {  	[tilespmem:s2], [sflag:$0x5] =	stream.linear.gather [hbm4b:s7+s2], $0x1400, $0x38;
	[tilespmem:$0x1E800] =	vst v63  }
0x1e: {  	_ =	swait.ge [sflag:s14], $0x1400  }
0x1f: {  	[sflag:s14] =	ssyncset.done $0x0  }
0x20: {  	[sflag:s14] =	ssyncadd.s32 $0xFFFFEC00  }
0x21: {  	[tilespmem:s16], [sflag:$0x5] =	stream.linear.gather [hbm4b:s8+s2], $0x1400, $0x38;
	[tilespmem:$0x1E800] =	vst v63  }
0x22: {  	_ =	swait.ge [sflag:s14], $0x1400  }
0x23: {  	[sflag:s14] =	ssyncset.done $0x0  }
0x24: {  	s31 =	simm.s32 $0x0;
	[sflag:s14] =	ssyncadd.s32 $0xFFFFEC00  }
0x25: {  	[tilespmem:s18], [sflag:$0x1] =	stream.indirect.gather [hbm4b:s3+s17], $0x80, s31, s17, $0xb8;
	[tilespmem:$0x1E800] =	vst v63  }
0x26: {  	s29 =	simm.s32 $0x80  }
0x27: {  	[tilespmem:s19], [sflag:$0x2] =	stream.indirect.gather [hbm4b:s3+s17], $0x80, s29, s17, $0xb8;
	[tilespmem:$0x1E800] =	vst v63  }
0x28: {  	_ =	swait.ge [sflag:s20], $0x4000  }
0x29: {  	[sflag:s20] =	ssyncset.done $0x0  }
0x2a: {  	s30 =	simm.s32 $0x1400;
	[sflag:s20] =	ssyncadd.s32 $0xFFFFC000  }
0x2b: {  	[spmem:s1] =	stream.indirect.scatter.add.f32 [tilespmem:s18], [sflag:$0x3], $0x80, s30, s17, $0xb8;
	[tilespmem:$0x1E800] =	vst v63  }
0x2c: {  	_ =	swait.ge [sflag:s21], $0x4000  }
0x2d: {  	[sflag:s21] =	ssyncset.done $0x0  }
0x2e: {  	s31 =	simm.s32 $0x1480;
	[sflag:s21] =	ssyncadd.s32 $0xFFFFC000  }
0x2f: {  	[spmem:s1] =	stream.indirect.scatter.add.f32 [tilespmem:s19], [sflag:$0x4], $0x80, s31, s17, $0xb8;
	[tilespmem:$0x1E800] =	vst v63  }
0x30: {  	_ =	swait.ge [sflag:s22], $0x4000  }
0x31: {  	[sflag:s22] =	ssyncset.done $0x0  }
0x32: {  	[sflag:s22] =	ssyncadd.s32 $0xFFFFC000  }
0x33: {  	_ =	swait.ge [sflag:s23], $0x4000  }
0x34: {  	s28 =	simm.s32 $0x800;
	s26 =	simm.s32 $0x400;
	[sflag:s23] =	ssyncset.done $0x0  }
.LBB2_2:
0x35: {  	s29 =	sshra.s32 s26, $0x2  }
0x36: {  	[sflag:s23] =	ssyncadd.s32 $0xFFFFC000;
	s26 =	smov.u32 s28;
	s30 =	sadd.s32 $0x400, s28  }
0x37: {  	[tilespmem:s18], [sflag:$0x1] =	stream.indirect.gather [hbm4b:s3+s17], $0x80, s29, s17, $0xb8;
	[tilespmem:$0x1E800] =	vst v63  }
0x38: {  	p1 =	sne.s32 s28, $0x4C00;
	s28 =	sadd.s32 $0x80, s29  }
0x39: {  	[tilespmem:s19], [sflag:$0x2] =	stream.indirect.gather [hbm4b:s3+s17], $0x80, s28, s17, $0xb8;
	[tilespmem:$0x1E800] =	vst v63  }
0x3a: {  	_ =	swait.ge [sflag:s20], $0x4000  }
0x3b: {  	[sflag:s20] =	ssyncset.done $0x0  }
0x3c: {  	s28 =	sadd.s32 $0x1400, s29;
	[sflag:s20] =	ssyncadd.s32 $0xFFFFC000  }
0x3d: {  	[spmem:s1] =	stream.indirect.scatter.add.f32 [tilespmem:s18], [sflag:$0x3], $0x80, s28, s17, $0xb8;
	[tilespmem:$0x1E800] =	vst v63  }
0x3e: {  	_ =	swait.ge [sflag:s21], $0x4000  }
0x3f: {  	[sflag:s21] =	ssyncset.done $0x0  }
0x40: {  	s28 =	sadd.s32 $0x1480, s29;
	[sflag:s21] =	ssyncadd.s32 $0xFFFFC000  }
0x41: {  	[spmem:s1] =	stream.indirect.scatter.add.f32 [tilespmem:s19], [sflag:$0x4], $0x80, s28, s17, $0xb8;
	[tilespmem:$0x1E800] =	vst v63  }
.Ltmp0:
0x42: {  	_ =	swait.ge [sflag:s22], $0x4000;
	(pc) =	sbr.rel @p1 .LBB2_2-.Ltmp0, $4  }
0x43: {  	[sflag:s22] =	ssyncset.done $0x0  }
0x44: {  	[sflag:s22] =	ssyncadd.s32 $0xFFFFC000  }
0x45: {  	_ =	swait.ge [sflag:s23], $0x4000  }
0x46: {  	s28 =	smov.u32 s30;
	[sflag:s23] =	ssyncset.done $0x0  }
0x47: {  	s26 =	sshra.s32 s26, $0x2;
	[sflag:s23] =	ssyncadd.s32 $0xFFFFC000  }
0x48: {  	[tilespmem:s18], [sflag:$0x1] =	stream.indirect.gather [hbm4b:s3+s17], $0x80, s26, s17, $0xb8;
	[tilespmem:$0x1E800] =	vst v63  }
0x49: {  	s28 =	sadd.s32 $0x80, s26  }
0x4a: {  	[tilespmem:s19], [sflag:$0x2] =	stream.indirect.gather [hbm4b:s3+s17], $0x80, s28, s17, $0xb8;
	[tilespmem:$0x1E800] =	vst v63  }
0x4b: {  	_ =	swait.ge [sflag:s20], $0x4000  }
0x4c: {  	[sflag:s20] =	ssyncset.done $0x0  }
0x4d: {  	s28 =	sadd.s32 $0x1400, s26;
	[sflag:s20] =	ssyncadd.s32 $0xFFFFC000  }
0x4e: {  	[spmem:s1] =	stream.indirect.scatter.add.f32 [tilespmem:s18], [sflag:$0x3], $0x80, s28, s17, $0xb8;
	[tilespmem:$0x1E800] =	vst v63  }
0x4f: {  	_ =	swait.ge [sflag:s21], $0x4000  }
0x50: {  	[sflag:s21] =	ssyncset.done $0x0  }
0x51: {  	s26 =	sadd.s32 $0x1480, s26;
	[sflag:s21] =	ssyncadd.s32 $0xFFFFC000  }
0x52: {  	[spmem:s1] =	stream.indirect.scatter.add.f32 [tilespmem:s19], [sflag:$0x4], $0x80, s26, s17, $0xb8;
	[tilespmem:$0x1E800] =	vst v63  }
0x53: {  	_ =	swait.ge [sflag:s22], $0x4000  }
0x54: {  	[sflag:s22] =	ssyncset.done $0x0  }
0x55: {  	[sflag:s22] =	ssyncadd.s32 $0xFFFFC000  }
0x56: {  	_ =	swait.ge [sflag:s23], $0x4000  }
0x57: {  	[sflag:s23] =	ssyncset.done $0x0  }
0x58: {  	s30 =	simm.s32 $0x0;
	[sflag:s23] =	ssyncadd.s32 $0xFFFFC000  }
0x59: {  	[tilespmem:s30], [sflag:$0x5] =	stream.linear.gather [hbm4b:s9+s30], $0x1400, $0x38;
	[tilespmem:$0x1E800] =	vst v63  }
0x5a: {  	_ =	swait.ge [sflag:s14], $0x1400  }
0x5b: {  	[sflag:s14] =	ssyncset.done $0x0  }
0x5c: {  	[sflag:s14] =	ssyncadd.s32 $0xFFFFEC00  }
0x5d: {  	[tilespmem:s16], [sflag:$0x5] =	stream.linear.gather [hbm4b:s10+s30], $0x1400, $0x38;
	[tilespmem:$0x1E800] =	vst v63  }
0x5e: {  	_ =	swait.ge [sflag:s14], $0x1400  }
0x5f: {  	[sflag:s14] =	ssyncset.done $0x0  }
0x60: {  	s31 =	simm.s32 $0x0;
	[sflag:s14] =	ssyncadd.s32 $0xFFFFEC00  }
0x61: {  	[tilespmem:s18], [sflag:$0x1] =	stream.indirect.gather [hbm4b:s3+s17], $0x80, s31, s17, $0xb8;
	[tilespmem:$0x1E800] =	vst v63  }
0x62: {  	s29 =	simm.s32 $0x80  }
0x63: {  	[tilespmem:s19], [sflag:$0x2] =	stream.indirect.gather [hbm4b:s3+s17], $0x80, s29, s17, $0xb8;
	[tilespmem:$0x1E800] =	vst v63  }
0x64: {  	_ =	swait.ge [sflag:s20], $0x4000  }
0x65: {  	[sflag:s20] =	ssyncset.done $0x0  }
0x66: {  	s30 =	simm.s32 $0x1400;
	[sflag:s20] =	ssyncadd.s32 $0xFFFFC000  }
0x67: {  	[spmem:s1] =	stream.indirect.scatter.add.f32 [tilespmem:s18], [sflag:$0x3], $0x80, s30, s17, $0xb8;
	[tilespmem:$0x1E800] =	vst v63  }
0x68: {  	_ =	swait.ge [sflag:s21], $0x4000  }
0x69: {  	[sflag:s21] =	ssyncset.done $0x0  }
0x6a: {  	s31 =	simm.s32 $0x1480;
	[sflag:s21] =	ssyncadd.s32 $0xFFFFC000  }
0x6b: {  	[spmem:s1] =	stream.indirect.scatter.add.f32 [tilespmem:s19], [sflag:$0x4], $0x80, s31, s17, $0xb8;
	[tilespmem:$0x1E800] =	vst v63  }
0x6c: {  	_ =	swait.ge [sflag:s22], $0x4000  }
0x6d: {  	[sflag:s22] =	ssyncset.done $0x0  }
0x6e: {  	[sflag:s22] =	ssyncadd.s32 $0xFFFFC000  }
0x6f: {  	_ =	swait.ge [sflag:s23], $0x4000  }
0x70: {  	s28 =	simm.s32 $0x800;
	s26 =	simm.s32 $0x400;
	[sflag:s23] =	ssyncset.done $0x0  }
.LBB2_4:
0x71: {  	s29 =	sshra.s32 s26, $0x2  }
0x72: {  	[sflag:s23] =	ssyncadd.s32 $0xFFFFC000;
	s26 =	smov.u32 s28;
	s30 =	sadd.s32 $0x400, s28  }
0x73: {  	[tilespmem:s18], [sflag:$0x1] =	stream.indirect.gather [hbm4b:s3+s17], $0x80, s29, s17, $0xb8;
	[tilespmem:$0x1E800] =	vst v63  }
0x74: {  	p1 =	sne.s32 s28, $0x4C00;
	s28 =	sadd.s32 $0x80, s29  }
0x75: {  	[tilespmem:s19], [sflag:$0x2] =	stream.indirect.gather [hbm4b:s3+s17], $0x80, s28, s17, $0xb8;
	[tilespmem:$0x1E800] =	vst v63  }
0x76: {  	_ =	swait.ge [sflag:s20], $0x4000  }
0x77: {  	[sflag:s20] =	ssyncset.done $0x0  }
0x78: {  	s28 =	sadd.s32 $0x1400, s29;
	[sflag:s20] =	ssyncadd.s32 $0xFFFFC000  }
0x79: {  	[spmem:s1] =	stream.indirect.scatter.add.f32 [tilespmem:s18], [sflag:$0x3], $0x80, s28, s17, $0xb8;
	[tilespmem:$0x1E800] =	vst v63  }
0x7a: {  	_ =	swait.ge [sflag:s21], $0x4000  }
0x7b: {  	[sflag:s21] =	ssyncset.done $0x0  }
0x7c: {  	s28 =	sadd.s32 $0x1480, s29;
	[sflag:s21] =	ssyncadd.s32 $0xFFFFC000  }
0x7d: {  	[spmem:s1] =	stream.indirect.scatter.add.f32 [tilespmem:s19], [sflag:$0x4], $0x80, s28, s17, $0xb8;
	[tilespmem:$0x1E800] =	vst v63  }
.Ltmp1:
0x7e: {  	_ =	swait.ge [sflag:s22], $0x4000;
	(pc) =	sbr.rel @p1 .LBB2_4-.Ltmp1, $4  }
0x7f: {  	[sflag:s22] =	ssyncset.done $0x0  }
0x80: {  	[sflag:s22] =	ssyncadd.s32 $0xFFFFC000  }
0x81: {  	_ =	swait.ge [sflag:s23], $0x4000  }
0x82: {  	s28 =	smov.u32 s30;
	[sflag:s23] =	ssyncset.done $0x0  }
0x83: {  	s26 =	sshra.s32 s26, $0x2;
	[sflag:s23] =	ssyncadd.s32 $0xFFFFC000  }
0x84: {  	[tilespmem:s18], [sflag:$0x1] =	stream.indirect.gather [hbm4b:s3+s17], $0x80, s26, s17, $0xb8;
	[tilespmem:$0x1E800] =	vst v63  }
0x85: {  	s28 =	sadd.s32 $0x80, s26  }
0x86: {  	[tilespmem:s19], [sflag:$0x2] =	stream.indirect.gather [hbm4b:s3+s17], $0x80, s28, s17, $0xb8;
	[tilespmem:$0x1E800] =	vst v63  }
0x87: {  	_ =	swait.ge [sflag:s20], $0x4000  }
0x88: {  	[sflag:s20] =	ssyncset.done $0x0  }
0x89: {  	s31 =	sadd.s32 $0x1400, s26;
	[sflag:s20] =	ssyncadd.s32 $0xFFFFC000  }
0x8a: {  	[spmem:s1] =	stream.indirect.scatter.add.f32 [tilespmem:s18], [sflag:$0x3], $0x80, s31, s17, $0xb8;
	[tilespmem:$0x1E800] =	vst v63  }
0x8b: {  	_ =	swait.ge [sflag:s21], $0x4000  }
0x8c: {  	[sflag:s21] =	ssyncset.done $0x0  }
0x8d: {  	s26 =	sadd.s32 $0x1480, s26;
	[sflag:s21] =	ssyncadd.s32 $0xFFFFC000  }
0x8e: {  	[spmem:s1] =	stream.indirect.scatter.add.f32 [tilespmem:s19], [sflag:$0x4], $0x80, s26, s17, $0xb8;
	[tilespmem:$0x1E800] =	vst v63  }
0x8f: {  	_ =	swait.ge [sflag:s22], $0x4000  }
0x90: {  	[sflag:s22] =	ssyncset.done $0x0  }
0x91: {  	[sflag:s22] =	ssyncadd.s32 $0xFFFFC000  }
0x92: {  	_ =	swait.ge [sflag:s23], $0x4000  }
0x93: {  	[sflag:s23] =	ssyncset.done $0x0  }
0x94: {  	[sflag:s23] =	ssyncadd.s32 $0xFFFFC000  }
0x95: {  	[bflag:$0x0] =	sbarrier.arrive $0xFFFF  }
0x96: {  	[hbm:s24], [sflag:s6] =	dma.local [spmem:s13], $0x2700  }
0x97: {  	_ =	swait.ge [sflag:s14], $0x2700  }
0x98: {  	s25 =	sadd.s32 $0x1, s25;
	[sflag:s14] =	ssyncset.done $0x0  }
0x99: {  	p1 =	sne.s32 s25, s12;
	s26 =	sadd.s32 @!p0 $0x27000, s11;
	[sflag:s14] =	ssyncadd.s32 $0xFFFFD900  }
0x9a: {  	[hbm:s26], [sflag:s6] =	dma.local @!p0 [spmem:s15], $0x1000  }
.Ltmp2:
0x9b: {  	_ = 	snop;
	(pc) =	sbr.rel @p1 .LBB2_1-.Ltmp2, $4  }
0x9c: {  	s26 =	simm.s32 @!p0 $0x5  }
0x9d: {  	_ =	swait.ge @!p0 [sflag:s26], $0x1000  }
0x9e: {  	[sflag:s26] =	ssyncset.done @!p0 $0x0  }
0x9f: {  	[sflag:s26] =	ssyncadd.s32 @!p0 $0xFFFFF000  }
0xa0: {  	_ =	sfence.sel $0x180000  }
0xa1: {  	[bflag:$0x0] =	sbarrier.arrive $0xFFFF  }
0xa2: {  	p0 =	sne.s32 s4, $0x0;
	_ =	strace $0x9000004A  }
0xa3: {  	s0 =	sadd.s32 @!p0 $0x100000, s0;
	[bflag:$0x2] =	sbarrier.arrive $0xFFFF  }
0xa4: {  	[sflag:s0] =	ssyncadd.tile.s32 @!p0 $0x1;
	_ =	shalt  }
.Lfunc_end2:
_tile_overlayer_lowered:
.L_overlay_start_2:
0xa5: {  	(tag) =	ssettag $0x2  }
0xa6: {  	s0 =	rddreg [dreg:$0x0];
	s2 =	stileid.u32  }
0xa7: {  	s1 =	rddreg [dreg:$0x1];
	p0 =	sne.s32 s2, $0x0  }
0xa8: {  	s3 =	rddreg [dreg:$0x2];
	[bflag:$0x3] =	sbarrier.arrive $0xFFFF;
	s2 =	simm.s32 @!p0 $0x1C05  }
0xa9: {  	[timem:s3], [sflag:s2] =	dma.local @!p0 [hbm:s0], s1  }
0xaa: {  	s0 =	simm.s32 @!p0 $0x5  }
0xab: {  	_ =	swait.ge @!p0 [sflag:s0], s1  }
0xac: {  	s1 =	ssub.s32 @!p0 $0x0, s1;
	[sflag:s0] =	ssyncset.done @!p0 $0x0  }
0xad: {  	[sflag:s0] =	ssyncadd.s32 @!p0 s1  }
0xae: {  	[bflag:$0x3] =	sbarrier.arrive $0xFFFF  }
0xaf: {  	_ =	shalt  }

// kernel: kernel.18.cloned.1.call-start
scs
__scs_entry_jumppad:
0x0: {  	(pc) =	sbr.rel $0x88, $3  }
0x1: {  	(tag) =	ssettag $0x0;
	lr =	simm.s32 $0x1  }
0x2: {  	[smem:$0x3F89] =	sst lr;
	_ =	strace $0xD0000000  }
0x3: {  	_ = 	snop  }
0x4: {  	_ = 	snop  }
0x5: {  	_ = 	snop  }
0x6: {  	_ = 	snop  }
0x7: {  	_ = 	snop  }
__scs_overlays_trampoline_lowered:
0x8: {  	[smem:$0x3F98] =	sst s0  }
0x9: {  	[smem:$0x3F99] =	sst s1  }
0xa: {  	[smem:$0x3F9A] =	sst s2  }
0xb: {  	[smem:$0x3F9B] =	sst s3  }
0xc: {  	[smem:$0x3F9C] =	sst s4  }
0xd: {  	[smem:$0x3F9D] =	sst s5  }
0xe: {  	[smem:$0x3F9E] =	sst s6  }
0xf: {  	[smem:$0x3F9F] =	sst s7  }
0x10: {  	[smem:$0x3FA0] =	sst s8  }
0x11: {  	[smem:$0x3FA1] =	sst s9;
	s0 =	simm.s32 @!p0 $0x0  }
0x12: {  	s1 =	sld [smem:$0x3F87];
	s0 =	simm.s32 @p0 $0x1  }
0x13: {  	[smem:$0x3FA2] =	sst s0;
	s0 =	simm.s32 @!p1 $0x0  }
0x14: {  	s2 =	sld [smem:$0x3F86];
	s0 =	simm.s32 @p1 $0x1  }
0x15: {  	[smem:$0x3FA3] =	sst s0;
	s0 =	simm.s32 @!p2 $0x0  }
0x16: {  	s3 =	sld [smem:$0x3FDB];
	s0 =	simm.s32 @p2 $0x1  }
0x17: {  	s4 =	simm.s32 $0x1BF5;
	[smem:$0x3FA5] =	sst s0  }
0x18: {  	s0 =	sld [smem:$0x3F88];
	_ =	swait.ge [sflag:s4], $0x0  }
0x19: {  	s7 =	sld [smem:$0x3F89]  }
0x1a: {  	s8 =	sadd.s32 $0xFFFFE003, lr  }
0x1b: {  	s9 =	sadd.s32 $0xFFFFFEF7, lr;
	s5 =	simm.s32 $0xFFFFFFFF;
	p2 =	slt.u32 s8, $0xFFFFF086  }
0x1c: {  	p1 =	slt.u32 s9, $0xF7A;
	s5 =	simm.s32 @!p2 $0x0  }
0x1d: {  	s5 =	simm.s32 @p1 $0x1;
	p0 =	seq.s32 s7, s2  }
0x1e: {  	s7 =	smul.u32 @!p0 $0xF7A, s2;
	p2 =	seq.s32 @!p0 s5, $0x0  }
0x1f: {  	s9 =	smul.u32 $0xF7A, s1;
	s8 =	simm.s32 @!p0 $0x1BF5;
	p2 =	por !p2, p0  }
0x20: {  	[sflag:s8] =	ssyncset.s32 @!p0 $0xFFFFF086;
	s6 =	sadd.s32 @!p0 s3, s7;
	s7 =	simm.s32 @!p0 $0x108  }
0x21: {  	s3 =	sadd.s32 s3, s9;
	s6 =	sadd.s32 @!p0 $0x88, s6;
	s7 =	simm.s32 @p2 $0x1082  }
0x22: {  	[simem:s7], [sflag:s8] =	dma.local @!p0 [hbm:s6], $0xF7A  }
0x23: {  	s9 =	sor.u32 $0xD0000000, s2;
	s6 =	simm.s32 $0x108;
	_ =	swait.ge @!p0 [sflag:s8], $0x0  }
0x24: {  	s3 =	sadd.s32 $0x88, s3;
	s6 =	simm.s32 @!p1 $0x1082;
	[sflag:s4] =	ssyncset.s32 $0xFFFFF086  }
0x25: {  	[simem:s6], [sflag:s4] =	dma.local [hbm:s3], $0xF7A  }
0x26: {  	[smem:$0x3F89] =	sst s1;
	(tag) =	ssettag s2;
	_ =	strace s9  }
0x27: {  	s1 =	sld [smem:$0x3F99]  }
0x28: {  	s2 =	sld [smem:$0x3F9A]  }
0x29: {  	s4 =	sld [smem:$0x3F9C]  }
0x2a: {  	p0 =	seq.s32 s5, $0x0;
	s5 =	sld [smem:$0x3F9D]  }
0x2b: {  	s6 =	sld [smem:$0x3F9E]  }
0x2c: {  	s7 =	sld [smem:$0x3F9F]  }
0x2d: {  	s3 =	simm.s32 $0x108;
	s8 =	sld [smem:$0x3FA0]  }
0x2e: {  	s3 =	simm.s32 @!p0 $0x1082;
	s9 =	sld [smem:$0x3FA1]  }
0x2f: {  	lr =	sadd.s32 s0, s3;
	s0 =	sld [smem:$0x3F98]  }
0x30: {  	s3 =	sld [smem:$0x3F9B]  }
0x31: {  	[smem:$0x3FA4] =	sst s10  }
0x32: {  	s10 =	sld [smem:$0x3FA2];
	_ =	sdelay $0x3  }
0x33: {  	p0 =	seq.s32 s10, $0x1;
	s10 =	sld [smem:$0x3FA4];
	_ =	sdelay $0x3  }
0x34: {  	[smem:$0x3FA4] =	sst s10  }
0x35: {  	s10 =	sld [smem:$0x3FA3];
	_ =	sdelay $0x3  }
0x36: {  	p1 =	seq.s32 s10, $0x1;
	s10 =	sld [smem:$0x3FA4];
	_ =	sdelay $0x3  }
0x37: {  	[smem:$0x3FA4] =	sst s10  }
0x38: {  	s10 =	sld [smem:$0x3FA5]  }
0x39: {  	_ = 	snop;
	(pc) =	sbr.ind lr, $3  }
0x3a: {  	_ = 	snop  }
0x3b: {  	_ = 	snop  }
0x3c: {  	p2 =	seq.s32 s10, $0x1;
	s10 =	sld [smem:$0x3FA4]  }
0x3d: {  	_ =	shalt  }
0x3e: {  	_ =	shalt  }
0x3f: {  	_ =	shalt  }
0x40: {  	_ =	shalt  }
0x41: {  	_ =	shalt  }
0x42: {  	_ =	shalt  }
0x43: {  	_ =	shalt  }
0x44: {  	_ =	shalt  }
0x45: {  	_ =	shalt  }
0x46: {  	_ =	shalt  }
0x47: {  	_ =	shalt  }
0x48: {  	_ =	shalt  }
0x49: {  	_ =	shalt  }
0x4a: {  	_ =	shalt  }
0x4b: {  	_ =	shalt  }
0x4c: {  	_ =	shalt  }
0x4d: {  	_ =	shalt  }
0x4e: {  	_ =	shalt  }
0x4f: {  	_ =	shalt  }
0x50: {  	_ =	shalt  }
0x51: {  	_ =	shalt  }
0x52: {  	_ =	shalt  }
0x53: {  	_ =	shalt  }
0x54: {  	_ =	shalt  }
0x55: {  	_ =	shalt  }
0x56: {  	_ =	shalt  }
0x57: {  	_ =	shalt  }
0x58: {  	_ =	shalt  }
0x59: {  	_ =	shalt  }
0x5a: {  	_ =	shalt  }
0x5b: {  	_ =	shalt  }
0x5c: {  	_ =	shalt  }
0x5d: {  	_ =	shalt  }
0x5e: {  	_ =	shalt  }
0x5f: {  	_ =	shalt  }
0x60: {  	_ =	shalt  }
0x61: {  	_ =	shalt  }
0x62: {  	_ =	shalt  }
0x63: {  	_ =	shalt  }
0x64: {  	_ =	shalt  }
0x65: {  	_ =	shalt  }
0x66: {  	_ =	shalt  }
0x67: {  	_ =	shalt  }
0x68: {  	_ =	shalt  }
0x69: {  	_ =	shalt  }
0x6a: {  	_ =	shalt  }
0x6b: {  	_ =	shalt  }
0x6c: {  	_ =	shalt  }
0x6d: {  	_ =	shalt  }
0x6e: {  	_ =	shalt  }
0x6f: {  	_ =	shalt  }
0x70: {  	_ =	shalt  }
0x71: {  	_ =	shalt  }
0x72: {  	_ =	shalt  }
0x73: {  	_ =	shalt  }
0x74: {  	_ =	shalt  }
0x75: {  	_ =	shalt  }
0x76: {  	_ =	shalt  }
0x77: {  	_ =	shalt  }
0x78: {  	_ =	shalt  }
0x79: {  	_ =	shalt  }
0x7a: {  	_ =	shalt  }
0x7b: {  	_ =	shalt  }
0x7c: {  	_ =	shalt  }
0x7d: {  	_ =	shalt  }
0x7e: {  	_ =	shalt  }
0x7f: {  	_ =	shalt  }
0x80: {  	_ =	shalt  }
0x81: {  	_ =	shalt  }
0x82: {  	_ =	shalt  }
0x83: {  	_ =	shalt  }
0x84: {  	_ =	shalt  }
0x85: {  	_ =	shalt  }
0x86: {  	_ =	shalt  }
0x87: {  	_ =	shalt  }
.Lfunc_end0:
.L_simem_size_0:
called_computation.2_lowered:
.L_overlay_start_0:
0x88: {  	s2 =	sld [smem:$0x3FD9]  }
0x89: {  	s3 =	sld [smem:$0x3FFE];
	_ =	sdelay $0x1  }
0x8a: {  	s1 =	srdreg.scid  }
0x8b: {  	s0 =	sand.u32 $0x1, s1  }
0x8c: {  	s16 =	sshll.u32 s0, $0xA;
	s2 =	sadd.s32 s3, s2  }
0x8d: {  	s2 =	sadd.s32 s2, s16  }
0x8e: {  	[smem:$0x3FB0] =	sst s2  }
0x8f: {  	_ = 	snop  }
0x90: {  	(tm) =	ssettm $0x1  }
0x91: {  	s17 =	sld [smem:$0x3FFB];
	_ =	sdelay $0x3  }
0x92: {  	_ =	strace s17  }
0x93: {  	s2 =	sld [smem:$0x3FFC];
	_ =	sdelay $0x3  }
0x94: {  	_ =	strace s2  }
0x95: {  	s2 =	sld [smem:$0x3FFD];
	_ =	sdelay $0x3  }
0x96: {  	_ =	strace s2  }
0x97: {  	_ =	strace $0x8FFFFFFF  }
0x98: {  	s18 =	sld [smem:$0x3FDB];
	_ =	sdelay $0x1  }
0x99: {  	s19 =	simm.s32 $_scs_section_size  }
0x9a: {  	s4 =	simm.s32 $_size__tile_overlayer_lowered;
	s5 =	simm.s32 $_tile_overlayer_lowered  }
0x9b: {  	s22 =	simm.s32 $0x1BFF;
	s21 =	sshll.u32 s5, $0x1;
	s2 =	sadd.s32 s19, s18  }
0x9c: {  	s6 =	simm.s32 $0x0;
	s20 =	sshll.u32 s4, $0x1;
	s4 =	sadd.s32 s21, s2  }
0x9d: {  	[timem:s6], [sflag:s22] =	dma.local [hbm:s4], s20  }
0x9e: {  	_ =	swait.ge [sflag:s22], s20  }
0x9f: {  	s3 =	ssub.s32 $0x0, s20;
	[sflag:s22] =	ssyncset.done $0x0  }
0xa0: {  	[sflag:s22] =	ssyncadd.s32 s3;
	_ =	sdelay $0x1  }
0xa1: {  	s23 =	simm.s32 $0x1B8B  }
0xa2: {  	_ =	swait.ge [sflag:s23], $0x1  }
0xa3: {  	[sflag:s23] =	ssyncset.done $0x0  }
0xa4: {  	s25 =	simm.s32 $0x1B8E;
	s24 =	sld [smem:$0x3FFE];
	[sflag:s23] =	ssyncadd.s32 $0xFFFFFFFF  }
0xa5: {  	s26 =	simm.s32 $execute0_lowered;
	[smem:$0x3FD2] =	sst s25  }
0xa6: {  	s4 =	sshll.u32 s26, $0x1;
	_ =	strace $0x8000004C;
	[dreg:$0x1] =	wrdreg $0xFFFFFFFF  }
0xa7: {  	s28 =	simm.s32 $_size_execute0_lowered;
	s2 =	sadd.s32 s2, s4;
	[dreg:$0x0] =	wrdreg $0x0  }
0xa8: {  	s4 =	sshll.u32 s28, $0x1;
	[dreg:$0x2] =	wrdreg s2  }
0xa9: {  	[dreg:$0x3] =	wrdreg s4  }
0xaa: {  	[dreg:$0x4] =	wrdreg $0xC0  }
0xab: {  	_ =	task [dreg:s6], $0x5FFFF  }
0xac: {  	[dreg:$0x1] =	wrdreg $0xFFFFFFFF  }
0xad: {  	[dreg:$0x0] =	wrdreg $0x60  }
0xae: {  	[dreg:$0x2] =	wrdreg s24  }
0xaf: {  	[dreg:$0x3] =	wrdreg $0xA8000  }
0xb0: {  	[dreg:$0x4] =	wrdreg $0x9  }
0xb1: {  	_ =	task.clear_ibuf [dreg:s6], $0x5FFFF;
	_ =	strace $0x9000004C  }
0xb2: {  	s29 =	simm.s32 $0x9;
	_ =	strace $0x8000004E  }
0xb3: {  	_ =	swait.ge [sflag:s29], $0x1  }
0xb4: {  	[sflag:s29] =	ssyncadd.s32 $0xFFFFFFFF  }
0xb5: {  	_ =	strace $0x9000004E  }
0xb6: {  	_ =	sfence  }
0xb7: {  	s30 =	sld [smem:$0x0];
	_ =	sdelay $0x2  }
0xb8: {  	s31 =	sshll.u32 s1, $0xD;
	s1 =	sshrl.u32 s1, $0x2  }
0xb9: {  	s3 =	sand.u32 $0x4000, s31;
	s1 =	sadd.s32 s1, s30  }
0xba: {  	s0 =	sor.u32 s3, s0;
	s1 =	sshll.u32 s1, $0x11  }
0xbb: {  	s0 =	sor.u32 s1, s0  }
0xbc: {  	s0 =	sadd.s32 $0x8F2B, s0  }
0xbd: {  	[sflag:s0] =	ssyncadd.remote.s32 $0x1  }
0xbe: {  	_ =	sfence.sel $0xFFFF  }
0xbf: {  	[dreg:$0x0] =	wrdreg $0xFFFFFFFF;
	(pc) =	sbr.abs _section_cstart, $3  }
0xc0: {  	[dreg:$0x1] =	wrdreg $0xFFFFFFFF  }
0xc1: {  	_ =	task.clear_ibuf [dreg:s6], $0x2FFFF;
	_ =	strace $0x9FFFFFFF  }
0xc2: {  	(tm) =	ssettm $0x7FFFFFFF  }
0xc3: {  	_ =	shalt  }
tec
execute0_lowered:
.L_overlay_start_1:
0x0: {  	(tag) =	ssettag $0x1  }
0x1: {  	s6 =	rddreg [dreg:$0x0]  }
0x2: {  	s1 =	rddreg [dreg:$0x1]  }
0x3: {  	s0 =	rddreg [dreg:$0x2]  }
0x4: {  	s2 =	simm.s32 $0x0;
	s4 =	srdreg.scid;
	s17 =	simm.s32 $0x80  }
0x5: {  	s18 =	simm.s32 $0x2800;
	s19 =	simm.s32 $0x6800;
	s20 =	simm.s32 $0x1  }
0x6: {  	s21 =	simm.s32 $0x2;
	s22 =	simm.s32 $0x3;
	s23 =	simm.s32 $0x4  }
0x7: {  	s25 =	simm.s32 $0x0;
	[smem:$0x7FF] =	sst s2;
	s3 =	sadd.s32 $0x1A000, s6  }
0x8: {  	s9 =	sadd.s32 $0x6000, s6;
	s10 =	sadd.s32 $0x10000, s6;
	s7 =	sand.u32 $0x1, s4  }
0x9: {  	s4 =	stileid.u32;
	s5 =	sadd.s32 $0x42000, s6;
	s16 =	sadd.s32 $0x138000, s1  }
0xa: {  	_ =	strace $0x8000004D;
	s8 =	sshll.u32 s7, $0x4;
	s11 =	smul.u32 $0x4E000, s4  }
0xb: {  	s12 =	smul.u32 $0x28000, s7;
	s7 =	ssub.s32 $0x2, s7;
	s29 =	sshll.u32 s4, $0x6  }
0xc: {  	s24 =	smul.u32 $0x2700, s4;
	p0 =	sne.s32 s4, $0xF;
	s8 =	sor.u32 s4, s8  }
0xd: {  	s13 =	sshrl.u32 s7, $0x1;
	s11 =	sshrl.u32 s11, $0x2;
	s14 =	smul.u32 $0x2800, s8  }
0xe: {  	s12 =	sadd.s32 s12, s6;
	s13 =	ssub.s32 s7, s13;
	s8 =	smul.u32 $0x500, s8  }
0xf: {  	s6 =	sor.u32 $0x1C05, s29;
	s15 =	sadd.s32 s11, s1;
	s11 =	sadd.s32 $0x44800, s12  }
0x10: {  	s12 =	smax.u32 s13, $0x1;
	s30 =	sshrl.u32 s14, $0x3;
	s7 =	sadd.s32 s9, s8  }
0x11: {  	s8 =	sadd.s32 s10, s8;
	s13 =	sshrl.u32 s15, $0x3;
	s14 =	simm.s32 $0x5  }
0x12: {  	s15 =	sshrl.u32 @!p0 s16, $0x3;
	s16 =	simm.s32 $0x1400;
	s31 =	sadd.s32 $0x280, s30  }
0x13: {  	s24 =	sadd.s32 s24, s11;
	s9 =	sadd.s32 s9, s31;
	s10 =	sadd.s32 s10, s31  }
.LBB2_1:
0x14: {  	[spmem:s13], [sflag:s6] =	dma.local [hbm:s5], $0x2700  }
0x15: {  	_ =	swait.ge [sflag:s14], $0x2700  }
0x16: {  	[sflag:s14] =	ssyncset.done $0x0  }
0x17: {  	s26 =	simm.s32 @!p0 $0x5;
	[sflag:s14] =	ssyncadd.s32 $0xFFFFD900  }
0x18: {  	[spmem:s15], [sflag:s6] =	dma.local @!p0 [hbm:s5], $0x1000  }
0x19: {  	_ =	swait.ge @!p0 [sflag:s26], $0x1000  }
0x1a: {  	[sflag:s26] =	ssyncset.done @!p0 $0x0  }
0x1b: {  	[sflag:s26] =	ssyncadd.s32 @!p0 $0xFFFFF000  }
0x1c: {  	[bflag:$0x0] =	sbarrier.arrive $0xFFFF  }
0x1d: {  	[tilespmem:s2], [sflag:$0x5] =	stream.linear.gather [hbm4b:s7+s2], $0x1400, $0x38;
	[tilespmem:$0x1E800] =	vst v63  }
0x1e: {  	_ =	swait.ge [sflag:s14], $0x1400  }
0x1f: {  	[sflag:s14] =	ssyncset.done $0x0  }
0x20: {  	[sflag:s14] =	ssyncadd.s32 $0xFFFFEC00  }
0x21: {  	[tilespmem:s16], [sflag:$0x5] =	stream.linear.gather [hbm4b:s8+s2], $0x1400, $0x38;
	[tilespmem:$0x1E800] =	vst v63  }
0x22: {  	_ =	swait.ge [sflag:s14], $0x1400  }
0x23: {  	[sflag:s14] =	ssyncset.done $0x0  }
0x24: {  	s31 =	simm.s32 $0x0;
	[sflag:s14] =	ssyncadd.s32 $0xFFFFEC00  }
0x25: {  	[tilespmem:s18], [sflag:$0x1] =	stream.indirect.gather [hbm4b:s3+s17], $0x80, s31, s17, $0xb8;
	[tilespmem:$0x1E800] =	vst v63  }
0x26: {  	s29 =	simm.s32 $0x80  }
0x27: {  	[tilespmem:s19], [sflag:$0x2] =	stream.indirect.gather [hbm4b:s3+s17], $0x80, s29, s17, $0xb8;
	[tilespmem:$0x1E800] =	vst v63  }
0x28: {  	_ =	swait.ge [sflag:s20], $0x4000  }
0x29: {  	[sflag:s20] =	ssyncset.done $0x0  }
0x2a: {  	s30 =	simm.s32 $0x1400;
	[sflag:s20] =	ssyncadd.s32 $0xFFFFC000  }
0x2b: {  	[spmem:s1] =	stream.indirect.scatter.add.f32 [tilespmem:s18], [sflag:$0x3], $0x80, s30, s17, $0xb8;
	[tilespmem:$0x1E800] =	vst v63  }
0x2c: {  	_ =	swait.ge [sflag:s21], $0x4000  }
0x2d: {  	[sflag:s21] =	ssyncset.done $0x0  }
0x2e: {  	s31 =	simm.s32 $0x1480;
	[sflag:s21] =	ssyncadd.s32 $0xFFFFC000  }
0x2f: {  	[spmem:s1] =	stream.indirect.scatter.add.f32 [tilespmem:s19], [sflag:$0x4], $0x80, s31, s17, $0xb8;
	[tilespmem:$0x1E800] =	vst v63  }
0x30: {  	_ =	swait.ge [sflag:s22], $0x4000  }
0x31: {  	[sflag:s22] =	ssyncset.done $0x0  }
0x32: {  	[sflag:s22] =	ssyncadd.s32 $0xFFFFC000  }
0x33: {  	_ =	swait.ge [sflag:s23], $0x4000  }
0x34: {  	s28 =	simm.s32 $0x800;
	s26 =	simm.s32 $0x400;
	[sflag:s23] =	ssyncset.done $0x0  }
.LBB2_2:
0x35: {  	s29 =	sshra.s32 s26, $0x2  }
0x36: {  	[sflag:s23] =	ssyncadd.s32 $0xFFFFC000;
	s26 =	smov.u32 s28;
	s30 =	sadd.s32 $0x400, s28  }
0x37: {  	[tilespmem:s18], [sflag:$0x1] =	stream.indirect.gather [hbm4b:s3+s17], $0x80, s29, s17, $0xb8;
	[tilespmem:$0x1E800] =	vst v63  }
0x38: {  	p1 =	sne.s32 s28, $0x4C00;
	s28 =	sadd.s32 $0x80, s29  }
0x39: {  	[tilespmem:s19], [sflag:$0x2] =	stream.indirect.gather [hbm4b:s3+s17], $0x80, s28, s17, $0xb8;
	[tilespmem:$0x1E800] =	vst v63  }
0x3a: {  	_ =	swait.ge [sflag:s20], $0x4000  }
0x3b: {  	[sflag:s20] =	ssyncset.done $0x0  }
0x3c: {  	s28 =	sadd.s32 $0x1400, s29;
	[sflag:s20] =	ssyncadd.s32 $0xFFFFC000  }
0x3d: {  	[spmem:s1] =	stream.indirect.scatter.add.f32 [tilespmem:s18], [sflag:$0x3], $0x80, s28, s17, $0xb8;
	[tilespmem:$0x1E800] =	vst v63  }
0x3e: {  	_ =	swait.ge [sflag:s21], $0x4000  }
0x3f: {  	[sflag:s21] =	ssyncset.done $0x0  }
0x40: {  	s28 =	sadd.s32 $0x1480, s29;
	[sflag:s21] =	ssyncadd.s32 $0xFFFFC000  }
0x41: {  	[spmem:s1] =	stream.indirect.scatter.add.f32 [tilespmem:s19], [sflag:$0x4], $0x80, s28, s17, $0xb8;
	[tilespmem:$0x1E800] =	vst v63  }
.Ltmp0:
0x42: {  	_ =	swait.ge [sflag:s22], $0x4000;
	(pc) =	sbr.rel @p1 .LBB2_2-.Ltmp0, $4  }
0x43: {  	[sflag:s22] =	ssyncset.done $0x0  }
0x44: {  	[sflag:s22] =	ssyncadd.s32 $0xFFFFC000  }
0x45: {  	_ =	swait.ge [sflag:s23], $0x4000  }
0x46: {  	s28 =	smov.u32 s30;
	[sflag:s23] =	ssyncset.done $0x0  }
0x47: {  	s26 =	sshra.s32 s26, $0x2;
	[sflag:s23] =	ssyncadd.s32 $0xFFFFC000  }
0x48: {  	[tilespmem:s18], [sflag:$0x1] =	stream.indirect.gather [hbm4b:s3+s17], $0x80, s26, s17, $0xb8;
	[tilespmem:$0x1E800] =	vst v63  }
0x49: {  	s28 =	sadd.s32 $0x80, s26  }
0x4a: {  	[tilespmem:s19], [sflag:$0x2] =	stream.indirect.gather [hbm4b:s3+s17], $0x80, s28, s17, $0xb8;
	[tilespmem:$0x1E800] =	vst v63  }
0x4b: {  	_ =	swait.ge [sflag:s20], $0x4000  }
0x4c: {  	[sflag:s20] =	ssyncset.done $0x0  }
0x4d: {  	s28 =	sadd.s32 $0x1400, s26;
	[sflag:s20] =	ssyncadd.s32 $0xFFFFC000  }
0x4e: {  	[spmem:s1] =	stream.indirect.scatter.add.f32 [tilespmem:s18], [sflag:$0x3], $0x80, s28, s17, $0xb8;
	[tilespmem:$0x1E800] =	vst v63  }
0x4f: {  	_ =	swait.ge [sflag:s21], $0x4000  }
0x50: {  	[sflag:s21] =	ssyncset.done $0x0  }
0x51: {  	s26 =	sadd.s32 $0x1480, s26;
	[sflag:s21] =	ssyncadd.s32 $0xFFFFC000  }
0x52: {  	[spmem:s1] =	stream.indirect.scatter.add.f32 [tilespmem:s19], [sflag:$0x4], $0x80, s26, s17, $0xb8;
	[tilespmem:$0x1E800] =	vst v63  }
0x53: {  	_ =	swait.ge [sflag:s22], $0x4000  }
0x54: {  	[sflag:s22] =	ssyncset.done $0x0  }
0x55: {  	[sflag:s22] =	ssyncadd.s32 $0xFFFFC000  }
0x56: {  	_ =	swait.ge [sflag:s23], $0x4000  }
0x57: {  	[sflag:s23] =	ssyncset.done $0x0  }
0x58: {  	s30 =	simm.s32 $0x0;
	[sflag:s23] =	ssyncadd.s32 $0xFFFFC000  }
0x59: {  	[tilespmem:s30], [sflag:$0x5] =	stream.linear.gather [hbm4b:s9+s30], $0x1400, $0x38;
	[tilespmem:$0x1E800] =	vst v63  }
0x5a: {  	_ =	swait.ge [sflag:s14], $0x1400  }
0x5b: {  	[sflag:s14] =	ssyncset.done $0x0  }
0x5c: {  	[sflag:s14] =	ssyncadd.s32 $0xFFFFEC00  }
0x5d: {  	[tilespmem:s16], [sflag:$0x5] =	stream.linear.gather [hbm4b:s10+s30], $0x1400, $0x38;
	[tilespmem:$0x1E800] =	vst v63  }
0x5e: {  	_ =	swait.ge [sflag:s14], $0x1400  }
0x5f: {  	[sflag:s14] =	ssyncset.done $0x0  }
0x60: {  	s31 =	simm.s32 $0x0;
	[sflag:s14] =	ssyncadd.s32 $0xFFFFEC00  }
0x61: {  	[tilespmem:s18], [sflag:$0x1] =	stream.indirect.gather [hbm4b:s3+s17], $0x80, s31, s17, $0xb8;
	[tilespmem:$0x1E800] =	vst v63  }
0x62: {  	s29 =	simm.s32 $0x80  }
0x63: {  	[tilespmem:s19], [sflag:$0x2] =	stream.indirect.gather [hbm4b:s3+s17], $0x80, s29, s17, $0xb8;
	[tilespmem:$0x1E800] =	vst v63  }
0x64: {  	_ =	swait.ge [sflag:s20], $0x4000  }
0x65: {  	[sflag:s20] =	ssyncset.done $0x0  }
0x66: {  	s30 =	simm.s32 $0x1400;
	[sflag:s20] =	ssyncadd.s32 $0xFFFFC000  }
0x67: {  	[spmem:s1] =	stream.indirect.scatter.add.f32 [tilespmem:s18], [sflag:$0x3], $0x80, s30, s17, $0xb8;
	[tilespmem:$0x1E800] =	vst v63  }
0x68: {  	_ =	swait.ge [sflag:s21], $0x4000  }
0x69: {  	[sflag:s21] =	ssyncset.done $0x0  }
0x6a: {  	s31 =	simm.s32 $0x1480;
	[sflag:s21] =	ssyncadd.s32 $0xFFFFC000  }
0x6b: {  	[spmem:s1] =	stream.indirect.scatter.add.f32 [tilespmem:s19], [sflag:$0x4], $0x80, s31, s17, $0xb8;
	[tilespmem:$0x1E800] =	vst v63  }
0x6c: {  	_ =	swait.ge [sflag:s22], $0x4000  }
0x6d: {  	[sflag:s22] =	ssyncset.done $0x0  }
0x6e: {  	[sflag:s22] =	ssyncadd.s32 $0xFFFFC000  }
0x6f: {  	_ =	swait.ge [sflag:s23], $0x4000  }
0x70: {  	s28 =	simm.s32 $0x800;
	s26 =	simm.s32 $0x400;
	[sflag:s23] =	ssyncset.done $0x0  }
.LBB2_4:
0x71: {  	s29 =	sshra.s32 s26, $0x2  }
0x72: {  	[sflag:s23] =	ssyncadd.s32 $0xFFFFC000;
	s26 =	smov.u32 s28;
	s30 =	sadd.s32 $0x400, s28  }
0x73: {  	[tilespmem:s18], [sflag:$0x1] =	stream.indirect.gather [hbm4b:s3+s17], $0x80, s29, s17, $0xb8;
	[tilespmem:$0x1E800] =	vst v63  }
0x74: {  	p1 =	sne.s32 s28, $0x4C00;
	s28 =	sadd.s32 $0x80, s29  }
0x75: {  	[tilespmem:s19], [sflag:$0x2] =	stream.indirect.gather [hbm4b:s3+s17], $0x80, s28, s17, $0xb8;
	[tilespmem:$0x1E800] =	vst v63  }
0x76: {  	_ =	swait.ge [sflag:s20], $0x4000  }
0x77: {  	[sflag:s20] =	ssyncset.done $0x0  }
0x78: {  	s28 =	sadd.s32 $0x1400, s29;
	[sflag:s20] =	ssyncadd.s32 $0xFFFFC000  }
0x79: {  	[spmem:s1] =	stream.indirect.scatter.add.f32 [tilespmem:s18], [sflag:$0x3], $0x80, s28, s17, $0xb8;
	[tilespmem:$0x1E800] =	vst v63  }
0x7a: {  	_ =	swait.ge [sflag:s21], $0x4000  }
0x7b: {  	[sflag:s21] =	ssyncset.done $0x0  }
0x7c: {  	s28 =	sadd.s32 $0x1480, s29;
	[sflag:s21] =	ssyncadd.s32 $0xFFFFC000  }
0x7d: {  	[spmem:s1] =	stream.indirect.scatter.add.f32 [tilespmem:s19], [sflag:$0x4], $0x80, s28, s17, $0xb8;
	[tilespmem:$0x1E800] =	vst v63  }
.Ltmp1:
0x7e: {  	_ =	swait.ge [sflag:s22], $0x4000;
	(pc) =	sbr.rel @p1 .LBB2_4-.Ltmp1, $4  }
0x7f: {  	[sflag:s22] =	ssyncset.done $0x0  }
0x80: {  	[sflag:s22] =	ssyncadd.s32 $0xFFFFC000  }
0x81: {  	_ =	swait.ge [sflag:s23], $0x4000  }
0x82: {  	s28 =	smov.u32 s30;
	[sflag:s23] =	ssyncset.done $0x0  }
0x83: {  	s26 =	sshra.s32 s26, $0x2;
	[sflag:s23] =	ssyncadd.s32 $0xFFFFC000  }
0x84: {  	[tilespmem:s18], [sflag:$0x1] =	stream.indirect.gather [hbm4b:s3+s17], $0x80, s26, s17, $0xb8;
	[tilespmem:$0x1E800] =	vst v63  }
0x85: {  	s28 =	sadd.s32 $0x80, s26  }
0x86: {  	[tilespmem:s19], [sflag:$0x2] =	stream.indirect.gather [hbm4b:s3+s17], $0x80, s28, s17, $0xb8;
	[tilespmem:$0x1E800] =	vst v63  }
0x87: {  	_ =	swait.ge [sflag:s20], $0x4000  }
0x88: {  	[sflag:s20] =	ssyncset.done $0x0  }
0x89: {  	s31 =	sadd.s32 $0x1400, s26;
	[sflag:s20] =	ssyncadd.s32 $0xFFFFC000  }
0x8a: {  	[spmem:s1] =	stream.indirect.scatter.add.f32 [tilespmem:s18], [sflag:$0x3], $0x80, s31, s17, $0xb8;
	[tilespmem:$0x1E800] =	vst v63  }
0x8b: {  	_ =	swait.ge [sflag:s21], $0x4000  }
0x8c: {  	[sflag:s21] =	ssyncset.done $0x0  }
0x8d: {  	s26 =	sadd.s32 $0x1480, s26;
	[sflag:s21] =	ssyncadd.s32 $0xFFFFC000  }
0x8e: {  	[spmem:s1] =	stream.indirect.scatter.add.f32 [tilespmem:s19], [sflag:$0x4], $0x80, s26, s17, $0xb8;
	[tilespmem:$0x1E800] =	vst v63  }
0x8f: {  	_ =	swait.ge [sflag:s22], $0x4000  }
0x90: {  	[sflag:s22] =	ssyncset.done $0x0  }
0x91: {  	[sflag:s22] =	ssyncadd.s32 $0xFFFFC000  }
0x92: {  	_ =	swait.ge [sflag:s23], $0x4000  }
0x93: {  	[sflag:s23] =	ssyncset.done $0x0  }
0x94: {  	[sflag:s23] =	ssyncadd.s32 $0xFFFFC000  }
0x95: {  	[bflag:$0x0] =	sbarrier.arrive $0xFFFF  }
0x96: {  	[hbm:s24], [sflag:s6] =	dma.local [spmem:s13], $0x2700  }
0x97: {  	_ =	swait.ge [sflag:s14], $0x2700  }
0x98: {  	s25 =	sadd.s32 $0x1, s25;
	[sflag:s14] =	ssyncset.done $0x0  }
0x99: {  	p1 =	sne.s32 s25, s12;
	s26 =	sadd.s32 @!p0 $0x27000, s11;
	[sflag:s14] =	ssyncadd.s32 $0xFFFFD900  }
0x9a: {  	[hbm:s26], [sflag:s6] =	dma.local @!p0 [spmem:s15], $0x1000  }
.Ltmp2:
0x9b: {  	_ = 	snop;
	(pc) =	sbr.rel @p1 .LBB2_1-.Ltmp2, $4  }
0x9c: {  	s26 =	simm.s32 @!p0 $0x5  }
0x9d: {  	_ =	swait.ge @!p0 [sflag:s26], $0x1000  }
0x9e: {  	[sflag:s26] =	ssyncset.done @!p0 $0x0  }
0x9f: {  	[sflag:s26] =	ssyncadd.s32 @!p0 $0xFFFFF000  }
0xa0: {  	_ =	sfence.sel $0x180000  }
0xa1: {  	[bflag:$0x0] =	sbarrier.arrive $0xFFFF  }
0xa2: {  	p0 =	sne.s32 s4, $0x0;
	_ =	strace $0x9000004D  }
0xa3: {  	s0 =	sadd.s32 @!p0 $0x100000, s0;
	[bflag:$0x2] =	sbarrier.arrive $0xFFFF  }
0xa4: {  	[sflag:s0] =	ssyncadd.tile.s32 @!p0 $0x1;
	_ =	shalt  }
.Lfunc_end2:
_tile_overlayer_lowered:
.L_overlay_start_2:
0xa5: {  	(tag) =	ssettag $0x2  }
0xa6: {  	s0 =	rddreg [dreg:$0x0];
	s2 =	stileid.u32  }
0xa7: {  	s1 =	rddreg [dreg:$0x1];
	p0 =	sne.s32 s2, $0x0  }
0xa8: {  	s3 =	rddreg [dreg:$0x2];
	[bflag:$0x3] =	sbarrier.arrive $0xFFFF;
	s2 =	simm.s32 @!p0 $0x1C05  }
0xa9: {  	[timem:s3], [sflag:s2] =	dma.local @!p0 [hbm:s0], s1  }
0xaa: {  	s0 =	simm.s32 @!p0 $0x5  }
0xab: {  	_ =	swait.ge @!p0 [sflag:s0], s1  }
0xac: {  	s1 =	ssub.s32 @!p0 $0x0, s1;
	[sflag:s0] =	ssyncset.done @!p0 $0x0  }
0xad: {  	[sflag:s0] =	ssyncadd.s32 @!p0 s1  }
0xae: {  	[bflag:$0x3] =	sbarrier.arrive $0xFFFF  }
0xaf: {  	_ =	shalt  }

// kernel: kernel.21.cloned.1.call-start
scs
__scs_entry_jumppad:
0x0: {  	(pc) =	sbr.rel $0x88, $3  }
0x1: {  	(tag) =	ssettag $0x0;
	lr =	simm.s32 $0x1  }
0x2: {  	[smem:$0x3F89] =	sst lr;
	_ =	strace $0xD0000000  }
0x3: {  	_ = 	snop  }
0x4: {  	_ = 	snop  }
0x5: {  	_ = 	snop  }
0x6: {  	_ = 	snop  }
0x7: {  	_ = 	snop  }
__scs_overlays_trampoline_lowered:
0x8: {  	[smem:$0x3F98] =	sst s0  }
0x9: {  	[smem:$0x3F99] =	sst s1  }
0xa: {  	[smem:$0x3F9A] =	sst s2  }
0xb: {  	[smem:$0x3F9B] =	sst s3  }
0xc: {  	[smem:$0x3F9C] =	sst s4  }
0xd: {  	[smem:$0x3F9D] =	sst s5  }
0xe: {  	[smem:$0x3F9E] =	sst s6  }
0xf: {  	[smem:$0x3F9F] =	sst s7  }
0x10: {  	[smem:$0x3FA0] =	sst s8  }
0x11: {  	[smem:$0x3FA1] =	sst s9;
	s0 =	simm.s32 @!p0 $0x0  }
0x12: {  	s1 =	sld [smem:$0x3F87];
	s0 =	simm.s32 @p0 $0x1  }
0x13: {  	[smem:$0x3FA2] =	sst s0;
	s0 =	simm.s32 @!p1 $0x0  }
0x14: {  	s2 =	sld [smem:$0x3F86];
	s0 =	simm.s32 @p1 $0x1  }
0x15: {  	[smem:$0x3FA3] =	sst s0;
	s0 =	simm.s32 @!p2 $0x0  }
0x16: {  	s3 =	sld [smem:$0x3FDB];
	s0 =	simm.s32 @p2 $0x1  }
0x17: {  	s4 =	simm.s32 $0x1BF5;
	[smem:$0x3FA5] =	sst s0  }
0x18: {  	s0 =	sld [smem:$0x3F88];
	_ =	swait.ge [sflag:s4], $0x0  }
0x19: {  	s7 =	sld [smem:$0x3F89]  }
0x1a: {  	s8 =	sadd.s32 $0xFFFFE003, lr  }
0x1b: {  	s9 =	sadd.s32 $0xFFFFFEF7, lr;
	s5 =	simm.s32 $0xFFFFFFFF;
	p2 =	slt.u32 s8, $0xFFFFF086  }
0x1c: {  	p1 =	slt.u32 s9, $0xF7A;
	s5 =	simm.s32 @!p2 $0x0  }
0x1d: {  	s5 =	simm.s32 @p1 $0x1;
	p0 =	seq.s32 s7, s2  }
0x1e: {  	s7 =	smul.u32 @!p0 $0xF7A, s2;
	p2 =	seq.s32 @!p0 s5, $0x0  }
0x1f: {  	s9 =	smul.u32 $0xF7A, s1;
	s8 =	simm.s32 @!p0 $0x1BF5;
	p2 =	por !p2, p0  }
0x20: {  	[sflag:s8] =	ssyncset.s32 @!p0 $0xFFFFF086;
	s6 =	sadd.s32 @!p0 s3, s7;
	s7 =	simm.s32 @!p0 $0x108  }
0x21: {  	s3 =	sadd.s32 s3, s9;
	s6 =	sadd.s32 @!p0 $0x88, s6;
	s7 =	simm.s32 @p2 $0x1082  }
0x22: {  	[simem:s7], [sflag:s8] =	dma.local @!p0 [hbm:s6], $0xF7A  }
0x23: {  	s9 =	sor.u32 $0xD0000000, s2;
	s6 =	simm.s32 $0x108;
	_ =	swait.ge @!p0 [sflag:s8], $0x0  }
0x24: {  	s3 =	sadd.s32 $0x88, s3;
	s6 =	simm.s32 @!p1 $0x1082;
	[sflag:s4] =	ssyncset.s32 $0xFFFFF086  }
0x25: {  	[simem:s6], [sflag:s4] =	dma.local [hbm:s3], $0xF7A  }
0x26: {  	[smem:$0x3F89] =	sst s1;
	(tag) =	ssettag s2;
	_ =	strace s9  }
0x27: {  	s1 =	sld [smem:$0x3F99]  }
0x28: {  	s2 =	sld [smem:$0x3F9A]  }
0x29: {  	s4 =	sld [smem:$0x3F9C]  }
0x2a: {  	p0 =	seq.s32 s5, $0x0;
	s5 =	sld [smem:$0x3F9D]  }
0x2b: {  	s6 =	sld [smem:$0x3F9E]  }
0x2c: {  	s7 =	sld [smem:$0x3F9F]  }
0x2d: {  	s3 =	simm.s32 $0x108;
	s8 =	sld [smem:$0x3FA0]  }
0x2e: {  	s3 =	simm.s32 @!p0 $0x1082;
	s9 =	sld [smem:$0x3FA1]  }
0x2f: {  	lr =	sadd.s32 s0, s3;
	s0 =	sld [smem:$0x3F98]  }
0x30: {  	s3 =	sld [smem:$0x3F9B]  }
0x31: {  	[smem:$0x3FA4] =	sst s10  }
0x32: {  	s10 =	sld [smem:$0x3FA2];
	_ =	sdelay $0x3  }
0x33: {  	p0 =	seq.s32 s10, $0x1;
	s10 =	sld [smem:$0x3FA4];
	_ =	sdelay $0x3  }
0x34: {  	[smem:$0x3FA4] =	sst s10  }
0x35: {  	s10 =	sld [smem:$0x3FA3];
	_ =	sdelay $0x3  }
0x36: {  	p1 =	seq.s32 s10, $0x1;
	s10 =	sld [smem:$0x3FA4];
	_ =	sdelay $0x3  }
0x37: {  	[smem:$0x3FA4] =	sst s10  }
0x38: {  	s10 =	sld [smem:$0x3FA5]  }
0x39: {  	_ = 	snop;
	(pc) =	sbr.ind lr, $3  }
0x3a: {  	_ = 	snop  }
0x3b: {  	_ = 	snop  }
0x3c: {  	p2 =	seq.s32 s10, $0x1;
	s10 =	sld [smem:$0x3FA4]  }
0x3d: {  	_ =	shalt  }
0x3e: {  	_ =	shalt  }
0x3f: {  	_ =	shalt  }
0x40: {  	_ =	shalt  }
0x41: {  	_ =	shalt  }
0x42: {  	_ =	shalt  }
0x43: {  	_ =	shalt  }
0x44: {  	_ =	shalt  }
0x45: {  	_ =	shalt  }
0x46: {  	_ =	shalt  }
0x47: {  	_ =	shalt  }
0x48: {  	_ =	shalt  }
0x49: {  	_ =	shalt  }
0x4a: {  	_ =	shalt  }
0x4b: {  	_ =	shalt  }
0x4c: {  	_ =	shalt  }
0x4d: {  	_ =	shalt  }
0x4e: {  	_ =	shalt  }
0x4f: {  	_ =	shalt  }
0x50: {  	_ =	shalt  }
0x51: {  	_ =	shalt  }
0x52: {  	_ =	shalt  }
0x53: {  	_ =	shalt  }
0x54: {  	_ =	shalt  }
0x55: {  	_ =	shalt  }
0x56: {  	_ =	shalt  }
0x57: {  	_ =	shalt  }
0x58: {  	_ =	shalt  }
0x59: {  	_ =	shalt  }
0x5a: {  	_ =	shalt  }
0x5b: {  	_ =	shalt  }
0x5c: {  	_ =	shalt  }
0x5d: {  	_ =	shalt  }
0x5e: {  	_ =	shalt  }
0x5f: {  	_ =	shalt  }
0x60: {  	_ =	shalt  }
0x61: {  	_ =	shalt  }
0x62: {  	_ =	shalt  }
0x63: {  	_ =	shalt  }
0x64: {  	_ =	shalt  }
0x65: {  	_ =	shalt  }
0x66: {  	_ =	shalt  }
0x67: {  	_ =	shalt  }
0x68: {  	_ =	shalt  }
0x69: {  	_ =	shalt  }
0x6a: {  	_ =	shalt  }
0x6b: {  	_ =	shalt  }
0x6c: {  	_ =	shalt  }
0x6d: {  	_ =	shalt  }
0x6e: {  	_ =	shalt  }
0x6f: {  	_ =	shalt  }
0x70: {  	_ =	shalt  }
0x71: {  	_ =	shalt  }
0x72: {  	_ =	shalt  }
0x73: {  	_ =	shalt  }
0x74: {  	_ =	shalt  }
0x75: {  	_ =	shalt  }
0x76: {  	_ =	shalt  }
0x77: {  	_ =	shalt  }
0x78: {  	_ =	shalt  }
0x79: {  	_ =	shalt  }
0x7a: {  	_ =	shalt  }
0x7b: {  	_ =	shalt  }
0x7c: {  	_ =	shalt  }
0x7d: {  	_ =	shalt  }
0x7e: {  	_ =	shalt  }
0x7f: {  	_ =	shalt  }
0x80: {  	_ =	shalt  }
0x81: {  	_ =	shalt  }
0x82: {  	_ =	shalt  }
0x83: {  	_ =	shalt  }
0x84: {  	_ =	shalt  }
0x85: {  	_ =	shalt  }
0x86: {  	_ =	shalt  }
0x87: {  	_ =	shalt  }
.Lfunc_end0:
.L_simem_size_0:
called_computation.3_lowered:
.L_overlay_start_0:
0x88: {  	s2 =	sld [smem:$0x3FD9]  }
0x89: {  	s3 =	sld [smem:$0x3FFE];
	_ =	sdelay $0x1  }
0x8a: {  	s1 =	srdreg.scid  }
0x8b: {  	s0 =	sand.u32 $0x1, s1  }
0x8c: {  	s16 =	sshll.u32 s0, $0xA;
	s2 =	sadd.s32 s3, s2  }
0x8d: {  	s2 =	sadd.s32 s2, s16  }
0x8e: {  	[smem:$0x3FB0] =	sst s2  }
0x8f: {  	_ = 	snop  }
0x90: {  	(tm) =	ssettm $0x1  }
0x91: {  	s17 =	sld [smem:$0x3FFB];
	_ =	sdelay $0x3  }
0x92: {  	_ =	strace s17  }
0x93: {  	s2 =	sld [smem:$0x3FFC];
	_ =	sdelay $0x3  }
0x94: {  	_ =	strace s2  }
0x95: {  	s2 =	sld [smem:$0x3FFD];
	_ =	sdelay $0x3  }
0x96: {  	_ =	strace s2  }
0x97: {  	_ =	strace $0x8FFFFFFF  }
0x98: {  	s18 =	sld [smem:$0x3FDB];
	_ =	sdelay $0x1  }
0x99: {  	s19 =	simm.s32 $_scs_section_size  }
0x9a: {  	s4 =	simm.s32 $_size__tile_overlayer_lowered;
	s5 =	simm.s32 $_tile_overlayer_lowered  }
0x9b: {  	s22 =	simm.s32 $0x1BFF;
	s21 =	sshll.u32 s5, $0x1;
	s2 =	sadd.s32 s19, s18  }
0x9c: {  	s6 =	simm.s32 $0x0;
	s20 =	sshll.u32 s4, $0x1;
	s4 =	sadd.s32 s21, s2  }
0x9d: {  	[timem:s6], [sflag:s22] =	dma.local [hbm:s4], s20  }
0x9e: {  	_ =	swait.ge [sflag:s22], s20  }
0x9f: {  	s3 =	ssub.s32 $0x0, s20;
	[sflag:s22] =	ssyncset.done $0x0  }
0xa0: {  	[sflag:s22] =	ssyncadd.s32 s3;
	_ =	sdelay $0x1  }
0xa1: {  	s23 =	simm.s32 $0x1B8B  }
0xa2: {  	_ =	swait.ge [sflag:s23], $0x1  }
0xa3: {  	[sflag:s23] =	ssyncset.done $0x0  }
0xa4: {  	s25 =	simm.s32 $0x1B8E;
	s24 =	sld [smem:$0x3FFE];
	[sflag:s23] =	ssyncadd.s32 $0xFFFFFFFF  }
0xa5: {  	s26 =	simm.s32 $execute0_lowered;
	[smem:$0x3FD2] =	sst s25  }
0xa6: {  	s4 =	sshll.u32 s26, $0x1;
	_ =	strace $0x8000004F;
	[dreg:$0x1] =	wrdreg $0xFFFFFFFF  }
0xa7: {  	s28 =	simm.s32 $_size_execute0_lowered;
	s2 =	sadd.s32 s2, s4;
	[dreg:$0x0] =	wrdreg $0x0  }
0xa8: {  	s4 =	sshll.u32 s28, $0x1;
	[dreg:$0x2] =	wrdreg s2  }
0xa9: {  	[dreg:$0x3] =	wrdreg s4  }
0xaa: {  	[dreg:$0x4] =	wrdreg $0xC0  }
0xab: {  	_ =	task [dreg:s6], $0x5FFFF  }
0xac: {  	[dreg:$0x1] =	wrdreg $0xFFFFFFFF  }
0xad: {  	[dreg:$0x0] =	wrdreg $0x60  }
0xae: {  	[dreg:$0x2] =	wrdreg s24  }
0xaf: {  	[dreg:$0x3] =	wrdreg $0xA8000  }
0xb0: {  	[dreg:$0x4] =	wrdreg $0x9  }
0xb1: {  	_ =	task.clear_ibuf [dreg:s6], $0x5FFFF;
	_ =	strace $0x9000004F  }
0xb2: {  	s29 =	simm.s32 $0x9;
	_ =	strace $0x80000051  }
0xb3: {  	_ =	swait.ge [sflag:s29], $0x1  }
0xb4: {  	[sflag:s29] =	ssyncadd.s32 $0xFFFFFFFF  }
0xb5: {  	_ =	strace $0x90000051  }
0xb6: {  	_ =	sfence  }
0xb7: {  	s30 =	sld [smem:$0x0];
	_ =	sdelay $0x2  }
0xb8: {  	s31 =	sshll.u32 s1, $0xD;
	s1 =	sshrl.u32 s1, $0x2  }
0xb9: {  	s3 =	sand.u32 $0x4000, s31;
	s1 =	sadd.s32 s1, s30  }
0xba: {  	s0 =	sor.u32 s3, s0;
	s1 =	sshll.u32 s1, $0x11  }
0xbb: {  	s0 =	sor.u32 s1, s0  }
0xbc: {  	s0 =	sadd.s32 $0x8F2B, s0  }
0xbd: {  	[sflag:s0] =	ssyncadd.remote.s32 $0x1  }
0xbe: {  	_ =	sfence.sel $0xFFFF  }
0xbf: {  	[dreg:$0x0] =	wrdreg $0xFFFFFFFF;
	(pc) =	sbr.abs _section_cstart, $3  }
0xc0: {  	[dreg:$0x1] =	wrdreg $0xFFFFFFFF  }
0xc1: {  	_ =	task.clear_ibuf [dreg:s6], $0x2FFFF;
	_ =	strace $0x9FFFFFFF  }
0xc2: {  	(tm) =	ssettm $0x7FFFFFFF  }
0xc3: {  	_ =	shalt  }
tec
execute0_lowered:
.L_overlay_start_1:
0x0: {  	(tag) =	ssettag $0x1  }
0x1: {  	s0 =	rddreg [dreg:$0x0]  }
0x2: {  	s1 =	rddreg [dreg:$0x1];
	s2 =	simm.s32 $0x0  }
0x3: {  	s22 =	srdreg.scid;
	s14 =	stileid.u32;
	s16 =	simm.s32 $0x1400  }
0x4: {  	s17 =	simm.s32 $0x80;
	s18 =	simm.s32 $0x2800;
	s19 =	simm.s32 $0x4800  }
0x5: {  	s20 =	simm.s32 $0x6800;
	s21 =	simm.s32 $0x8800;
	s28 =	simm.s32 $0x5  }
0x6: {  	s29 =	simm.s32 $0x6;
	s30 =	simm.s32 $0x7;
	s31 =	simm.s32 $0x8  }
0x7: {  	[smem:$0x7FF] =	sst s2;
	s3 =	sadd.s32 $0x1A000, s0;
	s4 =	sadd.s32 $0x6000, s0  }
0x8: {  	s7 =	sadd.s32 $0x10000, s0;
	s2 =	sand.u32 $0x1, s22;
	s12 =	smul.u32 $0x9C00, s14  }
0x9: {  	s23 =	sshll.u32 s14, $0x6;
	s15 =	sadd.s32 $0x9C000, s1;
	p0 =	sne.s32 s14, $0xF  }
0xa: {  	s22 =	simm.s32 $0x1;
	_ =	strace $0x80000050;
	s6 =	smul.u32 $0x14000, s2  }
0xb: {  	s5 =	sshll.u32 s2, $0x4;
	s2 =	ssub.s32 $0x2, s2;
	s15 =	sshrl.u32 @!p0 s15, $0x3  }
0xc: {  	s8 =	sor.u32 s14, s5;
	s5 =	sadd.s32 $0x2E000, s0;
	s9 =	sshrl.u32 s2, $0x1  }
0xd: {  	s13 =	sadd.s32 s12, s1;
	s26 =	sshrl.u32 s12, $0x3;
	s14 =	simm.s32 $0x9  }
0xe: {  	s10 =	smul.u32 $0x2800, s8;
	s0 =	sadd.s32 s6, s0;
	s2 =	ssub.s32 s2, s9  }
0xf: {  	s8 =	smul.u32 $0x500, s8;
	s6 =	sor.u32 $0x1C09, s23;
	s13 =	sshrl.u32 s13, $0x3  }
0x10: {  	s23 =	simm.s32 $0x2;
	s11 =	sadd.s32 $0x2F400, s0;
	s12 =	smax.u32 s2, $0x1  }
0x11: {  	s0 =	simm.s32 $0x0;
	s24 =	sshrl.u32 s10, $0x3;
	s25 =	sadd.s32 s4, s8  }
0x12: {  	s8 =	sadd.s32 s7, s8;
	s10 =	sadd.s32 $0x280, s24;
	[dreg:$0x3] =	wrdreg s25  }
0x13: {  	[dreg:$0x4] =	wrdreg s8;
	s24 =	simm.s32 $0x3;
	s25 =	sadd.s32 s26, s11  }
0x14: {  	s26 =	simm.s32 $0x4;
	s9 =	sadd.s32 s4, s10;
	s10 =	sadd.s32 s7, s10  }
.LBB2_1:
0x15: {  	[spmem:s13], [sflag:s6] =	dma.local [hbm:s5], $0x1380  }
0x16: {  	_ =	swait.ge [sflag:s14], $0x1380  }
0x17: {  	[sflag:s14] =	ssyncset.done $0x0  }
0x18: {  	s2 =	simm.s32 @!p0 $0x9;
	[sflag:s14] =	ssyncadd.s32 $0xFFFFEC80  }
0x19: {  	[spmem:s15], [sflag:s6] =	dma.local @!p0 [hbm:s5], $0x800  }
0x1a: {  	_ =	swait.ge @!p0 [sflag:s2], $0x800  }
0x1b: {  	[sflag:s2] =	ssyncset.done @!p0 $0x0  }
0x1c: {  	[sflag:s2] =	ssyncadd.s32 @!p0 $0xFFFFF800  }
0x1d: {  	[bflag:$0x0] =	sbarrier.arrive $0xFFFF  }
0x1e: {  	s7 =	simm.s32 $0x0;
	s4 =	rddreg [dreg:$0x3]  }
0x1f: {  	[tilespmem:s7], [sflag:$0x9] =	stream.linear.gather [hbm4b:s4+s7], $0x1400, $0x38;
	[tilespmem:$0x14800] =	vst v63  }
0x20: {  	_ =	swait.ge [sflag:s14], $0x1400  }
0x21: {  	[sflag:s14] =	ssyncset.done $0x0  }
0x22: {  	s8 =	rddreg [dreg:$0x4];
	[sflag:s14] =	ssyncadd.s32 $0xFFFFEC00  }
0x23: {  	[tilespmem:s16], [sflag:$0x9] =	stream.linear.gather [hbm4b:s8+s7], $0x1400, $0x38;
	[tilespmem:$0x14800] =	vst v63  }
0x24: {  	_ =	swait.ge [sflag:s14], $0x1400  }
0x25: {  	[sflag:s14] =	ssyncset.done $0x0  }
0x26: {  	s7 =	simm.s32 $0x0;
	[sflag:s14] =	ssyncadd.s32 $0xFFFFEC00  }
0x27: {  	[tilespmem:s18], [sflag:$0x1] =	stream.indirect.gather [hbm4b:s3+s17], $0x40, s7, s17, $0xb8;
	[tilespmem:$0x14800] =	vst v63  }
0x28: {  	s8 =	simm.s32 $0x80  }
0x29: {  	[tilespmem:s19], [sflag:$0x2] =	stream.indirect.gather [hbm4b:s3+s17], $0x40, s8, s17, $0xb8;
	[tilespmem:$0x14800] =	vst v63  }
0x2a: {  	s4 =	simm.s32 $0x100  }
0x2b: {  	[tilespmem:s20], [sflag:$0x3] =	stream.indirect.gather [hbm4b:s3+s17], $0x40, s4, s17, $0xb8;
	[tilespmem:$0x14800] =	vst v63  }
0x2c: {  	s7 =	simm.s32 $0x180  }
0x2d: {  	[tilespmem:s21], [sflag:$0x4] =	stream.indirect.gather [hbm4b:s3+s17], $0x40, s7, s17, $0xb8;
	[tilespmem:$0x14800] =	vst v63  }
0x2e: {  	_ =	swait.ge [sflag:s22], $0x2000  }
0x2f: {  	[sflag:s22] =	ssyncset.done $0x0  }
0x30: {  	s8 =	simm.s32 $0x1400;
	[sflag:s22] =	ssyncadd.s32 $0xFFFFE000  }
0x31: {  	[spmem:s1] =	stream.indirect.scatter.add.f32 [tilespmem:s18], [sflag:$0x5], $0x40, s8, s17, $0xb8;
	[tilespmem:$0x14800] =	vst v63  }
0x32: {  	_ =	swait.ge [sflag:s23], $0x2000  }
0x33: {  	[sflag:s23] =	ssyncset.done $0x0  }
0x34: {  	s4 =	simm.s32 $0x1480;
	[sflag:s23] =	ssyncadd.s32 $0xFFFFE000  }
0x35: {  	[spmem:s1] =	stream.indirect.scatter.add.f32 [tilespmem:s19], [sflag:$0x6], $0x40, s4, s17, $0xb8;
	[tilespmem:$0x14800] =	vst v63  }
0x36: {  	_ =	swait.ge [sflag:s24], $0x2000  }
0x37: {  	[sflag:s24] =	ssyncset.done $0x0  }
0x38: {  	s7 =	simm.s32 $0x1500;
	[sflag:s24] =	ssyncadd.s32 $0xFFFFE000  }
0x39: {  	[spmem:s1] =	stream.indirect.scatter.add.f32 [tilespmem:s20], [sflag:$0x7], $0x40, s7, s17, $0xb8;
	[tilespmem:$0x14800] =	vst v63  }
0x3a: {  	_ =	swait.ge [sflag:s26], $0x2000  }
0x3b: {  	[sflag:s26] =	ssyncset.done $0x0  }
0x3c: {  	s8 =	simm.s32 $0x1580;
	[sflag:s26] =	ssyncadd.s32 $0xFFFFE000  }
0x3d: {  	[spmem:s1] =	stream.indirect.scatter.add.f32 [tilespmem:s21], [sflag:$0x8], $0x40, s8, s17, $0xb8;
	[tilespmem:$0x14800] =	vst v63  }
0x3e: {  	_ =	swait.ge [sflag:s28], $0x2000  }
0x3f: {  	[sflag:s28] =	ssyncset.done $0x0  }
0x40: {  	[sflag:s28] =	ssyncadd.s32 $0xFFFFE000  }
0x41: {  	_ =	swait.ge [sflag:s29], $0x2000  }
0x42: {  	[sflag:s29] =	ssyncset.done $0x0  }
0x43: {  	[sflag:s29] =	ssyncadd.s32 $0xFFFFE000  }
0x44: {  	_ =	swait.ge [sflag:s30], $0x2000  }
0x45: {  	[sflag:s30] =	ssyncset.done $0x0  }
0x46: {  	[sflag:s30] =	ssyncadd.s32 $0xFFFFE000  }
0x47: {  	_ =	swait.ge [sflag:s31], $0x2000  }
0x48: {  	s2 =	simm.s32 $0x1000;
	s4 =	simm.s32 $0x800;
	[sflag:s31] =	ssyncset.done $0x0  }
.LBB2_2:
0x49: {  	s8 =	sshra.s32 s4, $0x2  }
0x4a: {  	[sflag:s31] =	ssyncadd.s32 $0xFFFFE000;
	s4 =	smov.u32 s2;
	s7 =	sadd.s32 $0x800, s2  }
0x4b: {  	[tilespmem:s18], [sflag:$0x1] =	stream.indirect.gather [hbm4b:s3+s17], $0x40, s8, s17, $0xb8;
	[tilespmem:$0x14800] =	vst v63  }
0x4c: {  	p1 =	sne.s32 s2, $0x4800;
	s2 =	sadd.s32 $0x80, s8  }
0x4d: {  	[tilespmem:s19], [sflag:$0x2] =	stream.indirect.gather [hbm4b:s3+s17], $0x40, s2, s17, $0xb8;
	[tilespmem:$0x14800] =	vst v63  }
0x4e: {  	s2 =	sadd.s32 $0x100, s8  }
0x4f: {  	[tilespmem:s20], [sflag:$0x3] =	stream.indirect.gather [hbm4b:s3+s17], $0x40, s2, s17, $0xb8;
	[tilespmem:$0x14800] =	vst v63  }
0x50: {  	s2 =	sadd.s32 $0x180, s8  }
0x51: {  	[tilespmem:s21], [sflag:$0x4] =	stream.indirect.gather [hbm4b:s3+s17], $0x40, s2, s17, $0xb8;
	[tilespmem:$0x14800] =	vst v63  }
0x52: {  	_ =	swait.ge [sflag:s22], $0x2000  }
0x53: {  	[sflag:s22] =	ssyncset.done $0x0  }
0x54: {  	s2 =	sadd.s32 $0x1400, s8;
	[sflag:s22] =	ssyncadd.s32 $0xFFFFE000  }
0x55: {  	[spmem:s1] =	stream.indirect.scatter.add.f32 [tilespmem:s18], [sflag:$0x5], $0x40, s2, s17, $0xb8;
	[tilespmem:$0x14800] =	vst v63  }
0x56: {  	_ =	swait.ge [sflag:s23], $0x2000  }
0x57: {  	[sflag:s23] =	ssyncset.done $0x0  }
0x58: {  	s2 =	sadd.s32 $0x1480, s8;
	[sflag:s23] =	ssyncadd.s32 $0xFFFFE000  }
0x59: {  	[spmem:s1] =	stream.indirect.scatter.add.f32 [tilespmem:s19], [sflag:$0x6], $0x40, s2, s17, $0xb8;
	[tilespmem:$0x14800] =	vst v63  }
0x5a: {  	_ =	swait.ge [sflag:s24], $0x2000  }
0x5b: {  	[sflag:s24] =	ssyncset.done $0x0  }
0x5c: {  	s2 =	sadd.s32 $0x1500, s8;
	[sflag:s24] =	ssyncadd.s32 $0xFFFFE000  }
0x5d: {  	[spmem:s1] =	stream.indirect.scatter.add.f32 [tilespmem:s20], [sflag:$0x7], $0x40, s2, s17, $0xb8;
	[tilespmem:$0x14800] =	vst v63  }
0x5e: {  	_ =	swait.ge [sflag:s26], $0x2000  }
0x5f: {  	[sflag:s26] =	ssyncset.done $0x0  }
0x60: {  	s2 =	sadd.s32 $0x1580, s8;
	[sflag:s26] =	ssyncadd.s32 $0xFFFFE000  }
0x61: {  	[spmem:s1] =	stream.indirect.scatter.add.f32 [tilespmem:s21], [sflag:$0x8], $0x40, s2, s17, $0xb8;
	[tilespmem:$0x14800] =	vst v63  }
0x62: {  	_ =	swait.ge [sflag:s28], $0x2000  }
0x63: {  	[sflag:s28] =	ssyncset.done $0x0  }
0x64: {  	[sflag:s28] =	ssyncadd.s32 $0xFFFFE000  }
0x65: {  	_ =	swait.ge [sflag:s29], $0x2000  }
0x66: {  	[sflag:s29] =	ssyncset.done $0x0  }
0x67: {  	[sflag:s29] =	ssyncadd.s32 $0xFFFFE000  }
.Ltmp0:
0x68: {  	_ =	swait.ge [sflag:s30], $0x2000;
	(pc) =	sbr.rel @p1 .LBB2_2-.Ltmp0, $4  }
0x69: {  	[sflag:s30] =	ssyncset.done $0x0  }
0x6a: {  	[sflag:s30] =	ssyncadd.s32 $0xFFFFE000  }
0x6b: {  	_ =	swait.ge [sflag:s31], $0x2000  }
0x6c: {  	s2 =	smov.u32 s7;
	[sflag:s31] =	ssyncset.done $0x0  }
0x6d: {  	s2 =	sshra.s32 s4, $0x2;
	[sflag:s31] =	ssyncadd.s32 $0xFFFFE000  }
0x6e: {  	[tilespmem:s18], [sflag:$0x1] =	stream.indirect.gather [hbm4b:s3+s17], $0x40, s2, s17, $0xb8;
	[tilespmem:$0x14800] =	vst v63  }
0x6f: {  	s4 =	sadd.s32 $0x80, s2  }
0x70: {  	[tilespmem:s19], [sflag:$0x2] =	stream.indirect.gather [hbm4b:s3+s17], $0x40, s4, s17, $0xb8;
	[tilespmem:$0x14800] =	vst v63  }
0x71: {  	s8 =	sadd.s32 $0x100, s2  }
0x72: {  	[tilespmem:s20], [sflag:$0x3] =	stream.indirect.gather [hbm4b:s3+s17], $0x40, s8, s17, $0xb8;
	[tilespmem:$0x14800] =	vst v63  }
0x73: {  	s7 =	sadd.s32 $0x180, s2  }
0x74: {  	[tilespmem:s21], [sflag:$0x4] =	stream.indirect.gather [hbm4b:s3+s17], $0x40, s7, s17, $0xb8;
	[tilespmem:$0x14800] =	vst v63  }
0x75: {  	_ =	swait.ge [sflag:s22], $0x2000  }
0x76: {  	[sflag:s22] =	ssyncset.done $0x0  }
0x77: {  	s8 =	sadd.s32 $0x1400, s2;
	[sflag:s22] =	ssyncadd.s32 $0xFFFFE000  }
0x78: {  	[spmem:s1] =	stream.indirect.scatter.add.f32 [tilespmem:s18], [sflag:$0x5], $0x40, s8, s17, $0xb8;
	[tilespmem:$0x14800] =	vst v63  }
0x79: {  	_ =	swait.ge [sflag:s23], $0x2000  }
0x7a: {  	[sflag:s23] =	ssyncset.done $0x0  }
0x7b: {  	s7 =	sadd.s32 $0x1480, s2;
	[sflag:s23] =	ssyncadd.s32 $0xFFFFE000  }
0x7c: {  	[spmem:s1] =	stream.indirect.scatter.add.f32 [tilespmem:s19], [sflag:$0x6], $0x40, s7, s17, $0xb8;
	[tilespmem:$0x14800] =	vst v63  }
0x7d: {  	_ =	swait.ge [sflag:s24], $0x2000  }
0x7e: {  	[sflag:s24] =	ssyncset.done $0x0  }
0x7f: {  	s8 =	sadd.s32 $0x1500, s2;
	[sflag:s24] =	ssyncadd.s32 $0xFFFFE000  }
0x80: {  	[spmem:s1] =	stream.indirect.scatter.add.f32 [tilespmem:s20], [sflag:$0x7], $0x40, s8, s17, $0xb8;
	[tilespmem:$0x14800] =	vst v63  }
0x81: {  	_ =	swait.ge [sflag:s26], $0x2000  }
0x82: {  	[sflag:s26] =	ssyncset.done $0x0  }
0x83: {  	s2 =	sadd.s32 $0x1580, s2;
	[sflag:s26] =	ssyncadd.s32 $0xFFFFE000  }
0x84: {  	[spmem:s1] =	stream.indirect.scatter.add.f32 [tilespmem:s21], [sflag:$0x8], $0x40, s2, s17, $0xb8;
	[tilespmem:$0x14800] =	vst v63  }
0x85: {  	_ =	swait.ge [sflag:s28], $0x2000  }
0x86: {  	[sflag:s28] =	ssyncset.done $0x0  }
0x87: {  	[sflag:s28] =	ssyncadd.s32 $0xFFFFE000  }
0x88: {  	_ =	swait.ge [sflag:s29], $0x2000  }
0x89: {  	[sflag:s29] =	ssyncset.done $0x0  }
0x8a: {  	[sflag:s29] =	ssyncadd.s32 $0xFFFFE000  }
0x8b: {  	_ =	swait.ge [sflag:s30], $0x2000  }
0x8c: {  	[sflag:s30] =	ssyncset.done $0x0  }
0x8d: {  	[sflag:s30] =	ssyncadd.s32 $0xFFFFE000  }
0x8e: {  	_ =	swait.ge [sflag:s31], $0x2000  }
0x8f: {  	[sflag:s31] =	ssyncset.done $0x0  }
0x90: {  	s4 =	simm.s32 $0x0;
	[sflag:s31] =	ssyncadd.s32 $0xFFFFE000  }
0x91: {  	[tilespmem:s4], [sflag:$0x9] =	stream.linear.gather [hbm4b:s9+s4], $0x1400, $0x38;
	[tilespmem:$0x14800] =	vst v63  }
0x92: {  	_ =	swait.ge [sflag:s14], $0x1400  }
0x93: {  	[sflag:s14] =	ssyncset.done $0x0  }
0x94: {  	[sflag:s14] =	ssyncadd.s32 $0xFFFFEC00  }
0x95: {  	[tilespmem:s16], [sflag:$0x9] =	stream.linear.gather [hbm4b:s10+s4], $0x1400, $0x38;
	[tilespmem:$0x14800] =	vst v63  }
0x96: {  	_ =	swait.ge [sflag:s14], $0x1400  }
0x97: {  	[sflag:s14] =	ssyncset.done $0x0  }
0x98: {  	s7 =	simm.s32 $0x0;
	[sflag:s14] =	ssyncadd.s32 $0xFFFFEC00  }
0x99: {  	[tilespmem:s18], [sflag:$0x1] =	stream.indirect.gather [hbm4b:s3+s17], $0x40, s7, s17, $0xb8;
	[tilespmem:$0x14800] =	vst v63  }
0x9a: {  	s8 =	simm.s32 $0x80  }
0x9b: {  	[tilespmem:s19], [sflag:$0x2] =	stream.indirect.gather [hbm4b:s3+s17], $0x40, s8, s17, $0xb8;
	[tilespmem:$0x14800] =	vst v63  }
0x9c: {  	s4 =	simm.s32 $0x100  }
0x9d: {  	[tilespmem:s20], [sflag:$0x3] =	stream.indirect.gather [hbm4b:s3+s17], $0x40, s4, s17, $0xb8;
	[tilespmem:$0x14800] =	vst v63  }
0x9e: {  	s7 =	simm.s32 $0x180  }
0x9f: {  	[tilespmem:s21], [sflag:$0x4] =	stream.indirect.gather [hbm4b:s3+s17], $0x40, s7, s17, $0xb8;
	[tilespmem:$0x14800] =	vst v63  }
0xa0: {  	_ =	swait.ge [sflag:s22], $0x2000  }
0xa1: {  	[sflag:s22] =	ssyncset.done $0x0  }
0xa2: {  	s8 =	simm.s32 $0x1400;
	[sflag:s22] =	ssyncadd.s32 $0xFFFFE000  }
0xa3: {  	[spmem:s1] =	stream.indirect.scatter.add.f32 [tilespmem:s18], [sflag:$0x5], $0x40, s8, s17, $0xb8;
	[tilespmem:$0x14800] =	vst v63  }
0xa4: {  	_ =	swait.ge [sflag:s23], $0x2000  }
0xa5: {  	[sflag:s23] =	ssyncset.done $0x0  }
0xa6: {  	s4 =	simm.s32 $0x1480;
	[sflag:s23] =	ssyncadd.s32 $0xFFFFE000  }
0xa7: {  	[spmem:s1] =	stream.indirect.scatter.add.f32 [tilespmem:s19], [sflag:$0x6], $0x40, s4, s17, $0xb8;
	[tilespmem:$0x14800] =	vst v63  }
0xa8: {  	_ =	swait.ge [sflag:s24], $0x2000  }
0xa9: {  	[sflag:s24] =	ssyncset.done $0x0  }
0xaa: {  	s7 =	simm.s32 $0x1500;
	[sflag:s24] =	ssyncadd.s32 $0xFFFFE000  }
0xab: {  	[spmem:s1] =	stream.indirect.scatter.add.f32 [tilespmem:s20], [sflag:$0x7], $0x40, s7, s17, $0xb8;
	[tilespmem:$0x14800] =	vst v63  }
0xac: {  	_ =	swait.ge [sflag:s26], $0x2000  }
0xad: {  	[sflag:s26] =	ssyncset.done $0x0  }
0xae: {  	s8 =	simm.s32 $0x1580;
	[sflag:s26] =	ssyncadd.s32 $0xFFFFE000  }
0xaf: {  	[spmem:s1] =	stream.indirect.scatter.add.f32 [tilespmem:s21], [sflag:$0x8], $0x40, s8, s17, $0xb8;
	[tilespmem:$0x14800] =	vst v63  }
0xb0: {  	_ =	swait.ge [sflag:s28], $0x2000  }
0xb1: {  	[sflag:s28] =	ssyncset.done $0x0  }
0xb2: {  	[sflag:s28] =	ssyncadd.s32 $0xFFFFE000  }
0xb3: {  	_ =	swait.ge [sflag:s29], $0x2000  }
0xb4: {  	[sflag:s29] =	ssyncset.done $0x0  }
0xb5: {  	[sflag:s29] =	ssyncadd.s32 $0xFFFFE000  }
0xb6: {  	_ =	swait.ge [sflag:s30], $0x2000  }
0xb7: {  	[sflag:s30] =	ssyncset.done $0x0  }
0xb8: {  	[sflag:s30] =	ssyncadd.s32 $0xFFFFE000  }
0xb9: {  	_ =	swait.ge [sflag:s31], $0x2000  }
0xba: {  	s4 =	simm.s32 $0x800;
	s7 =	simm.s32 $0x1000;
	[sflag:s31] =	ssyncset.done $0x0  }
.LBB2_4:
0xbb: {  	s8 =	sshra.s32 s4, $0x2  }
0xbc: {  	[sflag:s31] =	ssyncadd.s32 $0xFFFFE000;
	s4 =	smov.u32 s7;
	s2 =	sadd.s32 $0x800, s7  }
0xbd: {  	[tilespmem:s18], [sflag:$0x1] =	stream.indirect.gather [hbm4b:s3+s17], $0x40, s8, s17, $0xb8;
	[tilespmem:$0x14800] =	vst v63  }
0xbe: {  	p1 =	sne.s32 s7, $0x4800;
	s7 =	sadd.s32 $0x80, s8  }
0xbf: {  	[tilespmem:s19], [sflag:$0x2] =	stream.indirect.gather [hbm4b:s3+s17], $0x40, s7, s17, $0xb8;
	[tilespmem:$0x14800] =	vst v63  }
0xc0: {  	s7 =	sadd.s32 $0x100, s8  }
0xc1: {  	[tilespmem:s20], [sflag:$0x3] =	stream.indirect.gather [hbm4b:s3+s17], $0x40, s7, s17, $0xb8;
	[tilespmem:$0x14800] =	vst v63  }
0xc2: {  	s7 =	sadd.s32 $0x180, s8  }
0xc3: {  	[tilespmem:s21], [sflag:$0x4] =	stream.indirect.gather [hbm4b:s3+s17], $0x40, s7, s17, $0xb8;
	[tilespmem:$0x14800] =	vst v63  }
0xc4: {  	_ =	swait.ge [sflag:s22], $0x2000  }
0xc5: {  	[sflag:s22] =	ssyncset.done $0x0  }
0xc6: {  	s7 =	sadd.s32 $0x1400, s8;
	[sflag:s22] =	ssyncadd.s32 $0xFFFFE000  }
0xc7: {  	[spmem:s1] =	stream.indirect.scatter.add.f32 [tilespmem:s18], [sflag:$0x5], $0x40, s7, s17, $0xb8;
	[tilespmem:$0x14800] =	vst v63  }
0xc8: {  	_ =	swait.ge [sflag:s23], $0x2000  }
0xc9: {  	[sflag:s23] =	ssyncset.done $0x0  }
0xca: {  	s7 =	sadd.s32 $0x1480, s8;
	[sflag:s23] =	ssyncadd.s32 $0xFFFFE000  }
0xcb: {  	[spmem:s1] =	stream.indirect.scatter.add.f32 [tilespmem:s19], [sflag:$0x6], $0x40, s7, s17, $0xb8;
	[tilespmem:$0x14800] =	vst v63  }
0xcc: {  	_ =	swait.ge [sflag:s24], $0x2000  }
0xcd: {  	[sflag:s24] =	ssyncset.done $0x0  }
0xce: {  	s7 =	sadd.s32 $0x1500, s8;
	[sflag:s24] =	ssyncadd.s32 $0xFFFFE000  }
0xcf: {  	[spmem:s1] =	stream.indirect.scatter.add.f32 [tilespmem:s20], [sflag:$0x7], $0x40, s7, s17, $0xb8;
	[tilespmem:$0x14800] =	vst v63  }
0xd0: {  	_ =	swait.ge [sflag:s26], $0x2000  }
0xd1: {  	[sflag:s26] =	ssyncset.done $0x0  }
0xd2: {  	s7 =	sadd.s32 $0x1580, s8;
	[sflag:s26] =	ssyncadd.s32 $0xFFFFE000  }
0xd3: {  	[spmem:s1] =	stream.indirect.scatter.add.f32 [tilespmem:s21], [sflag:$0x8], $0x40, s7, s17, $0xb8;
	[tilespmem:$0x14800] =	vst v63  }
0xd4: {  	_ =	swait.ge [sflag:s28], $0x2000  }
0xd5: {  	[sflag:s28] =	ssyncset.done $0x0  }
0xd6: {  	[sflag:s28] =	ssyncadd.s32 $0xFFFFE000  }
0xd7: {  	_ =	swait.ge [sflag:s29], $0x2000  }
0xd8: {  	[sflag:s29] =	ssyncset.done $0x0  }
0xd9: {  	[sflag:s29] =	ssyncadd.s32 $0xFFFFE000  }
.Ltmp1:
0xda: {  	_ =	swait.ge [sflag:s30], $0x2000;
	(pc) =	sbr.rel @p1 .LBB2_4-.Ltmp1, $4  }
0xdb: {  	[sflag:s30] =	ssyncset.done $0x0  }
0xdc: {  	[sflag:s30] =	ssyncadd.s32 $0xFFFFE000  }
0xdd: {  	_ =	swait.ge [sflag:s31], $0x2000  }
0xde: {  	s7 =	smov.u32 s2;
	[sflag:s31] =	ssyncset.done $0x0  }
0xdf: {  	s2 =	sshra.s32 s4, $0x2;
	[sflag:s31] =	ssyncadd.s32 $0xFFFFE000  }
0xe0: {  	[tilespmem:s18], [sflag:$0x1] =	stream.indirect.gather [hbm4b:s3+s17], $0x40, s2, s17, $0xb8;
	[tilespmem:$0x14800] =	vst v63  }
0xe1: {  	s4 =	sadd.s32 $0x80, s2  }
0xe2: {  	[tilespmem:s19], [sflag:$0x2] =	stream.indirect.gather [hbm4b:s3+s17], $0x40, s4, s17, $0xb8;
	[tilespmem:$0x14800] =	vst v63  }
0xe3: {  	s8 =	sadd.s32 $0x100, s2  }
0xe4: {  	[tilespmem:s20], [sflag:$0x3] =	stream.indirect.gather [hbm4b:s3+s17], $0x40, s8, s17, $0xb8;
	[tilespmem:$0x14800] =	vst v63  }
0xe5: {  	s7 =	sadd.s32 $0x180, s2  }
0xe6: {  	[tilespmem:s21], [sflag:$0x4] =	stream.indirect.gather [hbm4b:s3+s17], $0x40, s7, s17, $0xb8;
	[tilespmem:$0x14800] =	vst v63  }
0xe7: {  	_ =	swait.ge [sflag:s22], $0x2000  }
0xe8: {  	[sflag:s22] =	ssyncset.done $0x0  }
0xe9: {  	s8 =	sadd.s32 $0x1400, s2;
	[sflag:s22] =	ssyncadd.s32 $0xFFFFE000  }
0xea: {  	[spmem:s1] =	stream.indirect.scatter.add.f32 [tilespmem:s18], [sflag:$0x5], $0x40, s8, s17, $0xb8;
	[tilespmem:$0x14800] =	vst v63  }
0xeb: {  	_ =	swait.ge [sflag:s23], $0x2000  }
0xec: {  	[sflag:s23] =	ssyncset.done $0x0  }
0xed: {  	s7 =	sadd.s32 $0x1480, s2;
	[sflag:s23] =	ssyncadd.s32 $0xFFFFE000  }
0xee: {  	[spmem:s1] =	stream.indirect.scatter.add.f32 [tilespmem:s19], [sflag:$0x6], $0x40, s7, s17, $0xb8;
	[tilespmem:$0x14800] =	vst v63  }
0xef: {  	_ =	swait.ge [sflag:s24], $0x2000  }
0xf0: {  	[sflag:s24] =	ssyncset.done $0x0  }
0xf1: {  	s8 =	sadd.s32 $0x1500, s2;
	[sflag:s24] =	ssyncadd.s32 $0xFFFFE000  }
0xf2: {  	[spmem:s1] =	stream.indirect.scatter.add.f32 [tilespmem:s20], [sflag:$0x7], $0x40, s8, s17, $0xb8;
	[tilespmem:$0x14800] =	vst v63  }
0xf3: {  	_ =	swait.ge [sflag:s26], $0x2000  }
0xf4: {  	[sflag:s26] =	ssyncset.done $0x0  }
0xf5: {  	s2 =	sadd.s32 $0x1580, s2;
	[sflag:s26] =	ssyncadd.s32 $0xFFFFE000  }
0xf6: {  	[spmem:s1] =	stream.indirect.scatter.add.f32 [tilespmem:s21], [sflag:$0x8], $0x40, s2, s17, $0xb8;
	[tilespmem:$0x14800] =	vst v63  }
0xf7: {  	_ =	swait.ge [sflag:s28], $0x2000  }
0xf8: {  	[sflag:s28] =	ssyncset.done $0x0  }
0xf9: {  	[sflag:s28] =	ssyncadd.s32 $0xFFFFE000  }
0xfa: {  	_ =	swait.ge [sflag:s29], $0x2000  }
0xfb: {  	[sflag:s29] =	ssyncset.done $0x0  }
0xfc: {  	[sflag:s29] =	ssyncadd.s32 $0xFFFFE000  }
0xfd: {  	_ =	swait.ge [sflag:s30], $0x2000  }
0xfe: {  	[sflag:s30] =	ssyncset.done $0x0  }
0xff: {  	[sflag:s30] =	ssyncadd.s32 $0xFFFFE000  }
0x100: {  	_ =	swait.ge [sflag:s31], $0x2000  }
0x101: {  	[sflag:s31] =	ssyncset.done $0x0  }
0x102: {  	[sflag:s31] =	ssyncadd.s32 $0xFFFFE000  }
0x103: {  	[bflag:$0x0] =	sbarrier.arrive $0xFFFF  }
0x104: {  	[hbm:s25], [sflag:s6] =	dma.local [spmem:s13], $0x1380  }
0x105: {  	_ =	swait.ge [sflag:s14], $0x1380  }
0x106: {  	s0 =	sadd.s32 $0x1, s0;
	[sflag:s14] =	ssyncset.done $0x0  }
0x107: {  	p1 =	sne.s32 s0, s12;
	s2 =	sadd.s32 @!p0 $0x13800, s11;
	[sflag:s14] =	ssyncadd.s32 $0xFFFFEC80  }
0x108: {  	[hbm:s2], [sflag:s6] =	dma.local @!p0 [spmem:s15], $0x800  }
.Ltmp2:
0x109: {  	_ = 	snop;
	(pc) =	sbr.rel @p1 .LBB2_1-.Ltmp2, $4  }
0x10a: {  	s2 =	simm.s32 @!p0 $0x9  }
0x10b: {  	_ =	swait.ge @!p0 [sflag:s2], $0x800  }
0x10c: {  	[sflag:s2] =	ssyncset.done @!p0 $0x0  }
0x10d: {  	[sflag:s2] =	ssyncadd.s32 @!p0 $0xFFFFF800  }
0x10e: {  	_ =	sfence.sel $0x180000  }
0x10f: {  	[bflag:$0x0] =	sbarrier.arrive $0xFFFF  }
0x110: {  	_ =	strace $0x90000050  }
0x111: {  	s0 =	stileid.u32;
	[bflag:$0x2] =	sbarrier.arrive $0xFFFF  }
0x112: {  	p0 =	sne.s32 s0, $0x0;
	s0 =	rddreg [dreg:$0x2]  }
0x113: {  	s0 =	sadd.s32 @!p0 $0x100000, s0  }
0x114: {  	[sflag:s0] =	ssyncadd.tile.s32 @!p0 $0x1;
	_ =	shalt  }
.Lfunc_end2:
_tile_overlayer_lowered:
.L_overlay_start_2:
0x115: {  	(tag) =	ssettag $0x2  }
0x116: {  	s0 =	rddreg [dreg:$0x0];
	s2 =	stileid.u32  }
0x117: {  	s1 =	rddreg [dreg:$0x1];
	p0 =	sne.s32 s2, $0x0  }
0x118: {  	s3 =	rddreg [dreg:$0x2];
	[bflag:$0x3] =	sbarrier.arrive $0xFFFF;
	s2 =	simm.s32 @!p0 $0x1C09  }
0x119: {  	[timem:s3], [sflag:s2] =	dma.local @!p0 [hbm:s0], s1  }
0x11a: {  	s0 =	simm.s32 @!p0 $0x9  }
0x11b: {  	_ =	swait.ge @!p0 [sflag:s0], s1  }
0x11c: {  	s1 =	ssub.s32 @!p0 $0x0, s1;
	[sflag:s0] =	ssyncset.done @!p0 $0x0  }
0x11d: {  	[sflag:s0] =	ssyncadd.s32 @!p0 s1  }
0x11e: {  	[bflag:$0x3] =	sbarrier.arrive $0xFFFF  }
0x11f: {  	_ =	shalt  }

// kernel: kernel.24.cloned.1.call-start
scs
__scs_entry_jumppad:
0x0: {  	(pc) =	sbr.rel $0x88, $3  }
0x1: {  	(tag) =	ssettag $0x0;
	lr =	simm.s32 $0x1  }
0x2: {  	[smem:$0x3F89] =	sst lr;
	_ =	strace $0xD0000000  }
0x3: {  	_ = 	snop  }
0x4: {  	_ = 	snop  }
0x5: {  	_ = 	snop  }
0x6: {  	_ = 	snop  }
0x7: {  	_ = 	snop  }
__scs_overlays_trampoline_lowered:
0x8: {  	[smem:$0x3F98] =	sst s0  }
0x9: {  	[smem:$0x3F99] =	sst s1  }
0xa: {  	[smem:$0x3F9A] =	sst s2  }
0xb: {  	[smem:$0x3F9B] =	sst s3  }
0xc: {  	[smem:$0x3F9C] =	sst s4  }
0xd: {  	[smem:$0x3F9D] =	sst s5  }
0xe: {  	[smem:$0x3F9E] =	sst s6  }
0xf: {  	[smem:$0x3F9F] =	sst s7  }
0x10: {  	[smem:$0x3FA0] =	sst s8  }
0x11: {  	[smem:$0x3FA1] =	sst s9;
	s0 =	simm.s32 @!p0 $0x0  }
0x12: {  	s1 =	sld [smem:$0x3F87];
	s0 =	simm.s32 @p0 $0x1  }
0x13: {  	[smem:$0x3FA2] =	sst s0;
	s0 =	simm.s32 @!p1 $0x0  }
0x14: {  	s2 =	sld [smem:$0x3F86];
	s0 =	simm.s32 @p1 $0x1  }
0x15: {  	[smem:$0x3FA3] =	sst s0;
	s0 =	simm.s32 @!p2 $0x0  }
0x16: {  	s3 =	sld [smem:$0x3FDB];
	s0 =	simm.s32 @p2 $0x1  }
0x17: {  	s4 =	simm.s32 $0x1BF5;
	[smem:$0x3FA5] =	sst s0  }
0x18: {  	s0 =	sld [smem:$0x3F88];
	_ =	swait.ge [sflag:s4], $0x0  }
0x19: {  	s7 =	sld [smem:$0x3F89]  }
0x1a: {  	s8 =	sadd.s32 $0xFFFFE003, lr  }
0x1b: {  	s9 =	sadd.s32 $0xFFFFFEF7, lr;
	s5 =	simm.s32 $0xFFFFFFFF;
	p2 =	slt.u32 s8, $0xFFFFF086  }
0x1c: {  	p1 =	slt.u32 s9, $0xF7A;
	s5 =	simm.s32 @!p2 $0x0  }
0x1d: {  	s5 =	simm.s32 @p1 $0x1;
	p0 =	seq.s32 s7, s2  }
0x1e: {  	s7 =	smul.u32 @!p0 $0xF7A, s2;
	p2 =	seq.s32 @!p0 s5, $0x0  }
0x1f: {  	s9 =	smul.u32 $0xF7A, s1;
	s8 =	simm.s32 @!p0 $0x1BF5;
	p2 =	por !p2, p0  }
0x20: {  	[sflag:s8] =	ssyncset.s32 @!p0 $0xFFFFF086;
	s6 =	sadd.s32 @!p0 s3, s7;
	s7 =	simm.s32 @!p0 $0x108  }
0x21: {  	s3 =	sadd.s32 s3, s9;
	s6 =	sadd.s32 @!p0 $0x88, s6;
	s7 =	simm.s32 @p2 $0x1082  }
0x22: {  	[simem:s7], [sflag:s8] =	dma.local @!p0 [hbm:s6], $0xF7A  }
0x23: {  	s9 =	sor.u32 $0xD0000000, s2;
	s6 =	simm.s32 $0x108;
	_ =	swait.ge @!p0 [sflag:s8], $0x0  }
0x24: {  	s3 =	sadd.s32 $0x88, s3;
	s6 =	simm.s32 @!p1 $0x1082;
	[sflag:s4] =	ssyncset.s32 $0xFFFFF086  }
0x25: {  	[simem:s6], [sflag:s4] =	dma.local [hbm:s3], $0xF7A  }
0x26: {  	[smem:$0x3F89] =	sst s1;
	(tag) =	ssettag s2;
	_ =	strace s9  }
0x27: {  	s1 =	sld [smem:$0x3F99]  }
0x28: {  	s2 =	sld [smem:$0x3F9A]  }
0x29: {  	s4 =	sld [smem:$0x3F9C]  }
0x2a: {  	p0 =	seq.s32 s5, $0x0;
	s5 =	sld [smem:$0x3F9D]  }
0x2b: {  	s6 =	sld [smem:$0x3F9E]  }
0x2c: {  	s7 =	sld [smem:$0x3F9F]  }
0x2d: {  	s3 =	simm.s32 $0x108;
	s8 =	sld [smem:$0x3FA0]  }
0x2e: {  	s3 =	simm.s32 @!p0 $0x1082;
	s9 =	sld [smem:$0x3FA1]  }
0x2f: {  	lr =	sadd.s32 s0, s3;
	s0 =	sld [smem:$0x3F98]  }
0x30: {  	s3 =	sld [smem:$0x3F9B]  }
0x31: {  	[smem:$0x3FA4] =	sst s10  }
0x32: {  	s10 =	sld [smem:$0x3FA2];
	_ =	sdelay $0x3  }
0x33: {  	p0 =	seq.s32 s10, $0x1;
	s10 =	sld [smem:$0x3FA4];
	_ =	sdelay $0x3  }
0x34: {  	[smem:$0x3FA4] =	sst s10  }
0x35: {  	s10 =	sld [smem:$0x3FA3];
	_ =	sdelay $0x3  }
0x36: {  	p1 =	seq.s32 s10, $0x1;
	s10 =	sld [smem:$0x3FA4];
	_ =	sdelay $0x3  }
0x37: {  	[smem:$0x3FA4] =	sst s10  }
0x38: {  	s10 =	sld [smem:$0x3FA5]  }
0x39: {  	_ = 	snop;
	(pc) =	sbr.ind lr, $3  }
0x3a: {  	_ = 	snop  }
0x3b: {  	_ = 	snop  }
0x3c: {  	p2 =	seq.s32 s10, $0x1;
	s10 =	sld [smem:$0x3FA4]  }
0x3d: {  	_ =	shalt  }
0x3e: {  	_ =	shalt  }
0x3f: {  	_ =	shalt  }
0x40: {  	_ =	shalt  }
0x41: {  	_ =	shalt  }
0x42: {  	_ =	shalt  }
0x43: {  	_ =	shalt  }
0x44: {  	_ =	shalt  }
0x45: {  	_ =	shalt  }
0x46: {  	_ =	shalt  }
0x47: {  	_ =	shalt  }
0x48: {  	_ =	shalt  }
0x49: {  	_ =	shalt  }
0x4a: {  	_ =	shalt  }
0x4b: {  	_ =	shalt  }
0x4c: {  	_ =	shalt  }
0x4d: {  	_ =	shalt  }
0x4e: {  	_ =	shalt  }
0x4f: {  	_ =	shalt  }
0x50: {  	_ =	shalt  }
0x51: {  	_ =	shalt  }
0x52: {  	_ =	shalt  }
0x53: {  	_ =	shalt  }
0x54: {  	_ =	shalt  }
0x55: {  	_ =	shalt  }
0x56: {  	_ =	shalt  }
0x57: {  	_ =	shalt  }
0x58: {  	_ =	shalt  }
0x59: {  	_ =	shalt  }
0x5a: {  	_ =	shalt  }
0x5b: {  	_ =	shalt  }
0x5c: {  	_ =	shalt  }
0x5d: {  	_ =	shalt  }
0x5e: {  	_ =	shalt  }
0x5f: {  	_ =	shalt  }
0x60: {  	_ =	shalt  }
0x61: {  	_ =	shalt  }
0x62: {  	_ =	shalt  }
0x63: {  	_ =	shalt  }
0x64: {  	_ =	shalt  }
0x65: {  	_ =	shalt  }
0x66: {  	_ =	shalt  }
0x67: {  	_ =	shalt  }
0x68: {  	_ =	shalt  }
0x69: {  	_ =	shalt  }
0x6a: {  	_ =	shalt  }
0x6b: {  	_ =	shalt  }
0x6c: {  	_ =	shalt  }
0x6d: {  	_ =	shalt  }
0x6e: {  	_ =	shalt  }
0x6f: {  	_ =	shalt  }
0x70: {  	_ =	shalt  }
0x71: {  	_ =	shalt  }
0x72: {  	_ =	shalt  }
0x73: {  	_ =	shalt  }
0x74: {  	_ =	shalt  }
0x75: {  	_ =	shalt  }
0x76: {  	_ =	shalt  }
0x77: {  	_ =	shalt  }
0x78: {  	_ =	shalt  }
0x79: {  	_ =	shalt  }
0x7a: {  	_ =	shalt  }
0x7b: {  	_ =	shalt  }
0x7c: {  	_ =	shalt  }
0x7d: {  	_ =	shalt  }
0x7e: {  	_ =	shalt  }
0x7f: {  	_ =	shalt  }
0x80: {  	_ =	shalt  }
0x81: {  	_ =	shalt  }
0x82: {  	_ =	shalt  }
0x83: {  	_ =	shalt  }
0x84: {  	_ =	shalt  }
0x85: {  	_ =	shalt  }
0x86: {  	_ =	shalt  }
0x87: {  	_ =	shalt  }
.Lfunc_end0:
.L_simem_size_0:
called_computation.4_lowered:
.L_overlay_start_0:
0x88: {  	s2 =	sld [smem:$0x3FD9]  }
0x89: {  	s3 =	sld [smem:$0x3FFE];
	_ =	sdelay $0x1  }
0x8a: {  	s1 =	srdreg.scid  }
0x8b: {  	s0 =	sand.u32 $0x1, s1  }
0x8c: {  	s16 =	sshll.u32 s0, $0xA;
	s2 =	sadd.s32 s3, s2  }
0x8d: {  	s2 =	sadd.s32 s2, s16  }
0x8e: {  	[smem:$0x3FB0] =	sst s2  }
0x8f: {  	_ = 	snop  }
0x90: {  	(tm) =	ssettm $0x1  }
0x91: {  	s17 =	sld [smem:$0x3FFB];
	_ =	sdelay $0x3  }
0x92: {  	_ =	strace s17  }
0x93: {  	s2 =	sld [smem:$0x3FFC];
	_ =	sdelay $0x3  }
0x94: {  	_ =	strace s2  }
0x95: {  	s2 =	sld [smem:$0x3FFD];
	_ =	sdelay $0x3  }
0x96: {  	_ =	strace s2  }
0x97: {  	_ =	strace $0x8FFFFFFF  }
0x98: {  	s18 =	sld [smem:$0x3FDB];
	_ =	sdelay $0x1  }
0x99: {  	s19 =	simm.s32 $_scs_section_size  }
0x9a: {  	s4 =	simm.s32 $_size__tile_overlayer_lowered;
	s5 =	simm.s32 $_tile_overlayer_lowered  }
0x9b: {  	s22 =	simm.s32 $0x1BFF;
	s21 =	sshll.u32 s5, $0x1;
	s2 =	sadd.s32 s19, s18  }
0x9c: {  	s6 =	simm.s32 $0x0;
	s20 =	sshll.u32 s4, $0x1;
	s4 =	sadd.s32 s21, s2  }
0x9d: {  	[timem:s6], [sflag:s22] =	dma.local [hbm:s4], s20  }
0x9e: {  	_ =	swait.ge [sflag:s22], s20  }
0x9f: {  	s3 =	ssub.s32 $0x0, s20;
	[sflag:s22] =	ssyncset.done $0x0  }
0xa0: {  	[sflag:s22] =	ssyncadd.s32 s3;
	_ =	sdelay $0x1  }
0xa1: {  	s23 =	simm.s32 $0x1B8B  }
0xa2: {  	_ =	swait.ge [sflag:s23], $0x1  }
0xa3: {  	[sflag:s23] =	ssyncset.done $0x0  }
0xa4: {  	s25 =	simm.s32 $0x1B8E;
	s24 =	sld [smem:$0x3FFE];
	[sflag:s23] =	ssyncadd.s32 $0xFFFFFFFF  }
0xa5: {  	s26 =	simm.s32 $execute0_lowered;
	[smem:$0x3FD2] =	sst s25  }
0xa6: {  	s4 =	sshll.u32 s26, $0x1;
	_ =	strace $0x80000052;
	[dreg:$0x1] =	wrdreg $0xFFFFFFFF  }
0xa7: {  	s28 =	simm.s32 $_size_execute0_lowered;
	s2 =	sadd.s32 s2, s4;
	[dreg:$0x0] =	wrdreg $0x0  }
0xa8: {  	s4 =	sshll.u32 s28, $0x1;
	[dreg:$0x2] =	wrdreg s2  }
0xa9: {  	[dreg:$0x3] =	wrdreg s4  }
0xaa: {  	[dreg:$0x4] =	wrdreg $0xC0  }
0xab: {  	_ =	task [dreg:s6], $0x5FFFF  }
0xac: {  	[dreg:$0x1] =	wrdreg $0xFFFFFFFF  }
0xad: {  	[dreg:$0x0] =	wrdreg $0x60  }
0xae: {  	[dreg:$0x2] =	wrdreg s24  }
0xaf: {  	[dreg:$0x3] =	wrdreg $0xA8000  }
0xb0: {  	[dreg:$0x4] =	wrdreg $0x9  }
0xb1: {  	_ =	task.clear_ibuf [dreg:s6], $0x5FFFF;
	_ =	strace $0x90000052  }
0xb2: {  	s29 =	simm.s32 $0x9;
	_ =	strace $0x80000054  }
0xb3: {  	_ =	swait.ge [sflag:s29], $0x1  }
0xb4: {  	[sflag:s29] =	ssyncadd.s32 $0xFFFFFFFF  }
0xb5: {  	_ =	strace $0x90000054  }
0xb6: {  	_ =	sfence  }
0xb7: {  	s30 =	sld [smem:$0x0];
	_ =	sdelay $0x2  }
0xb8: {  	s31 =	sshll.u32 s1, $0xD;
	s1 =	sshrl.u32 s1, $0x2  }
0xb9: {  	s3 =	sand.u32 $0x4000, s31;
	s1 =	sadd.s32 s1, s30  }
0xba: {  	s0 =	sor.u32 s3, s0;
	s1 =	sshll.u32 s1, $0x11  }
0xbb: {  	s0 =	sor.u32 s1, s0  }
0xbc: {  	s0 =	sadd.s32 $0x8F2B, s0  }
0xbd: {  	[sflag:s0] =	ssyncadd.remote.s32 $0x1  }
0xbe: {  	_ =	sfence.sel $0xFFFF  }
0xbf: {  	[dreg:$0x0] =	wrdreg $0xFFFFFFFF;
	(pc) =	sbr.abs _section_cstart, $3  }
0xc0: {  	[dreg:$0x1] =	wrdreg $0xFFFFFFFF  }
0xc1: {  	_ =	task.clear_ibuf [dreg:s6], $0x2FFFF;
	_ =	strace $0x9FFFFFFF  }
0xc2: {  	(tm) =	ssettm $0x7FFFFFFF  }
0xc3: {  	_ =	shalt  }
tec
execute0_lowered:
.L_overlay_start_1:
0x0: {  	(tag) =	ssettag $0x1  }
0x1: {  	s0 =	rddreg [dreg:$0x0]  }
0x2: {  	s1 =	rddreg [dreg:$0x1];
	s2 =	simm.s32 $0x0  }
0x3: {  	s22 =	srdreg.scid;
	s14 =	stileid.u32;
	s16 =	simm.s32 $0x1400  }
0x4: {  	s17 =	simm.s32 $0x80;
	s18 =	simm.s32 $0x2800;
	s19 =	simm.s32 $0x4800  }
0x5: {  	s20 =	simm.s32 $0x6800;
	s21 =	simm.s32 $0x8800;
	s28 =	simm.s32 $0x5  }
0x6: {  	s29 =	simm.s32 $0x6;
	s30 =	simm.s32 $0x7;
	s31 =	simm.s32 $0x8  }
0x7: {  	[smem:$0x7FF] =	sst s2;
	s3 =	sadd.s32 $0x1A000, s0;
	s4 =	sadd.s32 $0x10000, s0  }
0x8: {  	s7 =	sadd.s32 $0x6000, s0;
	s2 =	sand.u32 $0x1, s22;
	s12 =	smul.u32 $0x9C00, s14  }
0x9: {  	s23 =	sshll.u32 s14, $0x6;
	s15 =	sadd.s32 $0x9C000, s1;
	p0 =	sne.s32 s14, $0xF  }
0xa: {  	s22 =	simm.s32 $0x1;
	_ =	strace $0x80000053;
	s6 =	smul.u32 $0x14000, s2  }
0xb: {  	s5 =	sshll.u32 s2, $0x4;
	s2 =	ssub.s32 $0x2, s2;
	s15 =	sshrl.u32 @!p0 s15, $0x3  }
0xc: {  	s8 =	sor.u32 s14, s5;
	s5 =	sadd.s32 $0x2E000, s0;
	s9 =	sshrl.u32 s2, $0x1  }
0xd: {  	s13 =	sadd.s32 s12, s1;
	s26 =	sshrl.u32 s12, $0x3;
	s14 =	simm.s32 $0x9  }
0xe: {  	s10 =	smul.u32 $0x2800, s8;
	s0 =	sadd.s32 s6, s0;
	s2 =	ssub.s32 s2, s9  }
0xf: {  	s8 =	smul.u32 $0x500, s8;
	s6 =	sor.u32 $0x1C09, s23;
	s13 =	sshrl.u32 s13, $0x3  }
0x10: {  	s23 =	simm.s32 $0x2;
	s11 =	sadd.s32 $0x57400, s0;
	s12 =	smax.u32 s2, $0x1  }
0x11: {  	s0 =	simm.s32 $0x0;
	s24 =	sshrl.u32 s10, $0x3;
	s25 =	sadd.s32 s4, s8  }
0x12: {  	s8 =	sadd.s32 s7, s8;
	s10 =	sadd.s32 $0x280, s24;
	[dreg:$0x3] =	wrdreg s25  }
0x13: {  	[dreg:$0x4] =	wrdreg s8;
	s24 =	simm.s32 $0x3;
	s25 =	sadd.s32 s26, s11  }
0x14: {  	s26 =	simm.s32 $0x4;
	s9 =	sadd.s32 s4, s10;
	s10 =	sadd.s32 s7, s10  }
.LBB2_1:
0x15: {  	[spmem:s13], [sflag:s6] =	dma.local [hbm:s5], $0x1380  }
0x16: {  	_ =	swait.ge [sflag:s14], $0x1380  }
0x17: {  	[sflag:s14] =	ssyncset.done $0x0  }
0x18: {  	s2 =	simm.s32 @!p0 $0x9;
	[sflag:s14] =	ssyncadd.s32 $0xFFFFEC80  }
0x19: {  	[spmem:s15], [sflag:s6] =	dma.local @!p0 [hbm:s5], $0x800  }
0x1a: {  	_ =	swait.ge @!p0 [sflag:s2], $0x800  }
0x1b: {  	[sflag:s2] =	ssyncset.done @!p0 $0x0  }
0x1c: {  	[sflag:s2] =	ssyncadd.s32 @!p0 $0xFFFFF800  }
0x1d: {  	[bflag:$0x0] =	sbarrier.arrive $0xFFFF  }
0x1e: {  	s7 =	simm.s32 $0x0;
	s4 =	rddreg [dreg:$0x3]  }
0x1f: {  	[tilespmem:s7], [sflag:$0x9] =	stream.linear.gather [hbm4b:s4+s7], $0x1400, $0x38;
	[tilespmem:$0x14800] =	vst v63  }
0x20: {  	_ =	swait.ge [sflag:s14], $0x1400  }
0x21: {  	[sflag:s14] =	ssyncset.done $0x0  }
0x22: {  	s8 =	rddreg [dreg:$0x4];
	[sflag:s14] =	ssyncadd.s32 $0xFFFFEC00  }
0x23: {  	[tilespmem:s16], [sflag:$0x9] =	stream.linear.gather [hbm4b:s8+s7], $0x1400, $0x38;
	[tilespmem:$0x14800] =	vst v63  }
0x24: {  	_ =	swait.ge [sflag:s14], $0x1400  }
0x25: {  	[sflag:s14] =	ssyncset.done $0x0  }
0x26: {  	s7 =	simm.s32 $0x0;
	[sflag:s14] =	ssyncadd.s32 $0xFFFFEC00  }
0x27: {  	[tilespmem:s18], [sflag:$0x1] =	stream.indirect.gather [hbm4b:s3+s17], $0x40, s7, s17, $0xb8;
	[tilespmem:$0x14800] =	vst v63  }
0x28: {  	s8 =	simm.s32 $0x80  }
0x29: {  	[tilespmem:s19], [sflag:$0x2] =	stream.indirect.gather [hbm4b:s3+s17], $0x40, s8, s17, $0xb8;
	[tilespmem:$0x14800] =	vst v63  }
0x2a: {  	s4 =	simm.s32 $0x100  }
0x2b: {  	[tilespmem:s20], [sflag:$0x3] =	stream.indirect.gather [hbm4b:s3+s17], $0x40, s4, s17, $0xb8;
	[tilespmem:$0x14800] =	vst v63  }
0x2c: {  	s7 =	simm.s32 $0x180  }
0x2d: {  	[tilespmem:s21], [sflag:$0x4] =	stream.indirect.gather [hbm4b:s3+s17], $0x40, s7, s17, $0xb8;
	[tilespmem:$0x14800] =	vst v63  }
0x2e: {  	_ =	swait.ge [sflag:s22], $0x2000  }
0x2f: {  	[sflag:s22] =	ssyncset.done $0x0  }
0x30: {  	s8 =	simm.s32 $0x1400;
	[sflag:s22] =	ssyncadd.s32 $0xFFFFE000  }
0x31: {  	[spmem:s1] =	stream.indirect.scatter.add.f32 [tilespmem:s18], [sflag:$0x5], $0x40, s8, s17, $0xb8;
	[tilespmem:$0x14800] =	vst v63  }
0x32: {  	_ =	swait.ge [sflag:s23], $0x2000  }
0x33: {  	[sflag:s23] =	ssyncset.done $0x0  }
0x34: {  	s4 =	simm.s32 $0x1480;
	[sflag:s23] =	ssyncadd.s32 $0xFFFFE000  }
0x35: {  	[spmem:s1] =	stream.indirect.scatter.add.f32 [tilespmem:s19], [sflag:$0x6], $0x40, s4, s17, $0xb8;
	[tilespmem:$0x14800] =	vst v63  }
0x36: {  	_ =	swait.ge [sflag:s24], $0x2000  }
0x37: {  	[sflag:s24] =	ssyncset.done $0x0  }
0x38: {  	s7 =	simm.s32 $0x1500;
	[sflag:s24] =	ssyncadd.s32 $0xFFFFE000  }
0x39: {  	[spmem:s1] =	stream.indirect.scatter.add.f32 [tilespmem:s20], [sflag:$0x7], $0x40, s7, s17, $0xb8;
	[tilespmem:$0x14800] =	vst v63  }
0x3a: {  	_ =	swait.ge [sflag:s26], $0x2000  }
0x3b: {  	[sflag:s26] =	ssyncset.done $0x0  }
0x3c: {  	s8 =	simm.s32 $0x1580;
	[sflag:s26] =	ssyncadd.s32 $0xFFFFE000  }
0x3d: {  	[spmem:s1] =	stream.indirect.scatter.add.f32 [tilespmem:s21], [sflag:$0x8], $0x40, s8, s17, $0xb8;
	[tilespmem:$0x14800] =	vst v63  }
0x3e: {  	_ =	swait.ge [sflag:s28], $0x2000  }
0x3f: {  	[sflag:s28] =	ssyncset.done $0x0  }
0x40: {  	[sflag:s28] =	ssyncadd.s32 $0xFFFFE000  }
0x41: {  	_ =	swait.ge [sflag:s29], $0x2000  }
0x42: {  	[sflag:s29] =	ssyncset.done $0x0  }
0x43: {  	[sflag:s29] =	ssyncadd.s32 $0xFFFFE000  }
0x44: {  	_ =	swait.ge [sflag:s30], $0x2000  }
0x45: {  	[sflag:s30] =	ssyncset.done $0x0  }
0x46: {  	[sflag:s30] =	ssyncadd.s32 $0xFFFFE000  }
0x47: {  	_ =	swait.ge [sflag:s31], $0x2000  }
0x48: {  	s2 =	simm.s32 $0x1000;
	s4 =	simm.s32 $0x800;
	[sflag:s31] =	ssyncset.done $0x0  }
.LBB2_2:
0x49: {  	s8 =	sshra.s32 s4, $0x2  }
0x4a: {  	[sflag:s31] =	ssyncadd.s32 $0xFFFFE000;
	s4 =	smov.u32 s2;
	s7 =	sadd.s32 $0x800, s2  }
0x4b: {  	[tilespmem:s18], [sflag:$0x1] =	stream.indirect.gather [hbm4b:s3+s17], $0x40, s8, s17, $0xb8;
	[tilespmem:$0x14800] =	vst v63  }
0x4c: {  	p1 =	sne.s32 s2, $0x4800;
	s2 =	sadd.s32 $0x80, s8  }
0x4d: {  	[tilespmem:s19], [sflag:$0x2] =	stream.indirect.gather [hbm4b:s3+s17], $0x40, s2, s17, $0xb8;
	[tilespmem:$0x14800] =	vst v63  }
0x4e: {  	s2 =	sadd.s32 $0x100, s8  }
0x4f: {  	[tilespmem:s20], [sflag:$0x3] =	stream.indirect.gather [hbm4b:s3+s17], $0x40, s2, s17, $0xb8;
	[tilespmem:$0x14800] =	vst v63  }
0x50: {  	s2 =	sadd.s32 $0x180, s8  }
0x51: {  	[tilespmem:s21], [sflag:$0x4] =	stream.indirect.gather [hbm4b:s3+s17], $0x40, s2, s17, $0xb8;
	[tilespmem:$0x14800] =	vst v63  }
0x52: {  	_ =	swait.ge [sflag:s22], $0x2000  }
0x53: {  	[sflag:s22] =	ssyncset.done $0x0  }
0x54: {  	s2 =	sadd.s32 $0x1400, s8;
	[sflag:s22] =	ssyncadd.s32 $0xFFFFE000  }
0x55: {  	[spmem:s1] =	stream.indirect.scatter.add.f32 [tilespmem:s18], [sflag:$0x5], $0x40, s2, s17, $0xb8;
	[tilespmem:$0x14800] =	vst v63  }
0x56: {  	_ =	swait.ge [sflag:s23], $0x2000  }
0x57: {  	[sflag:s23] =	ssyncset.done $0x0  }
0x58: {  	s2 =	sadd.s32 $0x1480, s8;
	[sflag:s23] =	ssyncadd.s32 $0xFFFFE000  }
0x59: {  	[spmem:s1] =	stream.indirect.scatter.add.f32 [tilespmem:s19], [sflag:$0x6], $0x40, s2, s17, $0xb8;
	[tilespmem:$0x14800] =	vst v63  }
0x5a: {  	_ =	swait.ge [sflag:s24], $0x2000  }
0x5b: {  	[sflag:s24] =	ssyncset.done $0x0  }
0x5c: {  	s2 =	sadd.s32 $0x1500, s8;
	[sflag:s24] =	ssyncadd.s32 $0xFFFFE000  }
0x5d: {  	[spmem:s1] =	stream.indirect.scatter.add.f32 [tilespmem:s20], [sflag:$0x7], $0x40, s2, s17, $0xb8;
	[tilespmem:$0x14800] =	vst v63  }
0x5e: {  	_ =	swait.ge [sflag:s26], $0x2000  }
0x5f: {  	[sflag:s26] =	ssyncset.done $0x0  }
0x60: {  	s2 =	sadd.s32 $0x1580, s8;
	[sflag:s26] =	ssyncadd.s32 $0xFFFFE000  }
0x61: {  	[spmem:s1] =	stream.indirect.scatter.add.f32 [tilespmem:s21], [sflag:$0x8], $0x40, s2, s17, $0xb8;
	[tilespmem:$0x14800] =	vst v63  }
0x62: {  	_ =	swait.ge [sflag:s28], $0x2000  }
0x63: {  	[sflag:s28] =	ssyncset.done $0x0  }
0x64: {  	[sflag:s28] =	ssyncadd.s32 $0xFFFFE000  }
0x65: {  	_ =	swait.ge [sflag:s29], $0x2000  }
0x66: {  	[sflag:s29] =	ssyncset.done $0x0  }
0x67: {  	[sflag:s29] =	ssyncadd.s32 $0xFFFFE000  }
.Ltmp0:
0x68: {  	_ =	swait.ge [sflag:s30], $0x2000;
	(pc) =	sbr.rel @p1 .LBB2_2-.Ltmp0, $4  }
0x69: {  	[sflag:s30] =	ssyncset.done $0x0  }
0x6a: {  	[sflag:s30] =	ssyncadd.s32 $0xFFFFE000  }
0x6b: {  	_ =	swait.ge [sflag:s31], $0x2000  }
0x6c: {  	s2 =	smov.u32 s7;
	[sflag:s31] =	ssyncset.done $0x0  }
0x6d: {  	s2 =	sshra.s32 s4, $0x2;
	[sflag:s31] =	ssyncadd.s32 $0xFFFFE000  }
0x6e: {  	[tilespmem:s18], [sflag:$0x1] =	stream.indirect.gather [hbm4b:s3+s17], $0x40, s2, s17, $0xb8;
	[tilespmem:$0x14800] =	vst v63  }
0x6f: {  	s4 =	sadd.s32 $0x80, s2  }
0x70: {  	[tilespmem:s19], [sflag:$0x2] =	stream.indirect.gather [hbm4b:s3+s17], $0x40, s4, s17, $0xb8;
	[tilespmem:$0x14800] =	vst v63  }
0x71: {  	s8 =	sadd.s32 $0x100, s2  }
0x72: {  	[tilespmem:s20], [sflag:$0x3] =	stream.indirect.gather [hbm4b:s3+s17], $0x40, s8, s17, $0xb8;
	[tilespmem:$0x14800] =	vst v63  }
0x73: {  	s7 =	sadd.s32 $0x180, s2  }
0x74: {  	[tilespmem:s21], [sflag:$0x4] =	stream.indirect.gather [hbm4b:s3+s17], $0x40, s7, s17, $0xb8;
	[tilespmem:$0x14800] =	vst v63  }
0x75: {  	_ =	swait.ge [sflag:s22], $0x2000  }
0x76: {  	[sflag:s22] =	ssyncset.done $0x0  }
0x77: {  	s8 =	sadd.s32 $0x1400, s2;
	[sflag:s22] =	ssyncadd.s32 $0xFFFFE000  }
0x78: {  	[spmem:s1] =	stream.indirect.scatter.add.f32 [tilespmem:s18], [sflag:$0x5], $0x40, s8, s17, $0xb8;
	[tilespmem:$0x14800] =	vst v63  }
0x79: {  	_ =	swait.ge [sflag:s23], $0x2000  }
0x7a: {  	[sflag:s23] =	ssyncset.done $0x0  }
0x7b: {  	s7 =	sadd.s32 $0x1480, s2;
	[sflag:s23] =	ssyncadd.s32 $0xFFFFE000  }
0x7c: {  	[spmem:s1] =	stream.indirect.scatter.add.f32 [tilespmem:s19], [sflag:$0x6], $0x40, s7, s17, $0xb8;
	[tilespmem:$0x14800] =	vst v63  }
0x7d: {  	_ =	swait.ge [sflag:s24], $0x2000  }
0x7e: {  	[sflag:s24] =	ssyncset.done $0x0  }
0x7f: {  	s8 =	sadd.s32 $0x1500, s2;
	[sflag:s24] =	ssyncadd.s32 $0xFFFFE000  }
0x80: {  	[spmem:s1] =	stream.indirect.scatter.add.f32 [tilespmem:s20], [sflag:$0x7], $0x40, s8, s17, $0xb8;
	[tilespmem:$0x14800] =	vst v63  }
0x81: {  	_ =	swait.ge [sflag:s26], $0x2000  }
0x82: {  	[sflag:s26] =	ssyncset.done $0x0  }
0x83: {  	s2 =	sadd.s32 $0x1580, s2;
	[sflag:s26] =	ssyncadd.s32 $0xFFFFE000  }
0x84: {  	[spmem:s1] =	stream.indirect.scatter.add.f32 [tilespmem:s21], [sflag:$0x8], $0x40, s2, s17, $0xb8;
	[tilespmem:$0x14800] =	vst v63  }
0x85: {  	_ =	swait.ge [sflag:s28], $0x2000  }
0x86: {  	[sflag:s28] =	ssyncset.done $0x0  }
0x87: {  	[sflag:s28] =	ssyncadd.s32 $0xFFFFE000  }
0x88: {  	_ =	swait.ge [sflag:s29], $0x2000  }
0x89: {  	[sflag:s29] =	ssyncset.done $0x0  }
0x8a: {  	[sflag:s29] =	ssyncadd.s32 $0xFFFFE000  }
0x8b: {  	_ =	swait.ge [sflag:s30], $0x2000  }
0x8c: {  	[sflag:s30] =	ssyncset.done $0x0  }
0x8d: {  	[sflag:s30] =	ssyncadd.s32 $0xFFFFE000  }
0x8e: {  	_ =	swait.ge [sflag:s31], $0x2000  }
0x8f: {  	[sflag:s31] =	ssyncset.done $0x0  }
0x90: {  	s4 =	simm.s32 $0x0;
	[sflag:s31] =	ssyncadd.s32 $0xFFFFE000  }
0x91: {  	[tilespmem:s4], [sflag:$0x9] =	stream.linear.gather [hbm4b:s9+s4], $0x1400, $0x38;
	[tilespmem:$0x14800] =	vst v63  }
0x92: {  	_ =	swait.ge [sflag:s14], $0x1400  }
0x93: {  	[sflag:s14] =	ssyncset.done $0x0  }
0x94: {  	[sflag:s14] =	ssyncadd.s32 $0xFFFFEC00  }
0x95: {  	[tilespmem:s16], [sflag:$0x9] =	stream.linear.gather [hbm4b:s10+s4], $0x1400, $0x38;
	[tilespmem:$0x14800] =	vst v63  }
0x96: {  	_ =	swait.ge [sflag:s14], $0x1400  }
0x97: {  	[sflag:s14] =	ssyncset.done $0x0  }
0x98: {  	s7 =	simm.s32 $0x0;
	[sflag:s14] =	ssyncadd.s32 $0xFFFFEC00  }
0x99: {  	[tilespmem:s18], [sflag:$0x1] =	stream.indirect.gather [hbm4b:s3+s17], $0x40, s7, s17, $0xb8;
	[tilespmem:$0x14800] =	vst v63  }
0x9a: {  	s8 =	simm.s32 $0x80  }
0x9b: {  	[tilespmem:s19], [sflag:$0x2] =	stream.indirect.gather [hbm4b:s3+s17], $0x40, s8, s17, $0xb8;
	[tilespmem:$0x14800] =	vst v63  }
0x9c: {  	s4 =	simm.s32 $0x100  }
0x9d: {  	[tilespmem:s20], [sflag:$0x3] =	stream.indirect.gather [hbm4b:s3+s17], $0x40, s4, s17, $0xb8;
	[tilespmem:$0x14800] =	vst v63  }
0x9e: {  	s7 =	simm.s32 $0x180  }
0x9f: {  	[tilespmem:s21], [sflag:$0x4] =	stream.indirect.gather [hbm4b:s3+s17], $0x40, s7, s17, $0xb8;
	[tilespmem:$0x14800] =	vst v63  }
0xa0: {  	_ =	swait.ge [sflag:s22], $0x2000  }
0xa1: {  	[sflag:s22] =	ssyncset.done $0x0  }
0xa2: {  	s8 =	simm.s32 $0x1400;
	[sflag:s22] =	ssyncadd.s32 $0xFFFFE000  }
0xa3: {  	[spmem:s1] =	stream.indirect.scatter.add.f32 [tilespmem:s18], [sflag:$0x5], $0x40, s8, s17, $0xb8;
	[tilespmem:$0x14800] =	vst v63  }
0xa4: {  	_ =	swait.ge [sflag:s23], $0x2000  }
0xa5: {  	[sflag:s23] =	ssyncset.done $0x0  }
0xa6: {  	s4 =	simm.s32 $0x1480;
	[sflag:s23] =	ssyncadd.s32 $0xFFFFE000  }
0xa7: {  	[spmem:s1] =	stream.indirect.scatter.add.f32 [tilespmem:s19], [sflag:$0x6], $0x40, s4, s17, $0xb8;
	[tilespmem:$0x14800] =	vst v63  }
0xa8: {  	_ =	swait.ge [sflag:s24], $0x2000  }
0xa9: {  	[sflag:s24] =	ssyncset.done $0x0  }
0xaa: {  	s7 =	simm.s32 $0x1500;
	[sflag:s24] =	ssyncadd.s32 $0xFFFFE000  }
0xab: {  	[spmem:s1] =	stream.indirect.scatter.add.f32 [tilespmem:s20], [sflag:$0x7], $0x40, s7, s17, $0xb8;
	[tilespmem:$0x14800] =	vst v63  }
0xac: {  	_ =	swait.ge [sflag:s26], $0x2000  }
0xad: {  	[sflag:s26] =	ssyncset.done $0x0  }
0xae: {  	s8 =	simm.s32 $0x1580;
	[sflag:s26] =	ssyncadd.s32 $0xFFFFE000  }
0xaf: {  	[spmem:s1] =	stream.indirect.scatter.add.f32 [tilespmem:s21], [sflag:$0x8], $0x40, s8, s17, $0xb8;
	[tilespmem:$0x14800] =	vst v63  }
0xb0: {  	_ =	swait.ge [sflag:s28], $0x2000  }
0xb1: {  	[sflag:s28] =	ssyncset.done $0x0  }
0xb2: {  	[sflag:s28] =	ssyncadd.s32 $0xFFFFE000  }
0xb3: {  	_ =	swait.ge [sflag:s29], $0x2000  }
0xb4: {  	[sflag:s29] =	ssyncset.done $0x0  }
0xb5: {  	[sflag:s29] =	ssyncadd.s32 $0xFFFFE000  }
0xb6: {  	_ =	swait.ge [sflag:s30], $0x2000  }
0xb7: {  	[sflag:s30] =	ssyncset.done $0x0  }
0xb8: {  	[sflag:s30] =	ssyncadd.s32 $0xFFFFE000  }
0xb9: {  	_ =	swait.ge [sflag:s31], $0x2000  }
0xba: {  	s4 =	simm.s32 $0x800;
	s7 =	simm.s32 $0x1000;
	[sflag:s31] =	ssyncset.done $0x0  }
.LBB2_4:
0xbb: {  	s8 =	sshra.s32 s4, $0x2  }
0xbc: {  	[sflag:s31] =	ssyncadd.s32 $0xFFFFE000;
	s4 =	smov.u32 s7;
	s2 =	sadd.s32 $0x800, s7  }
0xbd: {  	[tilespmem:s18], [sflag:$0x1] =	stream.indirect.gather [hbm4b:s3+s17], $0x40, s8, s17, $0xb8;
	[tilespmem:$0x14800] =	vst v63  }
0xbe: {  	p1 =	sne.s32 s7, $0x4800;
	s7 =	sadd.s32 $0x80, s8  }
0xbf: {  	[tilespmem:s19], [sflag:$0x2] =	stream.indirect.gather [hbm4b:s3+s17], $0x40, s7, s17, $0xb8;
	[tilespmem:$0x14800] =	vst v63  }
0xc0: {  	s7 =	sadd.s32 $0x100, s8  }
0xc1: {  	[tilespmem:s20], [sflag:$0x3] =	stream.indirect.gather [hbm4b:s3+s17], $0x40, s7, s17, $0xb8;
	[tilespmem:$0x14800] =	vst v63  }
0xc2: {  	s7 =	sadd.s32 $0x180, s8  }
0xc3: {  	[tilespmem:s21], [sflag:$0x4] =	stream.indirect.gather [hbm4b:s3+s17], $0x40, s7, s17, $0xb8;
	[tilespmem:$0x14800] =	vst v63  }
0xc4: {  	_ =	swait.ge [sflag:s22], $0x2000  }
0xc5: {  	[sflag:s22] =	ssyncset.done $0x0  }
0xc6: {  	s7 =	sadd.s32 $0x1400, s8;
	[sflag:s22] =	ssyncadd.s32 $0xFFFFE000  }
0xc7: {  	[spmem:s1] =	stream.indirect.scatter.add.f32 [tilespmem:s18], [sflag:$0x5], $0x40, s7, s17, $0xb8;
	[tilespmem:$0x14800] =	vst v63  }
0xc8: {  	_ =	swait.ge [sflag:s23], $0x2000  }
0xc9: {  	[sflag:s23] =	ssyncset.done $0x0  }
0xca: {  	s7 =	sadd.s32 $0x1480, s8;
	[sflag:s23] =	ssyncadd.s32 $0xFFFFE000  }
0xcb: {  	[spmem:s1] =	stream.indirect.scatter.add.f32 [tilespmem:s19], [sflag:$0x6], $0x40, s7, s17, $0xb8;
	[tilespmem:$0x14800] =	vst v63  }
0xcc: {  	_ =	swait.ge [sflag:s24], $0x2000  }
0xcd: {  	[sflag:s24] =	ssyncset.done $0x0  }
0xce: {  	s7 =	sadd.s32 $0x1500, s8;
	[sflag:s24] =	ssyncadd.s32 $0xFFFFE000  }
0xcf: {  	[spmem:s1] =	stream.indirect.scatter.add.f32 [tilespmem:s20], [sflag:$0x7], $0x40, s7, s17, $0xb8;
	[tilespmem:$0x14800] =	vst v63  }
0xd0: {  	_ =	swait.ge [sflag:s26], $0x2000  }
0xd1: {  	[sflag:s26] =	ssyncset.done $0x0  }
0xd2: {  	s7 =	sadd.s32 $0x1580, s8;
	[sflag:s26] =	ssyncadd.s32 $0xFFFFE000  }
0xd3: {  	[spmem:s1] =	stream.indirect.scatter.add.f32 [tilespmem:s21], [sflag:$0x8], $0x40, s7, s17, $0xb8;
	[tilespmem:$0x14800] =	vst v63  }
0xd4: {  	_ =	swait.ge [sflag:s28], $0x2000  }
0xd5: {  	[sflag:s28] =	ssyncset.done $0x0  }
0xd6: {  	[sflag:s28] =	ssyncadd.s32 $0xFFFFE000  }
0xd7: {  	_ =	swait.ge [sflag:s29], $0x2000  }
0xd8: {  	[sflag:s29] =	ssyncset.done $0x0  }
0xd9: {  	[sflag:s29] =	ssyncadd.s32 $0xFFFFE000  }
.Ltmp1:
0xda: {  	_ =	swait.ge [sflag:s30], $0x2000;
	(pc) =	sbr.rel @p1 .LBB2_4-.Ltmp1, $4  }
0xdb: {  	[sflag:s30] =	ssyncset.done $0x0  }
0xdc: {  	[sflag:s30] =	ssyncadd.s32 $0xFFFFE000  }
0xdd: {  	_ =	swait.ge [sflag:s31], $0x2000  }
0xde: {  	s7 =	smov.u32 s2;
	[sflag:s31] =	ssyncset.done $0x0  }
0xdf: {  	s2 =	sshra.s32 s4, $0x2;
	[sflag:s31] =	ssyncadd.s32 $0xFFFFE000  }
0xe0: {  	[tilespmem:s18], [sflag:$0x1] =	stream.indirect.gather [hbm4b:s3+s17], $0x40, s2, s17, $0xb8;
	[tilespmem:$0x14800] =	vst v63  }
0xe1: {  	s4 =	sadd.s32 $0x80, s2  }
0xe2: {  	[tilespmem:s19], [sflag:$0x2] =	stream.indirect.gather [hbm4b:s3+s17], $0x40, s4, s17, $0xb8;
	[tilespmem:$0x14800] =	vst v63  }
0xe3: {  	s8 =	sadd.s32 $0x100, s2  }
0xe4: {  	[tilespmem:s20], [sflag:$0x3] =	stream.indirect.gather [hbm4b:s3+s17], $0x40, s8, s17, $0xb8;
	[tilespmem:$0x14800] =	vst v63  }
0xe5: {  	s7 =	sadd.s32 $0x180, s2  }
0xe6: {  	[tilespmem:s21], [sflag:$0x4] =	stream.indirect.gather [hbm4b:s3+s17], $0x40, s7, s17, $0xb8;
	[tilespmem:$0x14800] =	vst v63  }
0xe7: {  	_ =	swait.ge [sflag:s22], $0x2000  }
0xe8: {  	[sflag:s22] =	ssyncset.done $0x0  }
0xe9: {  	s8 =	sadd.s32 $0x1400, s2;
	[sflag:s22] =	ssyncadd.s32 $0xFFFFE000  }
0xea: {  	[spmem:s1] =	stream.indirect.scatter.add.f32 [tilespmem:s18], [sflag:$0x5], $0x40, s8, s17, $0xb8;
	[tilespmem:$0x14800] =	vst v63  }
0xeb: {  	_ =	swait.ge [sflag:s23], $0x2000  }
0xec: {  	[sflag:s23] =	ssyncset.done $0x0  }
0xed: {  	s7 =	sadd.s32 $0x1480, s2;
	[sflag:s23] =	ssyncadd.s32 $0xFFFFE000  }
0xee: {  	[spmem:s1] =	stream.indirect.scatter.add.f32 [tilespmem:s19], [sflag:$0x6], $0x40, s7, s17, $0xb8;
	[tilespmem:$0x14800] =	vst v63  }
0xef: {  	_ =	swait.ge [sflag:s24], $0x2000  }
0xf0: {  	[sflag:s24] =	ssyncset.done $0x0  }
0xf1: {  	s8 =	sadd.s32 $0x1500, s2;
	[sflag:s24] =	ssyncadd.s32 $0xFFFFE000  }
0xf2: {  	[spmem:s1] =	stream.indirect.scatter.add.f32 [tilespmem:s20], [sflag:$0x7], $0x40, s8, s17, $0xb8;
	[tilespmem:$0x14800] =	vst v63  }
0xf3: {  	_ =	swait.ge [sflag:s26], $0x2000  }
0xf4: {  	[sflag:s26] =	ssyncset.done $0x0  }
0xf5: {  	s2 =	sadd.s32 $0x1580, s2;
	[sflag:s26] =	ssyncadd.s32 $0xFFFFE000  }
0xf6: {  	[spmem:s1] =	stream.indirect.scatter.add.f32 [tilespmem:s21], [sflag:$0x8], $0x40, s2, s17, $0xb8;
	[tilespmem:$0x14800] =	vst v63  }
0xf7: {  	_ =	swait.ge [sflag:s28], $0x2000  }
0xf8: {  	[sflag:s28] =	ssyncset.done $0x0  }
0xf9: {  	[sflag:s28] =	ssyncadd.s32 $0xFFFFE000  }
0xfa: {  	_ =	swait.ge [sflag:s29], $0x2000  }
0xfb: {  	[sflag:s29] =	ssyncset.done $0x0  }
0xfc: {  	[sflag:s29] =	ssyncadd.s32 $0xFFFFE000  }
0xfd: {  	_ =	swait.ge [sflag:s30], $0x2000  }
0xfe: {  	[sflag:s30] =	ssyncset.done $0x0  }
0xff: {  	[sflag:s30] =	ssyncadd.s32 $0xFFFFE000  }
0x100: {  	_ =	swait.ge [sflag:s31], $0x2000  }
0x101: {  	[sflag:s31] =	ssyncset.done $0x0  }
0x102: {  	[sflag:s31] =	ssyncadd.s32 $0xFFFFE000  }
0x103: {  	[bflag:$0x0] =	sbarrier.arrive $0xFFFF  }
0x104: {  	[hbm:s25], [sflag:s6] =	dma.local [spmem:s13], $0x1380  }
0x105: {  	_ =	swait.ge [sflag:s14], $0x1380  }
0x106: {  	s0 =	sadd.s32 $0x1, s0;
	[sflag:s14] =	ssyncset.done $0x0  }
0x107: {  	p1 =	sne.s32 s0, s12;
	s2 =	sadd.s32 @!p0 $0x13800, s11;
	[sflag:s14] =	ssyncadd.s32 $0xFFFFEC80  }
0x108: {  	[hbm:s2], [sflag:s6] =	dma.local @!p0 [spmem:s15], $0x800  }
.Ltmp2:
0x109: {  	_ = 	snop;
	(pc) =	sbr.rel @p1 .LBB2_1-.Ltmp2, $4  }
0x10a: {  	s2 =	simm.s32 @!p0 $0x9  }
0x10b: {  	_ =	swait.ge @!p0 [sflag:s2], $0x800  }
0x10c: {  	[sflag:s2] =	ssyncset.done @!p0 $0x0  }
0x10d: {  	[sflag:s2] =	ssyncadd.s32 @!p0 $0xFFFFF800  }
0x10e: {  	_ =	sfence.sel $0x180000  }
0x10f: {  	[bflag:$0x0] =	sbarrier.arrive $0xFFFF  }
0x110: {  	_ =	strace $0x90000053  }
0x111: {  	s0 =	stileid.u32;
	[bflag:$0x2] =	sbarrier.arrive $0xFFFF  }
0x112: {  	p0 =	sne.s32 s0, $0x0;
	s0 =	rddreg [dreg:$0x2]  }
0x113: {  	s0 =	sadd.s32 @!p0 $0x100000, s0  }
0x114: {  	[sflag:s0] =	ssyncadd.tile.s32 @!p0 $0x1;
	_ =	shalt  }
.Lfunc_end2:
_tile_overlayer_lowered:
.L_overlay_start_2:
0x115: {  	(tag) =	ssettag $0x2  }
0x116: {  	s0 =	rddreg [dreg:$0x0];
	s2 =	stileid.u32  }
0x117: {  	s1 =	rddreg [dreg:$0x1];
	p0 =	sne.s32 s2, $0x0  }
0x118: {  	s3 =	rddreg [dreg:$0x2];
	[bflag:$0x3] =	sbarrier.arrive $0xFFFF;
	s2 =	simm.s32 @!p0 $0x1C09  }
0x119: {  	[timem:s3], [sflag:s2] =	dma.local @!p0 [hbm:s0], s1  }
0x11a: {  	s0 =	simm.s32 @!p0 $0x9  }
0x11b: {  	_ =	swait.ge @!p0 [sflag:s0], s1  }
0x11c: {  	s1 =	ssub.s32 @!p0 $0x0, s1;
	[sflag:s0] =	ssyncset.done @!p0 $0x0  }
0x11d: {  	[sflag:s0] =	ssyncadd.s32 @!p0 s1  }
0x11e: {  	[bflag:$0x3] =	sbarrier.arrive $0xFFFF  }
0x11f: {  	_ =	shalt  }

</sc_bundles>
